<compile_context>
chip_gen: v7x
topology: tpu7x:2x2x1
jax: 0.10.2.dev20260603
libtpu: 0.0.44.dev20260713+nightly
codegen_flags: <defaults>
</compile_context>

<pallas_src>
import functools

import jax
import jax.numpy as jnp
from jax import lax
from jax.experimental import pallas as pl
from jax.experimental.pallas import tpu as pltpu
from jax.experimental.pallas import tpu_sc as plsc

NC = 2
NS = 16
NW = NC * NS
CH = 80

_F32 = jnp.float32



@functools.cache
def _make_deg(N, E):
    epw = E // NW
    nchunk = epw // CH
    zch = 2000
    nzw = N // zch
    mesh = plsc.VectorSubcoreMesh(core_axis_name="c", subcore_axis_name="s")

    @functools.partial(
        pl.kernel,
        out_type=jax.ShapeDtypeStruct((NC * N,), _F32),
        mesh=mesh,
        scratch_types=[
            pltpu.VMEM((CH,), jnp.int32),
            pltpu.VMEM((CH,), _F32),
            pltpu.VMEM((zch,), _F32),
            pltpu.VMEM_SHARED((N,), _F32),
        ],
    )
    def deg_kernel(dst_hbm, out_hbm, didx, ones, zbuf, acc):
        cid = lax.axis_index("c")
        sid = lax.axis_index("s")
        wid = sid * NC + cid
        base = wid * epw
        for j in range(CH // 16):
            ones[pl.ds(j * 16, 16)] = jnp.full((16,), 1.0, _F32)

        @pl.when(sid < nzw)
        def _():
            def zstep(j, carry):
                zbuf[pl.ds(j * 16, 16)] = jnp.zeros((16,), _F32)
                return carry
            lax.fori_loop(0, zch // 16, zstep, 0)
            pltpu.sync_copy(zbuf, acc.at[pl.ds(sid * zch, zch)])

        plsc.subcore_barrier()

        def step(i, carry):
            pltpu.sync_copy(dst_hbm.at[pl.ds(base + i * CH, CH)], didx)
            pltpu.sync_copy(ones, acc.at[didx], add=True)
            return carry

        lax.fori_loop(0, nchunk, step, 0)
        plsc.subcore_barrier()

        @pl.when(sid < nzw)
        def _():
            pltpu.sync_copy(acc.at[pl.ds(sid * zch, zch)], zbuf)
            pltpu.sync_copy(zbuf, out_hbm.at[pl.ds(cid * N + sid * zch, zch)])

    return deg_kernel



@functools.cache
def _make_segsum(N, D, E):
    epw = E // NW
    nchunk = epw // CH
    zch = 1000
    nzw = N // zch
    mesh = plsc.VectorSubcoreMesh(core_axis_name="c", subcore_axis_name="s")

    @functools.partial(
        pl.kernel,
        out_type=jax.ShapeDtypeStruct((NC, N, D), _F32),
        mesh=mesh,
        compiler_params=pltpu.CompilerParams(use_tc_tiling_on_sc=False),
        scratch_types=[
            pltpu.VMEM((CH,), jnp.int32),
            pltpu.VMEM((CH,), jnp.int32),
            pltpu.VMEM((CH, D), _F32),
            pltpu.SemaphoreType.DMA,
            pltpu.VMEM_SHARED((N, D), _F32),
        ],
    )
    def seg_kernel(hs_hbm, src_hbm, dst_hbm, zeros_hbm, out_hbm,
                   sidx, didx, rows, sem, acc):
        cid = lax.axis_index("c")
        sid = lax.axis_index("s")
        wid = sid * NC + cid
        base = wid * epw

        @pl.when(sid < nzw)
        def _():
            pltpu.sync_copy(zeros_hbm.at[pl.ds(sid * zch, zch)],
                            acc.at[pl.ds(sid * zch, zch)])

        plsc.subcore_barrier()

        def step(i, carry):
            off = base + i * CH
            pltpu.sync_copy(src_hbm.at[pl.ds(off, CH)], sidx)
            pltpu.sync_copy(dst_hbm.at[pl.ds(off, CH)], didx)
            pltpu.async_copy(hs_hbm.at[sidx], rows, sem).wait()
            pltpu.sync_copy(rows, acc.at[didx], add=True)
            return carry

        lax.fori_loop(0, nchunk, step, 0)
        plsc.subcore_barrier()

        @pl.when(sid < nzw)
        def _():
            pltpu.sync_copy(acc.at[pl.ds(sid * zch, zch)],
                            out_hbm.at[cid, pl.ds(sid * zch, zch)])

    return seg_kernel



def _prep_body(p_ref, dis_ref, inv_ref):
    deg = p_ref[:, 0:1] + p_ref[:, 1:2] + 1.0
    dis_ref[:] = lax.rsqrt(deg)
    inv_ref[:] = 1.0 / deg


def _prep(deg_parts):
    n = deg_parts.shape[0]
    return pl.pallas_call(
        _prep_body,
        out_shape=(jax.ShapeDtypeStruct((n, 1), _F32),
                   jax.ShapeDtypeStruct((n, 1), _F32)),
    )(deg_parts)


def _mm_scale_body(x_ref, w_ref, dis_ref, hs_ref):
    h = jnp.dot(x_ref[:], w_ref[:], preferred_element_type=_F32)
    hs_ref[:] = h * dis_ref[:]


def _mm_scale(x, w, dis, bn=2000):
    n, k = x.shape
    m = w.shape[1]
    return pl.pallas_call(
        _mm_scale_body,
        grid=(n // bn,),
        in_specs=[
            pl.BlockSpec((bn, k), lambda i: (i, 0)),
            pl.BlockSpec((k, m), lambda i: (0, 0)),
            pl.BlockSpec((bn, 1), lambda i: (i, 0)),
        ],
        out_specs=pl.BlockSpec((bn, m), lambda i: (i, 0)),
        out_shape=jax.ShapeDtypeStruct((n, m), _F32),
    )(x, w, dis)


def _combine_mm_body(relu, p0_ref, p1_ref, hs_ref, dis_ref, b_ref, w_ref,
                     out_ref):
    a = dis_ref[:] * (p0_ref[:] + p1_ref[:] + hs_ref[:]) + b_ref[:]
    if relu:
        a = jnp.maximum(a, 0.0)
    h = jnp.dot(a, w_ref[:], preferred_element_type=_F32)
    out_ref[:] = h * dis_ref[:]


def _combine_mm(p0, p1, hs, dis, b, w, relu, bn=2000):
    n, k = hs.shape
    m = w.shape[1]
    return pl.pallas_call(
        functools.partial(_combine_mm_body, relu),
        grid=(n // bn,),
        in_specs=[
            pl.BlockSpec((bn, k), lambda i: (i, 0)),
            pl.BlockSpec((bn, k), lambda i: (i, 0)),
            pl.BlockSpec((bn, k), lambda i: (i, 0)),
            pl.BlockSpec((bn, 1), lambda i: (i, 0)),
            pl.BlockSpec((1, k), lambda i: (0, 0)),
            pl.BlockSpec((k, m), lambda i: (0, 0)),
        ],
        out_specs=pl.BlockSpec((bn, m), lambda i: (i, 0)),
        out_shape=jax.ShapeDtypeStruct((n, m), _F32),
    )(p0, p1, hs, dis, b, w)


def _fuse_body(pg0_ref, pg1_ref, hsg_ref, bg_ref,
               pl0_ref, pl1_ref, hsl_ref, bl_ref,
               wg_ref, wl_ref, fb_ref, dis_ref, out_ref):
    cg = dis_ref[:] * (pg0_ref[:] + pg1_ref[:] + hsg_ref[:]) + bg_ref[:]
    cl = dis_ref[:] * (pl0_ref[:] + pl1_ref[:] + hsl_ref[:]) + bl_ref[:]
    z = (jnp.dot(cg, wg_ref[:], preferred_element_type=_F32)
         + jnp.dot(cl, wl_ref[:], preferred_element_type=_F32)
         + fb_ref[:])
    out_ref[:] = jax.nn.sigmoid(z)


def _fuse(pg0, pg1, hsg, bg, pl0, pl1, hsl, bl, wg, wl, fb, dis, bn=2000):
    n, kg = hsg.shape
    kl = hsl.shape[1]
    m = wg.shape[1]
    return pl.pallas_call(
        _fuse_body,
        grid=(n // bn,),
        in_specs=[
            pl.BlockSpec((bn, kg), lambda i: (i, 0)),
            pl.BlockSpec((bn, kg), lambda i: (i, 0)),
            pl.BlockSpec((bn, kg), lambda i: (i, 0)),
            pl.BlockSpec((1, kg), lambda i: (0, 0)),
            pl.BlockSpec((bn, kl), lambda i: (i, 0)),
            pl.BlockSpec((bn, kl), lambda i: (i, 0)),
            pl.BlockSpec((bn, kl), lambda i: (i, 0)),
            pl.BlockSpec((1, kl), lambda i: (0, 0)),
            pl.BlockSpec((kg, m), lambda i: (0, 0)),
            pl.BlockSpec((kl, m), lambda i: (0, 0)),
            pl.BlockSpec((1, m), lambda i: (0, 0)),
            pl.BlockSpec((bn, 1), lambda i: (i, 0)),
        ],
        out_specs=pl.BlockSpec((bn, m), lambda i: (i, 0)),
        out_shape=jax.ShapeDtypeStruct((n, m), _F32),
    )(pg0, pg1, hsg, bg, pl0, pl1, hsl, bl, wg, wl, fb, dis)



def kernel(x, y, edge_index, gcn_W0, gcn_b0, gcn_W1, gcn_b1,
           lab_W, lab_b, fus_W, fus_b):
    n, d_in = x.shape
    e = edge_index.shape[1]
    d_hid = gcn_W0.shape[1]
    d_out = lab_W.shape[2]
    n_lab = lab_W.shape[0]

    src = edge_index[0]
    dst = edge_index[1]
    zeros_hid = jnp.zeros((n, d_hid), _F32)
    zeros_out = jnp.zeros((n, d_out), _F32)

    deg_parts = _make_deg(n, e)(dst).reshape(NC, n)
    dis, _inv = _prep(deg_parts.T)

    seg_hid = _make_segsum(n, d_hid, e)
    seg_out = _make_segsum(n, d_out, e)

    hs0 = _mm_scale(x, gcn_W0, dis)
    p = seg_hid(hs0, src, dst, zeros_hid)
    hs1 = _combine_mm(p[0], p[1], hs0, dis,
                      gcn_b0.reshape(1, -1), gcn_W1, relu=True)
    pg = seg_hid(hs1, src, dst, zeros_hid)

    ls = _mm_scale(y, lab_W[0], dis)
    for j in range(n_lab - 1):
        p = seg_out(ls, src, dst, zeros_out)
        ls = _combine_mm(p[0], p[1], ls, dis,
                         lab_b[j].reshape(1, -1), lab_W[j + 1], relu=True)
    pl_last = seg_out(ls, src, dst, zeros_out)

    return _fuse(pg[0], pg[1], hs1, gcn_b1.reshape(1, -1),
                 pl_last[0], pl_last[1], ls, lab_b[n_lab - 1].reshape(1, -1),
                 fus_W[:d_hid], fus_W[d_hid:], fus_b.reshape(1, -1), dis)

# --- scband reference (transcript-rebuilt; emitter-appended) ---
"""Pipeline reference for scband-fplpgcn-1168231104603 (READ-ONLY COPY).

The authoritative reference and input builder live on the scoring server;
editing this copy changes nothing except your own understanding.
"""

import jax, jax.numpy as jnp
import numpy as np

N_NODES = 10000
N_EDGES = 320000
D_IN = 128
D_HID = 128
D_OUT = 64
NUM_LABEL_LAYERS = 10


def _glorot(key, shape):
    fan_in, fan_out = shape[0], shape[1]
    limit = jnp.sqrt(6.0 / (fan_in + fan_out))
    return jax.random.uniform(key, shape, minval=-limit, maxval=limit, dtype=jnp.float32)


def setup_inputs(seed: int = 0) -> dict:
    key = jax.random.key(seed)
    ks = jax.random.split(key, 32)
    x = jax.random.normal(ks[0], (N_NODES, D_IN), dtype=jnp.float32)
    y = jax.random.uniform(ks[1], (N_NODES, D_OUT), dtype=jnp.float32)
    edge_index = jax.random.randint(ks[2], (2, N_EDGES), 0, N_NODES, dtype=jnp.int64 if jax.config.jax_enable_x64 else jnp.int32).astype(jnp.int32)
    gcn_W0 = _glorot(ks[3], (D_IN, D_HID))
    gcn_b0 = jnp.zeros((D_HID,), dtype=jnp.float32)
    gcn_W1 = _glorot(ks[4], (D_HID, D_HID))
    gcn_b1 = jnp.zeros((D_HID,), dtype=jnp.float32)
    lab_W = jnp.stack([_glorot(ks[5 + j], (D_OUT, D_OUT)) for j in range(NUM_LABEL_LAYERS)], axis=0)
    lab_b = jnp.zeros((NUM_LABEL_LAYERS, D_OUT), dtype=jnp.float32)
    fus_W = _glorot(ks[20], (D_HID + D_OUT, D_OUT))
    fus_b = jnp.zeros((D_OUT,), dtype=jnp.float32)
    return {"x": x, "y": y, "edge_index": edge_index, "gcn_W0": gcn_W0, "gcn_b0": gcn_b0, "gcn_W1": gcn_W1, "gcn_b1": gcn_b1, "lab_W": lab_W, "lab_b": lab_b, "fus_W": fus_W, "fus_b": fus_b}


def _gcn_norm(edge_index, num_nodes, dtype):
    # add self loops, symmetric normalization (GCNConv default)
    loops = jnp.arange(num_nodes, dtype=edge_index.dtype)
    src = jnp.concatenate([edge_index[0], loops])
    dst = jnp.concatenate([edge_index[1], loops])
    deg = jax.ops.segment_sum(jnp.ones_like(dst, dtype=dtype), dst, num_segments=num_nodes)
    deg_inv_sqrt = jnp.where(deg > 0, 1.0 / jnp.sqrt(deg), 0.0)
    norm = deg_inv_sqrt[src] * deg_inv_sqrt[dst]
    return src, dst, norm


def _gcn_conv(x, W, b, src, dst, norm, num_nodes):
    h = x @ W
    msg = h[src] * norm[:, None]
    out = jax.ops.segment_sum(msg, dst, num_segments=num_nodes)
    return out + b


def reference(x, y, edge_index, gcn_W0, gcn_b0, gcn_W1, gcn_b1, lab_W, lab_b, fus_W, fus_b):
    N = x.shape[0]
    src, dst, norm = _gcn_norm(edge_index, N, x.dtype)
    # feature GCN branch
    h = _gcn_conv(x, gcn_W0, gcn_b0, src, dst, norm, N)
    h = jax.nn.relu(h)
    h = _gcn_conv(h, gcn_W1, gcn_b1, src, dst, norm, N)
    # label propagation branch
    x_label = y
    for j in range(lab_W.shape[0]):
        x_label = _gcn_conv(x_label, lab_W[j], lab_b[j], src, dst, norm, N)
        if j != lab_W.shape[0] - 1:
            x_label = jax.nn.relu(x_label)
    x_fused = jnp.concatenate([h, x_label], axis=1)
    x_fused = x_fused @ fus_W + fus_b
    return jax.nn.sigmoid(x_fused)

if __name__ == "__main__":
    import jax
    _d = setup_inputs()
    print(jax.jit(kernel)(*tuple(_d.values())))

</pallas_src>

<mosaic_0001>
#map = affine_map<(d0, d1) -> (0)>
module attributes {stable_mosaic.version = 14 : i64} {
  func.func @deg_kernel(%arg0: i32, %arg1: i32, %arg2: memref<320000xi32, #tpu.memory_space<hbm>>, %arg3: memref<20000xf32, #tpu.memory_space<hbm>>, %arg4: memref<80xi32, #tpu.memory_space<vmem>>, %arg5: memref<80xf32, #tpu.memory_space<vmem>>, %arg6: memref<2000xf32, #tpu.memory_space<vmem>>, %arg7: memref<10000xf32, #tpu.memory_space<vmem_shared>>) attributes {dimension_semantics = [#tpu.dimension_semantics<core_parallel>, #tpu.dimension_semantics<subcore_parallel>], iteration_bounds = array<i64: 2, 16>, scalar_prefetch = 0 : i64, scratch_operands = 4 : i64, tpu.core_type = #tpu.core_type<sc_vector_subcore>, window_params = [{transform_indices = #map}, {transform_indices = #map}]} {
    %mul3A = arith.constant 2 : i32
    %mul3A_0 = arith.muli %arg1, %mul3A : i32
    %add3A = arith.addi %mul3A_0, %arg0 : i32
    %mul3A_1 = arith.constant 10000 : i32
    %mul3A_2 = arith.muli %add3A, %mul3A_1 : i32
    %broadcast_in_dim3A = arith.constant 1.000000e+00 : f32
    %broadcast_in_dim3A_3 = vector.broadcast %broadcast_in_dim3A : f32 to vector<16xf32>
    %swap3A = arith.constant 0 : index
    %swap3A_4 = tpu.vector_load %arg5[%swap3A] {strides = array<i32>} : memref<80xf32, #tpu.memory_space<vmem>>, vector<16xf32>,
    %swap3A_5 = vector.shape_cast %swap3A_4 : vector<16xf32> to vector<16xf32>
    %swap3A_6 = vector.shape_cast %broadcast_in_dim3A_3 : vector<16xf32> to vector<16xf32>
    tpu.vector_store %arg5[%swap3A], %swap3A_6 {strides = array<i32>} : memref<80xf32, #tpu.memory_space<vmem>>, vector<16xf32>,
    %broadcast_in_dim3A_7 = arith.constant 1.000000e+00 : f32
    %broadcast_in_dim3A_8 = vector.broadcast %broadcast_in_dim3A_7 : f32 to vector<16xf32>
    %swap3A_9 = arith.constant 16 : index
    %swap3A_10 = tpu.vector_load %arg5[%swap3A_9] {strides = array<i32>} : memref<80xf32, #tpu.memory_space<vmem>>, vector<16xf32>,
    %swap3A_11 = vector.shape_cast %swap3A_10 : vector<16xf32> to vector<16xf32>
    %swap3A_12 = vector.shape_cast %broadcast_in_dim3A_8 : vector<16xf32> to vector<16xf32>
    tpu.vector_store %arg5[%swap3A_9], %swap3A_12 {strides = array<i32>} : memref<80xf32, #tpu.memory_space<vmem>>, vector<16xf32>,
    %broadcast_in_dim3A_13 = arith.constant 1.000000e+00 : f32
    %broadcast_in_dim3A_14 = vector.broadcast %broadcast_in_dim3A_13 : f32 to vector<16xf32>
    %swap3A_15 = arith.constant 32 : index
    %swap3A_16 = tpu.vector_load %arg5[%swap3A_15] {strides = array<i32>} : memref<80xf32, #tpu.memory_space<vmem>>, vector<16xf32>,
    %swap3A_17 = vector.shape_cast %swap3A_16 : vector<16xf32> to vector<16xf32>
    %swap3A_18 = vector.shape_cast %broadcast_in_dim3A_14 : vector<16xf32> to vector<16xf32>
    tpu.vector_store %arg5[%swap3A_15], %swap3A_18 {strides = array<i32>} : memref<80xf32, #tpu.memory_space<vmem>>, vector<16xf32>,
    %broadcast_in_dim3A_19 = arith.constant 1.000000e+00 : f32
    %broadcast_in_dim3A_20 = vector.broadcast %broadcast_in_dim3A_19 : f32 to vector<16xf32>
    %swap3A_21 = arith.constant 48 : index
    %swap3A_22 = tpu.vector_load %arg5[%swap3A_21] {strides = array<i32>} : memref<80xf32, #tpu.memory_space<vmem>>, vector<16xf32>,
    %swap3A_23 = vector.shape_cast %swap3A_22 : vector<16xf32> to vector<16xf32>
    %swap3A_24 = vector.shape_cast %broadcast_in_dim3A_20 : vector<16xf32> to vector<16xf32>
    tpu.vector_store %arg5[%swap3A_21], %swap3A_24 {strides = array<i32>} : memref<80xf32, #tpu.memory_space<vmem>>, vector<16xf32>,
    %broadcast_in_dim3A_25 = arith.constant 1.000000e+00 : f32
    %broadcast_in_dim3A_26 = vector.broadcast %broadcast_in_dim3A_25 : f32 to vector<16xf32>
    %swap3A_27 = arith.constant 64 : index
    %swap3A_28 = tpu.vector_load %arg5[%swap3A_27] {strides = array<i32>} : memref<80xf32, #tpu.memory_space<vmem>>, vector<16xf32>,
    %swap3A_29 = vector.shape_cast %swap3A_28 : vector<16xf32> to vector<16xf32>
    %swap3A_30 = vector.shape_cast %broadcast_in_dim3A_26 : vector<16xf32> to vector<16xf32>
    tpu.vector_store %arg5[%swap3A_27], %swap3A_30 {strides = array<i32>} : memref<80xf32, #tpu.memory_space<vmem>>, vector<16xf32>,
    %lt3A = arith.constant 5 : i32
    %lt3A_31 = arith.cmpi slt, %arg1, %lt3A : i32
    %convert_element_type3A = arith.extui %lt3A_31 : i1 to i32
    %cond3A = arith.constant 0 : i32
    %cond3A_32 = arith.cmpi ne, %convert_element_type3A, %cond3A : i32
    scf.if %cond3A_32 {
      %scan3A_44 = arith.constant 0 : i32
      %scan3A_45 = arith.constant 0 : i32
      %scan3A_46 = arith.constant 125 : i32
      %scan3A_47 = arith.addi %scan3A_45, %scan3A_46 : i32
      %scan3A_48 = arith.constant 1 : i32
      scf.for %scan3A_52 = %scan3A_45 to %scan3A_47 step %scan3A_48  : i32 {
        %broadcast_in_dim3A_53 = arith.constant 0.000000e+00 : f32
        %broadcast_in_dim3A_54 = vector.broadcast %broadcast_in_dim3A_53 : f32 to vector<16xf32>
        %mul3A_55 = arith.constant 16 : i32
        %mul3A_56 = arith.muli %scan3A_52, %mul3A_55 : i32
        %swap3A_57 = arith.index_cast %mul3A_56 : i32 to index
        %swap3A_58 = tpu.vector_load %arg6[%swap3A_57] {strides = array<i32>} : memref<2000xf32, #tpu.memory_space<vmem>>, vector<16xf32>,
        %swap3A_59 = vector.shape_cast %swap3A_58 : vector<16xf32> to vector<16xf32>
        %swap3A_60 = vector.shape_cast %broadcast_in_dim3A_54 : vector<16xf32> to vector<16xf32>
        tpu.vector_store %arg6[%swap3A_57], %swap3A_60 {strides = array<i32>} : memref<2000xf32, #tpu.memory_space<vmem>>, vector<16xf32>,
      }
      %scan3A_49 = arith.constant 125 : i32
      %mul3A_50 = arith.constant 2000 : i32
      %mul3A_51 = arith.muli %arg1, %mul3A_50 : i32
      "tpu.region"() ({
        %run_scoped3A = tpu.sem_alloc : memref<!tpu.dma_semaphore, #tpu.memory_space<semaphore_mem>>
        %dma_start3A = tpu.memref_slice %arg7[%mul3A_51] : memref<10000xf32, #tpu.memory_space<vmem_shared>> -> memref<2000xf32, #tpu.memory_space<vmem_shared>>
        %dma_start3A_52 = tpu.memref_slice %arg7[%mul3A_51] : memref<10000xf32, #tpu.memory_space<vmem_shared>> -> memref<2000xf32, #tpu.memory_space<vmem_shared>>
        tpu.enqueue_dma source(%arg6 : memref<2000xf32, #tpu.memory_space<vmem>>) target(%dma_start3A_52 : memref<2000xf32, #tpu.memory_space<vmem_shared>>) target_semaphore(%run_scoped3A : memref<!tpu.dma_semaphore, #tpu.memory_space<semaphore_mem>>)
        %dma_wait3A = tpu.memref_slice %arg7[%mul3A_51] : memref<10000xf32, #tpu.memory_space<vmem_shared>> -> memref<2000xf32, #tpu.memory_space<vmem_shared>>
        %dma_wait3A_53 = tpu.memref_slice %arg7[%mul3A_51] : memref<10000xf32, #tpu.memory_space<vmem_shared>> -> memref<2000xf32, #tpu.memory_space<vmem_shared>>
        tpu.wait_dma2 semaphore(%run_scoped3A : memref<!tpu.dma_semaphore, #tpu.memory_space<semaphore_mem>>) src(%arg6 : memref<2000xf32, #tpu.memory_space<vmem>>) dst(%dma_wait3A_53 : memref<2000xf32, #tpu.memory_space<vmem_shared>>)
        tpu.yield
      }) : () -> ()
    } else {
    }
    %barrier3A = arith.constant 0 : index
    tpu.barrier barrier_id(%barrier3A)
    %scan3A = arith.constant 0 : i32
    %scan3A_33 = arith.constant 0 : i32
    %scan3A_34 = arith.constant 125 : i32
    %scan3A_35 = arith.addi %scan3A_33, %scan3A_34 : i32
    %scan3A_36 = arith.constant 1 : i32
    scf.for %scan3A_44 = %scan3A_33 to %scan3A_35 step %scan3A_36  : i32 {
      %mul3A_45 = arith.constant 80 : i32
      %mul3A_46 = arith.muli %scan3A_44, %mul3A_45 : i32
      %add3A_47 = arith.addi %mul3A_2, %mul3A_46 : i32
      "tpu.region"() ({
        %run_scoped3A = tpu.sem_alloc : memref<!tpu.dma_semaphore, #tpu.memory_space<semaphore_mem>>
        %dma_start3A = tpu.memref_slice %arg2[%add3A_47] : memref<320000xi32, #tpu.memory_space<hbm>> -> memref<80xi32, #tpu.memory_space<hbm>>
        %dma_start3A_48 = tpu.memref_slice %arg2[%add3A_47] : memref<320000xi32, #tpu.memory_space<hbm>> -> memref<80xi32, #tpu.memory_space<hbm>>
        tpu.enqueue_dma source(%dma_start3A_48 : memref<80xi32, #tpu.memory_space<hbm>>) target(%arg4 : memref<80xi32, #tpu.memory_space<vmem>>) target_semaphore(%run_scoped3A : memref<!tpu.dma_semaphore, #tpu.memory_space<semaphore_mem>>)
        %dma_wait3A = tpu.memref_slice %arg2[%add3A_47] : memref<320000xi32, #tpu.memory_space<hbm>> -> memref<80xi32, #tpu.memory_space<hbm>>
        %dma_wait3A_49 = tpu.memref_slice %arg2[%add3A_47] : memref<320000xi32, #tpu.memory_space<hbm>> -> memref<80xi32, #tpu.memory_space<hbm>>
        tpu.wait_dma2 semaphore(%run_scoped3A : memref<!tpu.dma_semaphore, #tpu.memory_space<semaphore_mem>>) src(%dma_wait3A_49 : memref<80xi32, #tpu.memory_space<hbm>>) dst(%arg4 : memref<80xi32, #tpu.memory_space<vmem>>)
        tpu.yield
      }) : () -> ()
      "tpu.region"() ({
        %run_scoped3A = tpu.sem_alloc : memref<!tpu.dma_semaphore, #tpu.memory_space<semaphore_mem>>
        %dma_start3A = arith.constant 0 : i32
        %dma_start3A_48 = tpu.memref_slice %arg7[%dma_start3A] : memref<10000xf32, #tpu.memory_space<vmem_shared>> -> memref<10000xf32, #tpu.memory_space<vmem_shared>>
        tpu.enqueue_indirect_dma source(%arg5 : memref<80xf32, #tpu.memory_space<vmem>>) target(%dma_start3A_48 : memref<10000xf32, #tpu.memory_space<vmem_shared>>) offsets(%arg4 : memref<80xi32, #tpu.memory_space<vmem>>) semaphore(%run_scoped3A : memref<!tpu.dma_semaphore, #tpu.memory_space<semaphore_mem>>) {add = true}
        %dma_wait3A = arith.constant 0 : i32
        %dma_wait3A_49 = tpu.memref_slice %arg7[%dma_wait3A] : memref<10000xf32, #tpu.memory_space<vmem_shared>> -> memref<10000xf32, #tpu.memory_space<vmem_shared>>
        tpu.wait_indirect_dma semaphore(%run_scoped3A : memref<!tpu.dma_semaphore, #tpu.memory_space<semaphore_mem>>) src(%arg5 : memref<80xf32, #tpu.memory_space<vmem>>) dst(%dma_wait3A_49 : memref<10000xf32, #tpu.memory_space<vmem_shared>>)
        tpu.yield
      }) : () -> ()
    }
    %scan3A_37 = arith.constant 125 : i32
    %barrier3A_38 = arith.constant 0 : index
    tpu.barrier barrier_id(%barrier3A_38)
    %lt3A_39 = arith.constant 5 : i32
    %lt3A_40 = arith.cmpi slt, %arg1, %lt3A_39 : i32
    %convert_element_type3A_41 = arith.extui %lt3A_40 : i1 to i32
    %cond3A_42 = arith.constant 0 : i32
    %cond3A_43 = arith.cmpi ne, %convert_element_type3A_41, %cond3A_42 : i32
    scf.if %cond3A_43 {
      %mul3A_44 = arith.constant 2000 : i32
      %mul3A_45 = arith.muli %arg1, %mul3A_44 : i32
      "tpu.region"() ({
        %run_scoped3A = tpu.sem_alloc : memref<!tpu.dma_semaphore, #tpu.memory_space<semaphore_mem>>
        %dma_start3A = tpu.memref_slice %arg7[%mul3A_45] : memref<10000xf32, #tpu.memory_space<vmem_shared>> -> memref<2000xf32, #tpu.memory_space<vmem_shared>>
        %dma_start3A_51 = tpu.memref_slice %arg7[%mul3A_45] : memref<10000xf32, #tpu.memory_space<vmem_shared>> -> memref<2000xf32, #tpu.memory_space<vmem_shared>>
        tpu.enqueue_dma source(%dma_start3A_51 : memref<2000xf32, #tpu.memory_space<vmem_shared>>) target(%arg6 : memref<2000xf32, #tpu.memory_space<vmem>>) target_semaphore(%run_scoped3A : memref<!tpu.dma_semaphore, #tpu.memory_space<semaphore_mem>>)
        %dma_wait3A = tpu.memref_slice %arg7[%mul3A_45] : memref<10000xf32, #tpu.memory_space<vmem_shared>> -> memref<2000xf32, #tpu.memory_space<vmem_shared>>
        %dma_wait3A_52 = tpu.memref_slice %arg7[%mul3A_45] : memref<10000xf32, #tpu.memory_space<vmem_shared>> -> memref<2000xf32, #tpu.memory_space<vmem_shared>>
        tpu.wait_dma2 semaphore(%run_scoped3A : memref<!tpu.dma_semaphore, #tpu.memory_space<semaphore_mem>>) src(%dma_wait3A_52 : memref<2000xf32, #tpu.memory_space<vmem_shared>>) dst(%arg6 : memref<2000xf32, #tpu.memory_space<vmem>>)
        tpu.yield
      }) : () -> ()
      %mul3A_46 = arith.constant 10000 : i32
      %mul3A_47 = arith.muli %arg0, %mul3A_46 : i32
      %mul3A_48 = arith.constant 2000 : i32
      %mul3A_49 = arith.muli %arg1, %mul3A_48 : i32
      %add3A_50 = arith.addi %mul3A_47, %mul3A_49 : i32
      "tpu.region"() ({
        %run_scoped3A = tpu.sem_alloc : memref<!tpu.dma_semaphore, #tpu.memory_space<semaphore_mem>>
        %dma_start3A = tpu.memref_slice %arg3[%add3A_50] : memref<20000xf32, #tpu.memory_space<hbm>> -> memref<2000xf32, #tpu.memory_space<hbm>>
        %dma_start3A_51 = tpu.memref_slice %arg3[%add3A_50] : memref<20000xf32, #tpu.memory_space<hbm>> -> memref<2000xf32, #tpu.memory_space<hbm>>
        tpu.enqueue_dma source(%arg6 : memref<2000xf32, #tpu.memory_space<vmem>>) target(%dma_start3A_51 : memref<2000xf32, #tpu.memory_space<hbm>>) target_semaphore(%run_scoped3A : memref<!tpu.dma_semaphore, #tpu.memory_space<semaphore_mem>>)
        %dma_wait3A = tpu.memref_slice %arg3[%add3A_50] : memref<20000xf32, #tpu.memory_space<hbm>> -> memref<2000xf32, #tpu.memory_space<hbm>>
        %dma_wait3A_52 = tpu.memref_slice %arg3[%add3A_50] : memref<20000xf32, #tpu.memory_space<hbm>> -> memref<2000xf32, #tpu.memory_space<hbm>>
        tpu.wait_dma2 semaphore(%run_scoped3A : memref<!tpu.dma_semaphore, #tpu.memory_space<semaphore_mem>>) src(%arg6 : memref<2000xf32, #tpu.memory_space<vmem>>) dst(%dma_wait3A_52 : memref<2000xf32, #tpu.memory_space<hbm>>)
        tpu.yield
      }) : () -> ()
    } else {
    }
    return
  }
}

#map = affine_map<(d0, d1) -> (0, 0)>
#map1 = affine_map<(d0, d1) -> (0)>
#map2 = affine_map<(d0, d1) -> (0, 0, 0)>
module attributes {stable_mosaic.version = 14 : i64} {
  func.func @seg_kernel(%arg0: i32, %arg1: i32, %arg2: memref<10000x64xf32, #tpu.memory_space<hbm>>, %arg3: memref<320000xi32, #tpu.memory_space<hbm>>, %arg4: memref<320000xi32, #tpu.memory_space<hbm>>, %arg5: memref<10000x64xf32, #tpu.memory_space<hbm>>, %arg6: memref<2x10000x64xf32, #tpu.memory_space<hbm>>, %arg7: memref<80xi32, #tpu.memory_space<vmem>>, %arg8: memref<80xi32, #tpu.memory_space<vmem>>, %arg9: memref<80x64xf32, #tpu.memory_space<vmem>>, %arg10: memref<!tpu.dma_semaphore, #tpu.memory_space<semaphore_mem>>, %arg11: memref<10000x64xf32, #tpu.memory_space<vmem_shared>>) attributes {dimension_semantics = [#tpu.dimension_semantics<core_parallel>, #tpu.dimension_semantics<subcore_parallel>], iteration_bounds = array<i64: 2, 16>, scalar_prefetch = 0 : i64, scratch_operands = 5 : i64, tpu.core_type = #tpu.core_type<sc_vector_subcore>, window_params = [{transform_indices = #map}, {transform_indices = #map1}, {transform_indices = #map1}, {transform_indices = #map}, {transform_indices = #map2}]} {
    %mul3A = arith.constant 2 : i32
    %mul3A_0 = arith.muli %arg1, %mul3A : i32
    %add3A = arith.addi %mul3A_0, %arg0 : i32
    %mul3A_1 = arith.constant 10000 : i32
    %mul3A_2 = arith.muli %add3A, %mul3A_1 : i32
    %lt3A = arith.constant 10 : i32
    %lt3A_3 = arith.cmpi slt, %arg1, %lt3A : i32
    %convert_element_type3A = arith.extui %lt3A_3 : i1 to i32
    %cond3A = arith.constant 0 : i32
    %cond3A_4 = arith.cmpi ne, %convert_element_type3A, %cond3A : i32
    scf.if %cond3A_4 {
      %mul3A_16 = arith.constant 1000 : i32
      %mul3A_17 = arith.muli %arg1, %mul3A_16 : i32
      %mul3A_18 = arith.constant 1000 : i32
      %mul3A_19 = arith.muli %arg1, %mul3A_18 : i32
      "tpu.region"() ({
        %run_scoped3A = tpu.sem_alloc : memref<!tpu.dma_semaphore, #tpu.memory_space<semaphore_mem>>
        %dma_start3A = arith.constant 0 : i32
        %dma_start3A_20 = tpu.memref_slice %arg11[%mul3A_19, %dma_start3A] : memref<10000x64xf32, #tpu.memory_space<vmem_shared>> -> memref<1000x64xf32, #tpu.memory_space<vmem_shared>>
        %dma_start3A_21 = arith.constant 0 : i32
        %dma_start3A_22 = tpu.memref_slice %arg5[%mul3A_17, %dma_start3A_21] : memref<10000x64xf32, #tpu.memory_space<hbm>> -> memref<1000x64xf32, #tpu.memory_space<hbm>>
        tpu.enqueue_dma source(%dma_start3A_22 : memref<1000x64xf32, #tpu.memory_space<hbm>>) target(%dma_start3A_20 : memref<1000x64xf32, #tpu.memory_space<vmem_shared>>) target_semaphore(%run_scoped3A : memref<!tpu.dma_semaphore, #tpu.memory_space<semaphore_mem>>)
        %dma_wait3A = arith.constant 0 : i32
        %dma_wait3A_23 = tpu.memref_slice %arg11[%mul3A_19, %dma_wait3A] : memref<10000x64xf32, #tpu.memory_space<vmem_shared>> -> memref<1000x64xf32, #tpu.memory_space<vmem_shared>>
        %dma_wait3A_24 = arith.constant 0 : i32
        %dma_wait3A_25 = tpu.memref_slice %arg5[%mul3A_17, %dma_wait3A_24] : memref<10000x64xf32, #tpu.memory_space<hbm>> -> memref<1000x64xf32, #tpu.memory_space<hbm>>
        tpu.wait_dma2 semaphore(%run_scoped3A : memref<!tpu.dma_semaphore, #tpu.memory_space<semaphore_mem>>) src(%dma_wait3A_25 : memref<1000x64xf32, #tpu.memory_space<hbm>>) dst(%dma_wait3A_23 : memref<1000x64xf32, #tpu.memory_space<vmem_shared>>)
        tpu.yield
      }) : () -> ()
    } else {
    }
    %barrier3A = arith.constant 0 : index
    tpu.barrier barrier_id(%barrier3A)
    %scan3A = arith.constant 0 : i32
    %scan3A_5 = arith.constant 0 : i32
    %scan3A_6 = arith.constant 125 : i32
    %scan3A_7 = arith.addi %scan3A_5, %scan3A_6 : i32
    %scan3A_8 = arith.constant 1 : i32
    scf.for %scan3A_16 = %scan3A_5 to %scan3A_7 step %scan3A_8  : i32 {
      %mul3A_17 = arith.constant 80 : i32
      %mul3A_18 = arith.muli %scan3A_16, %mul3A_17 : i32
      %add3A_19 = arith.addi %mul3A_2, %mul3A_18 : i32
      "tpu.region"() ({
        %run_scoped3A = tpu.sem_alloc : memref<!tpu.dma_semaphore, #tpu.memory_space<semaphore_mem>>
        %dma_start3A_24 = tpu.memref_slice %arg3[%add3A_19] : memref<320000xi32, #tpu.memory_space<hbm>> -> memref<80xi32, #tpu.memory_space<hbm>>
        %dma_start3A_25 = tpu.memref_slice %arg3[%add3A_19] : memref<320000xi32, #tpu.memory_space<hbm>> -> memref<80xi32, #tpu.memory_space<hbm>>
        tpu.enqueue_dma source(%dma_start3A_25 : memref<80xi32, #tpu.memory_space<hbm>>) target(%arg7 : memref<80xi32, #tpu.memory_space<vmem>>) target_semaphore(%run_scoped3A : memref<!tpu.dma_semaphore, #tpu.memory_space<semaphore_mem>>)
        %dma_wait3A_26 = tpu.memref_slice %arg3[%add3A_19] : memref<320000xi32, #tpu.memory_space<hbm>> -> memref<80xi32, #tpu.memory_space<hbm>>
        %dma_wait3A_27 = tpu.memref_slice %arg3[%add3A_19] : memref<320000xi32, #tpu.memory_space<hbm>> -> memref<80xi32, #tpu.memory_space<hbm>>
        tpu.wait_dma2 semaphore(%run_scoped3A : memref<!tpu.dma_semaphore, #tpu.memory_space<semaphore_mem>>) src(%dma_wait3A_27 : memref<80xi32, #tpu.memory_space<hbm>>) dst(%arg7 : memref<80xi32, #tpu.memory_space<vmem>>)
        tpu.yield
      }) : () -> ()
      "tpu.region"() ({
        %run_scoped3A = tpu.sem_alloc : memref<!tpu.dma_semaphore, #tpu.memory_space<semaphore_mem>>
        %dma_start3A_24 = tpu.memref_slice %arg4[%add3A_19] : memref<320000xi32, #tpu.memory_space<hbm>> -> memref<80xi32, #tpu.memory_space<hbm>>
        %dma_start3A_25 = tpu.memref_slice %arg4[%add3A_19] : memref<320000xi32, #tpu.memory_space<hbm>> -> memref<80xi32, #tpu.memory_space<hbm>>
        tpu.enqueue_dma source(%dma_start3A_25 : memref<80xi32, #tpu.memory_space<hbm>>) target(%arg8 : memref<80xi32, #tpu.memory_space<vmem>>) target_semaphore(%run_scoped3A : memref<!tpu.dma_semaphore, #tpu.memory_space<semaphore_mem>>)
        %dma_wait3A_26 = tpu.memref_slice %arg4[%add3A_19] : memref<320000xi32, #tpu.memory_space<hbm>> -> memref<80xi32, #tpu.memory_space<hbm>>
        %dma_wait3A_27 = tpu.memref_slice %arg4[%add3A_19] : memref<320000xi32, #tpu.memory_space<hbm>> -> memref<80xi32, #tpu.memory_space<hbm>>
        tpu.wait_dma2 semaphore(%run_scoped3A : memref<!tpu.dma_semaphore, #tpu.memory_space<semaphore_mem>>) src(%dma_wait3A_27 : memref<80xi32, #tpu.memory_space<hbm>>) dst(%arg8 : memref<80xi32, #tpu.memory_space<vmem>>)
        tpu.yield
      }) : () -> ()
      %dma_start3A = arith.constant 0 : i32
      %dma_start3A_20 = arith.constant 0 : i32
      %dma_start3A_21 = tpu.memref_slice %arg2[%dma_start3A, %dma_start3A_20] : memref<10000x64xf32, #tpu.memory_space<hbm>> -> memref<10000x64xf32, #tpu.memory_space<hbm>>
      tpu.enqueue_indirect_dma source(%dma_start3A_21 : memref<10000x64xf32, #tpu.memory_space<hbm>>) target(%arg9 : memref<80x64xf32, #tpu.memory_space<vmem>>) offsets(%arg7 : memref<80xi32, #tpu.memory_space<vmem>>) semaphore(%arg10 : memref<!tpu.dma_semaphore, #tpu.memory_space<semaphore_mem>>)
      %dma_wait3A = arith.constant 0 : i32
      %dma_wait3A_22 = arith.constant 0 : i32
      %dma_wait3A_23 = tpu.memref_slice %arg2[%dma_wait3A, %dma_wait3A_22] : memref<10000x64xf32, #tpu.memory_space<hbm>> -> memref<10000x64xf32, #tpu.memory_space<hbm>>
      tpu.wait_indirect_dma semaphore(%arg10 : memref<!tpu.dma_semaphore, #tpu.memory_space<semaphore_mem>>) src(%dma_wait3A_23 : memref<10000x64xf32, #tpu.memory_space<hbm>>) dst(%arg9 : memref<80x64xf32, #tpu.memory_space<vmem>>)
      "tpu.region"() ({
        %run_scoped3A = tpu.sem_alloc : memref<!tpu.dma_semaphore, #tpu.memory_space<semaphore_mem>>
        %dma_start3A_24 = arith.constant 0 : i32
        %dma_start3A_25 = arith.constant 0 : i32
        %dma_start3A_26 = tpu.memref_slice %arg11[%dma_start3A_24, %dma_start3A_25] : memref<10000x64xf32, #tpu.memory_space<vmem_shared>> -> memref<10000x64xf32, #tpu.memory_space<vmem_shared>>
        tpu.enqueue_indirect_dma source(%arg9 : memref<80x64xf32, #tpu.memory_space<vmem>>) target(%dma_start3A_26 : memref<10000x64xf32, #tpu.memory_space<vmem_shared>>) offsets(%arg8 : memref<80xi32, #tpu.memory_space<vmem>>) semaphore(%run_scoped3A : memref<!tpu.dma_semaphore, #tpu.memory_space<semaphore_mem>>) {add = true}
        %dma_wait3A_27 = arith.constant 0 : i32
        %dma_wait3A_28 = arith.constant 0 : i32
        %dma_wait3A_29 = tpu.memref_slice %arg11[%dma_wait3A_27, %dma_wait3A_28] : memref<10000x64xf32, #tpu.memory_space<vmem_shared>> -> memref<10000x64xf32, #tpu.memory_space<vmem_shared>>
        tpu.wait_indirect_dma semaphore(%run_scoped3A : memref<!tpu.dma_semaphore, #tpu.memory_space<semaphore_mem>>) src(%arg9 : memref<80x64xf32, #tpu.memory_space<vmem>>) dst(%dma_wait3A_29 : memref<10000x64xf32, #tpu.memory_space<vmem_shared>>)
        tpu.yield
      }) : () -> ()
    }
    %scan3A_9 = arith.constant 125 : i32
    %barrier3A_10 = arith.constant 0 : index
    tpu.barrier barrier_id(%barrier3A_10)
    %lt3A_11 = arith.constant 10 : i32
    %lt3A_12 = arith.cmpi slt, %arg1, %lt3A_11 : i32
    %convert_element_type3A_13 = arith.extui %lt3A_12 : i1 to i32
    %cond3A_14 = arith.constant 0 : i32
    %cond3A_15 = arith.cmpi ne, %convert_element_type3A_13, %cond3A_14 : i32
    scf.if %cond3A_15 {
      %mul3A_16 = arith.constant 1000 : i32
      %mul3A_17 = arith.muli %arg1, %mul3A_16 : i32
      %mul3A_18 = arith.constant 1000 : i32
      %mul3A_19 = arith.muli %arg1, %mul3A_18 : i32
      "tpu.region"() ({
        %run_scoped3A = tpu.sem_alloc : memref<!tpu.dma_semaphore, #tpu.memory_space<semaphore_mem>>
        %dma_start3A = arith.constant 0 : i32
        %dma_start3A_20 = tpu.memref_slice %arg6[%arg0, %mul3A_19, %dma_start3A] : memref<2x10000x64xf32, #tpu.memory_space<hbm>> -> memref<1x1000x64xf32, #tpu.memory_space<hbm>>
        %dma_start3A_21 = tpu.memref_squeeze %dma_start3A_20 : memref<1x1000x64xf32, #tpu.memory_space<hbm>> -> memref<1000x64xf32, #tpu.memory_space<hbm>>
        %dma_start3A_22 = arith.constant 0 : i32
        %dma_start3A_23 = tpu.memref_slice %arg11[%mul3A_17, %dma_start3A_22] : memref<10000x64xf32, #tpu.memory_space<vmem_shared>> -> memref<1000x64xf32, #tpu.memory_space<vmem_shared>>
        tpu.enqueue_dma source(%dma_start3A_23 : memref<1000x64xf32, #tpu.memory_space<vmem_shared>>) target(%dma_start3A_21 : memref<1000x64xf32, #tpu.memory_space<hbm>>) target_semaphore(%run_scoped3A : memref<!tpu.dma_semaphore, #tpu.memory_space<semaphore_mem>>)
        %dma_wait3A = arith.constant 0 : i32
        %dma_wait3A_24 = tpu.memref_slice %arg6[%arg0, %mul3A_19, %dma_wait3A] : memref<2x10000x64xf32, #tpu.memory_space<hbm>> -> memref<1x1000x64xf32, #tpu.memory_space<hbm>>
        %dma_wait3A_25 = tpu.memref_squeeze %dma_wait3A_24 : memref<1x1000x64xf32, #tpu.memory_space<hbm>> -> memref<1000x64xf32, #tpu.memory_space<hbm>>
        %dma_wait3A_26 = arith.constant 0 : i32
        %dma_wait3A_27 = tpu.memref_slice %arg11[%mul3A_17, %dma_wait3A_26] : memref<10000x64xf32, #tpu.memory_space<vmem_shared>> -> memref<1000x64xf32, #tpu.memory_space<vmem_shared>>
        tpu.wait_dma2 semaphore(%run_scoped3A : memref<!tpu.dma_semaphore, #tpu.memory_space<semaphore_mem>>) src(%dma_wait3A_27 : memref<1000x64xf32, #tpu.memory_space<vmem_shared>>) dst(%dma_wait3A_25 : memref<1000x64xf32, #tpu.memory_space<hbm>>)
        tpu.yield
      }) : () -> ()
    } else {
    }
    return
  }
}

#map = affine_map<(d0, d1) -> (0, 0)>
#map1 = affine_map<(d0, d1) -> (0)>
#map2 = affine_map<(d0, d1) -> (0, 0, 0)>
module attributes {stable_mosaic.version = 14 : i64} {
  func.func @seg_kernel(%arg0: i32, %arg1: i32, %arg2: memref<10000x64xf32, #tpu.memory_space<hbm>>, %arg3: memref<320000xi32, #tpu.memory_space<hbm>>, %arg4: memref<320000xi32, #tpu.memory_space<hbm>>, %arg5: memref<10000x64xf32, #tpu.memory_space<hbm>>, %arg6: memref<2x10000x64xf32, #tpu.memory_space<hbm>>, %arg7: memref<80xi32, #tpu.memory_space<vmem>>, %arg8: memref<80xi32, #tpu.memory_space<vmem>>, %arg9: memref<80x64xf32, #tpu.memory_space<vmem>>, %arg10: memref<!tpu.dma_semaphore, #tpu.memory_space<semaphore_mem>>, %arg11: memref<10000x64xf32, #tpu.memory_space<vmem_shared>>) attributes {dimension_semantics = [#tpu.dimension_semantics<core_parallel>, #tpu.dimension_semantics<subcore_parallel>], iteration_bounds = array<i64: 2, 16>, scalar_prefetch = 0 : i64, scratch_operands = 5 : i64, tpu.core_type = #tpu.core_type<sc_vector_subcore>, window_params = [{transform_indices = #map}, {transform_indices = #map1}, {transform_indices = #map1}, {transform_indices = #map}, {transform_indices = #map2}]} {
    %mul3A = arith.constant 2 : i32
    %mul3A_0 = arith.muli %arg1, %mul3A : i32
    %add3A = arith.addi %mul3A_0, %arg0 : i32
    %mul3A_1 = arith.constant 10000 : i32
    %mul3A_2 = arith.muli %add3A, %mul3A_1 : i32
    %lt3A = arith.constant 10 : i32
    %lt3A_3 = arith.cmpi slt, %arg1, %lt3A : i32
    %convert_element_type3A = arith.extui %lt3A_3 : i1 to i32
    %cond3A = arith.constant 0 : i32
    %cond3A_4 = arith.cmpi ne, %convert_element_type3A, %cond3A : i32
    scf.if %cond3A_4 {
      %mul3A_16 = arith.constant 1000 : i32
      %mul3A_17 = arith.muli %arg1, %mul3A_16 : i32
      %mul3A_18 = arith.constant 1000 : i32
      %mul3A_19 = arith.muli %arg1, %mul3A_18 : i32
      "tpu.region"() ({
        %run_scoped3A = tpu.sem_alloc : memref<!tpu.dma_semaphore, #tpu.memory_space<semaphore_mem>>
        %dma_start3A = arith.constant 0 : i32
        %dma_start3A_20 = tpu.memref_slice %arg11[%mul3A_19, %dma_start3A] : memref<10000x64xf32, #tpu.memory_space<vmem_shared>> -> memref<1000x64xf32, #tpu.memory_space<vmem_shared>>
        %dma_start3A_21 = arith.constant 0 : i32
        %dma_start3A_22 = tpu.memref_slice %arg5[%mul3A_17, %dma_start3A_21] : memref<10000x64xf32, #tpu.memory_space<hbm>> -> memref<1000x64xf32, #tpu.memory_space<hbm>>
        tpu.enqueue_dma source(%dma_start3A_22 : memref<1000x64xf32, #tpu.memory_space<hbm>>) target(%dma_start3A_20 : memref<1000x64xf32, #tpu.memory_space<vmem_shared>>) target_semaphore(%run_scoped3A : memref<!tpu.dma_semaphore, #tpu.memory_space<semaphore_mem>>)
        %dma_wait3A = arith.constant 0 : i32
        %dma_wait3A_23 = tpu.memref_slice %arg11[%mul3A_19, %dma_wait3A] : memref<10000x64xf32, #tpu.memory_space<vmem_shared>> -> memref<1000x64xf32, #tpu.memory_space<vmem_shared>>
        %dma_wait3A_24 = arith.constant 0 : i32
        %dma_wait3A_25 = tpu.memref_slice %arg5[%mul3A_17, %dma_wait3A_24] : memref<10000x64xf32, #tpu.memory_space<hbm>> -> memref<1000x64xf32, #tpu.memory_space<hbm>>
        tpu.wait_dma2 semaphore(%run_scoped3A : memref<!tpu.dma_semaphore, #tpu.memory_space<semaphore_mem>>) src(%dma_wait3A_25 : memref<1000x64xf32, #tpu.memory_space<hbm>>) dst(%dma_wait3A_23 : memref<1000x64xf32, #tpu.memory_space<vmem_shared>>)
        tpu.yield
      }) : () -> ()
    } else {
    }
    %barrier3A = arith.constant 0 : index
    tpu.barrier barrier_id(%barrier3A)
    %scan3A = arith.constant 0 : i32
    %scan3A_5 = arith.constant 0 : i32
    %scan3A_6 = arith.constant 125 : i32
    %scan3A_7 = arith.addi %scan3A_5, %scan3A_6 : i32
    %scan3A_8 = arith.constant 1 : i32
    scf.for %scan3A_16 = %scan3A_5 to %scan3A_7 step %scan3A_8  : i32 {
      %mul3A_17 = arith.constant 80 : i32
      %mul3A_18 = arith.muli %scan3A_16, %mul3A_17 : i32
      %add3A_19 = arith.addi %mul3A_2, %mul3A_18 : i32
      "tpu.region"() ({
        %run_scoped3A = tpu.sem_alloc : memref<!tpu.dma_semaphore, #tpu.memory_space<semaphore_mem>>
        %dma_start3A_24 = tpu.memref_slice %arg3[%add3A_19] : memref<320000xi32, #tpu.memory_space<hbm>> -> memref<80xi32, #tpu.memory_space<hbm>>
        %dma_start3A_25 = tpu.memref_slice %arg3[%add3A_19] : memref<320000xi32, #tpu.memory_space<hbm>> -> memref<80xi32, #tpu.memory_space<hbm>>
        tpu.enqueue_dma source(%dma_start3A_25 : memref<80xi32, #tpu.memory_space<hbm>>) target(%arg7 : memref<80xi32, #tpu.memory_space<vmem>>) target_semaphore(%run_scoped3A : memref<!tpu.dma_semaphore, #tpu.memory_space<semaphore_mem>>)
        %dma_wait3A_26 = tpu.memref_slice %arg3[%add3A_19] : memref<320000xi32, #tpu.memory_space<hbm>> -> memref<80xi32, #tpu.memory_space<hbm>>
        %dma_wait3A_27 = tpu.memref_slice %arg3[%add3A_19] : memref<320000xi32, #tpu.memory_space<hbm>> -> memref<80xi32, #tpu.memory_space<hbm>>
        tpu.wait_dma2 semaphore(%run_scoped3A : memref<!tpu.dma_semaphore, #tpu.memory_space<semaphore_mem>>) src(%dma_wait3A_27 : memref<80xi32, #tpu.memory_space<hbm>>) dst(%arg7 : memref<80xi32, #tpu.memory_space<vmem>>)
        tpu.yield
      }) : () -> ()
      "tpu.region"() ({
        %run_scoped3A = tpu.sem_alloc : memref<!tpu.dma_semaphore, #tpu.memory_space<semaphore_mem>>
        %dma_start3A_24 = tpu.memref_slice %arg4[%add3A_19] : memref<320000xi32, #tpu.memory_space<hbm>> -> memref<80xi32, #tpu.memory_space<hbm>>
        %dma_start3A_25 = tpu.memref_slice %arg4[%add3A_19] : memref<320000xi32, #tpu.memory_space<hbm>> -> memref<80xi32, #tpu.memory_space<hbm>>
        tpu.enqueue_dma source(%dma_start3A_25 : memref<80xi32, #tpu.memory_space<hbm>>) target(%arg8 : memref<80xi32, #tpu.memory_space<vmem>>) target_semaphore(%run_scoped3A : memref<!tpu.dma_semaphore, #tpu.memory_space<semaphore_mem>>)
        %dma_wait3A_26 = tpu.memref_slice %arg4[%add3A_19] : memref<320000xi32, #tpu.memory_space<hbm>> -> memref<80xi32, #tpu.memory_space<hbm>>
        %dma_wait3A_27 = tpu.memref_slice %arg4[%add3A_19] : memref<320000xi32, #tpu.memory_space<hbm>> -> memref<80xi32, #tpu.memory_space<hbm>>
        tpu.wait_dma2 semaphore(%run_scoped3A : memref<!tpu.dma_semaphore, #tpu.memory_space<semaphore_mem>>) src(%dma_wait3A_27 : memref<80xi32, #tpu.memory_space<hbm>>) dst(%arg8 : memref<80xi32, #tpu.memory_space<vmem>>)
        tpu.yield
      }) : () -> ()
      %dma_start3A = arith.constant 0 : i32
      %dma_start3A_20 = arith.constant 0 : i32
      %dma_start3A_21 = tpu.memref_slice %arg2[%dma_start3A, %dma_start3A_20] : memref<10000x64xf32, #tpu.memory_space<hbm>> -> memref<10000x64xf32, #tpu.memory_space<hbm>>
      tpu.enqueue_indirect_dma source(%dma_start3A_21 : memref<10000x64xf32, #tpu.memory_space<hbm>>) target(%arg9 : memref<80x64xf32, #tpu.memory_space<vmem>>) offsets(%arg7 : memref<80xi32, #tpu.memory_space<vmem>>) semaphore(%arg10 : memref<!tpu.dma_semaphore, #tpu.memory_space<semaphore_mem>>)
      %dma_wait3A = arith.constant 0 : i32
      %dma_wait3A_22 = arith.constant 0 : i32
      %dma_wait3A_23 = tpu.memref_slice %arg2[%dma_wait3A, %dma_wait3A_22] : memref<10000x64xf32, #tpu.memory_space<hbm>> -> memref<10000x64xf32, #tpu.memory_space<hbm>>
      tpu.wait_indirect_dma semaphore(%arg10 : memref<!tpu.dma_semaphore, #tpu.memory_space<semaphore_mem>>) src(%dma_wait3A_23 : memref<10000x64xf32, #tpu.memory_space<hbm>>) dst(%arg9 : memref<80x64xf32, #tpu.memory_space<vmem>>)
      "tpu.region"() ({
        %run_scoped3A = tpu.sem_alloc : memref<!tpu.dma_semaphore, #tpu.memory_space<semaphore_mem>>
        %dma_start3A_24 = arith.constant 0 : i32
        %dma_start3A_25 = arith.constant 0 : i32
        %dma_start3A_26 = tpu.memref_slice %arg11[%dma_start3A_24, %dma_start3A_25] : memref<10000x64xf32, #tpu.memory_space<vmem_shared>> -> memref<10000x64xf32, #tpu.memory_space<vmem_shared>>
        tpu.enqueue_indirect_dma source(%arg9 : memref<80x64xf32, #tpu.memory_space<vmem>>) target(%dma_start3A_26 : memref<10000x64xf32, #tpu.memory_space<vmem_shared>>) offsets(%arg8 : memref<80xi32, #tpu.memory_space<vmem>>) semaphore(%run_scoped3A : memref<!tpu.dma_semaphore, #tpu.memory_space<semaphore_mem>>) {add = true}
        %dma_wait3A_27 = arith.constant 0 : i32
        %dma_wait3A_28 = arith.constant 0 : i32
        %dma_wait3A_29 = tpu.memref_slice %arg11[%dma_wait3A_27, %dma_wait3A_28] : memref<10000x64xf32, #tpu.memory_space<vmem_shared>> -> memref<10000x64xf32, #tpu.memory_space<vmem_shared>>
        tpu.wait_indirect_dma semaphore(%run_scoped3A : memref<!tpu.dma_semaphore, #tpu.memory_space<semaphore_mem>>) src(%arg9 : memref<80x64xf32, #tpu.memory_space<vmem>>) dst(%dma_wait3A_29 : memref<10000x64xf32, #tpu.memory_space<vmem_shared>>)
        tpu.yield
      }) : () -> ()
    }
    %scan3A_9 = arith.constant 125 : i32
    %barrier3A_10 = arith.constant 0 : index
    tpu.barrier barrier_id(%barrier3A_10)
    %lt3A_11 = arith.constant 10 : i32
    %lt3A_12 = arith.cmpi slt, %arg1, %lt3A_11 : i32
    %convert_element_type3A_13 = arith.extui %lt3A_12 : i1 to i32
    %cond3A_14 = arith.constant 0 : i32
    %cond3A_15 = arith.cmpi ne, %convert_element_type3A_13, %cond3A_14 : i32
    scf.if %cond3A_15 {
      %mul3A_16 = arith.constant 1000 : i32
      %mul3A_17 = arith.muli %arg1, %mul3A_16 : i32
      %mul3A_18 = arith.constant 1000 : i32
      %mul3A_19 = arith.muli %arg1, %mul3A_18 : i32
      "tpu.region"() ({
        %run_scoped3A = tpu.sem_alloc : memref<!tpu.dma_semaphore, #tpu.memory_space<semaphore_mem>>
        %dma_start3A = arith.constant 0 : i32
        %dma_start3A_20 = tpu.memref_slice %arg6[%arg0, %mul3A_19, %dma_start3A] : memref<2x10000x64xf32, #tpu.memory_space<hbm>> -> memref<1x1000x64xf32, #tpu.memory_space<hbm>>
        %dma_start3A_21 = tpu.memref_squeeze %dma_start3A_20 : memref<1x1000x64xf32, #tpu.memory_space<hbm>> -> memref<1000x64xf32, #tpu.memory_space<hbm>>
        %dma_start3A_22 = arith.constant 0 : i32
        %dma_start3A_23 = tpu.memref_slice %arg11[%mul3A_17, %dma_start3A_22] : memref<10000x64xf32, #tpu.memory_space<vmem_shared>> -> memref<1000x64xf32, #tpu.memory_space<vmem_shared>>
        tpu.enqueue_dma source(%dma_start3A_23 : memref<1000x64xf32, #tpu.memory_space<vmem_shared>>) target(%dma_start3A_21 : memref<1000x64xf32, #tpu.memory_space<hbm>>) target_semaphore(%run_scoped3A : memref<!tpu.dma_semaphore, #tpu.memory_space<semaphore_mem>>)
        %dma_wait3A = arith.constant 0 : i32
        %dma_wait3A_24 = tpu.memref_slice %arg6[%arg0, %mul3A_19, %dma_wait3A] : memref<2x10000x64xf32, #tpu.memory_space<hbm>> -> memref<1x1000x64xf32, #tpu.memory_space<hbm>>
        %dma_wait3A_25 = tpu.memref_squeeze %dma_wait3A_24 : memref<1x1000x64xf32, #tpu.memory_space<hbm>> -> memref<1000x64xf32, #tpu.memory_space<hbm>>
        %dma_wait3A_26 = arith.constant 0 : i32
        %dma_wait3A_27 = tpu.memref_slice %arg11[%mul3A_17, %dma_wait3A_26] : memref<10000x64xf32, #tpu.memory_space<vmem_shared>> -> memref<1000x64xf32, #tpu.memory_space<vmem_shared>>
        tpu.wait_dma2 semaphore(%run_scoped3A : memref<!tpu.dma_semaphore, #tpu.memory_space<semaphore_mem>>) src(%dma_wait3A_27 : memref<1000x64xf32, #tpu.memory_space<vmem_shared>>) dst(%dma_wait3A_25 : memref<1000x64xf32, #tpu.memory_space<hbm>>)
        tpu.yield
      }) : () -> ()
    } else {
    }
    return
  }
}

#map = affine_map<(d0, d1) -> (0, 0)>
#map1 = affine_map<(d0, d1) -> (0)>
#map2 = affine_map<(d0, d1) -> (0, 0, 0)>
module attributes {stable_mosaic.version = 14 : i64} {
  func.func @seg_kernel(%arg0: i32, %arg1: i32, %arg2: memref<10000x64xf32, #tpu.memory_space<hbm>>, %arg3: memref<320000xi32, #tpu.memory_space<hbm>>, %arg4: memref<320000xi32, #tpu.memory_space<hbm>>, %arg5: memref<10000x64xf32, #tpu.memory_space<hbm>>, %arg6: memref<2x10000x64xf32, #tpu.memory_space<hbm>>, %arg7: memref<80xi32, #tpu.memory_space<vmem>>, %arg8: memref<80xi32, #tpu.memory_space<vmem>>, %arg9: memref<80x64xf32, #tpu.memory_space<vmem>>, %arg10: memref<!tpu.dma_semaphore, #tpu.memory_space<semaphore_mem>>, %arg11: memref<10000x64xf32, #tpu.memory_space<vmem_shared>>) attributes {dimension_semantics = [#tpu.dimension_semantics<core_parallel>, #tpu.dimension_semantics<subcore_parallel>], iteration_bounds = array<i64: 2, 16>, scalar_prefetch = 0 : i64, scratch_operands = 5 : i64, tpu.core_type = #tpu.core_type<sc_vector_subcore>, window_params = [{transform_indices = #map}, {transform_indices = #map1}, {transform_indices = #map1}, {transform_indices = #map}, {transform_indices = #map2}]} {
    %mul3A = arith.constant 2 : i32
    %mul3A_0 = arith.muli %arg1, %mul3A : i32
    %add3A = arith.addi %mul3A_0, %arg0 : i32
    %mul3A_1 = arith.constant 10000 : i32
    %mul3A_2 = arith.muli %add3A, %mul3A_1 : i32
    %lt3A = arith.constant 10 : i32
    %lt3A_3 = arith.cmpi slt, %arg1, %lt3A : i32
    %convert_element_type3A = arith.extui %lt3A_3 : i1 to i32
    %cond3A = arith.constant 0 : i32
    %cond3A_4 = arith.cmpi ne, %convert_element_type3A, %cond3A : i32
    scf.if %cond3A_4 {
      %mul3A_16 = arith.constant 1000 : i32
      %mul3A_17 = arith.muli %arg1, %mul3A_16 : i32
      %mul3A_18 = arith.constant 1000 : i32
      %mul3A_19 = arith.muli %arg1, %mul3A_18 : i32
      "tpu.region"() ({
        %run_scoped3A = tpu.sem_alloc : memref<!tpu.dma_semaphore, #tpu.memory_space<semaphore_mem>>
        %dma_start3A = arith.constant 0 : i32
        %dma_start3A_20 = tpu.memref_slice %arg11[%mul3A_19, %dma_start3A] : memref<10000x64xf32, #tpu.memory_space<vmem_shared>> -> memref<1000x64xf32, #tpu.memory_space<vmem_shared>>
        %dma_start3A_21 = arith.constant 0 : i32
        %dma_start3A_22 = tpu.memref_slice %arg5[%mul3A_17, %dma_start3A_21] : memref<10000x64xf32, #tpu.memory_space<hbm>> -> memref<1000x64xf32, #tpu.memory_space<hbm>>
        tpu.enqueue_dma source(%dma_start3A_22 : memref<1000x64xf32, #tpu.memory_space<hbm>>) target(%dma_start3A_20 : memref<1000x64xf32, #tpu.memory_space<vmem_shared>>) target_semaphore(%run_scoped3A : memref<!tpu.dma_semaphore, #tpu.memory_space<semaphore_mem>>)
        %dma_wait3A = arith.constant 0 : i32
        %dma_wait3A_23 = tpu.memref_slice %arg11[%mul3A_19, %dma_wait3A] : memref<10000x64xf32, #tpu.memory_space<vmem_shared>> -> memref<1000x64xf32, #tpu.memory_space<vmem_shared>>
        %dma_wait3A_24 = arith.constant 0 : i32
        %dma_wait3A_25 = tpu.memref_slice %arg5[%mul3A_17, %dma_wait3A_24] : memref<10000x64xf32, #tpu.memory_space<hbm>> -> memref<1000x64xf32, #tpu.memory_space<hbm>>
        tpu.wait_dma2 semaphore(%run_scoped3A : memref<!tpu.dma_semaphore, #tpu.memory_space<semaphore_mem>>) src(%dma_wait3A_25 : memref<1000x64xf32, #tpu.memory_space<hbm>>) dst(%dma_wait3A_23 : memref<1000x64xf32, #tpu.memory_space<vmem_shared>>)
        tpu.yield
      }) : () -> ()
    } else {
    }
    %barrier3A = arith.constant 0 : index
    tpu.barrier barrier_id(%barrier3A)
    %scan3A = arith.constant 0 : i32
    %scan3A_5 = arith.constant 0 : i32
    %scan3A_6 = arith.constant 125 : i32
    %scan3A_7 = arith.addi %scan3A_5, %scan3A_6 : i32
    %scan3A_8 = arith.constant 1 : i32
    scf.for %scan3A_16 = %scan3A_5 to %scan3A_7 step %scan3A_8  : i32 {
      %mul3A_17 = arith.constant 80 : i32
      %mul3A_18 = arith.muli %scan3A_16, %mul3A_17 : i32
      %add3A_19 = arith.addi %mul3A_2, %mul3A_18 : i32
      "tpu.region"() ({
        %run_scoped3A = tpu.sem_alloc : memref<!tpu.dma_semaphore, #tpu.memory_space<semaphore_mem>>
        %dma_start3A_24 = tpu.memref_slice %arg3[%add3A_19] : memref<320000xi32, #tpu.memory_space<hbm>> -> memref<80xi32, #tpu.memory_space<hbm>>
        %dma_start3A_25 = tpu.memref_slice %arg3[%add3A_19] : memref<320000xi32, #tpu.memory_space<hbm>> -> memref<80xi32, #tpu.memory_space<hbm>>
        tpu.enqueue_dma source(%dma_start3A_25 : memref<80xi32, #tpu.memory_space<hbm>>) target(%arg7 : memref<80xi32, #tpu.memory_space<vmem>>) target_semaphore(%run_scoped3A : memref<!tpu.dma_semaphore, #tpu.memory_space<semaphore_mem>>)
        %dma_wait3A_26 = tpu.memref_slice %arg3[%add3A_19] : memref<320000xi32, #tpu.memory_space<hbm>> -> memref<80xi32, #tpu.memory_space<hbm>>
        %dma_wait3A_27 = tpu.memref_slice %arg3[%add3A_19] : memref<320000xi32, #tpu.memory_space<hbm>> -> memref<80xi32, #tpu.memory_space<hbm>>
        tpu.wait_dma2 semaphore(%run_scoped3A : memref<!tpu.dma_semaphore, #tpu.memory_space<semaphore_mem>>) src(%dma_wait3A_27 : memref<80xi32, #tpu.memory_space<hbm>>) dst(%arg7 : memref<80xi32, #tpu.memory_space<vmem>>)
        tpu.yield
      }) : () -> ()
      "tpu.region"() ({
        %run_scoped3A = tpu.sem_alloc : memref<!tpu.dma_semaphore, #tpu.memory_space<semaphore_mem>>
        %dma_start3A_24 = tpu.memref_slice %arg4[%add3A_19] : memref<320000xi32, #tpu.memory_space<hbm>> -> memref<80xi32, #tpu.memory_space<hbm>>
        %dma_start3A_25 = tpu.memref_slice %arg4[%add3A_19] : memref<320000xi32, #tpu.memory_space<hbm>> -> memref<80xi32, #tpu.memory_space<hbm>>
        tpu.enqueue_dma source(%dma_start3A_25 : memref<80xi32, #tpu.memory_space<hbm>>) target(%arg8 : memref<80xi32, #tpu.memory_space<vmem>>) target_semaphore(%run_scoped3A : memref<!tpu.dma_semaphore, #tpu.memory_space<semaphore_mem>>)
        %dma_wait3A_26 = tpu.memref_slice %arg4[%add3A_19] : memref<320000xi32, #tpu.memory_space<hbm>> -> memref<80xi32, #tpu.memory_space<hbm>>
        %dma_wait3A_27 = tpu.memref_slice %arg4[%add3A_19] : memref<320000xi32, #tpu.memory_space<hbm>> -> memref<80xi32, #tpu.memory_space<hbm>>
        tpu.wait_dma2 semaphore(%run_scoped3A : memref<!tpu.dma_semaphore, #tpu.memory_space<semaphore_mem>>) src(%dma_wait3A_27 : memref<80xi32, #tpu.memory_space<hbm>>) dst(%arg8 : memref<80xi32, #tpu.memory_space<vmem>>)
        tpu.yield
      }) : () -> ()
      %dma_start3A = arith.constant 0 : i32
      %dma_start3A_20 = arith.constant 0 : i32
      %dma_start3A_21 = tpu.memref_slice %arg2[%dma_start3A, %dma_start3A_20] : memref<10000x64xf32, #tpu.memory_space<hbm>> -> memref<10000x64xf32, #tpu.memory_space<hbm>>
      tpu.enqueue_indirect_dma source(%dma_start3A_21 : memref<10000x64xf32, #tpu.memory_space<hbm>>) target(%arg9 : memref<80x64xf32, #tpu.memory_space<vmem>>) offsets(%arg7 : memref<80xi32, #tpu.memory_space<vmem>>) semaphore(%arg10 : memref<!tpu.dma_semaphore, #tpu.memory_space<semaphore_mem>>)
      %dma_wait3A = arith.constant 0 : i32
      %dma_wait3A_22 = arith.constant 0 : i32
      %dma_wait3A_23 = tpu.memref_slice %arg2[%dma_wait3A, %dma_wait3A_22] : memref<10000x64xf32, #tpu.memory_space<hbm>> -> memref<10000x64xf32, #tpu.memory_space<hbm>>
      tpu.wait_indirect_dma semaphore(%arg10 : memref<!tpu.dma_semaphore, #tpu.memory_space<semaphore_mem>>) src(%dma_wait3A_23 : memref<10000x64xf32, #tpu.memory_space<hbm>>) dst(%arg9 : memref<80x64xf32, #tpu.memory_space<vmem>>)
      "tpu.region"() ({
        %run_scoped3A = tpu.sem_alloc : memref<!tpu.dma_semaphore, #tpu.memory_space<semaphore_mem>>
        %dma_start3A_24 = arith.constant 0 : i32
        %dma_start3A_25 = arith.constant 0 : i32
        %dma_start3A_26 = tpu.memref_slice %arg11[%dma_start3A_24, %dma_start3A_25] : memref<10000x64xf32, #tpu.memory_space<vmem_shared>> -> memref<10000x64xf32, #tpu.memory_space<vmem_shared>>
        tpu.enqueue_indirect_dma source(%arg9 : memref<80x64xf32, #tpu.memory_space<vmem>>) target(%dma_start3A_26 : memref<10000x64xf32, #tpu.memory_space<vmem_shared>>) offsets(%arg8 : memref<80xi32, #tpu.memory_space<vmem>>) semaphore(%run_scoped3A : memref<!tpu.dma_semaphore, #tpu.memory_space<semaphore_mem>>) {add = true}
        %dma_wait3A_27 = arith.constant 0 : i32
        %dma_wait3A_28 = arith.constant 0 : i32
        %dma_wait3A_29 = tpu.memref_slice %arg11[%dma_wait3A_27, %dma_wait3A_28] : memref<10000x64xf32, #tpu.memory_space<vmem_shared>> -> memref<10000x64xf32, #tpu.memory_space<vmem_shared>>
        tpu.wait_indirect_dma semaphore(%run_scoped3A : memref<!tpu.dma_semaphore, #tpu.memory_space<semaphore_mem>>) src(%arg9 : memref<80x64xf32, #tpu.memory_space<vmem>>) dst(%dma_wait3A_29 : memref<10000x64xf32, #tpu.memory_space<vmem_shared>>)
        tpu.yield
      }) : () -> ()
    }
    %scan3A_9 = arith.constant 125 : i32
    %barrier3A_10 = arith.constant 0 : index
    tpu.barrier barrier_id(%barrier3A_10)
    %lt3A_11 = arith.constant 10 : i32
    %lt3A_12 = arith.cmpi slt, %arg1, %lt3A_11 : i32
    %convert_element_type3A_13 = arith.extui %lt3A_12 : i1 to i32
    %cond3A_14 = arith.constant 0 : i32
    %cond3A_15 = arith.cmpi ne, %convert_element_type3A_13, %cond3A_14 : i32
    scf.if %cond3A_15 {
      %mul3A_16 = arith.constant 1000 : i32
      %mul3A_17 = arith.muli %arg1, %mul3A_16 : i32
      %mul3A_18 = arith.constant 1000 : i32
      %mul3A_19 = arith.muli %arg1, %mul3A_18 : i32
      "tpu.region"() ({
        %run_scoped3A = tpu.sem_alloc : memref<!tpu.dma_semaphore, #tpu.memory_space<semaphore_mem>>
        %dma_start3A = arith.constant 0 : i32
        %dma_start3A_20 = tpu.memref_slice %arg6[%arg0, %mul3A_19, %dma_start3A] : memref<2x10000x64xf32, #tpu.memory_space<hbm>> -> memref<1x1000x64xf32, #tpu.memory_space<hbm>>
        %dma_start3A_21 = tpu.memref_squeeze %dma_start3A_20 : memref<1x1000x64xf32, #tpu.memory_space<hbm>> -> memref<1000x64xf32, #tpu.memory_space<hbm>>
        %dma_start3A_22 = arith.constant 0 : i32
        %dma_start3A_23 = tpu.memref_slice %arg11[%mul3A_17, %dma_start3A_22] : memref<10000x64xf32, #tpu.memory_space<vmem_shared>> -> memref<1000x64xf32, #tpu.memory_space<vmem_shared>>
        tpu.enqueue_dma source(%dma_start3A_23 : memref<1000x64xf32, #tpu.memory_space<vmem_shared>>) target(%dma_start3A_21 : memref<1000x64xf32, #tpu.memory_space<hbm>>) target_semaphore(%run_scoped3A : memref<!tpu.dma_semaphore, #tpu.memory_space<semaphore_mem>>)
        %dma_wait3A = arith.constant 0 : i32
        %dma_wait3A_24 = tpu.memref_slice %arg6[%arg0, %mul3A_19, %dma_wait3A] : memref<2x10000x64xf32, #tpu.memory_space<hbm>> -> memref<1x1000x64xf32, #tpu.memory_space<hbm>>
        %dma_wait3A_25 = tpu.memref_squeeze %dma_wait3A_24 : memref<1x1000x64xf32, #tpu.memory_space<hbm>> -> memref<1000x64xf32, #tpu.memory_space<hbm>>
        %dma_wait3A_26 = arith.constant 0 : i32
        %dma_wait3A_27 = tpu.memref_slice %arg11[%mul3A_17, %dma_wait3A_26] : memref<10000x64xf32, #tpu.memory_space<vmem_shared>> -> memref<1000x64xf32, #tpu.memory_space<vmem_shared>>
        tpu.wait_dma2 semaphore(%run_scoped3A : memref<!tpu.dma_semaphore, #tpu.memory_space<semaphore_mem>>) src(%dma_wait3A_27 : memref<1000x64xf32, #tpu.memory_space<vmem_shared>>) dst(%dma_wait3A_25 : memref<1000x64xf32, #tpu.memory_space<hbm>>)
        tpu.yield
      }) : () -> ()
    } else {
    }
    return
  }
}

#map = affine_map<(d0, d1) -> (0, 0)>
#map1 = affine_map<(d0, d1) -> (0)>
#map2 = affine_map<(d0, d1) -> (0, 0, 0)>
module attributes {stable_mosaic.version = 14 : i64} {
  func.func @seg_kernel(%arg0: i32, %arg1: i32, %arg2: memref<10000x64xf32, #tpu.memory_space<hbm>>, %arg3: memref<320000xi32, #tpu.memory_space<hbm>>, %arg4: memref<320000xi32, #tpu.memory_space<hbm>>, %arg5: memref<10000x64xf32, #tpu.memory_space<hbm>>, %arg6: memref<2x10000x64xf32, #tpu.memory_space<hbm>>, %arg7: memref<80xi32, #tpu.memory_space<vmem>>, %arg8: memref<80xi32, #tpu.memory_space<vmem>>, %arg9: memref<80x64xf32, #tpu.memory_space<vmem>>, %arg10: memref<!tpu.dma_semaphore, #tpu.memory_space<semaphore_mem>>, %arg11: memref<10000x64xf32, #tpu.memory_space<vmem_shared>>) attributes {dimension_semantics = [#tpu.dimension_semantics<core_parallel>, #tpu.dimension_semantics<subcore_parallel>], iteration_bounds = array<i64: 2, 16>, scalar_prefetch = 0 : i64, scratch_operands = 5 : i64, tpu.core_type = #tpu.core_type<sc_vector_subcore>, window_params = [{transform_indices = #map}, {transform_indices = #map1}, {transform_indices = #map1}, {transform_indices = #map}, {transform_indices = #map2}]} {
    %mul3A = arith.constant 2 : i32
    %mul3A_0 = arith.muli %arg1, %mul3A : i32
    %add3A = arith.addi %mul3A_0, %arg0 : i32
    %mul3A_1 = arith.constant 10000 : i32
    %mul3A_2 = arith.muli %add3A, %mul3A_1 : i32
    %lt3A = arith.constant 10 : i32
    %lt3A_3 = arith.cmpi slt, %arg1, %lt3A : i32
    %convert_element_type3A = arith.extui %lt3A_3 : i1 to i32
    %cond3A = arith.constant 0 : i32
    %cond3A_4 = arith.cmpi ne, %convert_element_type3A, %cond3A : i32
    scf.if %cond3A_4 {
      %mul3A_16 = arith.constant 1000 : i32
      %mul3A_17 = arith.muli %arg1, %mul3A_16 : i32
      %mul3A_18 = arith.constant 1000 : i32
      %mul3A_19 = arith.muli %arg1, %mul3A_18 : i32
      "tpu.region"() ({
        %run_scoped3A = tpu.sem_alloc : memref<!tpu.dma_semaphore, #tpu.memory_space<semaphore_mem>>
        %dma_start3A = arith.constant 0 : i32
        %dma_start3A_20 = tpu.memref_slice %arg11[%mul3A_19, %dma_start3A] : memref<10000x64xf32, #tpu.memory_space<vmem_shared>> -> memref<1000x64xf32, #tpu.memory_space<vmem_shared>>
        %dma_start3A_21 = arith.constant 0 : i32
        %dma_start3A_22 = tpu.memref_slice %arg5[%mul3A_17, %dma_start3A_21] : memref<10000x64xf32, #tpu.memory_space<hbm>> -> memref<1000x64xf32, #tpu.memory_space<hbm>>
        tpu.enqueue_dma source(%dma_start3A_22 : memref<1000x64xf32, #tpu.memory_space<hbm>>) target(%dma_start3A_20 : memref<1000x64xf32, #tpu.memory_space<vmem_shared>>) target_semaphore(%run_scoped3A : memref<!tpu.dma_semaphore, #tpu.memory_space<semaphore_mem>>)
        %dma_wait3A = arith.constant 0 : i32
        %dma_wait3A_23 = tpu.memref_slice %arg11[%mul3A_19, %dma_wait3A] : memref<10000x64xf32, #tpu.memory_space<vmem_shared>> -> memref<1000x64xf32, #tpu.memory_space<vmem_shared>>
        %dma_wait3A_24 = arith.constant 0 : i32
        %dma_wait3A_25 = tpu.memref_slice %arg5[%mul3A_17, %dma_wait3A_24] : memref<10000x64xf32, #tpu.memory_space<hbm>> -> memref<1000x64xf32, #tpu.memory_space<hbm>>
        tpu.wait_dma2 semaphore(%run_scoped3A : memref<!tpu.dma_semaphore, #tpu.memory_space<semaphore_mem>>) src(%dma_wait3A_25 : memref<1000x64xf32, #tpu.memory_space<hbm>>) dst(%dma_wait3A_23 : memref<1000x64xf32, #tpu.memory_space<vmem_shared>>)
        tpu.yield
      }) : () -> ()
    } else {
    }
    %barrier3A = arith.constant 0 : index
    tpu.barrier barrier_id(%barrier3A)
    %scan3A = arith.constant 0 : i32
    %scan3A_5 = arith.constant 0 : i32
    %scan3A_6 = arith.constant 125 : i32
    %scan3A_7 = arith.addi %scan3A_5, %scan3A_6 : i32
    %scan3A_8 = arith.constant 1 : i32
    scf.for %scan3A_16 = %scan3A_5 to %scan3A_7 step %scan3A_8  : i32 {
      %mul3A_17 = arith.constant 80 : i32
      %mul3A_18 = arith.muli %scan3A_16, %mul3A_17 : i32
      %add3A_19 = arith.addi %mul3A_2, %mul3A_18 : i32
      "tpu.region"() ({
        %run_scoped3A = tpu.sem_alloc : memref<!tpu.dma_semaphore, #tpu.memory_space<semaphore_mem>>
        %dma_start3A_24 = tpu.memref_slice %arg3[%add3A_19] : memref<320000xi32, #tpu.memory_space<hbm>> -> memref<80xi32, #tpu.memory_space<hbm>>
        %dma_start3A_25 = tpu.memref_slice %arg3[%add3A_19] : memref<320000xi32, #tpu.memory_space<hbm>> -> memref<80xi32, #tpu.memory_space<hbm>>
        tpu.enqueue_dma source(%dma_start3A_25 : memref<80xi32, #tpu.memory_space<hbm>>) target(%arg7 : memref<80xi32, #tpu.memory_space<vmem>>) target_semaphore(%run_scoped3A : memref<!tpu.dma_semaphore, #tpu.memory_space<semaphore_mem>>)
        %dma_wait3A_26 = tpu.memref_slice %arg3[%add3A_19] : memref<320000xi32, #tpu.memory_space<hbm>> -> memref<80xi32, #tpu.memory_space<hbm>>
        %dma_wait3A_27 = tpu.memref_slice %arg3[%add3A_19] : memref<320000xi32, #tpu.memory_space<hbm>> -> memref<80xi32, #tpu.memory_space<hbm>>
        tpu.wait_dma2 semaphore(%run_scoped3A : memref<!tpu.dma_semaphore, #tpu.memory_space<semaphore_mem>>) src(%dma_wait3A_27 : memref<80xi32, #tpu.memory_space<hbm>>) dst(%arg7 : memref<80xi32, #tpu.memory_space<vmem>>)
        tpu.yield
      }) : () -> ()
      "tpu.region"() ({
        %run_scoped3A = tpu.sem_alloc : memref<!tpu.dma_semaphore, #tpu.memory_space<semaphore_mem>>
        %dma_start3A_24 = tpu.memref_slice %arg4[%add3A_19] : memref<320000xi32, #tpu.memory_space<hbm>> -> memref<80xi32, #tpu.memory_space<hbm>>
        %dma_start3A_25 = tpu.memref_slice %arg4[%add3A_19] : memref<320000xi32, #tpu.memory_space<hbm>> -> memref<80xi32, #tpu.memory_space<hbm>>
        tpu.enqueue_dma source(%dma_start3A_25 : memref<80xi32, #tpu.memory_space<hbm>>) target(%arg8 : memref<80xi32, #tpu.memory_space<vmem>>) target_semaphore(%run_scoped3A : memref<!tpu.dma_semaphore, #tpu.memory_space<semaphore_mem>>)
        %dma_wait3A_26 = tpu.memref_slice %arg4[%add3A_19] : memref<320000xi32, #tpu.memory_space<hbm>> -> memref<80xi32, #tpu.memory_space<hbm>>
        %dma_wait3A_27 = tpu.memref_slice %arg4[%add3A_19] : memref<320000xi32, #tpu.memory_space<hbm>> -> memref<80xi32, #tpu.memory_space<hbm>>
        tpu.wait_dma2 semaphore(%run_scoped3A : memref<!tpu.dma_semaphore, #tpu.memory_space<semaphore_mem>>) src(%dma_wait3A_27 : memref<80xi32, #tpu.memory_space<hbm>>) dst(%arg8 : memref<80xi32, #tpu.memory_space<vmem>>)
        tpu.yield
      }) : () -> ()
      %dma_start3A = arith.constant 0 : i32
      %dma_start3A_20 = arith.constant 0 : i32
      %dma_start3A_21 = tpu.memref_slice %arg2[%dma_start3A, %dma_start3A_20] : memref<10000x64xf32, #tpu.memory_space<hbm>> -> memref<10000x64xf32, #tpu.memory_space<hbm>>
      tpu.enqueue_indirect_dma source(%dma_start3A_21 : memref<10000x64xf32, #tpu.memory_space<hbm>>) target(%arg9 : memref<80x64xf32, #tpu.memory_space<vmem>>) offsets(%arg7 : memref<80xi32, #tpu.memory_space<vmem>>) semaphore(%arg10 : memref<!tpu.dma_semaphore, #tpu.memory_space<semaphore_mem>>)
      %dma_wait3A = arith.constant 0 : i32
      %dma_wait3A_22 = arith.constant 0 : i32
      %dma_wait3A_23 = tpu.memref_slice %arg2[%dma_wait3A, %dma_wait3A_22] : memref<10000x64xf32, #tpu.memory_space<hbm>> -> memref<10000x64xf32, #tpu.memory_space<hbm>>
      tpu.wait_indirect_dma semaphore(%arg10 : memref<!tpu.dma_semaphore, #tpu.memory_space<semaphore_mem>>) src(%dma_wait3A_23 : memref<10000x64xf32, #tpu.memory_space<hbm>>) dst(%arg9 : memref<80x64xf32, #tpu.memory_space<vmem>>)
      "tpu.region"() ({
        %run_scoped3A = tpu.sem_alloc : memref<!tpu.dma_semaphore, #tpu.memory_space<semaphore_mem>>
        %dma_start3A_24 = arith.constant 0 : i32
        %dma_start3A_25 = arith.constant 0 : i32
        %dma_start3A_26 = tpu.memref_slice %arg11[%dma_start3A_24, %dma_start3A_25] : memref<10000x64xf32, #tpu.memory_space<vmem_shared>> -> memref<10000x64xf32, #tpu.memory_space<vmem_shared>>
        tpu.enqueue_indirect_dma source(%arg9 : memref<80x64xf32, #tpu.memory_space<vmem>>) target(%dma_start3A_26 : memref<10000x64xf32, #tpu.memory_space<vmem_shared>>) offsets(%arg8 : memref<80xi32, #tpu.memory_space<vmem>>) semaphore(%run_scoped3A : memref<!tpu.dma_semaphore, #tpu.memory_space<semaphore_mem>>) {add = true}
        %dma_wait3A_27 = arith.constant 0 : i32
        %dma_wait3A_28 = arith.constant 0 : i32
        %dma_wait3A_29 = tpu.memref_slice %arg11[%dma_wait3A_27, %dma_wait3A_28] : memref<10000x64xf32, #tpu.memory_space<vmem_shared>> -> memref<10000x64xf32, #tpu.memory_space<vmem_shared>>
        tpu.wait_indirect_dma semaphore(%run_scoped3A : memref<!tpu.dma_semaphore, #tpu.memory_space<semaphore_mem>>) src(%arg9 : memref<80x64xf32, #tpu.memory_space<vmem>>) dst(%dma_wait3A_29 : memref<10000x64xf32, #tpu.memory_space<vmem_shared>>)
        tpu.yield
      }) : () -> ()
    }
    %scan3A_9 = arith.constant 125 : i32
    %barrier3A_10 = arith.constant 0 : index
    tpu.barrier barrier_id(%barrier3A_10)
    %lt3A_11 = arith.constant 10 : i32
    %lt3A_12 = arith.cmpi slt, %arg1, %lt3A_11 : i32
    %convert_element_type3A_13 = arith.extui %lt3A_12 : i1 to i32
    %cond3A_14 = arith.constant 0 : i32
    %cond3A_15 = arith.cmpi ne, %convert_element_type3A_13, %cond3A_14 : i32
    scf.if %cond3A_15 {
      %mul3A_16 = arith.constant 1000 : i32
      %mul3A_17 = arith.muli %arg1, %mul3A_16 : i32
      %mul3A_18 = arith.constant 1000 : i32
      %mul3A_19 = arith.muli %arg1, %mul3A_18 : i32
      "tpu.region"() ({
        %run_scoped3A = tpu.sem_alloc : memref<!tpu.dma_semaphore, #tpu.memory_space<semaphore_mem>>
        %dma_start3A = arith.constant 0 : i32
        %dma_start3A_20 = tpu.memref_slice %arg6[%arg0, %mul3A_19, %dma_start3A] : memref<2x10000x64xf32, #tpu.memory_space<hbm>> -> memref<1x1000x64xf32, #tpu.memory_space<hbm>>
        %dma_start3A_21 = tpu.memref_squeeze %dma_start3A_20 : memref<1x1000x64xf32, #tpu.memory_space<hbm>> -> memref<1000x64xf32, #tpu.memory_space<hbm>>
        %dma_start3A_22 = arith.constant 0 : i32
        %dma_start3A_23 = tpu.memref_slice %arg11[%mul3A_17, %dma_start3A_22] : memref<10000x64xf32, #tpu.memory_space<vmem_shared>> -> memref<1000x64xf32, #tpu.memory_space<vmem_shared>>
        tpu.enqueue_dma source(%dma_start3A_23 : memref<1000x64xf32, #tpu.memory_space<vmem_shared>>) target(%dma_start3A_21 : memref<1000x64xf32, #tpu.memory_space<hbm>>) target_semaphore(%run_scoped3A : memref<!tpu.dma_semaphore, #tpu.memory_space<semaphore_mem>>)
        %dma_wait3A = arith.constant 0 : i32
        %dma_wait3A_24 = tpu.memref_slice %arg6[%arg0, %mul3A_19, %dma_wait3A] : memref<2x10000x64xf32, #tpu.memory_space<hbm>> -> memref<1x1000x64xf32, #tpu.memory_space<hbm>>
        %dma_wait3A_25 = tpu.memref_squeeze %dma_wait3A_24 : memref<1x1000x64xf32, #tpu.memory_space<hbm>> -> memref<1000x64xf32, #tpu.memory_space<hbm>>
        %dma_wait3A_26 = arith.constant 0 : i32
        %dma_wait3A_27 = tpu.memref_slice %arg11[%mul3A_17, %dma_wait3A_26] : memref<10000x64xf32, #tpu.memory_space<vmem_shared>> -> memref<1000x64xf32, #tpu.memory_space<vmem_shared>>
        tpu.wait_dma2 semaphore(%run_scoped3A : memref<!tpu.dma_semaphore, #tpu.memory_space<semaphore_mem>>) src(%dma_wait3A_27 : memref<1000x64xf32, #tpu.memory_space<vmem_shared>>) dst(%dma_wait3A_25 : memref<1000x64xf32, #tpu.memory_space<hbm>>)
        tpu.yield
      }) : () -> ()
    } else {
    }
    return
  }
}

#map = affine_map<(d0, d1) -> (0, 0)>
#map1 = affine_map<(d0, d1) -> (0)>
#map2 = affine_map<(d0, d1) -> (0, 0, 0)>
module attributes {stable_mosaic.version = 14 : i64} {
  func.func @seg_kernel(%arg0: i32, %arg1: i32, %arg2: memref<10000x64xf32, #tpu.memory_space<hbm>>, %arg3: memref<320000xi32, #tpu.memory_space<hbm>>, %arg4: memref<320000xi32, #tpu.memory_space<hbm>>, %arg5: memref<10000x64xf32, #tpu.memory_space<hbm>>, %arg6: memref<2x10000x64xf32, #tpu.memory_space<hbm>>, %arg7: memref<80xi32, #tpu.memory_space<vmem>>, %arg8: memref<80xi32, #tpu.memory_space<vmem>>, %arg9: memref<80x64xf32, #tpu.memory_space<vmem>>, %arg10: memref<!tpu.dma_semaphore, #tpu.memory_space<semaphore_mem>>, %arg11: memref<10000x64xf32, #tpu.memory_space<vmem_shared>>) attributes {dimension_semantics = [#tpu.dimension_semantics<core_parallel>, #tpu.dimension_semantics<subcore_parallel>], iteration_bounds = array<i64: 2, 16>, scalar_prefetch = 0 : i64, scratch_operands = 5 : i64, tpu.core_type = #tpu.core_type<sc_vector_subcore>, window_params = [{transform_indices = #map}, {transform_indices = #map1}, {transform_indices = #map1}, {transform_indices = #map}, {transform_indices = #map2}]} {
    %mul3A = arith.constant 2 : i32
    %mul3A_0 = arith.muli %arg1, %mul3A : i32
    %add3A = arith.addi %mul3A_0, %arg0 : i32
    %mul3A_1 = arith.constant 10000 : i32
    %mul3A_2 = arith.muli %add3A, %mul3A_1 : i32
    %lt3A = arith.constant 10 : i32
    %lt3A_3 = arith.cmpi slt, %arg1, %lt3A : i32
    %convert_element_type3A = arith.extui %lt3A_3 : i1 to i32
    %cond3A = arith.constant 0 : i32
    %cond3A_4 = arith.cmpi ne, %convert_element_type3A, %cond3A : i32
    scf.if %cond3A_4 {
      %mul3A_16 = arith.constant 1000 : i32
      %mul3A_17 = arith.muli %arg1, %mul3A_16 : i32
      %mul3A_18 = arith.constant 1000 : i32
      %mul3A_19 = arith.muli %arg1, %mul3A_18 : i32
      "tpu.region"() ({
        %run_scoped3A = tpu.sem_alloc : memref<!tpu.dma_semaphore, #tpu.memory_space<semaphore_mem>>
        %dma_start3A = arith.constant 0 : i32
        %dma_start3A_20 = tpu.memref_slice %arg11[%mul3A_19, %dma_start3A] : memref<10000x64xf32, #tpu.memory_space<vmem_shared>> -> memref<1000x64xf32, #tpu.memory_space<vmem_shared>>
        %dma_start3A_21 = arith.constant 0 : i32
        %dma_start3A_22 = tpu.memref_slice %arg5[%mul3A_17, %dma_start3A_21] : memref<10000x64xf32, #tpu.memory_space<hbm>> -> memref<1000x64xf32, #tpu.memory_space<hbm>>
        tpu.enqueue_dma source(%dma_start3A_22 : memref<1000x64xf32, #tpu.memory_space<hbm>>) target(%dma_start3A_20 : memref<1000x64xf32, #tpu.memory_space<vmem_shared>>) target_semaphore(%run_scoped3A : memref<!tpu.dma_semaphore, #tpu.memory_space<semaphore_mem>>)
        %dma_wait3A = arith.constant 0 : i32
        %dma_wait3A_23 = tpu.memref_slice %arg11[%mul3A_19, %dma_wait3A] : memref<10000x64xf32, #tpu.memory_space<vmem_shared>> -> memref<1000x64xf32, #tpu.memory_space<vmem_shared>>
        %dma_wait3A_24 = arith.constant 0 : i32
        %dma_wait3A_25 = tpu.memref_slice %arg5[%mul3A_17, %dma_wait3A_24] : memref<10000x64xf32, #tpu.memory_space<hbm>> -> memref<1000x64xf32, #tpu.memory_space<hbm>>
        tpu.wait_dma2 semaphore(%run_scoped3A : memref<!tpu.dma_semaphore, #tpu.memory_space<semaphore_mem>>) src(%dma_wait3A_25 : memref<1000x64xf32, #tpu.memory_space<hbm>>) dst(%dma_wait3A_23 : memref<1000x64xf32, #tpu.memory_space<vmem_shared>>)
        tpu.yield
      }) : () -> ()
    } else {
    }
    %barrier3A = arith.constant 0 : index
    tpu.barrier barrier_id(%barrier3A)
    %scan3A = arith.constant 0 : i32
    %scan3A_5 = arith.constant 0 : i32
    %scan3A_6 = arith.constant 125 : i32
    %scan3A_7 = arith.addi %scan3A_5, %scan3A_6 : i32
    %scan3A_8 = arith.constant 1 : i32
    scf.for %scan3A_16 = %scan3A_5 to %scan3A_7 step %scan3A_8  : i32 {
      %mul3A_17 = arith.constant 80 : i32
      %mul3A_18 = arith.muli %scan3A_16, %mul3A_17 : i32
      %add3A_19 = arith.addi %mul3A_2, %mul3A_18 : i32
      "tpu.region"() ({
        %run_scoped3A = tpu.sem_alloc : memref<!tpu.dma_semaphore, #tpu.memory_space<semaphore_mem>>
        %dma_start3A_24 = tpu.memref_slice %arg3[%add3A_19] : memref<320000xi32, #tpu.memory_space<hbm>> -> memref<80xi32, #tpu.memory_space<hbm>>
        %dma_start3A_25 = tpu.memref_slice %arg3[%add3A_19] : memref<320000xi32, #tpu.memory_space<hbm>> -> memref<80xi32, #tpu.memory_space<hbm>>
        tpu.enqueue_dma source(%dma_start3A_25 : memref<80xi32, #tpu.memory_space<hbm>>) target(%arg7 : memref<80xi32, #tpu.memory_space<vmem>>) target_semaphore(%run_scoped3A : memref<!tpu.dma_semaphore, #tpu.memory_space<semaphore_mem>>)
        %dma_wait3A_26 = tpu.memref_slice %arg3[%add3A_19] : memref<320000xi32, #tpu.memory_space<hbm>> -> memref<80xi32, #tpu.memory_space<hbm>>
        %dma_wait3A_27 = tpu.memref_slice %arg3[%add3A_19] : memref<320000xi32, #tpu.memory_space<hbm>> -> memref<80xi32, #tpu.memory_space<hbm>>
        tpu.wait_dma2 semaphore(%run_scoped3A : memref<!tpu.dma_semaphore, #tpu.memory_space<semaphore_mem>>) src(%dma_wait3A_27 : memref<80xi32, #tpu.memory_space<hbm>>) dst(%arg7 : memref<80xi32, #tpu.memory_space<vmem>>)
        tpu.yield
      }) : () -> ()
      "tpu.region"() ({
        %run_scoped3A = tpu.sem_alloc : memref<!tpu.dma_semaphore, #tpu.memory_space<semaphore_mem>>
        %dma_start3A_24 = tpu.memref_slice %arg4[%add3A_19] : memref<320000xi32, #tpu.memory_space<hbm>> -> memref<80xi32, #tpu.memory_space<hbm>>
        %dma_start3A_25 = tpu.memref_slice %arg4[%add3A_19] : memref<320000xi32, #tpu.memory_space<hbm>> -> memref<80xi32, #tpu.memory_space<hbm>>
        tpu.enqueue_dma source(%dma_start3A_25 : memref<80xi32, #tpu.memory_space<hbm>>) target(%arg8 : memref<80xi32, #tpu.memory_space<vmem>>) target_semaphore(%run_scoped3A : memref<!tpu.dma_semaphore, #tpu.memory_space<semaphore_mem>>)
        %dma_wait3A_26 = tpu.memref_slice %arg4[%add3A_19] : memref<320000xi32, #tpu.memory_space<hbm>> -> memref<80xi32, #tpu.memory_space<hbm>>
        %dma_wait3A_27 = tpu.memref_slice %arg4[%add3A_19] : memref<320000xi32, #tpu.memory_space<hbm>> -> memref<80xi32, #tpu.memory_space<hbm>>
        tpu.wait_dma2 semaphore(%run_scoped3A : memref<!tpu.dma_semaphore, #tpu.memory_space<semaphore_mem>>) src(%dma_wait3A_27 : memref<80xi32, #tpu.memory_space<hbm>>) dst(%arg8 : memref<80xi32, #tpu.memory_space<vmem>>)
        tpu.yield
      }) : () -> ()
      %dma_start3A = arith.constant 0 : i32
      %dma_start3A_20 = arith.constant 0 : i32
      %dma_start3A_21 = tpu.memref_slice %arg2[%dma_start3A, %dma_start3A_20] : memref<10000x64xf32, #tpu.memory_space<hbm>> -> memref<10000x64xf32, #tpu.memory_space<hbm>>
      tpu.enqueue_indirect_dma source(%dma_start3A_21 : memref<10000x64xf32, #tpu.memory_space<hbm>>) target(%arg9 : memref<80x64xf32, #tpu.memory_space<vmem>>) offsets(%arg7 : memref<80xi32, #tpu.memory_space<vmem>>) semaphore(%arg10 : memref<!tpu.dma_semaphore, #tpu.memory_space<semaphore_mem>>)
      %dma_wait3A = arith.constant 0 : i32
      %dma_wait3A_22 = arith.constant 0 : i32
      %dma_wait3A_23 = tpu.memref_slice %arg2[%dma_wait3A, %dma_wait3A_22] : memref<10000x64xf32, #tpu.memory_space<hbm>> -> memref<10000x64xf32, #tpu.memory_space<hbm>>
      tpu.wait_indirect_dma semaphore(%arg10 : memref<!tpu.dma_semaphore, #tpu.memory_space<semaphore_mem>>) src(%dma_wait3A_23 : memref<10000x64xf32, #tpu.memory_space<hbm>>) dst(%arg9 : memref<80x64xf32, #tpu.memory_space<vmem>>)
      "tpu.region"() ({
        %run_scoped3A = tpu.sem_alloc : memref<!tpu.dma_semaphore, #tpu.memory_space<semaphore_mem>>
        %dma_start3A_24 = arith.constant 0 : i32
        %dma_start3A_25 = arith.constant 0 : i32
        %dma_start3A_26 = tpu.memref_slice %arg11[%dma_start3A_24, %dma_start3A_25] : memref<10000x64xf32, #tpu.memory_space<vmem_shared>> -> memref<10000x64xf32, #tpu.memory_space<vmem_shared>>
        tpu.enqueue_indirect_dma source(%arg9 : memref<80x64xf32, #tpu.memory_space<vmem>>) target(%dma_start3A_26 : memref<10000x64xf32, #tpu.memory_space<vmem_shared>>) offsets(%arg8 : memref<80xi32, #tpu.memory_space<vmem>>) semaphore(%run_scoped3A : memref<!tpu.dma_semaphore, #tpu.memory_space<semaphore_mem>>) {add = true}
        %dma_wait3A_27 = arith.constant 0 : i32
        %dma_wait3A_28 = arith.constant 0 : i32
        %dma_wait3A_29 = tpu.memref_slice %arg11[%dma_wait3A_27, %dma_wait3A_28] : memref<10000x64xf32, #tpu.memory_space<vmem_shared>> -> memref<10000x64xf32, #tpu.memory_space<vmem_shared>>
        tpu.wait_indirect_dma semaphore(%run_scoped3A : memref<!tpu.dma_semaphore, #tpu.memory_space<semaphore_mem>>) src(%arg9 : memref<80x64xf32, #tpu.memory_space<vmem>>) dst(%dma_wait3A_29 : memref<10000x64xf32, #tpu.memory_space<vmem_shared>>)
        tpu.yield
      }) : () -> ()
    }
    %scan3A_9 = arith.constant 125 : i32
    %barrier3A_10 = arith.constant 0 : index
    tpu.barrier barrier_id(%barrier3A_10)
    %lt3A_11 = arith.constant 10 : i32
    %lt3A_12 = arith.cmpi slt, %arg1, %lt3A_11 : i32
    %convert_element_type3A_13 = arith.extui %lt3A_12 : i1 to i32
    %cond3A_14 = arith.constant 0 : i32
    %cond3A_15 = arith.cmpi ne, %convert_element_type3A_13, %cond3A_14 : i32
    scf.if %cond3A_15 {
      %mul3A_16 = arith.constant 1000 : i32
      %mul3A_17 = arith.muli %arg1, %mul3A_16 : i32
      %mul3A_18 = arith.constant 1000 : i32
      %mul3A_19 = arith.muli %arg1, %mul3A_18 : i32
      "tpu.region"() ({
        %run_scoped3A = tpu.sem_alloc : memref<!tpu.dma_semaphore, #tpu.memory_space<semaphore_mem>>
        %dma_start3A = arith.constant 0 : i32
        %dma_start3A_20 = tpu.memref_slice %arg6[%arg0, %mul3A_19, %dma_start3A] : memref<2x10000x64xf32, #tpu.memory_space<hbm>> -> memref<1x1000x64xf32, #tpu.memory_space<hbm>>
        %dma_start3A_21 = tpu.memref_squeeze %dma_start3A_20 : memref<1x1000x64xf32, #tpu.memory_space<hbm>> -> memref<1000x64xf32, #tpu.memory_space<hbm>>
        %dma_start3A_22 = arith.constant 0 : i32
        %dma_start3A_23 = tpu.memref_slice %arg11[%mul3A_17, %dma_start3A_22] : memref<10000x64xf32, #tpu.memory_space<vmem_shared>> -> memref<1000x64xf32, #tpu.memory_space<vmem_shared>>
        tpu.enqueue_dma source(%dma_start3A_23 : memref<1000x64xf32, #tpu.memory_space<vmem_shared>>) target(%dma_start3A_21 : memref<1000x64xf32, #tpu.memory_space<hbm>>) target_semaphore(%run_scoped3A : memref<!tpu.dma_semaphore, #tpu.memory_space<semaphore_mem>>)
        %dma_wait3A = arith.constant 0 : i32
        %dma_wait3A_24 = tpu.memref_slice %arg6[%arg0, %mul3A_19, %dma_wait3A] : memref<2x10000x64xf32, #tpu.memory_space<hbm>> -> memref<1x1000x64xf32, #tpu.memory_space<hbm>>
        %dma_wait3A_25 = tpu.memref_squeeze %dma_wait3A_24 : memref<1x1000x64xf32, #tpu.memory_space<hbm>> -> memref<1000x64xf32, #tpu.memory_space<hbm>>
        %dma_wait3A_26 = arith.constant 0 : i32
        %dma_wait3A_27 = tpu.memref_slice %arg11[%mul3A_17, %dma_wait3A_26] : memref<10000x64xf32, #tpu.memory_space<vmem_shared>> -> memref<1000x64xf32, #tpu.memory_space<vmem_shared>>
        tpu.wait_dma2 semaphore(%run_scoped3A : memref<!tpu.dma_semaphore, #tpu.memory_space<semaphore_mem>>) src(%dma_wait3A_27 : memref<1000x64xf32, #tpu.memory_space<vmem_shared>>) dst(%dma_wait3A_25 : memref<1000x64xf32, #tpu.memory_space<hbm>>)
        tpu.yield
      }) : () -> ()
    } else {
    }
    return
  }
}

#map = affine_map<(d0, d1) -> (0, 0)>
#map1 = affine_map<(d0, d1) -> (0)>
#map2 = affine_map<(d0, d1) -> (0, 0, 0)>
module attributes {stable_mosaic.version = 14 : i64} {
  func.func @seg_kernel(%arg0: i32, %arg1: i32, %arg2: memref<10000x64xf32, #tpu.memory_space<hbm>>, %arg3: memref<320000xi32, #tpu.memory_space<hbm>>, %arg4: memref<320000xi32, #tpu.memory_space<hbm>>, %arg5: memref<10000x64xf32, #tpu.memory_space<hbm>>, %arg6: memref<2x10000x64xf32, #tpu.memory_space<hbm>>, %arg7: memref<80xi32, #tpu.memory_space<vmem>>, %arg8: memref<80xi32, #tpu.memory_space<vmem>>, %arg9: memref<80x64xf32, #tpu.memory_space<vmem>>, %arg10: memref<!tpu.dma_semaphore, #tpu.memory_space<semaphore_mem>>, %arg11: memref<10000x64xf32, #tpu.memory_space<vmem_shared>>) attributes {dimension_semantics = [#tpu.dimension_semantics<core_parallel>, #tpu.dimension_semantics<subcore_parallel>], iteration_bounds = array<i64: 2, 16>, scalar_prefetch = 0 : i64, scratch_operands = 5 : i64, tpu.core_type = #tpu.core_type<sc_vector_subcore>, window_params = [{transform_indices = #map}, {transform_indices = #map1}, {transform_indices = #map1}, {transform_indices = #map}, {transform_indices = #map2}]} {
    %mul3A = arith.constant 2 : i32
    %mul3A_0 = arith.muli %arg1, %mul3A : i32
    %add3A = arith.addi %mul3A_0, %arg0 : i32
    %mul3A_1 = arith.constant 10000 : i32
    %mul3A_2 = arith.muli %add3A, %mul3A_1 : i32
    %lt3A = arith.constant 10 : i32
    %lt3A_3 = arith.cmpi slt, %arg1, %lt3A : i32
    %convert_element_type3A = arith.extui %lt3A_3 : i1 to i32
    %cond3A = arith.constant 0 : i32
    %cond3A_4 = arith.cmpi ne, %convert_element_type3A, %cond3A : i32
    scf.if %cond3A_4 {
      %mul3A_16 = arith.constant 1000 : i32
      %mul3A_17 = arith.muli %arg1, %mul3A_16 : i32
      %mul3A_18 = arith.constant 1000 : i32
      %mul3A_19 = arith.muli %arg1, %mul3A_18 : i32
      "tpu.region"() ({
        %run_scoped3A = tpu.sem_alloc : memref<!tpu.dma_semaphore, #tpu.memory_space<semaphore_mem>>
        %dma_start3A = arith.constant 0 : i32
        %dma_start3A_20 = tpu.memref_slice %arg11[%mul3A_19, %dma_start3A] : memref<10000x64xf32, #tpu.memory_space<vmem_shared>> -> memref<1000x64xf32, #tpu.memory_space<vmem_shared>>
        %dma_start3A_21 = arith.constant 0 : i32
        %dma_start3A_22 = tpu.memref_slice %arg5[%mul3A_17, %dma_start3A_21] : memref<10000x64xf32, #tpu.memory_space<hbm>> -> memref<1000x64xf32, #tpu.memory_space<hbm>>
        tpu.enqueue_dma source(%dma_start3A_22 : memref<1000x64xf32, #tpu.memory_space<hbm>>) target(%dma_start3A_20 : memref<1000x64xf32, #tpu.memory_space<vmem_shared>>) target_semaphore(%run_scoped3A : memref<!tpu.dma_semaphore, #tpu.memory_space<semaphore_mem>>)
        %dma_wait3A = arith.constant 0 : i32
        %dma_wait3A_23 = tpu.memref_slice %arg11[%mul3A_19, %dma_wait3A] : memref<10000x64xf32, #tpu.memory_space<vmem_shared>> -> memref<1000x64xf32, #tpu.memory_space<vmem_shared>>
        %dma_wait3A_24 = arith.constant 0 : i32
        %dma_wait3A_25 = tpu.memref_slice %arg5[%mul3A_17, %dma_wait3A_24] : memref<10000x64xf32, #tpu.memory_space<hbm>> -> memref<1000x64xf32, #tpu.memory_space<hbm>>
        tpu.wait_dma2 semaphore(%run_scoped3A : memref<!tpu.dma_semaphore, #tpu.memory_space<semaphore_mem>>) src(%dma_wait3A_25 : memref<1000x64xf32, #tpu.memory_space<hbm>>) dst(%dma_wait3A_23 : memref<1000x64xf32, #tpu.memory_space<vmem_shared>>)
        tpu.yield
      }) : () -> ()
    } else {
    }
    %barrier3A = arith.constant 0 : index
    tpu.barrier barrier_id(%barrier3A)
    %scan3A = arith.constant 0 : i32
    %scan3A_5 = arith.constant 0 : i32
    %scan3A_6 = arith.constant 125 : i32
    %scan3A_7 = arith.addi %scan3A_5, %scan3A_6 : i32
    %scan3A_8 = arith.constant 1 : i32
    scf.for %scan3A_16 = %scan3A_5 to %scan3A_7 step %scan3A_8  : i32 {
      %mul3A_17 = arith.constant 80 : i32
      %mul3A_18 = arith.muli %scan3A_16, %mul3A_17 : i32
      %add3A_19 = arith.addi %mul3A_2, %mul3A_18 : i32
      "tpu.region"() ({
        %run_scoped3A = tpu.sem_alloc : memref<!tpu.dma_semaphore, #tpu.memory_space<semaphore_mem>>
        %dma_start3A_24 = tpu.memref_slice %arg3[%add3A_19] : memref<320000xi32, #tpu.memory_space<hbm>> -> memref<80xi32, #tpu.memory_space<hbm>>
        %dma_start3A_25 = tpu.memref_slice %arg3[%add3A_19] : memref<320000xi32, #tpu.memory_space<hbm>> -> memref<80xi32, #tpu.memory_space<hbm>>
        tpu.enqueue_dma source(%dma_start3A_25 : memref<80xi32, #tpu.memory_space<hbm>>) target(%arg7 : memref<80xi32, #tpu.memory_space<vmem>>) target_semaphore(%run_scoped3A : memref<!tpu.dma_semaphore, #tpu.memory_space<semaphore_mem>>)
        %dma_wait3A_26 = tpu.memref_slice %arg3[%add3A_19] : memref<320000xi32, #tpu.memory_space<hbm>> -> memref<80xi32, #tpu.memory_space<hbm>>
        %dma_wait3A_27 = tpu.memref_slice %arg3[%add3A_19] : memref<320000xi32, #tpu.memory_space<hbm>> -> memref<80xi32, #tpu.memory_space<hbm>>
        tpu.wait_dma2 semaphore(%run_scoped3A : memref<!tpu.dma_semaphore, #tpu.memory_space<semaphore_mem>>) src(%dma_wait3A_27 : memref<80xi32, #tpu.memory_space<hbm>>) dst(%arg7 : memref<80xi32, #tpu.memory_space<vmem>>)
        tpu.yield
      }) : () -> ()
      "tpu.region"() ({
        %run_scoped3A = tpu.sem_alloc : memref<!tpu.dma_semaphore, #tpu.memory_space<semaphore_mem>>
        %dma_start3A_24 = tpu.memref_slice %arg4[%add3A_19] : memref<320000xi32, #tpu.memory_space<hbm>> -> memref<80xi32, #tpu.memory_space<hbm>>
        %dma_start3A_25 = tpu.memref_slice %arg4[%add3A_19] : memref<320000xi32, #tpu.memory_space<hbm>> -> memref<80xi32, #tpu.memory_space<hbm>>
        tpu.enqueue_dma source(%dma_start3A_25 : memref<80xi32, #tpu.memory_space<hbm>>) target(%arg8 : memref<80xi32, #tpu.memory_space<vmem>>) target_semaphore(%run_scoped3A : memref<!tpu.dma_semaphore, #tpu.memory_space<semaphore_mem>>)
        %dma_wait3A_26 = tpu.memref_slice %arg4[%add3A_19] : memref<320000xi32, #tpu.memory_space<hbm>> -> memref<80xi32, #tpu.memory_space<hbm>>
        %dma_wait3A_27 = tpu.memref_slice %arg4[%add3A_19] : memref<320000xi32, #tpu.memory_space<hbm>> -> memref<80xi32, #tpu.memory_space<hbm>>
        tpu.wait_dma2 semaphore(%run_scoped3A : memref<!tpu.dma_semaphore, #tpu.memory_space<semaphore_mem>>) src(%dma_wait3A_27 : memref<80xi32, #tpu.memory_space<hbm>>) dst(%arg8 : memref<80xi32, #tpu.memory_space<vmem>>)
        tpu.yield
      }) : () -> ()
      %dma_start3A = arith.constant 0 : i32
      %dma_start3A_20 = arith.constant 0 : i32
      %dma_start3A_21 = tpu.memref_slice %arg2[%dma_start3A, %dma_start3A_20] : memref<10000x64xf32, #tpu.memory_space<hbm>> -> memref<10000x64xf32, #tpu.memory_space<hbm>>
      tpu.enqueue_indirect_dma source(%dma_start3A_21 : memref<10000x64xf32, #tpu.memory_space<hbm>>) target(%arg9 : memref<80x64xf32, #tpu.memory_space<vmem>>) offsets(%arg7 : memref<80xi32, #tpu.memory_space<vmem>>) semaphore(%arg10 : memref<!tpu.dma_semaphore, #tpu.memory_space<semaphore_mem>>)
      %dma_wait3A = arith.constant 0 : i32
      %dma_wait3A_22 = arith.constant 0 : i32
      %dma_wait3A_23 = tpu.memref_slice %arg2[%dma_wait3A, %dma_wait3A_22] : memref<10000x64xf32, #tpu.memory_space<hbm>> -> memref<10000x64xf32, #tpu.memory_space<hbm>>
      tpu.wait_indirect_dma semaphore(%arg10 : memref<!tpu.dma_semaphore, #tpu.memory_space<semaphore_mem>>) src(%dma_wait3A_23 : memref<10000x64xf32, #tpu.memory_space<hbm>>) dst(%arg9 : memref<80x64xf32, #tpu.memory_space<vmem>>)
      "tpu.region"() ({
        %run_scoped3A = tpu.sem_alloc : memref<!tpu.dma_semaphore, #tpu.memory_space<semaphore_mem>>
        %dma_start3A_24 = arith.constant 0 : i32
        %dma_start3A_25 = arith.constant 0 : i32
        %dma_start3A_26 = tpu.memref_slice %arg11[%dma_start3A_24, %dma_start3A_25] : memref<10000x64xf32, #tpu.memory_space<vmem_shared>> -> memref<10000x64xf32, #tpu.memory_space<vmem_shared>>
        tpu.enqueue_indirect_dma source(%arg9 : memref<80x64xf32, #tpu.memory_space<vmem>>) target(%dma_start3A_26 : memref<10000x64xf32, #tpu.memory_space<vmem_shared>>) offsets(%arg8 : memref<80xi32, #tpu.memory_space<vmem>>) semaphore(%run_scoped3A : memref<!tpu.dma_semaphore, #tpu.memory_space<semaphore_mem>>) {add = true}
        %dma_wait3A_27 = arith.constant 0 : i32
        %dma_wait3A_28 = arith.constant 0 : i32
        %dma_wait3A_29 = tpu.memref_slice %arg11[%dma_wait3A_27, %dma_wait3A_28] : memref<10000x64xf32, #tpu.memory_space<vmem_shared>> -> memref<10000x64xf32, #tpu.memory_space<vmem_shared>>
        tpu.wait_indirect_dma semaphore(%run_scoped3A : memref<!tpu.dma_semaphore, #tpu.memory_space<semaphore_mem>>) src(%arg9 : memref<80x64xf32, #tpu.memory_space<vmem>>) dst(%dma_wait3A_29 : memref<10000x64xf32, #tpu.memory_space<vmem_shared>>)
        tpu.yield
      }) : () -> ()
    }
    %scan3A_9 = arith.constant 125 : i32
    %barrier3A_10 = arith.constant 0 : index
    tpu.barrier barrier_id(%barrier3A_10)
    %lt3A_11 = arith.constant 10 : i32
    %lt3A_12 = arith.cmpi slt, %arg1, %lt3A_11 : i32
    %convert_element_type3A_13 = arith.extui %lt3A_12 : i1 to i32
    %cond3A_14 = arith.constant 0 : i32
    %cond3A_15 = arith.cmpi ne, %convert_element_type3A_13, %cond3A_14 : i32
    scf.if %cond3A_15 {
      %mul3A_16 = arith.constant 1000 : i32
      %mul3A_17 = arith.muli %arg1, %mul3A_16 : i32
      %mul3A_18 = arith.constant 1000 : i32
      %mul3A_19 = arith.muli %arg1, %mul3A_18 : i32
      "tpu.region"() ({
        %run_scoped3A = tpu.sem_alloc : memref<!tpu.dma_semaphore, #tpu.memory_space<semaphore_mem>>
        %dma_start3A = arith.constant 0 : i32
        %dma_start3A_20 = tpu.memref_slice %arg6[%arg0, %mul3A_19, %dma_start3A] : memref<2x10000x64xf32, #tpu.memory_space<hbm>> -> memref<1x1000x64xf32, #tpu.memory_space<hbm>>
        %dma_start3A_21 = tpu.memref_squeeze %dma_start3A_20 : memref<1x1000x64xf32, #tpu.memory_space<hbm>> -> memref<1000x64xf32, #tpu.memory_space<hbm>>
        %dma_start3A_22 = arith.constant 0 : i32
        %dma_start3A_23 = tpu.memref_slice %arg11[%mul3A_17, %dma_start3A_22] : memref<10000x64xf32, #tpu.memory_space<vmem_shared>> -> memref<1000x64xf32, #tpu.memory_space<vmem_shared>>
        tpu.enqueue_dma source(%dma_start3A_23 : memref<1000x64xf32, #tpu.memory_space<vmem_shared>>) target(%dma_start3A_21 : memref<1000x64xf32, #tpu.memory_space<hbm>>) target_semaphore(%run_scoped3A : memref<!tpu.dma_semaphore, #tpu.memory_space<semaphore_mem>>)
        %dma_wait3A = arith.constant 0 : i32
        %dma_wait3A_24 = tpu.memref_slice %arg6[%arg0, %mul3A_19, %dma_wait3A] : memref<2x10000x64xf32, #tpu.memory_space<hbm>> -> memref<1x1000x64xf32, #tpu.memory_space<hbm>>
        %dma_wait3A_25 = tpu.memref_squeeze %dma_wait3A_24 : memref<1x1000x64xf32, #tpu.memory_space<hbm>> -> memref<1000x64xf32, #tpu.memory_space<hbm>>
        %dma_wait3A_26 = arith.constant 0 : i32
        %dma_wait3A_27 = tpu.memref_slice %arg11[%mul3A_17, %dma_wait3A_26] : memref<10000x64xf32, #tpu.memory_space<vmem_shared>> -> memref<1000x64xf32, #tpu.memory_space<vmem_shared>>
        tpu.wait_dma2 semaphore(%run_scoped3A : memref<!tpu.dma_semaphore, #tpu.memory_space<semaphore_mem>>) src(%dma_wait3A_27 : memref<1000x64xf32, #tpu.memory_space<vmem_shared>>) dst(%dma_wait3A_25 : memref<1000x64xf32, #tpu.memory_space<hbm>>)
        tpu.yield
      }) : () -> ()
    } else {
    }
    return
  }
}

#map = affine_map<(d0, d1) -> (0, 0)>
#map1 = affine_map<(d0, d1) -> (0)>
#map2 = affine_map<(d0, d1) -> (0, 0, 0)>
module attributes {stable_mosaic.version = 14 : i64} {
  func.func @seg_kernel(%arg0: i32, %arg1: i32, %arg2: memref<10000x64xf32, #tpu.memory_space<hbm>>, %arg3: memref<320000xi32, #tpu.memory_space<hbm>>, %arg4: memref<320000xi32, #tpu.memory_space<hbm>>, %arg5: memref<10000x64xf32, #tpu.memory_space<hbm>>, %arg6: memref<2x10000x64xf32, #tpu.memory_space<hbm>>, %arg7: memref<80xi32, #tpu.memory_space<vmem>>, %arg8: memref<80xi32, #tpu.memory_space<vmem>>, %arg9: memref<80x64xf32, #tpu.memory_space<vmem>>, %arg10: memref<!tpu.dma_semaphore, #tpu.memory_space<semaphore_mem>>, %arg11: memref<10000x64xf32, #tpu.memory_space<vmem_shared>>) attributes {dimension_semantics = [#tpu.dimension_semantics<core_parallel>, #tpu.dimension_semantics<subcore_parallel>], iteration_bounds = array<i64: 2, 16>, scalar_prefetch = 0 : i64, scratch_operands = 5 : i64, tpu.core_type = #tpu.core_type<sc_vector_subcore>, window_params = [{transform_indices = #map}, {transform_indices = #map1}, {transform_indices = #map1}, {transform_indices = #map}, {transform_indices = #map2}]} {
    %mul3A = arith.constant 2 : i32
    %mul3A_0 = arith.muli %arg1, %mul3A : i32
    %add3A = arith.addi %mul3A_0, %arg0 : i32
    %mul3A_1 = arith.constant 10000 : i32
    %mul3A_2 = arith.muli %add3A, %mul3A_1 : i32
    %lt3A = arith.constant 10 : i32
    %lt3A_3 = arith.cmpi slt, %arg1, %lt3A : i32
    %convert_element_type3A = arith.extui %lt3A_3 : i1 to i32
    %cond3A = arith.constant 0 : i32
    %cond3A_4 = arith.cmpi ne, %convert_element_type3A, %cond3A : i32
    scf.if %cond3A_4 {
      %mul3A_16 = arith.constant 1000 : i32
      %mul3A_17 = arith.muli %arg1, %mul3A_16 : i32
      %mul3A_18 = arith.constant 1000 : i32
      %mul3A_19 = arith.muli %arg1, %mul3A_18 : i32
      "tpu.region"() ({
        %run_scoped3A = tpu.sem_alloc : memref<!tpu.dma_semaphore, #tpu.memory_space<semaphore_mem>>
        %dma_start3A = arith.constant 0 : i32
        %dma_start3A_20 = tpu.memref_slice %arg11[%mul3A_19, %dma_start3A] : memref<10000x64xf32, #tpu.memory_space<vmem_shared>> -> memref<1000x64xf32, #tpu.memory_space<vmem_shared>>
        %dma_start3A_21 = arith.constant 0 : i32
        %dma_start3A_22 = tpu.memref_slice %arg5[%mul3A_17, %dma_start3A_21] : memref<10000x64xf32, #tpu.memory_space<hbm>> -> memref<1000x64xf32, #tpu.memory_space<hbm>>
        tpu.enqueue_dma source(%dma_start3A_22 : memref<1000x64xf32, #tpu.memory_space<hbm>>) target(%dma_start3A_20 : memref<1000x64xf32, #tpu.memory_space<vmem_shared>>) target_semaphore(%run_scoped3A : memref<!tpu.dma_semaphore, #tpu.memory_space<semaphore_mem>>)
        %dma_wait3A = arith.constant 0 : i32
        %dma_wait3A_23 = tpu.memref_slice %arg11[%mul3A_19, %dma_wait3A] : memref<10000x64xf32, #tpu.memory_space<vmem_shared>> -> memref<1000x64xf32, #tpu.memory_space<vmem_shared>>
        %dma_wait3A_24 = arith.constant 0 : i32
        %dma_wait3A_25 = tpu.memref_slice %arg5[%mul3A_17, %dma_wait3A_24] : memref<10000x64xf32, #tpu.memory_space<hbm>> -> memref<1000x64xf32, #tpu.memory_space<hbm>>
        tpu.wait_dma2 semaphore(%run_scoped3A : memref<!tpu.dma_semaphore, #tpu.memory_space<semaphore_mem>>) src(%dma_wait3A_25 : memref<1000x64xf32, #tpu.memory_space<hbm>>) dst(%dma_wait3A_23 : memref<1000x64xf32, #tpu.memory_space<vmem_shared>>)
        tpu.yield
      }) : () -> ()
    } else {
    }
    %barrier3A = arith.constant 0 : index
    tpu.barrier barrier_id(%barrier3A)
    %scan3A = arith.constant 0 : i32
    %scan3A_5 = arith.constant 0 : i32
    %scan3A_6 = arith.constant 125 : i32
    %scan3A_7 = arith.addi %scan3A_5, %scan3A_6 : i32
    %scan3A_8 = arith.constant 1 : i32
    scf.for %scan3A_16 = %scan3A_5 to %scan3A_7 step %scan3A_8  : i32 {
      %mul3A_17 = arith.constant 80 : i32
      %mul3A_18 = arith.muli %scan3A_16, %mul3A_17 : i32
      %add3A_19 = arith.addi %mul3A_2, %mul3A_18 : i32
      "tpu.region"() ({
        %run_scoped3A = tpu.sem_alloc : memref<!tpu.dma_semaphore, #tpu.memory_space<semaphore_mem>>
        %dma_start3A_24 = tpu.memref_slice %arg3[%add3A_19] : memref<320000xi32, #tpu.memory_space<hbm>> -> memref<80xi32, #tpu.memory_space<hbm>>
        %dma_start3A_25 = tpu.memref_slice %arg3[%add3A_19] : memref<320000xi32, #tpu.memory_space<hbm>> -> memref<80xi32, #tpu.memory_space<hbm>>
        tpu.enqueue_dma source(%dma_start3A_25 : memref<80xi32, #tpu.memory_space<hbm>>) target(%arg7 : memref<80xi32, #tpu.memory_space<vmem>>) target_semaphore(%run_scoped3A : memref<!tpu.dma_semaphore, #tpu.memory_space<semaphore_mem>>)
        %dma_wait3A_26 = tpu.memref_slice %arg3[%add3A_19] : memref<320000xi32, #tpu.memory_space<hbm>> -> memref<80xi32, #tpu.memory_space<hbm>>
        %dma_wait3A_27 = tpu.memref_slice %arg3[%add3A_19] : memref<320000xi32, #tpu.memory_space<hbm>> -> memref<80xi32, #tpu.memory_space<hbm>>
        tpu.wait_dma2 semaphore(%run_scoped3A : memref<!tpu.dma_semaphore, #tpu.memory_space<semaphore_mem>>) src(%dma_wait3A_27 : memref<80xi32, #tpu.memory_space<hbm>>) dst(%arg7 : memref<80xi32, #tpu.memory_space<vmem>>)
        tpu.yield
      }) : () -> ()
      "tpu.region"() ({
        %run_scoped3A = tpu.sem_alloc : memref<!tpu.dma_semaphore, #tpu.memory_space<semaphore_mem>>
        %dma_start3A_24 = tpu.memref_slice %arg4[%add3A_19] : memref<320000xi32, #tpu.memory_space<hbm>> -> memref<80xi32, #tpu.memory_space<hbm>>
        %dma_start3A_25 = tpu.memref_slice %arg4[%add3A_19] : memref<320000xi32, #tpu.memory_space<hbm>> -> memref<80xi32, #tpu.memory_space<hbm>>
        tpu.enqueue_dma source(%dma_start3A_25 : memref<80xi32, #tpu.memory_space<hbm>>) target(%arg8 : memref<80xi32, #tpu.memory_space<vmem>>) target_semaphore(%run_scoped3A : memref<!tpu.dma_semaphore, #tpu.memory_space<semaphore_mem>>)
        %dma_wait3A_26 = tpu.memref_slice %arg4[%add3A_19] : memref<320000xi32, #tpu.memory_space<hbm>> -> memref<80xi32, #tpu.memory_space<hbm>>
        %dma_wait3A_27 = tpu.memref_slice %arg4[%add3A_19] : memref<320000xi32, #tpu.memory_space<hbm>> -> memref<80xi32, #tpu.memory_space<hbm>>
        tpu.wait_dma2 semaphore(%run_scoped3A : memref<!tpu.dma_semaphore, #tpu.memory_space<semaphore_mem>>) src(%dma_wait3A_27 : memref<80xi32, #tpu.memory_space<hbm>>) dst(%arg8 : memref<80xi32, #tpu.memory_space<vmem>>)
        tpu.yield
      }) : () -> ()
      %dma_start3A = arith.constant 0 : i32
      %dma_start3A_20 = arith.constant 0 : i32
      %dma_start3A_21 = tpu.memref_slice %arg2[%dma_start3A, %dma_start3A_20] : memref<10000x64xf32, #tpu.memory_space<hbm>> -> memref<10000x64xf32, #tpu.memory_space<hbm>>
      tpu.enqueue_indirect_dma source(%dma_start3A_21 : memref<10000x64xf32, #tpu.memory_space<hbm>>) target(%arg9 : memref<80x64xf32, #tpu.memory_space<vmem>>) offsets(%arg7 : memref<80xi32, #tpu.memory_space<vmem>>) semaphore(%arg10 : memref<!tpu.dma_semaphore, #tpu.memory_space<semaphore_mem>>)
      %dma_wait3A = arith.constant 0 : i32
      %dma_wait3A_22 = arith.constant 0 : i32
      %dma_wait3A_23 = tpu.memref_slice %arg2[%dma_wait3A, %dma_wait3A_22] : memref<10000x64xf32, #tpu.memory_space<hbm>> -> memref<10000x64xf32, #tpu.memory_space<hbm>>
      tpu.wait_indirect_dma semaphore(%arg10 : memref<!tpu.dma_semaphore, #tpu.memory_space<semaphore_mem>>) src(%dma_wait3A_23 : memref<10000x64xf32, #tpu.memory_space<hbm>>) dst(%arg9 : memref<80x64xf32, #tpu.memory_space<vmem>>)
      "tpu.region"() ({
        %run_scoped3A = tpu.sem_alloc : memref<!tpu.dma_semaphore, #tpu.memory_space<semaphore_mem>>
        %dma_start3A_24 = arith.constant 0 : i32
        %dma_start3A_25 = arith.constant 0 : i32
        %dma_start3A_26 = tpu.memref_slice %arg11[%dma_start3A_24, %dma_start3A_25] : memref<10000x64xf32, #tpu.memory_space<vmem_shared>> -> memref<10000x64xf32, #tpu.memory_space<vmem_shared>>
        tpu.enqueue_indirect_dma source(%arg9 : memref<80x64xf32, #tpu.memory_space<vmem>>) target(%dma_start3A_26 : memref<10000x64xf32, #tpu.memory_space<vmem_shared>>) offsets(%arg8 : memref<80xi32, #tpu.memory_space<vmem>>) semaphore(%run_scoped3A : memref<!tpu.dma_semaphore, #tpu.memory_space<semaphore_mem>>) {add = true}
        %dma_wait3A_27 = arith.constant 0 : i32
        %dma_wait3A_28 = arith.constant 0 : i32
        %dma_wait3A_29 = tpu.memref_slice %arg11[%dma_wait3A_27, %dma_wait3A_28] : memref<10000x64xf32, #tpu.memory_space<vmem_shared>> -> memref<10000x64xf32, #tpu.memory_space<vmem_shared>>
        tpu.wait_indirect_dma semaphore(%run_scoped3A : memref<!tpu.dma_semaphore, #tpu.memory_space<semaphore_mem>>) src(%arg9 : memref<80x64xf32, #tpu.memory_space<vmem>>) dst(%dma_wait3A_29 : memref<10000x64xf32, #tpu.memory_space<vmem_shared>>)
        tpu.yield
      }) : () -> ()
    }
    %scan3A_9 = arith.constant 125 : i32
    %barrier3A_10 = arith.constant 0 : index
    tpu.barrier barrier_id(%barrier3A_10)
    %lt3A_11 = arith.constant 10 : i32
    %lt3A_12 = arith.cmpi slt, %arg1, %lt3A_11 : i32
    %convert_element_type3A_13 = arith.extui %lt3A_12 : i1 to i32
    %cond3A_14 = arith.constant 0 : i32
    %cond3A_15 = arith.cmpi ne, %convert_element_type3A_13, %cond3A_14 : i32
    scf.if %cond3A_15 {
      %mul3A_16 = arith.constant 1000 : i32
      %mul3A_17 = arith.muli %arg1, %mul3A_16 : i32
      %mul3A_18 = arith.constant 1000 : i32
      %mul3A_19 = arith.muli %arg1, %mul3A_18 : i32
      "tpu.region"() ({
        %run_scoped3A = tpu.sem_alloc : memref<!tpu.dma_semaphore, #tpu.memory_space<semaphore_mem>>
        %dma_start3A = arith.constant 0 : i32
        %dma_start3A_20 = tpu.memref_slice %arg6[%arg0, %mul3A_19, %dma_start3A] : memref<2x10000x64xf32, #tpu.memory_space<hbm>> -> memref<1x1000x64xf32, #tpu.memory_space<hbm>>
        %dma_start3A_21 = tpu.memref_squeeze %dma_start3A_20 : memref<1x1000x64xf32, #tpu.memory_space<hbm>> -> memref<1000x64xf32, #tpu.memory_space<hbm>>
        %dma_start3A_22 = arith.constant 0 : i32
        %dma_start3A_23 = tpu.memref_slice %arg11[%mul3A_17, %dma_start3A_22] : memref<10000x64xf32, #tpu.memory_space<vmem_shared>> -> memref<1000x64xf32, #tpu.memory_space<vmem_shared>>
        tpu.enqueue_dma source(%dma_start3A_23 : memref<1000x64xf32, #tpu.memory_space<vmem_shared>>) target(%dma_start3A_21 : memref<1000x64xf32, #tpu.memory_space<hbm>>) target_semaphore(%run_scoped3A : memref<!tpu.dma_semaphore, #tpu.memory_space<semaphore_mem>>)
        %dma_wait3A = arith.constant 0 : i32
        %dma_wait3A_24 = tpu.memref_slice %arg6[%arg0, %mul3A_19, %dma_wait3A] : memref<2x10000x64xf32, #tpu.memory_space<hbm>> -> memref<1x1000x64xf32, #tpu.memory_space<hbm>>
        %dma_wait3A_25 = tpu.memref_squeeze %dma_wait3A_24 : memref<1x1000x64xf32, #tpu.memory_space<hbm>> -> memref<1000x64xf32, #tpu.memory_space<hbm>>
        %dma_wait3A_26 = arith.constant 0 : i32
        %dma_wait3A_27 = tpu.memref_slice %arg11[%mul3A_17, %dma_wait3A_26] : memref<10000x64xf32, #tpu.memory_space<vmem_shared>> -> memref<1000x64xf32, #tpu.memory_space<vmem_shared>>
        tpu.wait_dma2 semaphore(%run_scoped3A : memref<!tpu.dma_semaphore, #tpu.memory_space<semaphore_mem>>) src(%dma_wait3A_27 : memref<1000x64xf32, #tpu.memory_space<vmem_shared>>) dst(%dma_wait3A_25 : memref<1000x64xf32, #tpu.memory_space<hbm>>)
        tpu.yield
      }) : () -> ()
    } else {
    }
    return
  }
}

#map = affine_map<(d0, d1) -> (0, 0)>
#map1 = affine_map<(d0, d1) -> (0)>
#map2 = affine_map<(d0, d1) -> (0, 0, 0)>
module attributes {stable_mosaic.version = 14 : i64} {
  func.func @seg_kernel(%arg0: i32, %arg1: i32, %arg2: memref<10000x64xf32, #tpu.memory_space<hbm>>, %arg3: memref<320000xi32, #tpu.memory_space<hbm>>, %arg4: memref<320000xi32, #tpu.memory_space<hbm>>, %arg5: memref<10000x64xf32, #tpu.memory_space<hbm>>, %arg6: memref<2x10000x64xf32, #tpu.memory_space<hbm>>, %arg7: memref<80xi32, #tpu.memory_space<vmem>>, %arg8: memref<80xi32, #tpu.memory_space<vmem>>, %arg9: memref<80x64xf32, #tpu.memory_space<vmem>>, %arg10: memref<!tpu.dma_semaphore, #tpu.memory_space<semaphore_mem>>, %arg11: memref<10000x64xf32, #tpu.memory_space<vmem_shared>>) attributes {dimension_semantics = [#tpu.dimension_semantics<core_parallel>, #tpu.dimension_semantics<subcore_parallel>], iteration_bounds = array<i64: 2, 16>, scalar_prefetch = 0 : i64, scratch_operands = 5 : i64, tpu.core_type = #tpu.core_type<sc_vector_subcore>, window_params = [{transform_indices = #map}, {transform_indices = #map1}, {transform_indices = #map1}, {transform_indices = #map}, {transform_indices = #map2}]} {
    %mul3A = arith.constant 2 : i32
    %mul3A_0 = arith.muli %arg1, %mul3A : i32
    %add3A = arith.addi %mul3A_0, %arg0 : i32
    %mul3A_1 = arith.constant 10000 : i32
    %mul3A_2 = arith.muli %add3A, %mul3A_1 : i32
    %lt3A = arith.constant 10 : i32
    %lt3A_3 = arith.cmpi slt, %arg1, %lt3A : i32
    %convert_element_type3A = arith.extui %lt3A_3 : i1 to i32
    %cond3A = arith.constant 0 : i32
    %cond3A_4 = arith.cmpi ne, %convert_element_type3A, %cond3A : i32
    scf.if %cond3A_4 {
      %mul3A_16 = arith.constant 1000 : i32
      %mul3A_17 = arith.muli %arg1, %mul3A_16 : i32
      %mul3A_18 = arith.constant 1000 : i32
      %mul3A_19 = arith.muli %arg1, %mul3A_18 : i32
      "tpu.region"() ({
        %run_scoped3A = tpu.sem_alloc : memref<!tpu.dma_semaphore, #tpu.memory_space<semaphore_mem>>
        %dma_start3A = arith.constant 0 : i32
        %dma_start3A_20 = tpu.memref_slice %arg11[%mul3A_19, %dma_start3A] : memref<10000x64xf32, #tpu.memory_space<vmem_shared>> -> memref<1000x64xf32, #tpu.memory_space<vmem_shared>>
        %dma_start3A_21 = arith.constant 0 : i32
        %dma_start3A_22 = tpu.memref_slice %arg5[%mul3A_17, %dma_start3A_21] : memref<10000x64xf32, #tpu.memory_space<hbm>> -> memref<1000x64xf32, #tpu.memory_space<hbm>>
        tpu.enqueue_dma source(%dma_start3A_22 : memref<1000x64xf32, #tpu.memory_space<hbm>>) target(%dma_start3A_20 : memref<1000x64xf32, #tpu.memory_space<vmem_shared>>) target_semaphore(%run_scoped3A : memref<!tpu.dma_semaphore, #tpu.memory_space<semaphore_mem>>)
        %dma_wait3A = arith.constant 0 : i32
        %dma_wait3A_23 = tpu.memref_slice %arg11[%mul3A_19, %dma_wait3A] : memref<10000x64xf32, #tpu.memory_space<vmem_shared>> -> memref<1000x64xf32, #tpu.memory_space<vmem_shared>>
        %dma_wait3A_24 = arith.constant 0 : i32
        %dma_wait3A_25 = tpu.memref_slice %arg5[%mul3A_17, %dma_wait3A_24] : memref<10000x64xf32, #tpu.memory_space<hbm>> -> memref<1000x64xf32, #tpu.memory_space<hbm>>
        tpu.wait_dma2 semaphore(%run_scoped3A : memref<!tpu.dma_semaphore, #tpu.memory_space<semaphore_mem>>) src(%dma_wait3A_25 : memref<1000x64xf32, #tpu.memory_space<hbm>>) dst(%dma_wait3A_23 : memref<1000x64xf32, #tpu.memory_space<vmem_shared>>)
        tpu.yield
      }) : () -> ()
    } else {
    }
    %barrier3A = arith.constant 0 : index
    tpu.barrier barrier_id(%barrier3A)
    %scan3A = arith.constant 0 : i32
    %scan3A_5 = arith.constant 0 : i32
    %scan3A_6 = arith.constant 125 : i32
    %scan3A_7 = arith.addi %scan3A_5, %scan3A_6 : i32
    %scan3A_8 = arith.constant 1 : i32
    scf.for %scan3A_16 = %scan3A_5 to %scan3A_7 step %scan3A_8  : i32 {
      %mul3A_17 = arith.constant 80 : i32
      %mul3A_18 = arith.muli %scan3A_16, %mul3A_17 : i32
      %add3A_19 = arith.addi %mul3A_2, %mul3A_18 : i32
      "tpu.region"() ({
        %run_scoped3A = tpu.sem_alloc : memref<!tpu.dma_semaphore, #tpu.memory_space<semaphore_mem>>
        %dma_start3A_24 = tpu.memref_slice %arg3[%add3A_19] : memref<320000xi32, #tpu.memory_space<hbm>> -> memref<80xi32, #tpu.memory_space<hbm>>
        %dma_start3A_25 = tpu.memref_slice %arg3[%add3A_19] : memref<320000xi32, #tpu.memory_space<hbm>> -> memref<80xi32, #tpu.memory_space<hbm>>
        tpu.enqueue_dma source(%dma_start3A_25 : memref<80xi32, #tpu.memory_space<hbm>>) target(%arg7 : memref<80xi32, #tpu.memory_space<vmem>>) target_semaphore(%run_scoped3A : memref<!tpu.dma_semaphore, #tpu.memory_space<semaphore_mem>>)
        %dma_wait3A_26 = tpu.memref_slice %arg3[%add3A_19] : memref<320000xi32, #tpu.memory_space<hbm>> -> memref<80xi32, #tpu.memory_space<hbm>>
        %dma_wait3A_27 = tpu.memref_slice %arg3[%add3A_19] : memref<320000xi32, #tpu.memory_space<hbm>> -> memref<80xi32, #tpu.memory_space<hbm>>
        tpu.wait_dma2 semaphore(%run_scoped3A : memref<!tpu.dma_semaphore, #tpu.memory_space<semaphore_mem>>) src(%dma_wait3A_27 : memref<80xi32, #tpu.memory_space<hbm>>) dst(%arg7 : memref<80xi32, #tpu.memory_space<vmem>>)
        tpu.yield
      }) : () -> ()
      "tpu.region"() ({
        %run_scoped3A = tpu.sem_alloc : memref<!tpu.dma_semaphore, #tpu.memory_space<semaphore_mem>>
        %dma_start3A_24 = tpu.memref_slice %arg4[%add3A_19] : memref<320000xi32, #tpu.memory_space<hbm>> -> memref<80xi32, #tpu.memory_space<hbm>>
        %dma_start3A_25 = tpu.memref_slice %arg4[%add3A_19] : memref<320000xi32, #tpu.memory_space<hbm>> -> memref<80xi32, #tpu.memory_space<hbm>>
        tpu.enqueue_dma source(%dma_start3A_25 : memref<80xi32, #tpu.memory_space<hbm>>) target(%arg8 : memref<80xi32, #tpu.memory_space<vmem>>) target_semaphore(%run_scoped3A : memref<!tpu.dma_semaphore, #tpu.memory_space<semaphore_mem>>)
        %dma_wait3A_26 = tpu.memref_slice %arg4[%add3A_19] : memref<320000xi32, #tpu.memory_space<hbm>> -> memref<80xi32, #tpu.memory_space<hbm>>
        %dma_wait3A_27 = tpu.memref_slice %arg4[%add3A_19] : memref<320000xi32, #tpu.memory_space<hbm>> -> memref<80xi32, #tpu.memory_space<hbm>>
        tpu.wait_dma2 semaphore(%run_scoped3A : memref<!tpu.dma_semaphore, #tpu.memory_space<semaphore_mem>>) src(%dma_wait3A_27 : memref<80xi32, #tpu.memory_space<hbm>>) dst(%arg8 : memref<80xi32, #tpu.memory_space<vmem>>)
        tpu.yield
      }) : () -> ()
      %dma_start3A = arith.constant 0 : i32
      %dma_start3A_20 = arith.constant 0 : i32
      %dma_start3A_21 = tpu.memref_slice %arg2[%dma_start3A, %dma_start3A_20] : memref<10000x64xf32, #tpu.memory_space<hbm>> -> memref<10000x64xf32, #tpu.memory_space<hbm>>
      tpu.enqueue_indirect_dma source(%dma_start3A_21 : memref<10000x64xf32, #tpu.memory_space<hbm>>) target(%arg9 : memref<80x64xf32, #tpu.memory_space<vmem>>) offsets(%arg7 : memref<80xi32, #tpu.memory_space<vmem>>) semaphore(%arg10 : memref<!tpu.dma_semaphore, #tpu.memory_space<semaphore_mem>>)
      %dma_wait3A = arith.constant 0 : i32
      %dma_wait3A_22 = arith.constant 0 : i32
      %dma_wait3A_23 = tpu.memref_slice %arg2[%dma_wait3A, %dma_wait3A_22] : memref<10000x64xf32, #tpu.memory_space<hbm>> -> memref<10000x64xf32, #tpu.memory_space<hbm>>
      tpu.wait_indirect_dma semaphore(%arg10 : memref<!tpu.dma_semaphore, #tpu.memory_space<semaphore_mem>>) src(%dma_wait3A_23 : memref<10000x64xf32, #tpu.memory_space<hbm>>) dst(%arg9 : memref<80x64xf32, #tpu.memory_space<vmem>>)
      "tpu.region"() ({
        %run_scoped3A = tpu.sem_alloc : memref<!tpu.dma_semaphore, #tpu.memory_space<semaphore_mem>>
        %dma_start3A_24 = arith.constant 0 : i32
        %dma_start3A_25 = arith.constant 0 : i32
        %dma_start3A_26 = tpu.memref_slice %arg11[%dma_start3A_24, %dma_start3A_25] : memref<10000x64xf32, #tpu.memory_space<vmem_shared>> -> memref<10000x64xf32, #tpu.memory_space<vmem_shared>>
        tpu.enqueue_indirect_dma source(%arg9 : memref<80x64xf32, #tpu.memory_space<vmem>>) target(%dma_start3A_26 : memref<10000x64xf32, #tpu.memory_space<vmem_shared>>) offsets(%arg8 : memref<80xi32, #tpu.memory_space<vmem>>) semaphore(%run_scoped3A : memref<!tpu.dma_semaphore, #tpu.memory_space<semaphore_mem>>) {add = true}
        %dma_wait3A_27 = arith.constant 0 : i32
        %dma_wait3A_28 = arith.constant 0 : i32
        %dma_wait3A_29 = tpu.memref_slice %arg11[%dma_wait3A_27, %dma_wait3A_28] : memref<10000x64xf32, #tpu.memory_space<vmem_shared>> -> memref<10000x64xf32, #tpu.memory_space<vmem_shared>>
        tpu.wait_indirect_dma semaphore(%run_scoped3A : memref<!tpu.dma_semaphore, #tpu.memory_space<semaphore_mem>>) src(%arg9 : memref<80x64xf32, #tpu.memory_space<vmem>>) dst(%dma_wait3A_29 : memref<10000x64xf32, #tpu.memory_space<vmem_shared>>)
        tpu.yield
      }) : () -> ()
    }
    %scan3A_9 = arith.constant 125 : i32
    %barrier3A_10 = arith.constant 0 : index
    tpu.barrier barrier_id(%barrier3A_10)
    %lt3A_11 = arith.constant 10 : i32
    %lt3A_12 = arith.cmpi slt, %arg1, %lt3A_11 : i32
    %convert_element_type3A_13 = arith.extui %lt3A_12 : i1 to i32
    %cond3A_14 = arith.constant 0 : i32
    %cond3A_15 = arith.cmpi ne, %convert_element_type3A_13, %cond3A_14 : i32
    scf.if %cond3A_15 {
      %mul3A_16 = arith.constant 1000 : i32
      %mul3A_17 = arith.muli %arg1, %mul3A_16 : i32
      %mul3A_18 = arith.constant 1000 : i32
      %mul3A_19 = arith.muli %arg1, %mul3A_18 : i32
      "tpu.region"() ({
        %run_scoped3A = tpu.sem_alloc : memref<!tpu.dma_semaphore, #tpu.memory_space<semaphore_mem>>
        %dma_start3A = arith.constant 0 : i32
        %dma_start3A_20 = tpu.memref_slice %arg6[%arg0, %mul3A_19, %dma_start3A] : memref<2x10000x64xf32, #tpu.memory_space<hbm>> -> memref<1x1000x64xf32, #tpu.memory_space<hbm>>
        %dma_start3A_21 = tpu.memref_squeeze %dma_start3A_20 : memref<1x1000x64xf32, #tpu.memory_space<hbm>> -> memref<1000x64xf32, #tpu.memory_space<hbm>>
        %dma_start3A_22 = arith.constant 0 : i32
        %dma_start3A_23 = tpu.memref_slice %arg11[%mul3A_17, %dma_start3A_22] : memref<10000x64xf32, #tpu.memory_space<vmem_shared>> -> memref<1000x64xf32, #tpu.memory_space<vmem_shared>>
        tpu.enqueue_dma source(%dma_start3A_23 : memref<1000x64xf32, #tpu.memory_space<vmem_shared>>) target(%dma_start3A_21 : memref<1000x64xf32, #tpu.memory_space<hbm>>) target_semaphore(%run_scoped3A : memref<!tpu.dma_semaphore, #tpu.memory_space<semaphore_mem>>)
        %dma_wait3A = arith.constant 0 : i32
        %dma_wait3A_24 = tpu.memref_slice %arg6[%arg0, %mul3A_19, %dma_wait3A] : memref<2x10000x64xf32, #tpu.memory_space<hbm>> -> memref<1x1000x64xf32, #tpu.memory_space<hbm>>
        %dma_wait3A_25 = tpu.memref_squeeze %dma_wait3A_24 : memref<1x1000x64xf32, #tpu.memory_space<hbm>> -> memref<1000x64xf32, #tpu.memory_space<hbm>>
        %dma_wait3A_26 = arith.constant 0 : i32
        %dma_wait3A_27 = tpu.memref_slice %arg11[%mul3A_17, %dma_wait3A_26] : memref<10000x64xf32, #tpu.memory_space<vmem_shared>> -> memref<1000x64xf32, #tpu.memory_space<vmem_shared>>
        tpu.wait_dma2 semaphore(%run_scoped3A : memref<!tpu.dma_semaphore, #tpu.memory_space<semaphore_mem>>) src(%dma_wait3A_27 : memref<1000x64xf32, #tpu.memory_space<vmem_shared>>) dst(%dma_wait3A_25 : memref<1000x64xf32, #tpu.memory_space<hbm>>)
        tpu.yield
      }) : () -> ()
    } else {
    }
    return
  }
}

#map = affine_map<(d0, d1) -> (0, 0)>
#map1 = affine_map<(d0, d1) -> (0)>
#map2 = affine_map<(d0, d1) -> (0, 0, 0)>
module attributes {stable_mosaic.version = 14 : i64} {
  func.func @seg_kernel(%arg0: i32, %arg1: i32, %arg2: memref<10000x128xf32, #tpu.memory_space<hbm>>, %arg3: memref<320000xi32, #tpu.memory_space<hbm>>, %arg4: memref<320000xi32, #tpu.memory_space<hbm>>, %arg5: memref<10000x128xf32, #tpu.memory_space<hbm>>, %arg6: memref<2x10000x128xf32, #tpu.memory_space<hbm>>, %arg7: memref<80xi32, #tpu.memory_space<vmem>>, %arg8: memref<80xi32, #tpu.memory_space<vmem>>, %arg9: memref<80x128xf32, #tpu.memory_space<vmem>>, %arg10: memref<!tpu.dma_semaphore, #tpu.memory_space<semaphore_mem>>, %arg11: memref<10000x128xf32, #tpu.memory_space<vmem_shared>>) attributes {dimension_semantics = [#tpu.dimension_semantics<core_parallel>, #tpu.dimension_semantics<subcore_parallel>], iteration_bounds = array<i64: 2, 16>, scalar_prefetch = 0 : i64, scratch_operands = 5 : i64, tpu.core_type = #tpu.core_type<sc_vector_subcore>, window_params = [{transform_indices = #map}, {transform_indices = #map1}, {transform_indices = #map1}, {transform_indices = #map}, {transform_indices = #map2}]} {
    %mul3A = arith.constant 2 : i32
    %mul3A_0 = arith.muli %arg1, %mul3A : i32
    %add3A = arith.addi %mul3A_0, %arg0 : i32
    %mul3A_1 = arith.constant 10000 : i32
    %mul3A_2 = arith.muli %add3A, %mul3A_1 : i32
    %lt3A = arith.constant 10 : i32
    %lt3A_3 = arith.cmpi slt, %arg1, %lt3A : i32
    %convert_element_type3A = arith.extui %lt3A_3 : i1 to i32
    %cond3A = arith.constant 0 : i32
    %cond3A_4 = arith.cmpi ne, %convert_element_type3A, %cond3A : i32
    scf.if %cond3A_4 {
      %mul3A_16 = arith.constant 1000 : i32
      %mul3A_17 = arith.muli %arg1, %mul3A_16 : i32
      %mul3A_18 = arith.constant 1000 : i32
      %mul3A_19 = arith.muli %arg1, %mul3A_18 : i32
      "tpu.region"() ({
        %run_scoped3A = tpu.sem_alloc : memref<!tpu.dma_semaphore, #tpu.memory_space<semaphore_mem>>
        %dma_start3A = arith.constant 0 : i32
        %dma_start3A_20 = tpu.memref_slice %arg11[%mul3A_19, %dma_start3A] : memref<10000x128xf32, #tpu.memory_space<vmem_shared>> -> memref<1000x128xf32, #tpu.memory_space<vmem_shared>>
        %dma_start3A_21 = arith.constant 0 : i32
        %dma_start3A_22 = tpu.memref_slice %arg5[%mul3A_17, %dma_start3A_21] : memref<10000x128xf32, #tpu.memory_space<hbm>> -> memref<1000x128xf32, #tpu.memory_space<hbm>>
        tpu.enqueue_dma source(%dma_start3A_22 : memref<1000x128xf32, #tpu.memory_space<hbm>>) target(%dma_start3A_20 : memref<1000x128xf32, #tpu.memory_space<vmem_shared>>) target_semaphore(%run_scoped3A : memref<!tpu.dma_semaphore, #tpu.memory_space<semaphore_mem>>)
        %dma_wait3A = arith.constant 0 : i32
        %dma_wait3A_23 = tpu.memref_slice %arg11[%mul3A_19, %dma_wait3A] : memref<10000x128xf32, #tpu.memory_space<vmem_shared>> -> memref<1000x128xf32, #tpu.memory_space<vmem_shared>>
        %dma_wait3A_24 = arith.constant 0 : i32
        %dma_wait3A_25 = tpu.memref_slice %arg5[%mul3A_17, %dma_wait3A_24] : memref<10000x128xf32, #tpu.memory_space<hbm>> -> memref<1000x128xf32, #tpu.memory_space<hbm>>
        tpu.wait_dma2 semaphore(%run_scoped3A : memref<!tpu.dma_semaphore, #tpu.memory_space<semaphore_mem>>) src(%dma_wait3A_25 : memref<1000x128xf32, #tpu.memory_space<hbm>>) dst(%dma_wait3A_23 : memref<1000x128xf32, #tpu.memory_space<vmem_shared>>)
        tpu.yield
      }) : () -> ()
    } else {
    }
    %barrier3A = arith.constant 0 : index
    tpu.barrier barrier_id(%barrier3A)
    %scan3A = arith.constant 0 : i32
    %scan3A_5 = arith.constant 0 : i32
    %scan3A_6 = arith.constant 125 : i32
    %scan3A_7 = arith.addi %scan3A_5, %scan3A_6 : i32
    %scan3A_8 = arith.constant 1 : i32
    scf.for %scan3A_16 = %scan3A_5 to %scan3A_7 step %scan3A_8  : i32 {
      %mul3A_17 = arith.constant 80 : i32
      %mul3A_18 = arith.muli %scan3A_16, %mul3A_17 : i32
      %add3A_19 = arith.addi %mul3A_2, %mul3A_18 : i32
      "tpu.region"() ({
        %run_scoped3A = tpu.sem_alloc : memref<!tpu.dma_semaphore, #tpu.memory_space<semaphore_mem>>
        %dma_start3A_24 = tpu.memref_slice %arg3[%add3A_19] : memref<320000xi32, #tpu.memory_space<hbm>> -> memref<80xi32, #tpu.memory_space<hbm>>
        %dma_start3A_25 = tpu.memref_slice %arg3[%add3A_19] : memref<320000xi32, #tpu.memory_space<hbm>> -> memref<80xi32, #tpu.memory_space<hbm>>
        tpu.enqueue_dma source(%dma_start3A_25 : memref<80xi32, #tpu.memory_space<hbm>>) target(%arg7 : memref<80xi32, #tpu.memory_space<vmem>>) target_semaphore(%run_scoped3A : memref<!tpu.dma_semaphore, #tpu.memory_space<semaphore_mem>>)
        %dma_wait3A_26 = tpu.memref_slice %arg3[%add3A_19] : memref<320000xi32, #tpu.memory_space<hbm>> -> memref<80xi32, #tpu.memory_space<hbm>>
        %dma_wait3A_27 = tpu.memref_slice %arg3[%add3A_19] : memref<320000xi32, #tpu.memory_space<hbm>> -> memref<80xi32, #tpu.memory_space<hbm>>
        tpu.wait_dma2 semaphore(%run_scoped3A : memref<!tpu.dma_semaphore, #tpu.memory_space<semaphore_mem>>) src(%dma_wait3A_27 : memref<80xi32, #tpu.memory_space<hbm>>) dst(%arg7 : memref<80xi32, #tpu.memory_space<vmem>>)
        tpu.yield
      }) : () -> ()
      "tpu.region"() ({
        %run_scoped3A = tpu.sem_alloc : memref<!tpu.dma_semaphore, #tpu.memory_space<semaphore_mem>>
        %dma_start3A_24 = tpu.memref_slice %arg4[%add3A_19] : memref<320000xi32, #tpu.memory_space<hbm>> -> memref<80xi32, #tpu.memory_space<hbm>>
        %dma_start3A_25 = tpu.memref_slice %arg4[%add3A_19] : memref<320000xi32, #tpu.memory_space<hbm>> -> memref<80xi32, #tpu.memory_space<hbm>>
        tpu.enqueue_dma source(%dma_start3A_25 : memref<80xi32, #tpu.memory_space<hbm>>) target(%arg8 : memref<80xi32, #tpu.memory_space<vmem>>) target_semaphore(%run_scoped3A : memref<!tpu.dma_semaphore, #tpu.memory_space<semaphore_mem>>)
        %dma_wait3A_26 = tpu.memref_slice %arg4[%add3A_19] : memref<320000xi32, #tpu.memory_space<hbm>> -> memref<80xi32, #tpu.memory_space<hbm>>
        %dma_wait3A_27 = tpu.memref_slice %arg4[%add3A_19] : memref<320000xi32, #tpu.memory_space<hbm>> -> memref<80xi32, #tpu.memory_space<hbm>>
        tpu.wait_dma2 semaphore(%run_scoped3A : memref<!tpu.dma_semaphore, #tpu.memory_space<semaphore_mem>>) src(%dma_wait3A_27 : memref<80xi32, #tpu.memory_space<hbm>>) dst(%arg8 : memref<80xi32, #tpu.memory_space<vmem>>)
        tpu.yield
      }) : () -> ()
      %dma_start3A = arith.constant 0 : i32
      %dma_start3A_20 = arith.constant 0 : i32
      %dma_start3A_21 = tpu.memref_slice %arg2[%dma_start3A, %dma_start3A_20] : memref<10000x128xf32, #tpu.memory_space<hbm>> -> memref<10000x128xf32, #tpu.memory_space<hbm>>
      tpu.enqueue_indirect_dma source(%dma_start3A_21 : memref<10000x128xf32, #tpu.memory_space<hbm>>) target(%arg9 : memref<80x128xf32, #tpu.memory_space<vmem>>) offsets(%arg7 : memref<80xi32, #tpu.memory_space<vmem>>) semaphore(%arg10 : memref<!tpu.dma_semaphore, #tpu.memory_space<semaphore_mem>>)
      %dma_wait3A = arith.constant 0 : i32
      %dma_wait3A_22 = arith.constant 0 : i32
      %dma_wait3A_23 = tpu.memref_slice %arg2[%dma_wait3A, %dma_wait3A_22] : memref<10000x128xf32, #tpu.memory_space<hbm>> -> memref<10000x128xf32, #tpu.memory_space<hbm>>
      tpu.wait_indirect_dma semaphore(%arg10 : memref<!tpu.dma_semaphore, #tpu.memory_space<semaphore_mem>>) src(%dma_wait3A_23 : memref<10000x128xf32, #tpu.memory_space<hbm>>) dst(%arg9 : memref<80x128xf32, #tpu.memory_space<vmem>>)
      "tpu.region"() ({
        %run_scoped3A = tpu.sem_alloc : memref<!tpu.dma_semaphore, #tpu.memory_space<semaphore_mem>>
        %dma_start3A_24 = arith.constant 0 : i32
        %dma_start3A_25 = arith.constant 0 : i32
        %dma_start3A_26 = tpu.memref_slice %arg11[%dma_start3A_24, %dma_start3A_25] : memref<10000x128xf32, #tpu.memory_space<vmem_shared>> -> memref<10000x128xf32, #tpu.memory_space<vmem_shared>>
        tpu.enqueue_indirect_dma source(%arg9 : memref<80x128xf32, #tpu.memory_space<vmem>>) target(%dma_start3A_26 : memref<10000x128xf32, #tpu.memory_space<vmem_shared>>) offsets(%arg8 : memref<80xi32, #tpu.memory_space<vmem>>) semaphore(%run_scoped3A : memref<!tpu.dma_semaphore, #tpu.memory_space<semaphore_mem>>) {add = true}
        %dma_wait3A_27 = arith.constant 0 : i32
        %dma_wait3A_28 = arith.constant 0 : i32
        %dma_wait3A_29 = tpu.memref_slice %arg11[%dma_wait3A_27, %dma_wait3A_28] : memref<10000x128xf32, #tpu.memory_space<vmem_shared>> -> memref<10000x128xf32, #tpu.memory_space<vmem_shared>>
        tpu.wait_indirect_dma semaphore(%run_scoped3A : memref<!tpu.dma_semaphore, #tpu.memory_space<semaphore_mem>>) src(%arg9 : memref<80x128xf32, #tpu.memory_space<vmem>>) dst(%dma_wait3A_29 : memref<10000x128xf32, #tpu.memory_space<vmem_shared>>)
        tpu.yield
      }) : () -> ()
    }
    %scan3A_9 = arith.constant 125 : i32
    %barrier3A_10 = arith.constant 0 : index
    tpu.barrier barrier_id(%barrier3A_10)
    %lt3A_11 = arith.constant 10 : i32
    %lt3A_12 = arith.cmpi slt, %arg1, %lt3A_11 : i32
    %convert_element_type3A_13 = arith.extui %lt3A_12 : i1 to i32
    %cond3A_14 = arith.constant 0 : i32
    %cond3A_15 = arith.cmpi ne, %convert_element_type3A_13, %cond3A_14 : i32
    scf.if %cond3A_15 {
      %mul3A_16 = arith.constant 1000 : i32
      %mul3A_17 = arith.muli %arg1, %mul3A_16 : i32
      %mul3A_18 = arith.constant 1000 : i32
      %mul3A_19 = arith.muli %arg1, %mul3A_18 : i32
      "tpu.region"() ({
        %run_scoped3A = tpu.sem_alloc : memref<!tpu.dma_semaphore, #tpu.memory_space<semaphore_mem>>
        %dma_start3A = arith.constant 0 : i32
        %dma_start3A_20 = tpu.memref_slice %arg6[%arg0, %mul3A_19, %dma_start3A] : memref<2x10000x128xf32, #tpu.memory_space<hbm>> -> memref<1x1000x128xf32, #tpu.memory_space<hbm>>
        %dma_start3A_21 = tpu.memref_squeeze %dma_start3A_20 : memref<1x1000x128xf32, #tpu.memory_space<hbm>> -> memref<1000x128xf32, #tpu.memory_space<hbm>>
        %dma_start3A_22 = arith.constant 0 : i32
        %dma_start3A_23 = tpu.memref_slice %arg11[%mul3A_17, %dma_start3A_22] : memref<10000x128xf32, #tpu.memory_space<vmem_shared>> -> memref<1000x128xf32, #tpu.memory_space<vmem_shared>>
        tpu.enqueue_dma source(%dma_start3A_23 : memref<1000x128xf32, #tpu.memory_space<vmem_shared>>) target(%dma_start3A_21 : memref<1000x128xf32, #tpu.memory_space<hbm>>) target_semaphore(%run_scoped3A : memref<!tpu.dma_semaphore, #tpu.memory_space<semaphore_mem>>)
        %dma_wait3A = arith.constant 0 : i32
        %dma_wait3A_24 = tpu.memref_slice %arg6[%arg0, %mul3A_19, %dma_wait3A] : memref<2x10000x128xf32, #tpu.memory_space<hbm>> -> memref<1x1000x128xf32, #tpu.memory_space<hbm>>
        %dma_wait3A_25 = tpu.memref_squeeze %dma_wait3A_24 : memref<1x1000x128xf32, #tpu.memory_space<hbm>> -> memref<1000x128xf32, #tpu.memory_space<hbm>>
        %dma_wait3A_26 = arith.constant 0 : i32
        %dma_wait3A_27 = tpu.memref_slice %arg11[%mul3A_17, %dma_wait3A_26] : memref<10000x128xf32, #tpu.memory_space<vmem_shared>> -> memref<1000x128xf32, #tpu.memory_space<vmem_shared>>
        tpu.wait_dma2 semaphore(%run_scoped3A : memref<!tpu.dma_semaphore, #tpu.memory_space<semaphore_mem>>) src(%dma_wait3A_27 : memref<1000x128xf32, #tpu.memory_space<vmem_shared>>) dst(%dma_wait3A_25 : memref<1000x128xf32, #tpu.memory_space<hbm>>)
        tpu.yield
      }) : () -> ()
    } else {
    }
    return
  }
}

#map = affine_map<(d0, d1) -> (0, 0)>
#map1 = affine_map<(d0, d1) -> (0)>
#map2 = affine_map<(d0, d1) -> (0, 0, 0)>
module attributes {stable_mosaic.version = 14 : i64} {
  func.func @seg_kernel(%arg0: i32, %arg1: i32, %arg2: memref<10000x64xf32, #tpu.memory_space<hbm>>, %arg3: memref<320000xi32, #tpu.memory_space<hbm>>, %arg4: memref<320000xi32, #tpu.memory_space<hbm>>, %arg5: memref<10000x64xf32, #tpu.memory_space<hbm>>, %arg6: memref<2x10000x64xf32, #tpu.memory_space<hbm>>, %arg7: memref<80xi32, #tpu.memory_space<vmem>>, %arg8: memref<80xi32, #tpu.memory_space<vmem>>, %arg9: memref<80x64xf32, #tpu.memory_space<vmem>>, %arg10: memref<!tpu.dma_semaphore, #tpu.memory_space<semaphore_mem>>, %arg11: memref<10000x64xf32, #tpu.memory_space<vmem_shared>>) attributes {dimension_semantics = [#tpu.dimension_semantics<core_parallel>, #tpu.dimension_semantics<subcore_parallel>], iteration_bounds = array<i64: 2, 16>, scalar_prefetch = 0 : i64, scratch_operands = 5 : i64, tpu.core_type = #tpu.core_type<sc_vector_subcore>, window_params = [{transform_indices = #map}, {transform_indices = #map1}, {transform_indices = #map1}, {transform_indices = #map}, {transform_indices = #map2}]} {
    %mul3A = arith.constant 2 : i32
    %mul3A_0 = arith.muli %arg1, %mul3A : i32
    %add3A = arith.addi %mul3A_0, %arg0 : i32
    %mul3A_1 = arith.constant 10000 : i32
    %mul3A_2 = arith.muli %add3A, %mul3A_1 : i32
    %lt3A = arith.constant 10 : i32
    %lt3A_3 = arith.cmpi slt, %arg1, %lt3A : i32
    %convert_element_type3A = arith.extui %lt3A_3 : i1 to i32
    %cond3A = arith.constant 0 : i32
    %cond3A_4 = arith.cmpi ne, %convert_element_type3A, %cond3A : i32
    scf.if %cond3A_4 {
      %mul3A_16 = arith.constant 1000 : i32
      %mul3A_17 = arith.muli %arg1, %mul3A_16 : i32
      %mul3A_18 = arith.constant 1000 : i32
      %mul3A_19 = arith.muli %arg1, %mul3A_18 : i32
      "tpu.region"() ({
        %run_scoped3A = tpu.sem_alloc : memref<!tpu.dma_semaphore, #tpu.memory_space<semaphore_mem>>
        %dma_start3A = arith.constant 0 : i32
        %dma_start3A_20 = tpu.memref_slice %arg11[%mul3A_19, %dma_start3A] : memref<10000x64xf32, #tpu.memory_space<vmem_shared>> -> memref<1000x64xf32, #tpu.memory_space<vmem_shared>>
        %dma_start3A_21 = arith.constant 0 : i32
        %dma_start3A_22 = tpu.memref_slice %arg5[%mul3A_17, %dma_start3A_21] : memref<10000x64xf32, #tpu.memory_space<hbm>> -> memref<1000x64xf32, #tpu.memory_space<hbm>>
        tpu.enqueue_dma source(%dma_start3A_22 : memref<1000x64xf32, #tpu.memory_space<hbm>>) target(%dma_start3A_20 : memref<1000x64xf32, #tpu.memory_space<vmem_shared>>) target_semaphore(%run_scoped3A : memref<!tpu.dma_semaphore, #tpu.memory_space<semaphore_mem>>)
        %dma_wait3A = arith.constant 0 : i32
        %dma_wait3A_23 = tpu.memref_slice %arg11[%mul3A_19, %dma_wait3A] : memref<10000x64xf32, #tpu.memory_space<vmem_shared>> -> memref<1000x64xf32, #tpu.memory_space<vmem_shared>>
        %dma_wait3A_24 = arith.constant 0 : i32
        %dma_wait3A_25 = tpu.memref_slice %arg5[%mul3A_17, %dma_wait3A_24] : memref<10000x64xf32, #tpu.memory_space<hbm>> -> memref<1000x64xf32, #tpu.memory_space<hbm>>
        tpu.wait_dma2 semaphore(%run_scoped3A : memref<!tpu.dma_semaphore, #tpu.memory_space<semaphore_mem>>) src(%dma_wait3A_25 : memref<1000x64xf32, #tpu.memory_space<hbm>>) dst(%dma_wait3A_23 : memref<1000x64xf32, #tpu.memory_space<vmem_shared>>)
        tpu.yield
      }) : () -> ()
    } else {
    }
    %barrier3A = arith.constant 0 : index
    tpu.barrier barrier_id(%barrier3A)
    %scan3A = arith.constant 0 : i32
    %scan3A_5 = arith.constant 0 : i32
    %scan3A_6 = arith.constant 125 : i32
    %scan3A_7 = arith.addi %scan3A_5, %scan3A_6 : i32
    %scan3A_8 = arith.constant 1 : i32
    scf.for %scan3A_16 = %scan3A_5 to %scan3A_7 step %scan3A_8  : i32 {
      %mul3A_17 = arith.constant 80 : i32
      %mul3A_18 = arith.muli %scan3A_16, %mul3A_17 : i32
      %add3A_19 = arith.addi %mul3A_2, %mul3A_18 : i32
      "tpu.region"() ({
        %run_scoped3A = tpu.sem_alloc : memref<!tpu.dma_semaphore, #tpu.memory_space<semaphore_mem>>
        %dma_start3A_24 = tpu.memref_slice %arg3[%add3A_19] : memref<320000xi32, #tpu.memory_space<hbm>> -> memref<80xi32, #tpu.memory_space<hbm>>
        %dma_start3A_25 = tpu.memref_slice %arg3[%add3A_19] : memref<320000xi32, #tpu.memory_space<hbm>> -> memref<80xi32, #tpu.memory_space<hbm>>
        tpu.enqueue_dma source(%dma_start3A_25 : memref<80xi32, #tpu.memory_space<hbm>>) target(%arg7 : memref<80xi32, #tpu.memory_space<vmem>>) target_semaphore(%run_scoped3A : memref<!tpu.dma_semaphore, #tpu.memory_space<semaphore_mem>>)
        %dma_wait3A_26 = tpu.memref_slice %arg3[%add3A_19] : memref<320000xi32, #tpu.memory_space<hbm>> -> memref<80xi32, #tpu.memory_space<hbm>>
        %dma_wait3A_27 = tpu.memref_slice %arg3[%add3A_19] : memref<320000xi32, #tpu.memory_space<hbm>> -> memref<80xi32, #tpu.memory_space<hbm>>
        tpu.wait_dma2 semaphore(%run_scoped3A : memref<!tpu.dma_semaphore, #tpu.memory_space<semaphore_mem>>) src(%dma_wait3A_27 : memref<80xi32, #tpu.memory_space<hbm>>) dst(%arg7 : memref<80xi32, #tpu.memory_space<vmem>>)
        tpu.yield
      }) : () -> ()
      "tpu.region"() ({
        %run_scoped3A = tpu.sem_alloc : memref<!tpu.dma_semaphore, #tpu.memory_space<semaphore_mem>>
        %dma_start3A_24 = tpu.memref_slice %arg4[%add3A_19] : memref<320000xi32, #tpu.memory_space<hbm>> -> memref<80xi32, #tpu.memory_space<hbm>>
        %dma_start3A_25 = tpu.memref_slice %arg4[%add3A_19] : memref<320000xi32, #tpu.memory_space<hbm>> -> memref<80xi32, #tpu.memory_space<hbm>>
        tpu.enqueue_dma source(%dma_start3A_25 : memref<80xi32, #tpu.memory_space<hbm>>) target(%arg8 : memref<80xi32, #tpu.memory_space<vmem>>) target_semaphore(%run_scoped3A : memref<!tpu.dma_semaphore, #tpu.memory_space<semaphore_mem>>)
        %dma_wait3A_26 = tpu.memref_slice %arg4[%add3A_19] : memref<320000xi32, #tpu.memory_space<hbm>> -> memref<80xi32, #tpu.memory_space<hbm>>
        %dma_wait3A_27 = tpu.memref_slice %arg4[%add3A_19] : memref<320000xi32, #tpu.memory_space<hbm>> -> memref<80xi32, #tpu.memory_space<hbm>>
        tpu.wait_dma2 semaphore(%run_scoped3A : memref<!tpu.dma_semaphore, #tpu.memory_space<semaphore_mem>>) src(%dma_wait3A_27 : memref<80xi32, #tpu.memory_space<hbm>>) dst(%arg8 : memref<80xi32, #tpu.memory_space<vmem>>)
        tpu.yield
      }) : () -> ()
      %dma_start3A = arith.constant 0 : i32
      %dma_start3A_20 = arith.constant 0 : i32
      %dma_start3A_21 = tpu.memref_slice %arg2[%dma_start3A, %dma_start3A_20] : memref<10000x64xf32, #tpu.memory_space<hbm>> -> memref<10000x64xf32, #tpu.memory_space<hbm>>
      tpu.enqueue_indirect_dma source(%dma_start3A_21 : memref<10000x64xf32, #tpu.memory_space<hbm>>) target(%arg9 : memref<80x64xf32, #tpu.memory_space<vmem>>) offsets(%arg7 : memref<80xi32, #tpu.memory_space<vmem>>) semaphore(%arg10 : memref<!tpu.dma_semaphore, #tpu.memory_space<semaphore_mem>>)
      %dma_wait3A = arith.constant 0 : i32
      %dma_wait3A_22 = arith.constant 0 : i32
      %dma_wait3A_23 = tpu.memref_slice %arg2[%dma_wait3A, %dma_wait3A_22] : memref<10000x64xf32, #tpu.memory_space<hbm>> -> memref<10000x64xf32, #tpu.memory_space<hbm>>
      tpu.wait_indirect_dma semaphore(%arg10 : memref<!tpu.dma_semaphore, #tpu.memory_space<semaphore_mem>>) src(%dma_wait3A_23 : memref<10000x64xf32, #tpu.memory_space<hbm>>) dst(%arg9 : memref<80x64xf32, #tpu.memory_space<vmem>>)
      "tpu.region"() ({
        %run_scoped3A = tpu.sem_alloc : memref<!tpu.dma_semaphore, #tpu.memory_space<semaphore_mem>>
        %dma_start3A_24 = arith.constant 0 : i32
        %dma_start3A_25 = arith.constant 0 : i32
        %dma_start3A_26 = tpu.memref_slice %arg11[%dma_start3A_24, %dma_start3A_25] : memref<10000x64xf32, #tpu.memory_space<vmem_shared>> -> memref<10000x64xf32, #tpu.memory_space<vmem_shared>>
        tpu.enqueue_indirect_dma source(%arg9 : memref<80x64xf32, #tpu.memory_space<vmem>>) target(%dma_start3A_26 : memref<10000x64xf32, #tpu.memory_space<vmem_shared>>) offsets(%arg8 : memref<80xi32, #tpu.memory_space<vmem>>) semaphore(%run_scoped3A : memref<!tpu.dma_semaphore, #tpu.memory_space<semaphore_mem>>) {add = true}
        %dma_wait3A_27 = arith.constant 0 : i32
        %dma_wait3A_28 = arith.constant 0 : i32
        %dma_wait3A_29 = tpu.memref_slice %arg11[%dma_wait3A_27, %dma_wait3A_28] : memref<10000x64xf32, #tpu.memory_space<vmem_shared>> -> memref<10000x64xf32, #tpu.memory_space<vmem_shared>>
        tpu.wait_indirect_dma semaphore(%run_scoped3A : memref<!tpu.dma_semaphore, #tpu.memory_space<semaphore_mem>>) src(%arg9 : memref<80x64xf32, #tpu.memory_space<vmem>>) dst(%dma_wait3A_29 : memref<10000x64xf32, #tpu.memory_space<vmem_shared>>)
        tpu.yield
      }) : () -> ()
    }
    %scan3A_9 = arith.constant 125 : i32
    %barrier3A_10 = arith.constant 0 : index
    tpu.barrier barrier_id(%barrier3A_10)
    %lt3A_11 = arith.constant 10 : i32
    %lt3A_12 = arith.cmpi slt, %arg1, %lt3A_11 : i32
    %convert_element_type3A_13 = arith.extui %lt3A_12 : i1 to i32
    %cond3A_14 = arith.constant 0 : i32
    %cond3A_15 = arith.cmpi ne, %convert_element_type3A_13, %cond3A_14 : i32
    scf.if %cond3A_15 {
      %mul3A_16 = arith.constant 1000 : i32
      %mul3A_17 = arith.muli %arg1, %mul3A_16 : i32
      %mul3A_18 = arith.constant 1000 : i32
      %mul3A_19 = arith.muli %arg1, %mul3A_18 : i32
      "tpu.region"() ({
        %run_scoped3A = tpu.sem_alloc : memref<!tpu.dma_semaphore, #tpu.memory_space<semaphore_mem>>
        %dma_start3A = arith.constant 0 : i32
        %dma_start3A_20 = tpu.memref_slice %arg6[%arg0, %mul3A_19, %dma_start3A] : memref<2x10000x64xf32, #tpu.memory_space<hbm>> -> memref<1x1000x64xf32, #tpu.memory_space<hbm>>
        %dma_start3A_21 = tpu.memref_squeeze %dma_start3A_20 : memref<1x1000x64xf32, #tpu.memory_space<hbm>> -> memref<1000x64xf32, #tpu.memory_space<hbm>>
        %dma_start3A_22 = arith.constant 0 : i32
        %dma_start3A_23 = tpu.memref_slice %arg11[%mul3A_17, %dma_start3A_22] : memref<10000x64xf32, #tpu.memory_space<vmem_shared>> -> memref<1000x64xf32, #tpu.memory_space<vmem_shared>>
        tpu.enqueue_dma source(%dma_start3A_23 : memref<1000x64xf32, #tpu.memory_space<vmem_shared>>) target(%dma_start3A_21 : memref<1000x64xf32, #tpu.memory_space<hbm>>) target_semaphore(%run_scoped3A : memref<!tpu.dma_semaphore, #tpu.memory_space<semaphore_mem>>)
        %dma_wait3A = arith.constant 0 : i32
        %dma_wait3A_24 = tpu.memref_slice %arg6[%arg0, %mul3A_19, %dma_wait3A] : memref<2x10000x64xf32, #tpu.memory_space<hbm>> -> memref<1x1000x64xf32, #tpu.memory_space<hbm>>
        %dma_wait3A_25 = tpu.memref_squeeze %dma_wait3A_24 : memref<1x1000x64xf32, #tpu.memory_space<hbm>> -> memref<1000x64xf32, #tpu.memory_space<hbm>>
        %dma_wait3A_26 = arith.constant 0 : i32
        %dma_wait3A_27 = tpu.memref_slice %arg11[%mul3A_17, %dma_wait3A_26] : memref<10000x64xf32, #tpu.memory_space<vmem_shared>> -> memref<1000x64xf32, #tpu.memory_space<vmem_shared>>
        tpu.wait_dma2 semaphore(%run_scoped3A : memref<!tpu.dma_semaphore, #tpu.memory_space<semaphore_mem>>) src(%dma_wait3A_27 : memref<1000x64xf32, #tpu.memory_space<vmem_shared>>) dst(%dma_wait3A_25 : memref<1000x64xf32, #tpu.memory_space<hbm>>)
        tpu.yield
      }) : () -> ()
    } else {
    }
    return
  }
}

#map = affine_map<(d0, d1) -> (0, 0)>
#map1 = affine_map<(d0, d1) -> (0)>
#map2 = affine_map<(d0, d1) -> (0, 0, 0)>
module attributes {stable_mosaic.version = 14 : i64} {
  func.func @seg_kernel(%arg0: i32, %arg1: i32, %arg2: memref<10000x64xf32, #tpu.memory_space<hbm>>, %arg3: memref<320000xi32, #tpu.memory_space<hbm>>, %arg4: memref<320000xi32, #tpu.memory_space<hbm>>, %arg5: memref<10000x64xf32, #tpu.memory_space<hbm>>, %arg6: memref<2x10000x64xf32, #tpu.memory_space<hbm>>, %arg7: memref<80xi32, #tpu.memory_space<vmem>>, %arg8: memref<80xi32, #tpu.memory_space<vmem>>, %arg9: memref<80x64xf32, #tpu.memory_space<vmem>>, %arg10: memref<!tpu.dma_semaphore, #tpu.memory_space<semaphore_mem>>, %arg11: memref<10000x64xf32, #tpu.memory_space<vmem_shared>>) attributes {dimension_semantics = [#tpu.dimension_semantics<core_parallel>, #tpu.dimension_semantics<subcore_parallel>], iteration_bounds = array<i64: 2, 16>, scalar_prefetch = 0 : i64, scratch_operands = 5 : i64, tpu.core_type = #tpu.core_type<sc_vector_subcore>, window_params = [{transform_indices = #map}, {transform_indices = #map1}, {transform_indices = #map1}, {transform_indices = #map}, {transform_indices = #map2}]} {
    %mul3A = arith.constant 2 : i32
    %mul3A_0 = arith.muli %arg1, %mul3A : i32
    %add3A = arith.addi %mul3A_0, %arg0 : i32
    %mul3A_1 = arith.constant 10000 : i32
    %mul3A_2 = arith.muli %add3A, %mul3A_1 : i32
    %lt3A = arith.constant 10 : i32
    %lt3A_3 = arith.cmpi slt, %arg1, %lt3A : i32
    %convert_element_type3A = arith.extui %lt3A_3 : i1 to i32
    %cond3A = arith.constant 0 : i32
    %cond3A_4 = arith.cmpi ne, %convert_element_type3A, %cond3A : i32
    scf.if %cond3A_4 {
      %mul3A_16 = arith.constant 1000 : i32
      %mul3A_17 = arith.muli %arg1, %mul3A_16 : i32
      %mul3A_18 = arith.constant 1000 : i32
      %mul3A_19 = arith.muli %arg1, %mul3A_18 : i32
      "tpu.region"() ({
        %run_scoped3A = tpu.sem_alloc : memref<!tpu.dma_semaphore, #tpu.memory_space<semaphore_mem>>
        %dma_start3A = arith.constant 0 : i32
        %dma_start3A_20 = tpu.memref_slice %arg11[%mul3A_19, %dma_start3A] : memref<10000x64xf32, #tpu.memory_space<vmem_shared>> -> memref<1000x64xf32, #tpu.memory_space<vmem_shared>>
        %dma_start3A_21 = arith.constant 0 : i32
        %dma_start3A_22 = tpu.memref_slice %arg5[%mul3A_17, %dma_start3A_21] : memref<10000x64xf32, #tpu.memory_space<hbm>> -> memref<1000x64xf32, #tpu.memory_space<hbm>>
        tpu.enqueue_dma source(%dma_start3A_22 : memref<1000x64xf32, #tpu.memory_space<hbm>>) target(%dma_start3A_20 : memref<1000x64xf32, #tpu.memory_space<vmem_shared>>) target_semaphore(%run_scoped3A : memref<!tpu.dma_semaphore, #tpu.memory_space<semaphore_mem>>)
        %dma_wait3A = arith.constant 0 : i32
        %dma_wait3A_23 = tpu.memref_slice %arg11[%mul3A_19, %dma_wait3A] : memref<10000x64xf32, #tpu.memory_space<vmem_shared>> -> memref<1000x64xf32, #tpu.memory_space<vmem_shared>>
        %dma_wait3A_24 = arith.constant 0 : i32
        %dma_wait3A_25 = tpu.memref_slice %arg5[%mul3A_17, %dma_wait3A_24] : memref<10000x64xf32, #tpu.memory_space<hbm>> -> memref<1000x64xf32, #tpu.memory_space<hbm>>
        tpu.wait_dma2 semaphore(%run_scoped3A : memref<!tpu.dma_semaphore, #tpu.memory_space<semaphore_mem>>) src(%dma_wait3A_25 : memref<1000x64xf32, #tpu.memory_space<hbm>>) dst(%dma_wait3A_23 : memref<1000x64xf32, #tpu.memory_space<vmem_shared>>)
        tpu.yield
      }) : () -> ()
    } else {
    }
    %barrier3A = arith.constant 0 : index
    tpu.barrier barrier_id(%barrier3A)
    %scan3A = arith.constant 0 : i32
    %scan3A_5 = arith.constant 0 : i32
    %scan3A_6 = arith.constant 125 : i32
    %scan3A_7 = arith.addi %scan3A_5, %scan3A_6 : i32
    %scan3A_8 = arith.constant 1 : i32
    scf.for %scan3A_16 = %scan3A_5 to %scan3A_7 step %scan3A_8  : i32 {
      %mul3A_17 = arith.constant 80 : i32
      %mul3A_18 = arith.muli %scan3A_16, %mul3A_17 : i32
      %add3A_19 = arith.addi %mul3A_2, %mul3A_18 : i32
      "tpu.region"() ({
        %run_scoped3A = tpu.sem_alloc : memref<!tpu.dma_semaphore, #tpu.memory_space<semaphore_mem>>
        %dma_start3A_24 = tpu.memref_slice %arg3[%add3A_19] : memref<320000xi32, #tpu.memory_space<hbm>> -> memref<80xi32, #tpu.memory_space<hbm>>
        %dma_start3A_25 = tpu.memref_slice %arg3[%add3A_19] : memref<320000xi32, #tpu.memory_space<hbm>> -> memref<80xi32, #tpu.memory_space<hbm>>
        tpu.enqueue_dma source(%dma_start3A_25 : memref<80xi32, #tpu.memory_space<hbm>>) target(%arg7 : memref<80xi32, #tpu.memory_space<vmem>>) target_semaphore(%run_scoped3A : memref<!tpu.dma_semaphore, #tpu.memory_space<semaphore_mem>>)
        %dma_wait3A_26 = tpu.memref_slice %arg3[%add3A_19] : memref<320000xi32, #tpu.memory_space<hbm>> -> memref<80xi32, #tpu.memory_space<hbm>>
        %dma_wait3A_27 = tpu.memref_slice %arg3[%add3A_19] : memref<320000xi32, #tpu.memory_space<hbm>> -> memref<80xi32, #tpu.memory_space<hbm>>
        tpu.wait_dma2 semaphore(%run_scoped3A : memref<!tpu.dma_semaphore, #tpu.memory_space<semaphore_mem>>) src(%dma_wait3A_27 : memref<80xi32, #tpu.memory_space<hbm>>) dst(%arg7 : memref<80xi32, #tpu.memory_space<vmem>>)
        tpu.yield
      }) : () -> ()
      "tpu.region"() ({
        %run_scoped3A = tpu.sem_alloc : memref<!tpu.dma_semaphore, #tpu.memory_space<semaphore_mem>>
        %dma_start3A_24 = tpu.memref_slice %arg4[%add3A_19] : memref<320000xi32, #tpu.memory_space<hbm>> -> memref<80xi32, #tpu.memory_space<hbm>>
        %dma_start3A_25 = tpu.memref_slice %arg4[%add3A_19] : memref<320000xi32, #tpu.memory_space<hbm>> -> memref<80xi32, #tpu.memory_space<hbm>>
        tpu.enqueue_dma source(%dma_start3A_25 : memref<80xi32, #tpu.memory_space<hbm>>) target(%arg8 : memref<80xi32, #tpu.memory_space<vmem>>) target_semaphore(%run_scoped3A : memref<!tpu.dma_semaphore, #tpu.memory_space<semaphore_mem>>)
        %dma_wait3A_26 = tpu.memref_slice %arg4[%add3A_19] : memref<320000xi32, #tpu.memory_space<hbm>> -> memref<80xi32, #tpu.memory_space<hbm>>
        %dma_wait3A_27 = tpu.memref_slice %arg4[%add3A_19] : memref<320000xi32, #tpu.memory_space<hbm>> -> memref<80xi32, #tpu.memory_space<hbm>>
        tpu.wait_dma2 semaphore(%run_scoped3A : memref<!tpu.dma_semaphore, #tpu.memory_space<semaphore_mem>>) src(%dma_wait3A_27 : memref<80xi32, #tpu.memory_space<hbm>>) dst(%arg8 : memref<80xi32, #tpu.memory_space<vmem>>)
        tpu.yield
      }) : () -> ()
      %dma_start3A = arith.constant 0 : i32
      %dma_start3A_20 = arith.constant 0 : i32
      %dma_start3A_21 = tpu.memref_slice %arg2[%dma_start3A, %dma_start3A_20] : memref<10000x64xf32, #tpu.memory_space<hbm>> -> memref<10000x64xf32, #tpu.memory_space<hbm>>
      tpu.enqueue_indirect_dma source(%dma_start3A_21 : memref<10000x64xf32, #tpu.memory_space<hbm>>) target(%arg9 : memref<80x64xf32, #tpu.memory_space<vmem>>) offsets(%arg7 : memref<80xi32, #tpu.memory_space<vmem>>) semaphore(%arg10 : memref<!tpu.dma_semaphore, #tpu.memory_space<semaphore_mem>>)
      %dma_wait3A = arith.constant 0 : i32
      %dma_wait3A_22 = arith.constant 0 : i32
      %dma_wait3A_23 = tpu.memref_slice %arg2[%dma_wait3A, %dma_wait3A_22] : memref<10000x64xf32, #tpu.memory_space<hbm>> -> memref<10000x64xf32, #tpu.memory_space<hbm>>
      tpu.wait_indirect_dma semaphore(%arg10 : memref<!tpu.dma_semaphore, #tpu.memory_space<semaphore_mem>>) src(%dma_wait3A_23 : memref<10000x64xf32, #tpu.memory_space<hbm>>) dst(%arg9 : memref<80x64xf32, #tpu.memory_space<vmem>>)
      "tpu.region"() ({
        %run_scoped3A = tpu.sem_alloc : memref<!tpu.dma_semaphore, #tpu.memory_space<semaphore_mem>>
        %dma_start3A_24 = arith.constant 0 : i32
        %dma_start3A_25 = arith.constant 0 : i32
        %dma_start3A_26 = tpu.memref_slice %arg11[%dma_start3A_24, %dma_start3A_25] : memref<10000x64xf32, #tpu.memory_space<vmem_shared>> -> memref<10000x64xf32, #tpu.memory_space<vmem_shared>>
        tpu.enqueue_indirect_dma source(%arg9 : memref<80x64xf32, #tpu.memory_space<vmem>>) target(%dma_start3A_26 : memref<10000x64xf32, #tpu.memory_space<vmem_shared>>) offsets(%arg8 : memref<80xi32, #tpu.memory_space<vmem>>) semaphore(%run_scoped3A : memref<!tpu.dma_semaphore, #tpu.memory_space<semaphore_mem>>) {add = true}
        %dma_wait3A_27 = arith.constant 0 : i32
        %dma_wait3A_28 = arith.constant 0 : i32
        %dma_wait3A_29 = tpu.memref_slice %arg11[%dma_wait3A_27, %dma_wait3A_28] : memref<10000x64xf32, #tpu.memory_space<vmem_shared>> -> memref<10000x64xf32, #tpu.memory_space<vmem_shared>>
        tpu.wait_indirect_dma semaphore(%run_scoped3A : memref<!tpu.dma_semaphore, #tpu.memory_space<semaphore_mem>>) src(%arg9 : memref<80x64xf32, #tpu.memory_space<vmem>>) dst(%dma_wait3A_29 : memref<10000x64xf32, #tpu.memory_space<vmem_shared>>)
        tpu.yield
      }) : () -> ()
    }
    %scan3A_9 = arith.constant 125 : i32
    %barrier3A_10 = arith.constant 0 : index
    tpu.barrier barrier_id(%barrier3A_10)
    %lt3A_11 = arith.constant 10 : i32
    %lt3A_12 = arith.cmpi slt, %arg1, %lt3A_11 : i32
    %convert_element_type3A_13 = arith.extui %lt3A_12 : i1 to i32
    %cond3A_14 = arith.constant 0 : i32
    %cond3A_15 = arith.cmpi ne, %convert_element_type3A_13, %cond3A_14 : i32
    scf.if %cond3A_15 {
      %mul3A_16 = arith.constant 1000 : i32
      %mul3A_17 = arith.muli %arg1, %mul3A_16 : i32
      %mul3A_18 = arith.constant 1000 : i32
      %mul3A_19 = arith.muli %arg1, %mul3A_18 : i32
      "tpu.region"() ({
        %run_scoped3A = tpu.sem_alloc : memref<!tpu.dma_semaphore, #tpu.memory_space<semaphore_mem>>
        %dma_start3A = arith.constant 0 : i32
        %dma_start3A_20 = tpu.memref_slice %arg6[%arg0, %mul3A_19, %dma_start3A] : memref<2x10000x64xf32, #tpu.memory_space<hbm>> -> memref<1x1000x64xf32, #tpu.memory_space<hbm>>
        %dma_start3A_21 = tpu.memref_squeeze %dma_start3A_20 : memref<1x1000x64xf32, #tpu.memory_space<hbm>> -> memref<1000x64xf32, #tpu.memory_space<hbm>>
        %dma_start3A_22 = arith.constant 0 : i32
        %dma_start3A_23 = tpu.memref_slice %arg11[%mul3A_17, %dma_start3A_22] : memref<10000x64xf32, #tpu.memory_space<vmem_shared>> -> memref<1000x64xf32, #tpu.memory_space<vmem_shared>>
        tpu.enqueue_dma source(%dma_start3A_23 : memref<1000x64xf32, #tpu.memory_space<vmem_shared>>) target(%dma_start3A_21 : memref<1000x64xf32, #tpu.memory_space<hbm>>) target_semaphore(%run_scoped3A : memref<!tpu.dma_semaphore, #tpu.memory_space<semaphore_mem>>)
        %dma_wait3A = arith.constant 0 : i32
        %dma_wait3A_24 = tpu.memref_slice %arg6[%arg0, %mul3A_19, %dma_wait3A] : memref<2x10000x64xf32, #tpu.memory_space<hbm>> -> memref<1x1000x64xf32, #tpu.memory_space<hbm>>
        %dma_wait3A_25 = tpu.memref_squeeze %dma_wait3A_24 : memref<1x1000x64xf32, #tpu.memory_space<hbm>> -> memref<1000x64xf32, #tpu.memory_space<hbm>>
        %dma_wait3A_26 = arith.constant 0 : i32
        %dma_wait3A_27 = tpu.memref_slice %arg11[%mul3A_17, %dma_wait3A_26] : memref<10000x64xf32, #tpu.memory_space<vmem_shared>> -> memref<1000x64xf32, #tpu.memory_space<vmem_shared>>
        tpu.wait_dma2 semaphore(%run_scoped3A : memref<!tpu.dma_semaphore, #tpu.memory_space<semaphore_mem>>) src(%dma_wait3A_27 : memref<1000x64xf32, #tpu.memory_space<vmem_shared>>) dst(%dma_wait3A_25 : memref<1000x64xf32, #tpu.memory_space<hbm>>)
        tpu.yield
      }) : () -> ()
    } else {
    }
    return
  }
}

#map = affine_map<(d0, d1) -> (0, 0)>
#map1 = affine_map<(d0, d1) -> (0)>
#map2 = affine_map<(d0, d1) -> (0, 0, 0)>
module attributes {stable_mosaic.version = 14 : i64} {
  func.func @seg_kernel(%arg0: i32, %arg1: i32, %arg2: memref<10000x128xf32, #tpu.memory_space<hbm>>, %arg3: memref<320000xi32, #tpu.memory_space<hbm>>, %arg4: memref<320000xi32, #tpu.memory_space<hbm>>, %arg5: memref<10000x128xf32, #tpu.memory_space<hbm>>, %arg6: memref<2x10000x128xf32, #tpu.memory_space<hbm>>, %arg7: memref<80xi32, #tpu.memory_space<vmem>>, %arg8: memref<80xi32, #tpu.memory_space<vmem>>, %arg9: memref<80x128xf32, #tpu.memory_space<vmem>>, %arg10: memref<!tpu.dma_semaphore, #tpu.memory_space<semaphore_mem>>, %arg11: memref<10000x128xf32, #tpu.memory_space<vmem_shared>>) attributes {dimension_semantics = [#tpu.dimension_semantics<core_parallel>, #tpu.dimension_semantics<subcore_parallel>], iteration_bounds = array<i64: 2, 16>, scalar_prefetch = 0 : i64, scratch_operands = 5 : i64, tpu.core_type = #tpu.core_type<sc_vector_subcore>, window_params = [{transform_indices = #map}, {transform_indices = #map1}, {transform_indices = #map1}, {transform_indices = #map}, {transform_indices = #map2}]} {
    %mul3A = arith.constant 2 : i32
    %mul3A_0 = arith.muli %arg1, %mul3A : i32
    %add3A = arith.addi %mul3A_0, %arg0 : i32
    %mul3A_1 = arith.constant 10000 : i32
    %mul3A_2 = arith.muli %add3A, %mul3A_1 : i32
    %lt3A = arith.constant 10 : i32
    %lt3A_3 = arith.cmpi slt, %arg1, %lt3A : i32
    %convert_element_type3A = arith.extui %lt3A_3 : i1 to i32
    %cond3A = arith.constant 0 : i32
    %cond3A_4 = arith.cmpi ne, %convert_element_type3A, %cond3A : i32
    scf.if %cond3A_4 {
      %mul3A_16 = arith.constant 1000 : i32
      %mul3A_17 = arith.muli %arg1, %mul3A_16 : i32
      %mul3A_18 = arith.constant 1000 : i32
      %mul3A_19 = arith.muli %arg1, %mul3A_18 : i32
      "tpu.region"() ({
        %run_scoped3A = tpu.sem_alloc : memref<!tpu.dma_semaphore, #tpu.memory_space<semaphore_mem>>
        %dma_start3A = arith.constant 0 : i32
        %dma_start3A_20 = tpu.memref_slice %arg11[%mul3A_19, %dma_start3A] : memref<10000x128xf32, #tpu.memory_space<vmem_shared>> -> memref<1000x128xf32, #tpu.memory_space<vmem_shared>>
        %dma_start3A_21 = arith.constant 0 : i32
        %dma_start3A_22 = tpu.memref_slice %arg5[%mul3A_17, %dma_start3A_21] : memref<10000x128xf32, #tpu.memory_space<hbm>> -> memref<1000x128xf32, #tpu.memory_space<hbm>>
        tpu.enqueue_dma source(%dma_start3A_22 : memref<1000x128xf32, #tpu.memory_space<hbm>>) target(%dma_start3A_20 : memref<1000x128xf32, #tpu.memory_space<vmem_shared>>) target_semaphore(%run_scoped3A : memref<!tpu.dma_semaphore, #tpu.memory_space<semaphore_mem>>)
        %dma_wait3A = arith.constant 0 : i32
        %dma_wait3A_23 = tpu.memref_slice %arg11[%mul3A_19, %dma_wait3A] : memref<10000x128xf32, #tpu.memory_space<vmem_shared>> -> memref<1000x128xf32, #tpu.memory_space<vmem_shared>>
        %dma_wait3A_24 = arith.constant 0 : i32
        %dma_wait3A_25 = tpu.memref_slice %arg5[%mul3A_17, %dma_wait3A_24] : memref<10000x128xf32, #tpu.memory_space<hbm>> -> memref<1000x128xf32, #tpu.memory_space<hbm>>
        tpu.wait_dma2 semaphore(%run_scoped3A : memref<!tpu.dma_semaphore, #tpu.memory_space<semaphore_mem>>) src(%dma_wait3A_25 : memref<1000x128xf32, #tpu.memory_space<hbm>>) dst(%dma_wait3A_23 : memref<1000x128xf32, #tpu.memory_space<vmem_shared>>)
        tpu.yield
      }) : () -> ()
    } else {
    }
    %barrier3A = arith.constant 0 : index
    tpu.barrier barrier_id(%barrier3A)
    %scan3A = arith.constant 0 : i32
    %scan3A_5 = arith.constant 0 : i32
    %scan3A_6 = arith.constant 125 : i32
    %scan3A_7 = arith.addi %scan3A_5, %scan3A_6 : i32
    %scan3A_8 = arith.constant 1 : i32
    scf.for %scan3A_16 = %scan3A_5 to %scan3A_7 step %scan3A_8  : i32 {
      %mul3A_17 = arith.constant 80 : i32
      %mul3A_18 = arith.muli %scan3A_16, %mul3A_17 : i32
      %add3A_19 = arith.addi %mul3A_2, %mul3A_18 : i32
      "tpu.region"() ({
        %run_scoped3A = tpu.sem_alloc : memref<!tpu.dma_semaphore, #tpu.memory_space<semaphore_mem>>
        %dma_start3A_24 = tpu.memref_slice %arg3[%add3A_19] : memref<320000xi32, #tpu.memory_space<hbm>> -> memref<80xi32, #tpu.memory_space<hbm>>
        %dma_start3A_25 = tpu.memref_slice %arg3[%add3A_19] : memref<320000xi32, #tpu.memory_space<hbm>> -> memref<80xi32, #tpu.memory_space<hbm>>
        tpu.enqueue_dma source(%dma_start3A_25 : memref<80xi32, #tpu.memory_space<hbm>>) target(%arg7 : memref<80xi32, #tpu.memory_space<vmem>>) target_semaphore(%run_scoped3A : memref<!tpu.dma_semaphore, #tpu.memory_space<semaphore_mem>>)
        %dma_wait3A_26 = tpu.memref_slice %arg3[%add3A_19] : memref<320000xi32, #tpu.memory_space<hbm>> -> memref<80xi32, #tpu.memory_space<hbm>>
        %dma_wait3A_27 = tpu.memref_slice %arg3[%add3A_19] : memref<320000xi32, #tpu.memory_space<hbm>> -> memref<80xi32, #tpu.memory_space<hbm>>
        tpu.wait_dma2 semaphore(%run_scoped3A : memref<!tpu.dma_semaphore, #tpu.memory_space<semaphore_mem>>) src(%dma_wait3A_27 : memref<80xi32, #tpu.memory_space<hbm>>) dst(%arg7 : memref<80xi32, #tpu.memory_space<vmem>>)
        tpu.yield
      }) : () -> ()
      "tpu.region"() ({
        %run_scoped3A = tpu.sem_alloc : memref<!tpu.dma_semaphore, #tpu.memory_space<semaphore_mem>>
        %dma_start3A_24 = tpu.memref_slice %arg4[%add3A_19] : memref<320000xi32, #tpu.memory_space<hbm>> -> memref<80xi32, #tpu.memory_space<hbm>>
        %dma_start3A_25 = tpu.memref_slice %arg4[%add3A_19] : memref<320000xi32, #tpu.memory_space<hbm>> -> memref<80xi32, #tpu.memory_space<hbm>>
        tpu.enqueue_dma source(%dma_start3A_25 : memref<80xi32, #tpu.memory_space<hbm>>) target(%arg8 : memref<80xi32, #tpu.memory_space<vmem>>) target_semaphore(%run_scoped3A : memref<!tpu.dma_semaphore, #tpu.memory_space<semaphore_mem>>)
        %dma_wait3A_26 = tpu.memref_slice %arg4[%add3A_19] : memref<320000xi32, #tpu.memory_space<hbm>> -> memref<80xi32, #tpu.memory_space<hbm>>
        %dma_wait3A_27 = tpu.memref_slice %arg4[%add3A_19] : memref<320000xi32, #tpu.memory_space<hbm>> -> memref<80xi32, #tpu.memory_space<hbm>>
        tpu.wait_dma2 semaphore(%run_scoped3A : memref<!tpu.dma_semaphore, #tpu.memory_space<semaphore_mem>>) src(%dma_wait3A_27 : memref<80xi32, #tpu.memory_space<hbm>>) dst(%arg8 : memref<80xi32, #tpu.memory_space<vmem>>)
        tpu.yield
      }) : () -> ()
      %dma_start3A = arith.constant 0 : i32
      %dma_start3A_20 = arith.constant 0 : i32
      %dma_start3A_21 = tpu.memref_slice %arg2[%dma_start3A, %dma_start3A_20] : memref<10000x128xf32, #tpu.memory_space<hbm>> -> memref<10000x128xf32, #tpu.memory_space<hbm>>
      tpu.enqueue_indirect_dma source(%dma_start3A_21 : memref<10000x128xf32, #tpu.memory_space<hbm>>) target(%arg9 : memref<80x128xf32, #tpu.memory_space<vmem>>) offsets(%arg7 : memref<80xi32, #tpu.memory_space<vmem>>) semaphore(%arg10 : memref<!tpu.dma_semaphore, #tpu.memory_space<semaphore_mem>>)
      %dma_wait3A = arith.constant 0 : i32
      %dma_wait3A_22 = arith.constant 0 : i32
      %dma_wait3A_23 = tpu.memref_slice %arg2[%dma_wait3A, %dma_wait3A_22] : memref<10000x128xf32, #tpu.memory_space<hbm>> -> memref<10000x128xf32, #tpu.memory_space<hbm>>
      tpu.wait_indirect_dma semaphore(%arg10 : memref<!tpu.dma_semaphore, #tpu.memory_space<semaphore_mem>>) src(%dma_wait3A_23 : memref<10000x128xf32, #tpu.memory_space<hbm>>) dst(%arg9 : memref<80x128xf32, #tpu.memory_space<vmem>>)
      "tpu.region"() ({
        %run_scoped3A = tpu.sem_alloc : memref<!tpu.dma_semaphore, #tpu.memory_space<semaphore_mem>>
        %dma_start3A_24 = arith.constant 0 : i32
        %dma_start3A_25 = arith.constant 0 : i32
        %dma_start3A_26 = tpu.memref_slice %arg11[%dma_start3A_24, %dma_start3A_25] : memref<10000x128xf32, #tpu.memory_space<vmem_shared>> -> memref<10000x128xf32, #tpu.memory_space<vmem_shared>>
        tpu.enqueue_indirect_dma source(%arg9 : memref<80x128xf32, #tpu.memory_space<vmem>>) target(%dma_start3A_26 : memref<10000x128xf32, #tpu.memory_space<vmem_shared>>) offsets(%arg8 : memref<80xi32, #tpu.memory_space<vmem>>) semaphore(%run_scoped3A : memref<!tpu.dma_semaphore, #tpu.memory_space<semaphore_mem>>) {add = true}
        %dma_wait3A_27 = arith.constant 0 : i32
        %dma_wait3A_28 = arith.constant 0 : i32
        %dma_wait3A_29 = tpu.memref_slice %arg11[%dma_wait3A_27, %dma_wait3A_28] : memref<10000x128xf32, #tpu.memory_space<vmem_shared>> -> memref<10000x128xf32, #tpu.memory_space<vmem_shared>>
        tpu.wait_indirect_dma semaphore(%run_scoped3A : memref<!tpu.dma_semaphore, #tpu.memory_space<semaphore_mem>>) src(%arg9 : memref<80x128xf32, #tpu.memory_space<vmem>>) dst(%dma_wait3A_29 : memref<10000x128xf32, #tpu.memory_space<vmem_shared>>)
        tpu.yield
      }) : () -> ()
    }
    %scan3A_9 = arith.constant 125 : i32
    %barrier3A_10 = arith.constant 0 : index
    tpu.barrier barrier_id(%barrier3A_10)
    %lt3A_11 = arith.constant 10 : i32
    %lt3A_12 = arith.cmpi slt, %arg1, %lt3A_11 : i32
    %convert_element_type3A_13 = arith.extui %lt3A_12 : i1 to i32
    %cond3A_14 = arith.constant 0 : i32
    %cond3A_15 = arith.cmpi ne, %convert_element_type3A_13, %cond3A_14 : i32
    scf.if %cond3A_15 {
      %mul3A_16 = arith.constant 1000 : i32
      %mul3A_17 = arith.muli %arg1, %mul3A_16 : i32
      %mul3A_18 = arith.constant 1000 : i32
      %mul3A_19 = arith.muli %arg1, %mul3A_18 : i32
      "tpu.region"() ({
        %run_scoped3A = tpu.sem_alloc : memref<!tpu.dma_semaphore, #tpu.memory_space<semaphore_mem>>
        %dma_start3A = arith.constant 0 : i32
        %dma_start3A_20 = tpu.memref_slice %arg6[%arg0, %mul3A_19, %dma_start3A] : memref<2x10000x128xf32, #tpu.memory_space<hbm>> -> memref<1x1000x128xf32, #tpu.memory_space<hbm>>
        %dma_start3A_21 = tpu.memref_squeeze %dma_start3A_20 : memref<1x1000x128xf32, #tpu.memory_space<hbm>> -> memref<1000x128xf32, #tpu.memory_space<hbm>>
        %dma_start3A_22 = arith.constant 0 : i32
        %dma_start3A_23 = tpu.memref_slice %arg11[%mul3A_17, %dma_start3A_22] : memref<10000x128xf32, #tpu.memory_space<vmem_shared>> -> memref<1000x128xf32, #tpu.memory_space<vmem_shared>>
        tpu.enqueue_dma source(%dma_start3A_23 : memref<1000x128xf32, #tpu.memory_space<vmem_shared>>) target(%dma_start3A_21 : memref<1000x128xf32, #tpu.memory_space<hbm>>) target_semaphore(%run_scoped3A : memref<!tpu.dma_semaphore, #tpu.memory_space<semaphore_mem>>)
        %dma_wait3A = arith.constant 0 : i32
        %dma_wait3A_24 = tpu.memref_slice %arg6[%arg0, %mul3A_19, %dma_wait3A] : memref<2x10000x128xf32, #tpu.memory_space<hbm>> -> memref<1x1000x128xf32, #tpu.memory_space<hbm>>
        %dma_wait3A_25 = tpu.memref_squeeze %dma_wait3A_24 : memref<1x1000x128xf32, #tpu.memory_space<hbm>> -> memref<1000x128xf32, #tpu.memory_space<hbm>>
        %dma_wait3A_26 = arith.constant 0 : i32
        %dma_wait3A_27 = tpu.memref_slice %arg11[%mul3A_17, %dma_wait3A_26] : memref<10000x128xf32, #tpu.memory_space<vmem_shared>> -> memref<1000x128xf32, #tpu.memory_space<vmem_shared>>
        tpu.wait_dma2 semaphore(%run_scoped3A : memref<!tpu.dma_semaphore, #tpu.memory_space<semaphore_mem>>) src(%dma_wait3A_27 : memref<1000x128xf32, #tpu.memory_space<vmem_shared>>) dst(%dma_wait3A_25 : memref<1000x128xf32, #tpu.memory_space<hbm>>)
        tpu.yield
      }) : () -> ()
    } else {
    }
    return
  }
}

module attributes {stable_mosaic.version = 14 : i64} {
  func.func @_prep_body(%arg0: memref<10000x2xf32, #tpu.memory_space<vmem>>, %arg1: memref<10000x1xf32, #tpu.memory_space<vmem>>, %arg2: memref<10000x1xf32, #tpu.memory_space<vmem>>) attributes {dimension_semantics = [], scalar_prefetch = 0 : i64, scratch_operands = 0 : i64, tpu.core_type = #tpu.core_type<tc>} {
    %get3A = arith.constant 0 : index
    %get3A_0 = arith.constant 0 : index
    %get3A_1 = vector.load %arg0[%get3A, %get3A_0] : memref<10000x2xf32, #tpu.memory_space<vmem>>, vector<10000x1xf32>
    %get3A_2 = arith.constant 0 : index
    %get3A_3 = arith.constant 1 : index
    %get3A_4 = vector.load %arg0[%get3A_2, %get3A_3] : memref<10000x2xf32, #tpu.memory_space<vmem>>, vector<10000x1xf32>
    %add3A = arith.addf %get3A_1, %get3A_4 : vector<10000x1xf32>
    %add3A_5 = arith.constant 1.000000e+00 : f32
    %add3A_6 = vector.broadcast %add3A_5 : f32 to vector<10000x1xf32>
    %add3A_7 = arith.addf %add3A, %add3A_6 : vector<10000x1xf32>
    %rsqrt3A = math.rsqrt %add3A_7 : vector<10000x1xf32>
    %swap3A = arith.constant 0 : index
    %swap3A_8 = arith.constant 0 : index
    %swap3A_9 = vector.load %arg1[%swap3A, %swap3A_8] : memref<10000x1xf32, #tpu.memory_space<vmem>>, vector<10000x1xf32>
    tpu.vector_store %arg1[%swap3A, %swap3A_8], %rsqrt3A {strides = array<i32>} : memref<10000x1xf32, #tpu.memory_space<vmem>>, vector<10000x1xf32>,
    %div3A = arith.constant 1.000000e+00 : f32
    %div3A_10 = vector.broadcast %div3A : f32 to vector<10000x1xf32>
    %div3A_11 = arith.divf %div3A_10, %add3A_7 : vector<10000x1xf32>
    %swap3A_12 = arith.constant 0 : index
    %swap3A_13 = arith.constant 0 : index
    %swap3A_14 = vector.load %arg2[%swap3A_12, %swap3A_13] : memref<10000x1xf32, #tpu.memory_space<vmem>>, vector<10000x1xf32>
    tpu.vector_store %arg2[%swap3A_12, %swap3A_13], %div3A_11 {strides = array<i32>} : memref<10000x1xf32, #tpu.memory_space<vmem>>, vector<10000x1xf32>,
    return
  }
}

module attributes {stable_mosaic.version = 14 : i64} {
  func.func @_mm_scale_body(%arg0: i32, %arg1: memref<2000x64xf32, #tpu.memory_space<vmem>>, %arg2: memref<64x64xf32, #tpu.memory_space<vmem>>, %arg3: memref<2000x1xf32, #tpu.memory_space<vmem>>, %arg4: memref<2000x64xf32, #tpu.memory_space<vmem>>) attributes {dimension_semantics = [#tpu.dimension_semantics<arbitrary>], iteration_bounds = array<i64: 5>, scalar_prefetch = 0 : i64, scratch_operands = 0 : i64, tpu.core_type = #tpu.core_type<tc>, window_params = [{transform_indices = @transform_0, window_bounds = array<i64: 2000, 64>}, {pipeline_mode = #tpu.pipeline_mode<synchronous>, transform_indices = @transform_1, window_bounds = array<i64: 64, 64>}, {transform_indices = @transform_2, window_bounds = array<i64: 2000, 1>}, {transform_indices = @transform_3, window_bounds = array<i64: 2000, 64>}]} {
    %get3A = arith.constant 0 : index
    %get3A_0 = arith.constant 0 : index
    %get3A_1 = vector.load %arg1[%get3A, %get3A_0] : memref<2000x64xf32, #tpu.memory_space<vmem>>, vector<2000x64xf32>
    %get3A_2 = arith.constant 0 : index
    %get3A_3 = arith.constant 0 : index
    %get3A_4 = vector.load %arg2[%get3A_2, %get3A_3] : memref<64x64xf32, #tpu.memory_space<vmem>>, vector<64x64xf32>
    %dot_general3A = arith.constant dense<0.000000e+00> : vector<2000x64xf32>
    %dot_general3A_5 = tpu.matmul %get3A_1, %get3A_4, %dot_general3A {dimension_numbers = #tpu.dot_dimension_numbers<[1], [0], [0], [1], [0, 0, 1, 1], [], []>, transpose_lhs_hint = false} : vector<2000x64xf32>, vector<64x64xf32>, vector<2000x64xf32> -> vector<2000x64xf32>
    %get3A_6 = arith.constant 0 : index
    %get3A_7 = arith.constant 0 : index
    %get3A_8 = vector.load %arg3[%get3A_6, %get3A_7] : memref<2000x1xf32, #tpu.memory_space<vmem>>, vector<2000x1xf32>
    %mul3A = vector.broadcast %get3A_8 : vector<2000x1xf32> to vector<2000x64xf32>
    %mul3A_9 = arith.mulf %dot_general3A_5, %mul3A : vector<2000x64xf32>
    %swap3A = arith.constant 0 : index
    %swap3A_10 = arith.constant 0 : index
    %swap3A_11 = vector.load %arg4[%swap3A, %swap3A_10] : memref<2000x64xf32, #tpu.memory_space<vmem>>, vector<2000x64xf32>
    tpu.vector_store %arg4[%swap3A, %swap3A_10], %mul3A_9 {strides = array<i32>} : memref<2000x64xf32, #tpu.memory_space<vmem>>, vector<2000x64xf32>,
    return
  }
  func.func @transform_0(%arg0: i32) -> (i32, i32) {
    %c0_i32 = arith.constant 0 : i32
    %c0_i32_0 = arith.constant 0 : i32
    return %arg0, %c0_i32 : i32, i32
  }
  func.func @transform_1(%arg0: i32) -> (i32, i32) {
    %c0_i32 = arith.constant 0 : i32
    %c0_i32_0 = arith.constant 0 : i32
    %c0_i32_1 = arith.constant 0 : i32
    return %c0_i32, %c0_i32_0 : i32, i32
  }
  func.func @transform_2(%arg0: i32) -> (i32, i32) {
    %c0_i32 = arith.constant 0 : i32
    %c0_i32_0 = arith.constant 0 : i32
    return %arg0, %c0_i32 : i32, i32
  }
  func.func @transform_3(%arg0: i32) -> (i32, i32) {
    %c0_i32 = arith.constant 0 : i32
    %c0_i32_0 = arith.constant 0 : i32
    return %arg0, %c0_i32 : i32, i32
  }
}

module attributes {stable_mosaic.version = 14 : i64} {
  func.func @_combine_mm_body(%arg0: i32, %arg1: memref<2000x64xf32, #tpu.memory_space<vmem>>, %arg2: memref<2000x64xf32, #tpu.memory_space<vmem>>, %arg3: memref<2000x64xf32, #tpu.memory_space<vmem>>, %arg4: memref<2000x1xf32, #tpu.memory_space<vmem>>, %arg5: memref<1x64xf32, #tpu.memory_space<vmem>>, %arg6: memref<64x64xf32, #tpu.memory_space<vmem>>, %arg7: memref<2000x64xf32, #tpu.memory_space<vmem>>) attributes {dimension_semantics = [#tpu.dimension_semantics<arbitrary>], iteration_bounds = array<i64: 5>, scalar_prefetch = 0 : i64, scratch_operands = 0 : i64, tpu.core_type = #tpu.core_type<tc>, window_params = [{transform_indices = @transform_0, window_bounds = array<i64: 2000, 64>}, {transform_indices = @transform_1, window_bounds = array<i64: 2000, 64>}, {transform_indices = @transform_2, window_bounds = array<i64: 2000, 64>}, {transform_indices = @transform_3, window_bounds = array<i64: 2000, 1>}, {pipeline_mode = #tpu.pipeline_mode<synchronous>, transform_indices = @transform_4, window_bounds = array<i64: 1, 64>}, {pipeline_mode = #tpu.pipeline_mode<synchronous>, transform_indices = @transform_5, window_bounds = array<i64: 64, 64>}, {transform_indices = @transform_6, window_bounds = array<i64: 2000, 64>}]} {
    %get3A = arith.constant 0 : index
    %get3A_0 = arith.constant 0 : index
    %get3A_1 = vector.load %arg4[%get3A, %get3A_0] : memref<2000x1xf32, #tpu.memory_space<vmem>>, vector<2000x1xf32>
    %get3A_2 = arith.constant 0 : index
    %get3A_3 = arith.constant 0 : index
    %get3A_4 = vector.load %arg1[%get3A_2, %get3A_3] : memref<2000x64xf32, #tpu.memory_space<vmem>>, vector<2000x64xf32>
    %get3A_5 = arith.constant 0 : index
    %get3A_6 = arith.constant 0 : index
    %get3A_7 = vector.load %arg2[%get3A_5, %get3A_6] : memref<2000x64xf32, #tpu.memory_space<vmem>>, vector<2000x64xf32>
    %add3A = arith.addf %get3A_4, %get3A_7 : vector<2000x64xf32>
    %get3A_8 = arith.constant 0 : index
    %get3A_9 = arith.constant 0 : index
    %get3A_10 = vector.load %arg3[%get3A_8, %get3A_9] : memref<2000x64xf32, #tpu.memory_space<vmem>>, vector<2000x64xf32>
    %add3A_11 = arith.addf %add3A, %get3A_10 : vector<2000x64xf32>
    %mul3A = vector.broadcast %get3A_1 : vector<2000x1xf32> to vector<2000x64xf32>
    %mul3A_12 = arith.mulf %mul3A, %add3A_11 : vector<2000x64xf32>
    %get3A_13 = arith.constant 0 : index
    %get3A_14 = arith.constant 0 : index
    %get3A_15 = vector.load %arg5[%get3A_13, %get3A_14] : memref<1x64xf32, #tpu.memory_space<vmem>>, vector<1x64xf32>
    %add3A_16 = vector.broadcast %get3A_15 : vector<1x64xf32> to vector<2000x64xf32>
    %add3A_17 = arith.addf %mul3A_12, %add3A_16 : vector<2000x64xf32>
    %max3A = arith.constant 0.000000e+00 : f32
    %max3A_18 = vector.broadcast %max3A : f32 to vector<2000x64xf32>
    %max3A_19 = arith.maximumf %add3A_17, %max3A_18 : vector<2000x64xf32>
    %get3A_20 = arith.constant 0 : index
    %get3A_21 = arith.constant 0 : index
    %get3A_22 = vector.load %arg6[%get3A_20, %get3A_21] : memref<64x64xf32, #tpu.memory_space<vmem>>, vector<64x64xf32>
    %dot_general3A = arith.constant dense<0.000000e+00> : vector<2000x64xf32>
    %dot_general3A_23 = tpu.matmul %max3A_19, %get3A_22, %dot_general3A {dimension_numbers = #tpu.dot_dimension_numbers<[1], [0], [0], [1], [0, 0, 1, 1], [], []>, transpose_lhs_hint = false} : vector<2000x64xf32>, vector<64x64xf32>, vector<2000x64xf32> -> vector<2000x64xf32>
    %get3A_24 = arith.constant 0 : index
    %get3A_25 = arith.constant 0 : index
    %get3A_26 = vector.load %arg4[%get3A_24, %get3A_25] : memref<2000x1xf32, #tpu.memory_space<vmem>>, vector<2000x1xf32>
    %mul3A_27 = vector.broadcast %get3A_26 : vector<2000x1xf32> to vector<2000x64xf32>
    %mul3A_28 = arith.mulf %dot_general3A_23, %mul3A_27 : vector<2000x64xf32>
    %swap3A = arith.constant 0 : index
    %swap3A_29 = arith.constant 0 : index
    %swap3A_30 = vector.load %arg7[%swap3A, %swap3A_29] : memref<2000x64xf32, #tpu.memory_space<vmem>>, vector<2000x64xf32>
    tpu.vector_store %arg7[%swap3A, %swap3A_29], %mul3A_28 {strides = array<i32>} : memref<2000x64xf32, #tpu.memory_space<vmem>>, vector<2000x64xf32>,
    return
  }
  func.func @transform_0(%arg0: i32) -> (i32, i32) {
    %c0_i32 = arith.constant 0 : i32
    %c0_i32_0 = arith.constant 0 : i32
    return %arg0, %c0_i32 : i32, i32
  }
  func.func @transform_1(%arg0: i32) -> (i32, i32) {
    %c0_i32 = arith.constant 0 : i32
    %c0_i32_0 = arith.constant 0 : i32
    return %arg0, %c0_i32 : i32, i32
  }
  func.func @transform_2(%arg0: i32) -> (i32, i32) {
    %c0_i32 = arith.constant 0 : i32
    %c0_i32_0 = arith.constant 0 : i32
    return %arg0, %c0_i32 : i32, i32
  }
  func.func @transform_3(%arg0: i32) -> (i32, i32) {
    %c0_i32 = arith.constant 0 : i32
    %c0_i32_0 = arith.constant 0 : i32
    return %arg0, %c0_i32 : i32, i32
  }
  func.func @transform_4(%arg0: i32) -> (i32, i32) {
    %c0_i32 = arith.constant 0 : i32
    %c0_i32_0 = arith.constant 0 : i32
    %c0_i32_1 = arith.constant 0 : i32
    return %c0_i32, %c0_i32_0 : i32, i32
  }
  func.func @transform_5(%arg0: i32) -> (i32, i32) {
    %c0_i32 = arith.constant 0 : i32
    %c0_i32_0 = arith.constant 0 : i32
    %c0_i32_1 = arith.constant 0 : i32
    return %c0_i32, %c0_i32_0 : i32, i32
  }
  func.func @transform_6(%arg0: i32) -> (i32, i32) {
    %c0_i32 = arith.constant 0 : i32
    %c0_i32_0 = arith.constant 0 : i32
    return %arg0, %c0_i32 : i32, i32
  }
}

module attributes {stable_mosaic.version = 14 : i64} {
  func.func @_mm_scale_body(%arg0: i32, %arg1: memref<2000x128xf32, #tpu.memory_space<vmem>>, %arg2: memref<128x128xf32, #tpu.memory_space<vmem>>, %arg3: memref<2000x1xf32, #tpu.memory_space<vmem>>, %arg4: memref<2000x128xf32, #tpu.memory_space<vmem>>) attributes {dimension_semantics = [#tpu.dimension_semantics<arbitrary>], iteration_bounds = array<i64: 5>, scalar_prefetch = 0 : i64, scratch_operands = 0 : i64, tpu.core_type = #tpu.core_type<tc>, window_params = [{transform_indices = @transform_0, window_bounds = array<i64: 2000, 128>}, {pipeline_mode = #tpu.pipeline_mode<synchronous>, transform_indices = @transform_1, window_bounds = array<i64: 128, 128>}, {transform_indices = @transform_2, window_bounds = array<i64: 2000, 1>}, {transform_indices = @transform_3, window_bounds = array<i64: 2000, 128>}]} {
    %get3A = arith.constant 0 : index
    %get3A_0 = arith.constant 0 : index
    %get3A_1 = vector.load %arg1[%get3A, %get3A_0] : memref<2000x128xf32, #tpu.memory_space<vmem>>, vector<2000x128xf32>
    %get3A_2 = arith.constant 0 : index
    %get3A_3 = arith.constant 0 : index
    %get3A_4 = vector.load %arg2[%get3A_2, %get3A_3] : memref<128x128xf32, #tpu.memory_space<vmem>>, vector<128x128xf32>
    %dot_general3A = arith.constant dense<0.000000e+00> : vector<2000x128xf32>
    %dot_general3A_5 = tpu.matmul %get3A_1, %get3A_4, %dot_general3A {dimension_numbers = #tpu.dot_dimension_numbers<[1], [0], [0], [1], [0, 0, 1, 1], [], []>, transpose_lhs_hint = false} : vector<2000x128xf32>, vector<128x128xf32>, vector<2000x128xf32> -> vector<2000x128xf32>
    %get3A_6 = arith.constant 0 : index
    %get3A_7 = arith.constant 0 : index
    %get3A_8 = vector.load %arg3[%get3A_6, %get3A_7] : memref<2000x1xf32, #tpu.memory_space<vmem>>, vector<2000x1xf32>
    %mul3A = vector.broadcast %get3A_8 : vector<2000x1xf32> to vector<2000x128xf32>
    %mul3A_9 = arith.mulf %dot_general3A_5, %mul3A : vector<2000x128xf32>
    %swap3A = arith.constant 0 : index
    %swap3A_10 = arith.constant 0 : index
    %swap3A_11 = vector.load %arg4[%swap3A, %swap3A_10] : memref<2000x128xf32, #tpu.memory_space<vmem>>, vector<2000x128xf32>
    tpu.vector_store %arg4[%swap3A, %swap3A_10], %mul3A_9 {strides = array<i32>} : memref<2000x128xf32, #tpu.memory_space<vmem>>, vector<2000x128xf32>,
    return
  }
  func.func @transform_0(%arg0: i32) -> (i32, i32) {
    %c0_i32 = arith.constant 0 : i32
    %c0_i32_0 = arith.constant 0 : i32
    return %arg0, %c0_i32 : i32, i32
  }
  func.func @transform_1(%arg0: i32) -> (i32, i32) {
    %c0_i32 = arith.constant 0 : i32
    %c0_i32_0 = arith.constant 0 : i32
    %c0_i32_1 = arith.constant 0 : i32
    return %c0_i32, %c0_i32_0 : i32, i32
  }
  func.func @transform_2(%arg0: i32) -> (i32, i32) {
    %c0_i32 = arith.constant 0 : i32
    %c0_i32_0 = arith.constant 0 : i32
    return %arg0, %c0_i32 : i32, i32
  }
  func.func @transform_3(%arg0: i32) -> (i32, i32) {
    %c0_i32 = arith.constant 0 : i32
    %c0_i32_0 = arith.constant 0 : i32
    return %arg0, %c0_i32 : i32, i32
  }
}

module attributes {stable_mosaic.version = 14 : i64} {
  func.func @_combine_mm_body(%arg0: i32, %arg1: memref<2000x128xf32, #tpu.memory_space<vmem>>, %arg2: memref<2000x128xf32, #tpu.memory_space<vmem>>, %arg3: memref<2000x128xf32, #tpu.memory_space<vmem>>, %arg4: memref<2000x1xf32, #tpu.memory_space<vmem>>, %arg5: memref<1x128xf32, #tpu.memory_space<vmem>>, %arg6: memref<128x128xf32, #tpu.memory_space<vmem>>, %arg7: memref<2000x128xf32, #tpu.memory_space<vmem>>) attributes {dimension_semantics = [#tpu.dimension_semantics<arbitrary>], iteration_bounds = array<i64: 5>, scalar_prefetch = 0 : i64, scratch_operands = 0 : i64, tpu.core_type = #tpu.core_type<tc>, window_params = [{transform_indices = @transform_0, window_bounds = array<i64: 2000, 128>}, {transform_indices = @transform_1, window_bounds = array<i64: 2000, 128>}, {transform_indices = @transform_2, window_bounds = array<i64: 2000, 128>}, {transform_indices = @transform_3, window_bounds = array<i64: 2000, 1>}, {pipeline_mode = #tpu.pipeline_mode<synchronous>, transform_indices = @transform_4, window_bounds = array<i64: 1, 128>}, {pipeline_mode = #tpu.pipeline_mode<synchronous>, transform_indices = @transform_5, window_bounds = array<i64: 128, 128>}, {transform_indices = @transform_6, window_bounds = array<i64: 2000, 128>}]} {
    %get3A = arith.constant 0 : index
    %get3A_0 = arith.constant 0 : index
    %get3A_1 = vector.load %arg4[%get3A, %get3A_0] : memref<2000x1xf32, #tpu.memory_space<vmem>>, vector<2000x1xf32>
    %get3A_2 = arith.constant 0 : index
    %get3A_3 = arith.constant 0 : index
    %get3A_4 = vector.load %arg1[%get3A_2, %get3A_3] : memref<2000x128xf32, #tpu.memory_space<vmem>>, vector<2000x128xf32>
    %get3A_5 = arith.constant 0 : index
    %get3A_6 = arith.constant 0 : index
    %get3A_7 = vector.load %arg2[%get3A_5, %get3A_6] : memref<2000x128xf32, #tpu.memory_space<vmem>>, vector<2000x128xf32>
    %add3A = arith.addf %get3A_4, %get3A_7 : vector<2000x128xf32>
    %get3A_8 = arith.constant 0 : index
    %get3A_9 = arith.constant 0 : index
    %get3A_10 = vector.load %arg3[%get3A_8, %get3A_9] : memref<2000x128xf32, #tpu.memory_space<vmem>>, vector<2000x128xf32>
    %add3A_11 = arith.addf %add3A, %get3A_10 : vector<2000x128xf32>
    %mul3A = vector.broadcast %get3A_1 : vector<2000x1xf32> to vector<2000x128xf32>
    %mul3A_12 = arith.mulf %mul3A, %add3A_11 : vector<2000x128xf32>
    %get3A_13 = arith.constant 0 : index
    %get3A_14 = arith.constant 0 : index
    %get3A_15 = vector.load %arg5[%get3A_13, %get3A_14] : memref<1x128xf32, #tpu.memory_space<vmem>>, vector<1x128xf32>
    %add3A_16 = vector.broadcast %get3A_15 : vector<1x128xf32> to vector<2000x128xf32>
    %add3A_17 = arith.addf %mul3A_12, %add3A_16 : vector<2000x128xf32>
    %max3A = arith.constant 0.000000e+00 : f32
    %max3A_18 = vector.broadcast %max3A : f32 to vector<2000x128xf32>
    %max3A_19 = arith.maximumf %add3A_17, %max3A_18 : vector<2000x128xf32>
    %get3A_20 = arith.constant 0 : index
    %get3A_21 = arith.constant 0 : index
    %get3A_22 = vector.load %arg6[%get3A_20, %get3A_21] : memref<128x128xf32, #tpu.memory_space<vmem>>, vector<128x128xf32>
    %dot_general3A = arith.constant dense<0.000000e+00> : vector<2000x128xf32>
    %dot_general3A_23 = tpu.matmul %max3A_19, %get3A_22, %dot_general3A {dimension_numbers = #tpu.dot_dimension_numbers<[1], [0], [0], [1], [0, 0, 1, 1], [], []>, transpose_lhs_hint = false} : vector<2000x128xf32>, vector<128x128xf32>, vector<2000x128xf32> -> vector<2000x128xf32>
    %get3A_24 = arith.constant 0 : index
    %get3A_25 = arith.constant 0 : index
    %get3A_26 = vector.load %arg4[%get3A_24, %get3A_25] : memref<2000x1xf32, #tpu.memory_space<vmem>>, vector<2000x1xf32>
    %mul3A_27 = vector.broadcast %get3A_26 : vector<2000x1xf32> to vector<2000x128xf32>
    %mul3A_28 = arith.mulf %dot_general3A_23, %mul3A_27 : vector<2000x128xf32>
    %swap3A = arith.constant 0 : index
    %swap3A_29 = arith.constant 0 : index
    %swap3A_30 = vector.load %arg7[%swap3A, %swap3A_29] : memref<2000x128xf32, #tpu.memory_space<vmem>>, vector<2000x128xf32>
    tpu.vector_store %arg7[%swap3A, %swap3A_29], %mul3A_28 {strides = array<i32>} : memref<2000x128xf32, #tpu.memory_space<vmem>>, vector<2000x128xf32>,
    return
  }
  func.func @transform_0(%arg0: i32) -> (i32, i32) {
    %c0_i32 = arith.constant 0 : i32
    %c0_i32_0 = arith.constant 0 : i32
    return %arg0, %c0_i32 : i32, i32
  }
  func.func @transform_1(%arg0: i32) -> (i32, i32) {
    %c0_i32 = arith.constant 0 : i32
    %c0_i32_0 = arith.constant 0 : i32
    return %arg0, %c0_i32 : i32, i32
  }
  func.func @transform_2(%arg0: i32) -> (i32, i32) {
    %c0_i32 = arith.constant 0 : i32
    %c0_i32_0 = arith.constant 0 : i32
    return %arg0, %c0_i32 : i32, i32
  }
  func.func @transform_3(%arg0: i32) -> (i32, i32) {
    %c0_i32 = arith.constant 0 : i32
    %c0_i32_0 = arith.constant 0 : i32
    return %arg0, %c0_i32 : i32, i32
  }
  func.func @transform_4(%arg0: i32) -> (i32, i32) {
    %c0_i32 = arith.constant 0 : i32
    %c0_i32_0 = arith.constant 0 : i32
    %c0_i32_1 = arith.constant 0 : i32
    return %c0_i32, %c0_i32_0 : i32, i32
  }
  func.func @transform_5(%arg0: i32) -> (i32, i32) {
    %c0_i32 = arith.constant 0 : i32
    %c0_i32_0 = arith.constant 0 : i32
    %c0_i32_1 = arith.constant 0 : i32
    return %c0_i32, %c0_i32_0 : i32, i32
  }
  func.func @transform_6(%arg0: i32) -> (i32, i32) {
    %c0_i32 = arith.constant 0 : i32
    %c0_i32_0 = arith.constant 0 : i32
    return %arg0, %c0_i32 : i32, i32
  }
}

module attributes {stable_mosaic.version = 14 : i64} {
  func.func @_fuse_body(%arg0: i32, %arg1: memref<2000x128xf32, #tpu.memory_space<vmem>>, %arg2: memref<2000x128xf32, #tpu.memory_space<vmem>>, %arg3: memref<2000x128xf32, #tpu.memory_space<vmem>>, %arg4: memref<1x128xf32, #tpu.memory_space<vmem>>, %arg5: memref<2000x64xf32, #tpu.memory_space<vmem>>, %arg6: memref<2000x64xf32, #tpu.memory_space<vmem>>, %arg7: memref<2000x64xf32, #tpu.memory_space<vmem>>, %arg8: memref<1x64xf32, #tpu.memory_space<vmem>>, %arg9: memref<128x64xf32, #tpu.memory_space<vmem>>, %arg10: memref<64x64xf32, #tpu.memory_space<vmem>>, %arg11: memref<1x64xf32, #tpu.memory_space<vmem>>, %arg12: memref<2000x1xf32, #tpu.memory_space<vmem>>, %arg13: memref<2000x64xf32, #tpu.memory_space<vmem>>) attributes {dimension_semantics = [#tpu.dimension_semantics<arbitrary>], iteration_bounds = array<i64: 5>, scalar_prefetch = 0 : i64, scratch_operands = 0 : i64, tpu.core_type = #tpu.core_type<tc>, window_params = [{transform_indices = @transform_0, window_bounds = array<i64: 2000, 128>}, {transform_indices = @transform_1, window_bounds = array<i64: 2000, 128>}, {transform_indices = @transform_2, window_bounds = array<i64: 2000, 128>}, {pipeline_mode = #tpu.pipeline_mode<synchronous>, transform_indices = @transform_3, window_bounds = array<i64: 1, 128>}, {transform_indices = @transform_4, window_bounds = array<i64: 2000, 64>}, {transform_indices = @transform_5, window_bounds = array<i64: 2000, 64>}, {transform_indices = @transform_6, window_bounds = array<i64: 2000, 64>}, {pipeline_mode = #tpu.pipeline_mode<synchronous>, transform_indices = @transform_7, window_bounds = array<i64: 1, 64>}, {pipeline_mode = #tpu.pipeline_mode<synchronous>, transform_indices = @transform_8, window_bounds = array<i64: 128, 64>}, {pipeline_mode = #tpu.pipeline_mode<synchronous>, transform_indices = @transform_9, window_bounds = array<i64: 64, 64>}, {pipeline_mode = #tpu.pipeline_mode<synchronous>, transform_indices = @transform_10, window_bounds = array<i64: 1, 64>}, {transform_indices = @transform_11, window_bounds = array<i64: 2000, 1>}, {transform_indices = @transform_12, window_bounds = array<i64: 2000, 64>}]} {
    %get3A = arith.constant 0 : index
    %get3A_0 = arith.constant 0 : index
    %get3A_1 = vector.load %arg12[%get3A, %get3A_0] : memref<2000x1xf32, #tpu.memory_space<vmem>>, vector<2000x1xf32>
    %get3A_2 = arith.constant 0 : index
    %get3A_3 = arith.constant 0 : index
    %get3A_4 = vector.load %arg1[%get3A_2, %get3A_3] : memref<2000x128xf32, #tpu.memory_space<vmem>>, vector<2000x128xf32>
    %get3A_5 = arith.constant 0 : index
    %get3A_6 = arith.constant 0 : index
    %get3A_7 = vector.load %arg2[%get3A_5, %get3A_6] : memref<2000x128xf32, #tpu.memory_space<vmem>>, vector<2000x128xf32>
    %add3A = arith.addf %get3A_4, %get3A_7 : vector<2000x128xf32>
    %get3A_8 = arith.constant 0 : index
    %get3A_9 = arith.constant 0 : index
    %get3A_10 = vector.load %arg3[%get3A_8, %get3A_9] : memref<2000x128xf32, #tpu.memory_space<vmem>>, vector<2000x128xf32>
    %add3A_11 = arith.addf %add3A, %get3A_10 : vector<2000x128xf32>
    %mul3A = vector.broadcast %get3A_1 : vector<2000x1xf32> to vector<2000x128xf32>
    %mul3A_12 = arith.mulf %mul3A, %add3A_11 : vector<2000x128xf32>
    %get3A_13 = arith.constant 0 : index
    %get3A_14 = arith.constant 0 : index
    %get3A_15 = vector.load %arg4[%get3A_13, %get3A_14] : memref<1x128xf32, #tpu.memory_space<vmem>>, vector<1x128xf32>
    %add3A_16 = vector.broadcast %get3A_15 : vector<1x128xf32> to vector<2000x128xf32>
    %add3A_17 = arith.addf %mul3A_12, %add3A_16 : vector<2000x128xf32>
    %get3A_18 = arith.constant 0 : index
    %get3A_19 = arith.constant 0 : index
    %get3A_20 = vector.load %arg12[%get3A_18, %get3A_19] : memref<2000x1xf32, #tpu.memory_space<vmem>>, vector<2000x1xf32>
    %get3A_21 = arith.constant 0 : index
    %get3A_22 = arith.constant 0 : index
    %get3A_23 = vector.load %arg5[%get3A_21, %get3A_22] : memref<2000x64xf32, #tpu.memory_space<vmem>>, vector<2000x64xf32>
    %get3A_24 = arith.constant 0 : index
    %get3A_25 = arith.constant 0 : index
    %get3A_26 = vector.load %arg6[%get3A_24, %get3A_25] : memref<2000x64xf32, #tpu.memory_space<vmem>>, vector<2000x64xf32>
    %add3A_27 = arith.addf %get3A_23, %get3A_26 : vector<2000x64xf32>
    %get3A_28 = arith.constant 0 : index
    %get3A_29 = arith.constant 0 : index
    %get3A_30 = vector.load %arg7[%get3A_28, %get3A_29] : memref<2000x64xf32, #tpu.memory_space<vmem>>, vector<2000x64xf32>
    %add3A_31 = arith.addf %add3A_27, %get3A_30 : vector<2000x64xf32>
    %mul3A_32 = vector.broadcast %get3A_20 : vector<2000x1xf32> to vector<2000x64xf32>
    %mul3A_33 = arith.mulf %mul3A_32, %add3A_31 : vector<2000x64xf32>
    %get3A_34 = arith.constant 0 : index
    %get3A_35 = arith.constant 0 : index
    %get3A_36 = vector.load %arg8[%get3A_34, %get3A_35] : memref<1x64xf32, #tpu.memory_space<vmem>>, vector<1x64xf32>
    %add3A_37 = vector.broadcast %get3A_36 : vector<1x64xf32> to vector<2000x64xf32>
    %add3A_38 = arith.addf %mul3A_33, %add3A_37 : vector<2000x64xf32>
    %get3A_39 = arith.constant 0 : index
    %get3A_40 = arith.constant 0 : index
    %get3A_41 = vector.load %arg9[%get3A_39, %get3A_40] : memref<128x64xf32, #tpu.memory_space<vmem>>, vector<128x64xf32>
    %dot_general3A = arith.constant dense<0.000000e+00> : vector<2000x64xf32>
    %dot_general3A_42 = tpu.matmul %add3A_17, %get3A_41, %dot_general3A {dimension_numbers = #tpu.dot_dimension_numbers<[1], [0], [0], [1], [0, 0, 1, 1], [], []>, transpose_lhs_hint = false} : vector<2000x128xf32>, vector<128x64xf32>, vector<2000x64xf32> -> vector<2000x64xf32>
    %get3A_43 = arith.constant 0 : index
    %get3A_44 = arith.constant 0 : index
    %get3A_45 = vector.load %arg10[%get3A_43, %get3A_44] : memref<64x64xf32, #tpu.memory_space<vmem>>, vector<64x64xf32>
    %dot_general3A_46 = arith.constant dense<0.000000e+00> : vector<2000x64xf32>
    %dot_general3A_47 = tpu.matmul %add3A_38, %get3A_45, %dot_general3A_46 {dimension_numbers = #tpu.dot_dimension_numbers<[1], [0], [0], [1], [0, 0, 1, 1], [], []>, transpose_lhs_hint = false} : vector<2000x64xf32>, vector<64x64xf32>, vector<2000x64xf32> -> vector<2000x64xf32>
    %add3A_48 = arith.addf %dot_general3A_42, %dot_general3A_47 : vector<2000x64xf32>
    %get3A_49 = arith.constant 0 : index
    %get3A_50 = arith.constant 0 : index
    %get3A_51 = vector.load %arg11[%get3A_49, %get3A_50] : memref<1x64xf32, #tpu.memory_space<vmem>>, vector<1x64xf32>
    %add3A_52 = vector.broadcast %get3A_51 : vector<1x64xf32> to vector<2000x64xf32>
    %add3A_53 = arith.addf %add3A_48, %add3A_52 : vector<2000x64xf32>
    %logistic3A = arith.negf %add3A_53 : vector<2000x64xf32>
    %logistic3A_54 = math.exp %logistic3A : vector<2000x64xf32>
    %logistic3A_55 = arith.constant 1.000000e+00 : f32
    %logistic3A_56 = vector.broadcast %logistic3A_55 : f32 to vector<2000x64xf32>
    %logistic3A_57 = arith.addf %logistic3A_56, %logistic3A_54 : vector<2000x64xf32>
    %logistic3A_58 = arith.divf %logistic3A_56, %logistic3A_57 : vector<2000x64xf32>
    %swap3A = arith.constant 0 : index
    %swap3A_59 = arith.constant 0 : index
    %swap3A_60 = vector.load %arg13[%swap3A, %swap3A_59] : memref<2000x64xf32, #tpu.memory_space<vmem>>, vector<2000x64xf32>
    tpu.vector_store %arg13[%swap3A, %swap3A_59], %logistic3A_58 {strides = array<i32>} : memref<2000x64xf32, #tpu.memory_space<vmem>>, vector<2000x64xf32>,
    return
  }
  func.func @transform_0(%arg0: i32) -> (i32, i32) {
    %c0_i32 = arith.constant 0 : i32
    %c0_i32_0 = arith.constant 0 : i32
    return %arg0, %c0_i32 : i32, i32
  }
  func.func @transform_1(%arg0: i32) -> (i32, i32) {
    %c0_i32 = arith.constant 0 : i32
    %c0_i32_0 = arith.constant 0 : i32
    return %arg0, %c0_i32 : i32, i32
  }
  func.func @transform_2(%arg0: i32) -> (i32, i32) {
    %c0_i32 = arith.constant 0 : i32
    %c0_i32_0 = arith.constant 0 : i32
    return %arg0, %c0_i32 : i32, i32
  }
  func.func @transform_3(%arg0: i32) -> (i32, i32) {
    %c0_i32 = arith.constant 0 : i32
    %c0_i32_0 = arith.constant 0 : i32
    %c0_i32_1 = arith.constant 0 : i32
    return %c0_i32, %c0_i32_0 : i32, i32
  }
  func.func @transform_4(%arg0: i32) -> (i32, i32) {
    %c0_i32 = arith.constant 0 : i32
    %c0_i32_0 = arith.constant 0 : i32
    return %arg0, %c0_i32 : i32, i32
  }
  func.func @transform_5(%arg0: i32) -> (i32, i32) {
    %c0_i32 = arith.constant 0 : i32
    %c0_i32_0 = arith.constant 0 : i32
    return %arg0, %c0_i32 : i32, i32
  }
  func.func @transform_6(%arg0: i32) -> (i32, i32) {
    %c0_i32 = arith.constant 0 : i32
    %c0_i32_0 = arith.constant 0 : i32
    return %arg0, %c0_i32 : i32, i32
  }
  func.func @transform_7(%arg0: i32) -> (i32, i32) {
    %c0_i32 = arith.constant 0 : i32
    %c0_i32_0 = arith.constant 0 : i32
    %c0_i32_1 = arith.constant 0 : i32
    return %c0_i32, %c0_i32_0 : i32, i32
  }
  func.func @transform_8(%arg0: i32) -> (i32, i32) {
    %c0_i32 = arith.constant 0 : i32
    %c0_i32_0 = arith.constant 0 : i32
    %c0_i32_1 = arith.constant 0 : i32
    return %c0_i32, %c0_i32_0 : i32, i32
  }
  func.func @transform_9(%arg0: i32) -> (i32, i32) {
    %c0_i32 = arith.constant 0 : i32
    %c0_i32_0 = arith.constant 0 : i32
    %c0_i32_1 = arith.constant 0 : i32
    return %c0_i32, %c0_i32_0 : i32, i32
  }
  func.func @transform_10(%arg0: i32) -> (i32, i32) {
    %c0_i32 = arith.constant 0 : i32
    %c0_i32_0 = arith.constant 0 : i32
    %c0_i32_1 = arith.constant 0 : i32
    return %c0_i32, %c0_i32_0 : i32, i32
  }
  func.func @transform_11(%arg0: i32) -> (i32, i32) {
    %c0_i32 = arith.constant 0 : i32
    %c0_i32_0 = arith.constant 0 : i32
    return %arg0, %c0_i32 : i32, i32
  }
  func.func @transform_12(%arg0: i32) -> (i32, i32) {
    %c0_i32 = arith.constant 0 : i32
    %c0_i32_0 = arith.constant 0 : i32
    return %arg0, %c0_i32 : i32, i32
  }
}

</mosaic_0001>

<sc_bundles>
// kernel: kernel.29.cloned.1.call-start
scs
__scs_entry_jumppad:
0x0: {  	(pc) =	sbr.rel $0x88, $3  }
0x1: {  	(tag) =	ssettag $0x0;
	lr =	simm.s32 $0x1  }
0x2: {  	[smem:$0x3F96] =	sst lr;
	_ =	strace $0xD0000000  }
0x3: {  	_ = 	snop  }
0x4: {  	_ = 	snop  }
0x5: {  	_ = 	snop  }
0x6: {  	_ = 	snop  }
0x7: {  	_ = 	snop  }
__scs_overlays_trampoline_lowered:
0x8: {  	[smem:$0x3FA5] =	sst s0  }
0x9: {  	[smem:$0x3FA6] =	sst s1  }
0xa: {  	[smem:$0x3FA7] =	sst s2  }
0xb: {  	[smem:$0x3FA8] =	sst s3  }
0xc: {  	[smem:$0x3FA9] =	sst s4  }
0xd: {  	[smem:$0x3FAA] =	sst s5  }
0xe: {  	[smem:$0x3FAB] =	sst s6  }
0xf: {  	[smem:$0x3FAC] =	sst s7  }
0x10: {  	[smem:$0x3FAD] =	sst s8  }
0x11: {  	[smem:$0x3FAE] =	sst s9;
	s0 =	simm.s32 @!p0 $0x0  }
0x12: {  	s1 =	sld [smem:$0x3F94];
	s0 =	simm.s32 @p0 $0x1  }
0x13: {  	[smem:$0x3FAF] =	sst s0;
	s0 =	simm.s32 @!p1 $0x0  }
0x14: {  	s2 =	sld [smem:$0x3F93];
	s0 =	simm.s32 @p1 $0x1  }
0x15: {  	[smem:$0x3FB0] =	sst s0;
	s0 =	simm.s32 @!p2 $0x0  }
0x16: {  	s3 =	sld [smem:$0x3FDB];
	s0 =	simm.s32 @p2 $0x1  }
0x17: {  	s4 =	simm.s32 $0x1BF5;
	[smem:$0x3FB2] =	sst s0  }
0x18: {  	s0 =	sld [smem:$0x3F95];
	_ =	swait.ge [sflag:s4], $0x0  }
0x19: {  	s7 =	sld [smem:$0x3F96]  }
0x1a: {  	s8 =	sadd.s32 $0xFFFFE003, lr  }
0x1b: {  	s9 =	sadd.s32 $0xFFFFFEF7, lr;
	s5 =	simm.s32 $0xFFFFFFFF;
	p2 =	slt.u32 s8, $0xFFFFF086  }
0x1c: {  	p1 =	slt.u32 s9, $0xF7A;
	s5 =	simm.s32 @!p2 $0x0  }
0x1d: {  	s5 =	simm.s32 @p1 $0x1;
	p0 =	seq.s32 s7, s2  }
0x1e: {  	s7 =	smul.u32 @!p0 $0xF7A, s2;
	p2 =	seq.s32 @!p0 s5, $0x0  }
0x1f: {  	s9 =	smul.u32 $0xF7A, s1;
	s8 =	simm.s32 @!p0 $0x1BF5;
	p2 =	por !p2, p0  }
0x20: {  	[sflag:s8] =	ssyncset.s32 @!p0 $0xFFFFF086;
	s6 =	sadd.s32 @!p0 s3, s7;
	s7 =	simm.s32 @!p0 $0x108  }
0x21: {  	s3 =	sadd.s32 s3, s9;
	s6 =	sadd.s32 @!p0 $0x88, s6;
	s7 =	simm.s32 @p2 $0x1082  }
0x22: {  	[simem:s7], [sflag:s8] =	dma.local @!p0 [hbm:s6], $0xF7A  }
0x23: {  	s9 =	sor.u32 $0xD0000000, s2;
	s6 =	simm.s32 $0x108;
	_ =	swait.ge @!p0 [sflag:s8], $0x0  }
0x24: {  	s3 =	sadd.s32 $0x88, s3;
	s6 =	simm.s32 @!p1 $0x1082;
	[sflag:s4] =	ssyncset.s32 $0xFFFFF086  }
0x25: {  	[simem:s6], [sflag:s4] =	dma.local [hbm:s3], $0xF7A  }
0x26: {  	[smem:$0x3F96] =	sst s1;
	(tag) =	ssettag s2;
	_ =	strace s9  }
0x27: {  	s1 =	sld [smem:$0x3FA6]  }
0x28: {  	s2 =	sld [smem:$0x3FA7]  }
0x29: {  	s4 =	sld [smem:$0x3FA9]  }
0x2a: {  	p0 =	seq.s32 s5, $0x0;
	s5 =	sld [smem:$0x3FAA]  }
0x2b: {  	s6 =	sld [smem:$0x3FAB]  }
0x2c: {  	s7 =	sld [smem:$0x3FAC]  }
0x2d: {  	s3 =	simm.s32 $0x108;
	s8 =	sld [smem:$0x3FAD]  }
0x2e: {  	s3 =	simm.s32 @!p0 $0x1082;
	s9 =	sld [smem:$0x3FAE]  }
0x2f: {  	lr =	sadd.s32 s0, s3;
	s0 =	sld [smem:$0x3FA5]  }
0x30: {  	s3 =	sld [smem:$0x3FA8]  }
0x31: {  	[smem:$0x3FB1] =	sst s10  }
0x32: {  	s10 =	sld [smem:$0x3FAF];
	_ =	sdelay $0x3  }
0x33: {  	p0 =	seq.s32 s10, $0x1;
	s10 =	sld [smem:$0x3FB1];
	_ =	sdelay $0x3  }
0x34: {  	[smem:$0x3FB1] =	sst s10  }
0x35: {  	s10 =	sld [smem:$0x3FB0];
	_ =	sdelay $0x3  }
0x36: {  	p1 =	seq.s32 s10, $0x1;
	s10 =	sld [smem:$0x3FB1];
	_ =	sdelay $0x3  }
0x37: {  	[smem:$0x3FB1] =	sst s10  }
0x38: {  	s10 =	sld [smem:$0x3FB2]  }
0x39: {  	_ = 	snop;
	(pc) =	sbr.ind lr, $3  }
0x3a: {  	_ = 	snop  }
0x3b: {  	_ = 	snop  }
0x3c: {  	p2 =	seq.s32 s10, $0x1;
	s10 =	sld [smem:$0x3FB1]  }
0x3d: {  	_ =	shalt  }
0x3e: {  	_ =	shalt  }
0x3f: {  	_ =	shalt  }
0x40: {  	_ =	shalt  }
0x41: {  	_ =	shalt  }
0x42: {  	_ =	shalt  }
0x43: {  	_ =	shalt  }
0x44: {  	_ =	shalt  }
0x45: {  	_ =	shalt  }
0x46: {  	_ =	shalt  }
0x47: {  	_ =	shalt  }
0x48: {  	_ =	shalt  }
0x49: {  	_ =	shalt  }
0x4a: {  	_ =	shalt  }
0x4b: {  	_ =	shalt  }
0x4c: {  	_ =	shalt  }
0x4d: {  	_ =	shalt  }
0x4e: {  	_ =	shalt  }
0x4f: {  	_ =	shalt  }
0x50: {  	_ =	shalt  }
0x51: {  	_ =	shalt  }
0x52: {  	_ =	shalt  }
0x53: {  	_ =	shalt  }
0x54: {  	_ =	shalt  }
0x55: {  	_ =	shalt  }
0x56: {  	_ =	shalt  }
0x57: {  	_ =	shalt  }
0x58: {  	_ =	shalt  }
0x59: {  	_ =	shalt  }
0x5a: {  	_ =	shalt  }
0x5b: {  	_ =	shalt  }
0x5c: {  	_ =	shalt  }
0x5d: {  	_ =	shalt  }
0x5e: {  	_ =	shalt  }
0x5f: {  	_ =	shalt  }
0x60: {  	_ =	shalt  }
0x61: {  	_ =	shalt  }
0x62: {  	_ =	shalt  }
0x63: {  	_ =	shalt  }
0x64: {  	_ =	shalt  }
0x65: {  	_ =	shalt  }
0x66: {  	_ =	shalt  }
0x67: {  	_ =	shalt  }
0x68: {  	_ =	shalt  }
0x69: {  	_ =	shalt  }
0x6a: {  	_ =	shalt  }
0x6b: {  	_ =	shalt  }
0x6c: {  	_ =	shalt  }
0x6d: {  	_ =	shalt  }
0x6e: {  	_ =	shalt  }
0x6f: {  	_ =	shalt  }
0x70: {  	_ =	shalt  }
0x71: {  	_ =	shalt  }
0x72: {  	_ =	shalt  }
0x73: {  	_ =	shalt  }
0x74: {  	_ =	shalt  }
0x75: {  	_ =	shalt  }
0x76: {  	_ =	shalt  }
0x77: {  	_ =	shalt  }
0x78: {  	_ =	shalt  }
0x79: {  	_ =	shalt  }
0x7a: {  	_ =	shalt  }
0x7b: {  	_ =	shalt  }
0x7c: {  	_ =	shalt  }
0x7d: {  	_ =	shalt  }
0x7e: {  	_ =	shalt  }
0x7f: {  	_ =	shalt  }
0x80: {  	_ =	shalt  }
0x81: {  	_ =	shalt  }
0x82: {  	_ =	shalt  }
0x83: {  	_ =	shalt  }
0x84: {  	_ =	shalt  }
0x85: {  	_ =	shalt  }
0x86: {  	_ =	shalt  }
0x87: {  	_ =	shalt  }
.Lfunc_end0:
.L_simem_size_0:
called_computation_lowered:
.L_overlay_start_0:
0x88: {  	s2 =	sld [smem:$0x3FD9]  }
0x89: {  	s3 =	sld [smem:$0x3FFE];
	_ =	sdelay $0x1  }
0x8a: {  	s1 =	srdreg.scid  }
0x8b: {  	s0 =	sand.u32 $0x1, s1  }
0x8c: {  	s17 =	sshll.u32 s0, $0xA;
	s2 =	sadd.s32 s3, s2  }
0x8d: {  	s2 =	sadd.s32 s2, s17  }
0x8e: {  	[smem:$0x3FBD] =	sst s2  }
0x8f: {  	_ = 	snop  }
0x90: {  	s2 =	sld [smem:$0x3FD0];
	(tm) =	ssettm $0x1  }
0x91: {  	s18 =	sld [smem:$0x3FFB];
	_ =	sdelay $0x3  }
0x92: {  	_ =	strace s18  }
0x93: {  	s3 =	sld [smem:$0x3FFC];
	_ =	sdelay $0x3  }
0x94: {  	_ =	strace s3  }
0x95: {  	s3 =	sld [smem:$0x3FFD];
	_ =	sdelay $0x3  }
0x96: {  	_ =	strace s3  }
0x97: {  	_ =	strace $0x8FFFFFFF  }
0x98: {  	s19 =	sld [smem:$0x3FDB];
	_ =	sdelay $0x1  }
0x99: {  	s4 =	simm.s32 $_scs_section_size  }
0x9a: {  	s5 =	simm.s32 $_size__tile_overlayer_lowered;
	s6 =	simm.s32 $_tile_overlayer_lowered  }
0x9b: {  	s22 =	simm.s32 $0x1BFF;
	s21 =	sshll.u32 s6, $0x1;
	s3 =	sadd.s32 s4, s19  }
0x9c: {  	s7 =	simm.s32 $0x0;
	s20 =	sshll.u32 s5, $0x1;
	s5 =	sadd.s32 s21, s3  }
0x9d: {  	[timem:s7], [sflag:s22] =	dma.local [hbm:s5], s20  }
0x9e: {  	_ =	swait.ge [sflag:s22], s20  }
0x9f: {  	s4 =	ssub.s32 $0x0, s20;
	[sflag:s22] =	ssyncset.done $0x0  }
0xa0: {  	[sflag:s22] =	ssyncadd.s32 s4;
	_ =	sdelay $0x1  }
0xa1: {  	s23 =	simm.s32 $0x1B8B  }
0xa2: {  	_ =	swait.ge [sflag:s23], $0x1  }
0xa3: {  	[sflag:s23] =	ssyncset.done $0x0  }
0xa4: {  	s25 =	simm.s32 $0x1B8E;
	s24 =	sld [smem:$0x3FFE];
	[sflag:s23] =	ssyncadd.s32 $0xFFFFFFFF  }
0xa5: {  	s26 =	simm.s32 $execute0_lowered;
	[smem:$0x3FD2] =	sst s25  }
0xa6: {  	s5 =	sshll.u32 s26, $0x1;
	_ =	strace $0x80000046;
	[dreg:$0x1] =	wrdreg $0xFFFFFFFF  }
0xa7: {  	s28 =	simm.s32 $_size_execute0_lowered;
	s3 =	sadd.s32 s3, s5;
	[dreg:$0x0] =	wrdreg $0x0  }
0xa8: {  	s5 =	sshll.u32 s28, $0x1;
	[dreg:$0x2] =	wrdreg s3  }
0xa9: {  	[dreg:$0x3] =	wrdreg s5  }
0xaa: {  	[dreg:$0x4] =	wrdreg $0xC0  }
0xab: {  	_ =	task [dreg:s7], $0x5FFFF  }
0xac: {  	[dreg:$0x1] =	wrdreg $0xFFFFFFFF  }
0xad: {  	[dreg:$0x0] =	wrdreg $0x60  }
0xae: {  	[dreg:$0x2] =	wrdreg s24  }
0xaf: {  	[dreg:$0x3] =	wrdreg s2  }
0xb0: {  	[dreg:$0x4] =	wrdreg $0x9000  }
0xb1: {  	[dreg:$0x5] =	wrdreg $0x9  }
0xb2: {  	_ =	task.clear_ibuf [dreg:s7], $0x6FFFF;
	_ =	strace $0x90000046  }
0xb3: {  	s29 =	simm.s32 $0x9;
	_ =	strace $0x80000048  }
0xb4: {  	_ =	swait.ge [sflag:s29], $0x1  }
0xb5: {  	[sflag:s29] =	ssyncadd.s32 $0xFFFFFFFF  }
0xb6: {  	_ =	strace $0x90000048  }
0xb7: {  	_ =	sfence  }
0xb8: {  	s30 =	sld [smem:$0x0];
	_ =	sdelay $0x2  }
0xb9: {  	s31 =	sshll.u32 s1, $0xD;
	s1 =	sshrl.u32 s1, $0x2  }
0xba: {  	s3 =	sand.u32 $0x4000, s31;
	s1 =	sadd.s32 s1, s30  }
0xbb: {  	s0 =	sor.u32 s3, s0;
	s1 =	sshll.u32 s1, $0x11  }
0xbc: {  	s0 =	sor.u32 s1, s0  }
0xbd: {  	s0 =	sadd.s32 $0x8F2B, s0  }
0xbe: {  	[sflag:s0] =	ssyncadd.remote.s32 $0x1  }
0xbf: {  	_ =	sfence.sel $0xFFFF  }
0xc0: {  	[dreg:$0x0] =	wrdreg $0xFFFFFFFF;
	(pc) =	sbr.abs _section_cstart, $3  }
0xc1: {  	[dreg:$0x1] =	wrdreg $0xFFFFFFFF  }
0xc2: {  	_ =	task.clear_ibuf [dreg:s7], $0x2FFFF;
	_ =	strace $0x9FFFFFFF  }
0xc3: {  	(tm) =	ssettm $0x7FFFFFFF  }
tec
execute0_lowered:
.L_overlay_start_1:
0x0: {  	(tag) =	ssettag $0x1  }
0x1: {  	s4 =	rddreg [dreg:$0x0]  }
0x2: {  	s0 =	srdreg.scid;
	s6 =	rddreg [dreg:$0x1]  }
0x3: {  	s2 =	rddreg [dreg:$0x2];
	s5 =	sand.u32 $0x1, s0  }
0x4: {  	s0 =	stileid.u32;
	s7 =	smul.u32 $0x2710, s5  }
0x5: {  	s1 =	rddreg [dreg:$0x3];
	s3 =	simm.s32 $0x0;
	s8 =	smul.u32 $0x4E20, s0  }
0x6: {  	s12 =	simm.s32 $0x80;
	s13 =	simm.s32 $0x0;
	s9 =	smul.u32 $0x1F40, s0  }
0x7: {  	[smem:$0x7FF] =	sst s3;
	s5 =	ssub.s32 $0x2, s5;
	s10 =	smul.u32 $0x7D0, s0  }
0x8: {  	_ =	strace $0x80000047;
	p0 =	sgt.u32 s0, $0x4;
	s30 =	sshrl.u32 s5, $0x1  }
0x9: {  	s8 =	sadd.s32 s7, s8;
	s11 =	ssub.s32 s5, s30;
	s31 =	sshrl.u32 s9, $0x2  }
0xa: {  	s7 =	sadd.s32 s10, s7;
	s5 =	sadd.s32 s10, s2;
	s9 =	simm.s32 $0x100  }
0xb: {  	s10 =	simm.s32 $0x1;
	s8 =	sshrl.u32 s8, $0x3;
	s7 =	sshrl.u32 s7, $0x3  }
0xc: {  	s8 =	sadd.s32 s8, s4;
	s4 =	sadd.s32 s31, s2;
	s6 =	sadd.s32 s6, s7  }
0xd: {  	v0 =	vimm.f32 $1.000000000e+00;
	v1 =	vimm.f32 $0.0e+00;
	s7 =	smax.u32 s11, $0x1;
	s11 =	simm.s32 $0x50;
	s8 =	sadd.s32 $0x14600, s8  }
.LBB2_1:
.Ltmp0:
0xe: {  	[tilespmem:$0x80] =	vst v0;
	(pc) =	sbr.rel @p0 .LBB2_5-.Ltmp0, $4  }
0xf: {  	[tilespmem:$0x90] =	vst v0  }
0x10: {  	[tilespmem:$0xA0] =	vst v0  }
0x11: {  	[tilespmem:$0xB0] =	vst v0  }
0x12: {  	[tilespmem:$0xC0] =	vst v0  }
0x13: {  	s14 =	simm.s32 $0x40;
	s15 =	simm.s32 $0x0  }
.LBB2_3:
0x14: {  	p1 =	sne.s32 s14, $0x1F00;
	[tilespmem:s15+$0x100] =	vst v1;
	s15 =	smov.u32 s14;
	s14 =	sadd.s32 $0x40, s14  }
.Ltmp1:
0x15: {  	(pc) =	sbr.rel @p1 .LBB2_3-.Ltmp1, $2  }
0x16: {  	_ =	sdelay $0x2  }
0x17: {  	s15 =	sshra.s32 s15, $0x2  }
0x18: {  	[tilespmem:s15+$0x100] =	vst v1  }
0x19: {  	[spmem:s4] =	stream.linear.scatter [tilespmem:s9], [sflag:$0x1], $0x7D0, $0x38;
	[tilespmem:$0xB78] =	vst v63  }
0x1a: {  	_ =	swait.ge [sflag:s10], $0x7D0  }
0x1b: {  	[sflag:s10] =	ssyncset.done $0x0  }
0x1c: {  	[sflag:s10] =	ssyncadd.s32 $0xFFFFF830  }
.LBB2_5:
0x1d: {  	[bflag:$0x0] =	sbarrier.arrive $0xFFFF;
	s14 =	sadd.s32 $0x0, s8  }
0x1e: {  	[tilespmem:s3], [sflag:$0x1] =	stream.linear.gather [hbm4b:s14+s3], $0x50, $0x38;
	[tilespmem:$0xB78] =	vst v63  }
0x1f: {  	_ =	swait.ge [sflag:s10], $0x50  }
0x20: {  	[sflag:s10] =	ssyncset.done $0x0  }
0x21: {  	[sflag:s10] =	ssyncadd.s32 $0xFFFFFFB0  }
0x22: {  	[spmem:s2] =	stream.indirect.scatter.add.f32 [tilespmem:s12], [sflag:$0x1], $0x1, s3, s11, $0xb8;
	[tilespmem:$0xB78] =	vst v63  }
0x23: {  	_ =	swait.ge [sflag:s10], $0x50  }
0x24: {  	s15 =	simm.s32 $0x14;
	s14 =	simm.s32 $0xA;
	[sflag:s10] =	ssyncset.done $0x0  }
.LBB2_6:
0x25: {  	s16 =	sadd.s32 s14, s8  }
0x26: {  	[sflag:s10] =	ssyncadd.s32 $0xFFFFFFB0;
	s14 =	smov.u32 s15;
	s17 =	sadd.s32 $0xA, s15  }
0x27: {  	[tilespmem:s3], [sflag:$0x1] =	stream.linear.gather [hbm4b:s16+s3], $0x50, $0x38;
	[tilespmem:$0xB78] =	vst v63  }
0x28: {  	p1 =	sne.s32 s15, $0x4D8;
	_ =	swait.ge [sflag:s10], $0x50  }
.Ltmp2:
0x29: {  	[sflag:s10] =	ssyncset.done $0x0;
	(pc) =	sbr.rel @p1 .LBB2_6-.Ltmp2, $4  }
0x2a: {  	[sflag:s10] =	ssyncadd.s32 $0xFFFFFFB0  }
0x2b: {  	[spmem:s2] =	stream.indirect.scatter.add.f32 [tilespmem:s12], [sflag:$0x1], $0x1, s3, s11, $0xb8;
	[tilespmem:$0xB78] =	vst v63  }
0x2c: {  	_ =	swait.ge [sflag:s10], $0x50  }
0x2d: {  	s15 =	smov.u32 s17;
	[sflag:s10] =	ssyncset.done $0x0  }
0x2e: {  	s14 =	sadd.s32 s14, s8;
	[sflag:s10] =	ssyncadd.s32 $0xFFFFFFB0  }
0x2f: {  	[tilespmem:s3], [sflag:$0x1] =	stream.linear.gather [hbm4b:s14+s3], $0x50, $0x38;
	[tilespmem:$0xB78] =	vst v63  }
0x30: {  	_ =	swait.ge [sflag:s10], $0x50  }
0x31: {  	[sflag:s10] =	ssyncset.done $0x0  }
0x32: {  	[sflag:s10] =	ssyncadd.s32 $0xFFFFFFB0  }
0x33: {  	[spmem:s2] =	stream.indirect.scatter.add.f32 [tilespmem:s12], [sflag:$0x1], $0x1, s3, s11, $0xb8;
	[tilespmem:$0xB78] =	vst v63  }
0x34: {  	_ =	swait.ge [sflag:s10], $0x50  }
0x35: {  	[sflag:s10] =	ssyncset.done $0x0  }
0x36: {  	[sflag:s10] =	ssyncadd.s32 $0xFFFFFFB0  }
0x37: {  	s15 =	simm.s32 @!p0 $0x1;
	s14 =	simm.s32 @!p0 $0x100;
	[bflag:$0x0] =	sbarrier.arrive $0xFFFF  }
0x38: {  	[tilespmem:s14], [sflag:$0x1] =	stream.linear.gather @!p0 [spmem:s5], $0x7D0, $0x38;
	[tilespmem:$0xB78] =	vst v63  }
0x39: {  	s13 =	sadd.s32 $0x1, s13;
	_ =	swait.ge @!p0 [sflag:s15], $0x7D0  }
0x3a: {  	p1 =	sne.s32 s13, s7;
	[sflag:s15] =	ssyncset.done @!p0 $0x0  }
.Ltmp3:
0x3b: {  	s16 =	simm.s32 @!p0 $0x0;
	[sflag:s15] =	ssyncadd.s32 @!p0 $0xFFFFF830;
	(pc) =	sbr.rel @p1 .LBB2_1-.Ltmp3, $4  }
0x3c: {  	[hbm4b:s6+s16] =	stream.linear.scatter @!p0 [tilespmem:s14], [sflag:$0x1], $0x7D0, $0x38;
	[tilespmem:$0xB78] =	vst v63  }
0x3d: {  	_ =	swait.ge @!p0 [sflag:s15], $0x7D0  }
0x3e: {  	[sflag:s15] =	ssyncset.done @!p0 $0x0  }
0x3f: {  	[sflag:s15] =	ssyncadd.s32 @!p0 $0xFFFFF830  }
0x40: {  	_ =	sfence.sel $0x180000  }
0x41: {  	[bflag:$0x0] =	sbarrier.arrive $0xFFFF  }
0x42: {  	p0 =	sne.s32 s0, $0x0;
	_ =	strace $0x90000047  }
0x43: {  	s0 =	sadd.s32 @!p0 $0x100000, s1;
	[bflag:$0x2] =	sbarrier.arrive $0xFFFF  }
0x44: {  	[sflag:s0] =	ssyncadd.tile.s32 @!p0 $0x1;
	_ =	shalt  }
.Lfunc_end2:
_tile_overlayer_lowered:
.L_overlay_start_2:
0x45: {  	(tag) =	ssettag $0x2  }
0x46: {  	s0 =	rddreg [dreg:$0x0];
	s2 =	stileid.u32  }
0x47: {  	s1 =	rddreg [dreg:$0x1];
	p0 =	sne.s32 s2, $0x0  }
0x48: {  	s3 =	rddreg [dreg:$0x2];
	[bflag:$0x3] =	sbarrier.arrive $0xFFFF;
	s2 =	simm.s32 @!p0 $0x1C01  }
0x49: {  	[timem:s3], [sflag:s2] =	dma.local @!p0 [hbm:s0], s1  }
0x4a: {  	s0 =	simm.s32 @!p0 $0x1  }
0x4b: {  	_ =	swait.ge @!p0 [sflag:s0], s1  }
0x4c: {  	s1 =	ssub.s32 @!p0 $0x0, s1;
	[sflag:s0] =	ssyncset.done @!p0 $0x0  }
0x4d: {  	[sflag:s0] =	ssyncadd.s32 @!p0 s1  }
0x4e: {  	[bflag:$0x3] =	sbarrier.arrive $0xFFFF  }
0x4f: {  	_ =	shalt  }

// kernel: kernel.32.cloned.1.call-start
scs
__scs_entry_jumppad:
0x0: {  	(pc) =	sbr.rel $0x88, $3  }
0x1: {  	(tag) =	ssettag $0x0;
	lr =	simm.s32 $0x1  }
0x2: {  	[smem:$0x3F96] =	sst lr;
	_ =	strace $0xD0000000  }
0x3: {  	_ = 	snop  }
0x4: {  	_ = 	snop  }
0x5: {  	_ = 	snop  }
0x6: {  	_ = 	snop  }
0x7: {  	_ = 	snop  }
__scs_overlays_trampoline_lowered:
0x8: {  	[smem:$0x3FA5] =	sst s0  }
0x9: {  	[smem:$0x3FA6] =	sst s1  }
0xa: {  	[smem:$0x3FA7] =	sst s2  }
0xb: {  	[smem:$0x3FA8] =	sst s3  }
0xc: {  	[smem:$0x3FA9] =	sst s4  }
0xd: {  	[smem:$0x3FAA] =	sst s5  }
0xe: {  	[smem:$0x3FAB] =	sst s6  }
0xf: {  	[smem:$0x3FAC] =	sst s7  }
0x10: {  	[smem:$0x3FAD] =	sst s8  }
0x11: {  	[smem:$0x3FAE] =	sst s9;
	s0 =	simm.s32 @!p0 $0x0  }
0x12: {  	s1 =	sld [smem:$0x3F94];
	s0 =	simm.s32 @p0 $0x1  }
0x13: {  	[smem:$0x3FAF] =	sst s0;
	s0 =	simm.s32 @!p1 $0x0  }
0x14: {  	s2 =	sld [smem:$0x3F93];
	s0 =	simm.s32 @p1 $0x1  }
0x15: {  	[smem:$0x3FB0] =	sst s0;
	s0 =	simm.s32 @!p2 $0x0  }
0x16: {  	s3 =	sld [smem:$0x3FDB];
	s0 =	simm.s32 @p2 $0x1  }
0x17: {  	s4 =	simm.s32 $0x1BF5;
	[smem:$0x3FB2] =	sst s0  }
0x18: {  	s0 =	sld [smem:$0x3F95];
	_ =	swait.ge [sflag:s4], $0x0  }
0x19: {  	s7 =	sld [smem:$0x3F96]  }
0x1a: {  	s8 =	sadd.s32 $0xFFFFE003, lr  }
0x1b: {  	s9 =	sadd.s32 $0xFFFFFEF7, lr;
	s5 =	simm.s32 $0xFFFFFFFF;
	p2 =	slt.u32 s8, $0xFFFFF086  }
0x1c: {  	p1 =	slt.u32 s9, $0xF7A;
	s5 =	simm.s32 @!p2 $0x0  }
0x1d: {  	s5 =	simm.s32 @p1 $0x1;
	p0 =	seq.s32 s7, s2  }
0x1e: {  	s7 =	smul.u32 @!p0 $0xF7A, s2;
	p2 =	seq.s32 @!p0 s5, $0x0  }
0x1f: {  	s9 =	smul.u32 $0xF7A, s1;
	s8 =	simm.s32 @!p0 $0x1BF5;
	p2 =	por !p2, p0  }
0x20: {  	[sflag:s8] =	ssyncset.s32 @!p0 $0xFFFFF086;
	s6 =	sadd.s32 @!p0 s3, s7;
	s7 =	simm.s32 @!p0 $0x108  }
0x21: {  	s3 =	sadd.s32 s3, s9;
	s6 =	sadd.s32 @!p0 $0x88, s6;
	s7 =	simm.s32 @p2 $0x1082  }
0x22: {  	[simem:s7], [sflag:s8] =	dma.local @!p0 [hbm:s6], $0xF7A  }
0x23: {  	s9 =	sor.u32 $0xD0000000, s2;
	s6 =	simm.s32 $0x108;
	_ =	swait.ge @!p0 [sflag:s8], $0x0  }
0x24: {  	s3 =	sadd.s32 $0x88, s3;
	s6 =	simm.s32 @!p1 $0x1082;
	[sflag:s4] =	ssyncset.s32 $0xFFFFF086  }
0x25: {  	[simem:s6], [sflag:s4] =	dma.local [hbm:s3], $0xF7A  }
0x26: {  	[smem:$0x3F96] =	sst s1;
	(tag) =	ssettag s2;
	_ =	strace s9  }
0x27: {  	s1 =	sld [smem:$0x3FA6]  }
0x28: {  	s2 =	sld [smem:$0x3FA7]  }
0x29: {  	s4 =	sld [smem:$0x3FA9]  }
0x2a: {  	p0 =	seq.s32 s5, $0x0;
	s5 =	sld [smem:$0x3FAA]  }
0x2b: {  	s6 =	sld [smem:$0x3FAB]  }
0x2c: {  	s7 =	sld [smem:$0x3FAC]  }
0x2d: {  	s3 =	simm.s32 $0x108;
	s8 =	sld [smem:$0x3FAD]  }
0x2e: {  	s3 =	simm.s32 @!p0 $0x1082;
	s9 =	sld [smem:$0x3FAE]  }
0x2f: {  	lr =	sadd.s32 s0, s3;
	s0 =	sld [smem:$0x3FA5]  }
0x30: {  	s3 =	sld [smem:$0x3FA8]  }
0x31: {  	[smem:$0x3FB1] =	sst s10  }
0x32: {  	s10 =	sld [smem:$0x3FAF];
	_ =	sdelay $0x3  }
0x33: {  	p0 =	seq.s32 s10, $0x1;
	s10 =	sld [smem:$0x3FB1];
	_ =	sdelay $0x3  }
0x34: {  	[smem:$0x3FB1] =	sst s10  }
0x35: {  	s10 =	sld [smem:$0x3FB0];
	_ =	sdelay $0x3  }
0x36: {  	p1 =	seq.s32 s10, $0x1;
	s10 =	sld [smem:$0x3FB1];
	_ =	sdelay $0x3  }
0x37: {  	[smem:$0x3FB1] =	sst s10  }
0x38: {  	s10 =	sld [smem:$0x3FB2]  }
0x39: {  	_ = 	snop;
	(pc) =	sbr.ind lr, $3  }
0x3a: {  	_ = 	snop  }
0x3b: {  	_ = 	snop  }
0x3c: {  	p2 =	seq.s32 s10, $0x1;
	s10 =	sld [smem:$0x3FB1]  }
0x3d: {  	_ =	shalt  }
0x3e: {  	_ =	shalt  }
0x3f: {  	_ =	shalt  }
0x40: {  	_ =	shalt  }
0x41: {  	_ =	shalt  }
0x42: {  	_ =	shalt  }
0x43: {  	_ =	shalt  }
0x44: {  	_ =	shalt  }
0x45: {  	_ =	shalt  }
0x46: {  	_ =	shalt  }
0x47: {  	_ =	shalt  }
0x48: {  	_ =	shalt  }
0x49: {  	_ =	shalt  }
0x4a: {  	_ =	shalt  }
0x4b: {  	_ =	shalt  }
0x4c: {  	_ =	shalt  }
0x4d: {  	_ =	shalt  }
0x4e: {  	_ =	shalt  }
0x4f: {  	_ =	shalt  }
0x50: {  	_ =	shalt  }
0x51: {  	_ =	shalt  }
0x52: {  	_ =	shalt  }
0x53: {  	_ =	shalt  }
0x54: {  	_ =	shalt  }
0x55: {  	_ =	shalt  }
0x56: {  	_ =	shalt  }
0x57: {  	_ =	shalt  }
0x58: {  	_ =	shalt  }
0x59: {  	_ =	shalt  }
0x5a: {  	_ =	shalt  }
0x5b: {  	_ =	shalt  }
0x5c: {  	_ =	shalt  }
0x5d: {  	_ =	shalt  }
0x5e: {  	_ =	shalt  }
0x5f: {  	_ =	shalt  }
0x60: {  	_ =	shalt  }
0x61: {  	_ =	shalt  }
0x62: {  	_ =	shalt  }
0x63: {  	_ =	shalt  }
0x64: {  	_ =	shalt  }
0x65: {  	_ =	shalt  }
0x66: {  	_ =	shalt  }
0x67: {  	_ =	shalt  }
0x68: {  	_ =	shalt  }
0x69: {  	_ =	shalt  }
0x6a: {  	_ =	shalt  }
0x6b: {  	_ =	shalt  }
0x6c: {  	_ =	shalt  }
0x6d: {  	_ =	shalt  }
0x6e: {  	_ =	shalt  }
0x6f: {  	_ =	shalt  }
0x70: {  	_ =	shalt  }
0x71: {  	_ =	shalt  }
0x72: {  	_ =	shalt  }
0x73: {  	_ =	shalt  }
0x74: {  	_ =	shalt  }
0x75: {  	_ =	shalt  }
0x76: {  	_ =	shalt  }
0x77: {  	_ =	shalt  }
0x78: {  	_ =	shalt  }
0x79: {  	_ =	shalt  }
0x7a: {  	_ =	shalt  }
0x7b: {  	_ =	shalt  }
0x7c: {  	_ =	shalt  }
0x7d: {  	_ =	shalt  }
0x7e: {  	_ =	shalt  }
0x7f: {  	_ =	shalt  }
0x80: {  	_ =	shalt  }
0x81: {  	_ =	shalt  }
0x82: {  	_ =	shalt  }
0x83: {  	_ =	shalt  }
0x84: {  	_ =	shalt  }
0x85: {  	_ =	shalt  }
0x86: {  	_ =	shalt  }
0x87: {  	_ =	shalt  }
.Lfunc_end0:
.L_simem_size_0:
called_computation.1_lowered:
.L_overlay_start_0:
0x88: {  	s2 =	sld [smem:$0x3FD9]  }
0x89: {  	s3 =	sld [smem:$0x3FFE];
	_ =	sdelay $0x1  }
0x8a: {  	s1 =	srdreg.scid  }
0x8b: {  	s0 =	sand.u32 $0x1, s1  }
0x8c: {  	s17 =	sshll.u32 s0, $0xA;
	s2 =	sadd.s32 s3, s2  }
0x8d: {  	s2 =	sadd.s32 s2, s17  }
0x8e: {  	[smem:$0x3FBD] =	sst s2  }
0x8f: {  	_ = 	snop  }
0x90: {  	(tm) =	ssettm $0x1  }
0x91: {  	s18 =	sld [smem:$0x3FFB];
	_ =	sdelay $0x3  }
0x92: {  	_ =	strace s18  }
0x93: {  	s2 =	sld [smem:$0x3FFC];
	_ =	sdelay $0x3  }
0x94: {  	_ =	strace s2  }
0x95: {  	s2 =	sld [smem:$0x3FFD];
	_ =	sdelay $0x3  }
0x96: {  	_ =	strace s2  }
0x97: {  	_ =	strace $0x8FFFFFFF  }
0x98: {  	s19 =	sld [smem:$0x3FDB];
	_ =	sdelay $0x1  }
0x99: {  	s20 =	simm.s32 $_scs_section_size  }
0x9a: {  	s4 =	simm.s32 $_size__tile_overlayer_lowered;
	s5 =	simm.s32 $_tile_overlayer_lowered  }
0x9b: {  	s6 =	simm.s32 $0x1BFF;
	s21 =	sshll.u32 s5, $0x1;
	s3 =	sadd.s32 s20, s19  }
0x9c: {  	s22 =	simm.s32 $0x0;
	s4 =	sshll.u32 s4, $0x1;
	s5 =	sadd.s32 s21, s3  }
0x9d: {  	[timem:s22], [sflag:s6] =	dma.local [hbm:s5], s4  }
0x9e: {  	_ =	swait.ge [sflag:s6], s4  }
0x9f: {  	s4 =	ssub.s32 $0x0, s4;
	[sflag:s6] =	ssyncset.done $0x0  }
0xa0: {  	[sflag:s6] =	ssyncadd.s32 s4;
	_ =	sdelay $0x1  }
0xa1: {  	s23 =	simm.s32 $0x1B8B  }
0xa2: {  	_ =	swait.ge [sflag:s23], $0x1  }
0xa3: {  	[sflag:s23] =	ssyncset.done $0x0  }
0xa4: {  	[sflag:s23] =	ssyncadd.s32 $0xFFFFFFFF  }
0xa5: {  	s4 =	sld [smem:$0x0]  }
0xa6: {  	s5 =	sand.u32 $0xFFFFFFFE, s1  }
0xa7: {  	p0 =	sne.s32 s1, s5  }
0xa8: {  	s5 =	sshll.u32 @p0 s5, $0xE  }
0xa9: {  	s5 =	sadd.s32 @p0 $0x11B8D, s5;
	s6 =	sshll.u32 @p0 s4, $0x11  }
0xaa: {  	s5 =	sor.u32 @p0 s6, s5  }
0xab: {  	[sflag:s5] =	ssyncadd.remote.s32 @p0 $0x1;
	_ =	sdelay $0x1  }
0xac: {  	s5 =	simm.s32 @p0 $0x1B8D  }
0xad: {  	_ =	swait.eq @p0 [sflag:s5], $0x1  }
0xae: {  	[sflag:s5] =	ssyncadd.s32 @p0 $0xFFFFFFFF  }
0xaf: {  	s6 =	sshll.u32 @!p0 s1, $0xE  }
0xb0: {  	s6 =	sor.u32 @!p0 $0x4000, s6;
	s5 =	simm.s32 @!p0 $0x1B8D  }
0xb1: {  	s4 =	sshll.u32 @!p0 s4, $0x11;
	s6 =	sadd.s32 @!p0 $0x11B8D, s6;
	_ =	swait.eq @!p0 [sflag:s5], $0x1  }
0xb2: {  	s4 =	sor.u32 @!p0 s4, s6;
	[sflag:s5] =	ssyncadd.s32 @!p0 $0xFFFFFFFF  }
0xb3: {  	s25 =	simm.s32 $0x1B8E;
	s24 =	sld [smem:$0x3FFE];
	[sflag:s4] =	ssyncadd.remote.s32 @!p0 $0x1  }
0xb4: {  	s26 =	simm.s32 $execute0_lowered;
	[smem:$0x3FD2] =	sst s25  }
0xb5: {  	s5 =	sshll.u32 s26, $0x1;
	_ =	strace $0x80000061;
	[dreg:$0x1] =	wrdreg $0xFFFFFFFF  }
0xb6: {  	s28 =	simm.s32 $_size_execute0_lowered;
	s3 =	sadd.s32 s3, s5;
	[dreg:$0x0] =	wrdreg $0x0  }
0xb7: {  	s5 =	sshll.u32 s28, $0x1;
	[dreg:$0x2] =	wrdreg s3  }
0xb8: {  	[dreg:$0x3] =	wrdreg s5  }
0xb9: {  	[dreg:$0x4] =	wrdreg $0xC0  }
0xba: {  	_ =	task [dreg:s22], $0x5FFFF  }
0xbb: {  	[dreg:$0x1] =	wrdreg $0xFFFFFFFF  }
0xbc: {  	[dreg:$0x0] =	wrdreg $0x60  }
0xbd: {  	[dreg:$0x2] =	wrdreg s24  }
0xbe: {  	[dreg:$0x3] =	wrdreg $0x28A00  }
0xbf: {  	[dreg:$0x4] =	wrdreg $0x9  }
0xc0: {  	_ =	task.clear_ibuf [dreg:s22], $0x5FFFF;
	_ =	strace $0x90000061  }
0xc1: {  	s29 =	simm.s32 $0x9;
	_ =	strace $0x80000063  }
0xc2: {  	_ =	swait.ge [sflag:s29], $0x1  }
0xc3: {  	[sflag:s29] =	ssyncadd.s32 $0xFFFFFFFF  }
0xc4: {  	_ =	strace $0x90000063  }
0xc5: {  	_ =	sfence  }
0xc6: {  	s30 =	sld [smem:$0x0];
	_ =	sdelay $0x2  }
0xc7: {  	s31 =	sshll.u32 s1, $0xD;
	s1 =	sshrl.u32 s1, $0x2  }
0xc8: {  	s4 =	sand.u32 $0x4000, s31;
	s1 =	sadd.s32 s1, s30  }
0xc9: {  	s0 =	sor.u32 s4, s0;
	s1 =	sshll.u32 s1, $0x11  }
0xca: {  	s0 =	sor.u32 s1, s0  }
0xcb: {  	s0 =	sadd.s32 $0x8F2B, s0  }
0xcc: {  	[sflag:s0] =	ssyncadd.remote.s32 $0x1  }
0xcd: {  	_ =	sfence.sel $0xFFFF  }
0xce: {  	[dreg:$0x0] =	wrdreg $0xFFFFFFFF;
	(pc) =	sbr.abs _section_cstart, $3  }
0xcf: {  	[dreg:$0x1] =	wrdreg $0xFFFFFFFF  }
0xd0: {  	_ =	task.clear_ibuf [dreg:s22], $0x2FFFF;
	_ =	strace $0x9FFFFFFF  }
0xd1: {  	(tm) =	ssettm $0x7FFFFFFF  }
tec
execute0_lowered:
.L_overlay_start_1:
0x0: {  	(tag) =	ssettag $0x1  }
0x1: {  	s1 =	srdreg.scid;
	s5 =	rddreg [dreg:$0x0]  }
0x2: {  	s0 =	stileid.u32;
	s2 =	rddreg [dreg:$0x1]  }
0x3: {  	s3 =	simm.s32 $0x0;
	s13 =	simm.s32 $0x50;
	s14 =	simm.s32 $0xA0  }
0x4: {  	s15 =	simm.s32 $0x1;
	s16 =	simm.s32 $0x0;
	s4 =	smul.u32 $0x4E20, s0  }
0x5: {  	s6 =	sand.u32 $0x1, s1;
	s1 =	rddreg [dreg:$0x2];
	s8 =	smul.u32 $0x1F400, s0  }
0x6: {  	[smem:$0x7FF] =	sst s3;
	p0 =	sgt.u32 s0, $0x9;
	s7 =	smul.u32 $0x2710, s6  }
0x7: {  	s9 =	smul.u32 $0x138800, s6;
	_ =	strace $0x80000062;
	s6 =	ssub.s32 $0x2, s6  }
0x8: {  	s31 =	sshrl.u32 s8, $0x3;
	s11 =	sshrl.u32 s6, $0x1;
	s7 =	sadd.s32 s7, s4  }
0x9: {  	s12 =	sadd.s32 s8, s2;
	s30 =	sadd.s32 s8, s9;
	s7 =	sshrl.u32 s7, $0x3  }
0xa: {  	s4 =	sadd.s32 $0xA9200, s5;
	s10 =	sadd.s32 s7, s5;
	s7 =	sshrl.u32 s30, $0x3  }
0xb: {  	s9 =	sadd.s32 s31, s5;
	s11 =	ssub.s32 s6, s11;
	s7 =	sadd.s32 s7, s5  }
0xc: {  	s5 =	sadd.s32 $0xD0400, s9;
	s8 =	sadd.s32 $0x14600, s10;
	s9 =	sadd.s32 $0xA800, s10  }
0xd: {  	s6 =	sadd.s32 $0xF7600, s7;
	s7 =	smax.u32 s11, $0x1;
	s11 =	sshll.u32 @!p0 s0, $0x6  }
0xe: {  	s10 =	sor.u32 @!p0 $0x1C02, s11;
	s11 =	sshrl.u32 @!p0 s12, $0x3;
	s12 =	simm.s32 $0x2  }
.LBB2_1:
0xf: {  	[spmem:s11], [sflag:s10] =	dma.local @!p0 [hbm:s5], $0x3E80  }
0x10: {  	s17 =	simm.s32 @!p0 $0x2  }
0x11: {  	_ =	swait.ge @!p0 [sflag:s17], $0x3E80  }
0x12: {  	[sflag:s17] =	ssyncset.done @!p0 $0x0  }
0x13: {  	[sflag:s17] =	ssyncadd.s32 @!p0 $0xFFFFC180  }
0x14: {  	s30 =	sadd.s32 $0x0, s9;
	[bflag:$0x0] =	sbarrier.arrive $0xFFFF  }
0x15: {  	[tilespmem:s3], [sflag:$0x2] =	stream.linear.gather [hbm4b:s30+s3], $0x50, $0x38;
	[tilespmem:$0x16120] =	vst v63  }
0x16: {  	_ =	swait.ge [sflag:s12], $0x50  }
0x17: {  	[sflag:s12] =	ssyncset.done $0x0  }
0x18: {  	s31 =	sadd.s32 $0x0, s8;
	[sflag:s12] =	ssyncadd.s32 $0xFFFFFFB0  }
0x19: {  	[tilespmem:s13], [sflag:$0x2] =	stream.linear.gather [hbm4b:s31+s3], $0x50, $0x38;
	[tilespmem:$0x16120] =	vst v63  }
0x1a: {  	_ =	swait.ge [sflag:s12], $0x50  }
0x1b: {  	[sflag:s12] =	ssyncset.done $0x0  }
0x1c: {  	[sflag:s12] =	ssyncadd.s32 $0xFFFFFFB0  }
0x1d: {  	[tilespmem:s14], [sflag:$0x1] =	stream.indirect.gather [hbm4b:s4+s13], $0x80, s3, s13, $0xb8;
	[tilespmem:$0x16120] =	vst v63  }
0x1e: {  	_ =	swait.ge [sflag:s15], $0x2800  }
0x1f: {  	[sflag:s15] =	ssyncset.done $0x0  }
0x20: {  	[sflag:s15] =	ssyncadd.s32 $0xFFFFD800  }
0x21: {  	[spmem:s2] =	stream.indirect.scatter.add.f32 [tilespmem:s14], [sflag:$0x2], $0x80, s13, s13, $0xb8;
	[tilespmem:$0x16120] =	vst v63  }
0x22: {  	_ =	swait.ge [sflag:s12], $0x2800  }
0x23: {  	s18 =	simm.s32 $0x14;
	s17 =	simm.s32 $0xA;
	[sflag:s12] =	ssyncset.done $0x0  }
.LBB2_2:
0x24: {  	s19 =	sadd.s32 s17, s9  }
0x25: {  	[sflag:s12] =	ssyncadd.s32 $0xFFFFD800;
	s20 =	smov.u32 s18;
	s21 =	sadd.s32 $0xA, s18  }
0x26: {  	[tilespmem:s3], [sflag:$0x2] =	stream.linear.gather [hbm4b:s19+s3], $0x50, $0x38;
	[tilespmem:$0x16120] =	vst v63  }
0x27: {  	p1 =	sne.s32 s18, $0x4D8;
	_ =	swait.ge [sflag:s12], $0x50  }
0x28: {  	[sflag:s12] =	ssyncset.done $0x0  }
0x29: {  	s18 =	sadd.s32 s17, s8;
	s17 =	smov.u32 s20;
	[sflag:s12] =	ssyncadd.s32 $0xFFFFFFB0  }
0x2a: {  	[tilespmem:s13], [sflag:$0x2] =	stream.linear.gather [hbm4b:s18+s3], $0x50, $0x38;
	[tilespmem:$0x16120] =	vst v63  }
0x2b: {  	_ =	swait.ge [sflag:s12], $0x50  }
0x2c: {  	[sflag:s12] =	ssyncset.done $0x0  }
0x2d: {  	[sflag:s12] =	ssyncadd.s32 $0xFFFFFFB0  }
0x2e: {  	[tilespmem:s14], [sflag:$0x1] =	stream.indirect.gather [hbm4b:s4+s13], $0x80, s3, s13, $0xb8;
	[tilespmem:$0x16120] =	vst v63  }
0x2f: {  	_ =	swait.ge [sflag:s15], $0x2800  }
.Ltmp0:
0x30: {  	[sflag:s15] =	ssyncset.done $0x0;
	(pc) =	sbr.rel @p1 .LBB2_2-.Ltmp0, $4  }
0x31: {  	[sflag:s15] =	ssyncadd.s32 $0xFFFFD800  }
0x32: {  	[spmem:s2] =	stream.indirect.scatter.add.f32 [tilespmem:s14], [sflag:$0x2], $0x80, s13, s13, $0xb8;
	[tilespmem:$0x16120] =	vst v63  }
0x33: {  	_ =	swait.ge [sflag:s12], $0x2800  }
0x34: {  	s18 =	smov.u32 s21;
	[sflag:s12] =	ssyncset.done $0x0  }
0x35: {  	s18 =	sadd.s32 s17, s9;
	[sflag:s12] =	ssyncadd.s32 $0xFFFFD800  }
0x36: {  	[tilespmem:s3], [sflag:$0x2] =	stream.linear.gather [hbm4b:s18+s3], $0x50, $0x38;
	[tilespmem:$0x16120] =	vst v63  }
0x37: {  	_ =	swait.ge [sflag:s12], $0x50  }
0x38: {  	[sflag:s12] =	ssyncset.done $0x0  }
0x39: {  	s31 =	sadd.s32 s17, s8;
	[sflag:s12] =	ssyncadd.s32 $0xFFFFFFB0  }
0x3a: {  	[tilespmem:s13], [sflag:$0x2] =	stream.linear.gather [hbm4b:s31+s3], $0x50, $0x38;
	[tilespmem:$0x16120] =	vst v63  }
0x3b: {  	_ =	swait.ge [sflag:s12], $0x50  }
0x3c: {  	[sflag:s12] =	ssyncset.done $0x0  }
0x3d: {  	[sflag:s12] =	ssyncadd.s32 $0xFFFFFFB0  }
0x3e: {  	[tilespmem:s14], [sflag:$0x1] =	stream.indirect.gather [hbm4b:s4+s13], $0x80, s3, s13, $0xb8;
	[tilespmem:$0x16120] =	vst v63  }
0x3f: {  	_ =	swait.ge [sflag:s15], $0x2800  }
0x40: {  	[sflag:s15] =	ssyncset.done $0x0  }
0x41: {  	[sflag:s15] =	ssyncadd.s32 $0xFFFFD800  }
0x42: {  	[spmem:s2] =	stream.indirect.scatter.add.f32 [tilespmem:s14], [sflag:$0x2], $0x80, s13, s13, $0xb8;
	[tilespmem:$0x16120] =	vst v63  }
0x43: {  	_ =	swait.ge [sflag:s12], $0x2800  }
0x44: {  	s16 =	sadd.s32 $0x1, s16;
	[sflag:s12] =	ssyncset.done $0x0  }
0x45: {  	p1 =	sne.s32 s16, s7;
	[sflag:s12] =	ssyncadd.s32 $0xFFFFD800  }
.Ltmp1:
0x46: {  	s17 =	simm.s32 @!p0 $0x2;
	[bflag:$0x0] =	sbarrier.arrive $0xFFFF;
	(pc) =	sbr.rel @p1 .LBB2_1-.Ltmp1, $4  }
0x47: {  	[hbm:s6], [sflag:s10] =	dma.local @!p0 [spmem:s11], $0x3E80  }
0x48: {  	_ =	swait.ge @!p0 [sflag:s17], $0x3E80  }
0x49: {  	[sflag:s17] =	ssyncset.done @!p0 $0x0  }
0x4a: {  	[sflag:s17] =	ssyncadd.s32 @!p0 $0xFFFFC180  }
0x4b: {  	_ =	sfence.sel $0x180000  }
0x4c: {  	[bflag:$0x0] =	sbarrier.arrive $0xFFFF  }
0x4d: {  	p0 =	sne.s32 s0, $0x0;
	_ =	strace $0x90000062  }
0x4e: {  	s0 =	sadd.s32 @!p0 $0x100000, s1;
	[bflag:$0x2] =	sbarrier.arrive $0xFFFF  }
0x4f: {  	[sflag:s0] =	ssyncadd.tile.s32 @!p0 $0x1;
	_ =	shalt  }
.Lfunc_end2:
_tile_overlayer_lowered:
.L_overlay_start_2:
0x50: {  	(tag) =	ssettag $0x2  }
0x51: {  	s0 =	rddreg [dreg:$0x0];
	s2 =	stileid.u32  }
0x52: {  	s1 =	rddreg [dreg:$0x1];
	p0 =	sne.s32 s2, $0x0  }
0x53: {  	s3 =	rddreg [dreg:$0x2];
	[bflag:$0x3] =	sbarrier.arrive $0xFFFF;
	s2 =	simm.s32 @!p0 $0x1C02  }
0x54: {  	[timem:s3], [sflag:s2] =	dma.local @!p0 [hbm:s0], s1  }
0x55: {  	s0 =	simm.s32 @!p0 $0x2  }
0x56: {  	_ =	swait.ge @!p0 [sflag:s0], s1  }
0x57: {  	s1 =	ssub.s32 @!p0 $0x0, s1;
	[sflag:s0] =	ssyncset.done @!p0 $0x0  }
0x58: {  	[sflag:s0] =	ssyncadd.s32 @!p0 s1  }
0x59: {  	[bflag:$0x3] =	sbarrier.arrive $0xFFFF  }
0x5a: {  	_ =	shalt  }

// kernel: kernel.35.cloned.1.call-start
scs
__scs_entry_jumppad:
0x0: {  	(pc) =	sbr.rel $0x88, $3  }
0x1: {  	(tag) =	ssettag $0x0;
	lr =	simm.s32 $0x1  }
0x2: {  	[smem:$0x3F96] =	sst lr;
	_ =	strace $0xD0000000  }
0x3: {  	_ = 	snop  }
0x4: {  	_ = 	snop  }
0x5: {  	_ = 	snop  }
0x6: {  	_ = 	snop  }
0x7: {  	_ = 	snop  }
__scs_overlays_trampoline_lowered:
0x8: {  	[smem:$0x3FA5] =	sst s0  }
0x9: {  	[smem:$0x3FA6] =	sst s1  }
0xa: {  	[smem:$0x3FA7] =	sst s2  }
0xb: {  	[smem:$0x3FA8] =	sst s3  }
0xc: {  	[smem:$0x3FA9] =	sst s4  }
0xd: {  	[smem:$0x3FAA] =	sst s5  }
0xe: {  	[smem:$0x3FAB] =	sst s6  }
0xf: {  	[smem:$0x3FAC] =	sst s7  }
0x10: {  	[smem:$0x3FAD] =	sst s8  }
0x11: {  	[smem:$0x3FAE] =	sst s9;
	s0 =	simm.s32 @!p0 $0x0  }
0x12: {  	s1 =	sld [smem:$0x3F94];
	s0 =	simm.s32 @p0 $0x1  }
0x13: {  	[smem:$0x3FAF] =	sst s0;
	s0 =	simm.s32 @!p1 $0x0  }
0x14: {  	s2 =	sld [smem:$0x3F93];
	s0 =	simm.s32 @p1 $0x1  }
0x15: {  	[smem:$0x3FB0] =	sst s0;
	s0 =	simm.s32 @!p2 $0x0  }
0x16: {  	s3 =	sld [smem:$0x3FDB];
	s0 =	simm.s32 @p2 $0x1  }
0x17: {  	s4 =	simm.s32 $0x1BF5;
	[smem:$0x3FB2] =	sst s0  }
0x18: {  	s0 =	sld [smem:$0x3F95];
	_ =	swait.ge [sflag:s4], $0x0  }
0x19: {  	s7 =	sld [smem:$0x3F96]  }
0x1a: {  	s8 =	sadd.s32 $0xFFFFE003, lr  }
0x1b: {  	s9 =	sadd.s32 $0xFFFFFEF7, lr;
	s5 =	simm.s32 $0xFFFFFFFF;
	p2 =	slt.u32 s8, $0xFFFFF086  }
0x1c: {  	p1 =	slt.u32 s9, $0xF7A;
	s5 =	simm.s32 @!p2 $0x0  }
0x1d: {  	s5 =	simm.s32 @p1 $0x1;
	p0 =	seq.s32 s7, s2  }
0x1e: {  	s7 =	smul.u32 @!p0 $0xF7A, s2;
	p2 =	seq.s32 @!p0 s5, $0x0  }
0x1f: {  	s9 =	smul.u32 $0xF7A, s1;
	s8 =	simm.s32 @!p0 $0x1BF5;
	p2 =	por !p2, p0  }
0x20: {  	[sflag:s8] =	ssyncset.s32 @!p0 $0xFFFFF086;
	s6 =	sadd.s32 @!p0 s3, s7;
	s7 =	simm.s32 @!p0 $0x108  }
0x21: {  	s3 =	sadd.s32 s3, s9;
	s6 =	sadd.s32 @!p0 $0x88, s6;
	s7 =	simm.s32 @p2 $0x1082  }
0x22: {  	[simem:s7], [sflag:s8] =	dma.local @!p0 [hbm:s6], $0xF7A  }
0x23: {  	s9 =	sor.u32 $0xD0000000, s2;
	s6 =	simm.s32 $0x108;
	_ =	swait.ge @!p0 [sflag:s8], $0x0  }
0x24: {  	s3 =	sadd.s32 $0x88, s3;
	s6 =	simm.s32 @!p1 $0x1082;
	[sflag:s4] =	ssyncset.s32 $0xFFFFF086  }
0x25: {  	[simem:s6], [sflag:s4] =	dma.local [hbm:s3], $0xF7A  }
0x26: {  	[smem:$0x3F96] =	sst s1;
	(tag) =	ssettag s2;
	_ =	strace s9  }
0x27: {  	s1 =	sld [smem:$0x3FA6]  }
0x28: {  	s2 =	sld [smem:$0x3FA7]  }
0x29: {  	s4 =	sld [smem:$0x3FA9]  }
0x2a: {  	p0 =	seq.s32 s5, $0x0;
	s5 =	sld [smem:$0x3FAA]  }
0x2b: {  	s6 =	sld [smem:$0x3FAB]  }
0x2c: {  	s7 =	sld [smem:$0x3FAC]  }
0x2d: {  	s3 =	simm.s32 $0x108;
	s8 =	sld [smem:$0x3FAD]  }
0x2e: {  	s3 =	simm.s32 @!p0 $0x1082;
	s9 =	sld [smem:$0x3FAE]  }
0x2f: {  	lr =	sadd.s32 s0, s3;
	s0 =	sld [smem:$0x3FA5]  }
0x30: {  	s3 =	sld [smem:$0x3FA8]  }
0x31: {  	[smem:$0x3FB1] =	sst s10  }
0x32: {  	s10 =	sld [smem:$0x3FAF];
	_ =	sdelay $0x3  }
0x33: {  	p0 =	seq.s32 s10, $0x1;
	s10 =	sld [smem:$0x3FB1];
	_ =	sdelay $0x3  }
0x34: {  	[smem:$0x3FB1] =	sst s10  }
0x35: {  	s10 =	sld [smem:$0x3FB0];
	_ =	sdelay $0x3  }
0x36: {  	p1 =	seq.s32 s10, $0x1;
	s10 =	sld [smem:$0x3FB1];
	_ =	sdelay $0x3  }
0x37: {  	[smem:$0x3FB1] =	sst s10  }
0x38: {  	s10 =	sld [smem:$0x3FB2]  }
0x39: {  	_ = 	snop;
	(pc) =	sbr.ind lr, $3  }
0x3a: {  	_ = 	snop  }
0x3b: {  	_ = 	snop  }
0x3c: {  	p2 =	seq.s32 s10, $0x1;
	s10 =	sld [smem:$0x3FB1]  }
0x3d: {  	_ =	shalt  }
0x3e: {  	_ =	shalt  }
0x3f: {  	_ =	shalt  }
0x40: {  	_ =	shalt  }
0x41: {  	_ =	shalt  }
0x42: {  	_ =	shalt  }
0x43: {  	_ =	shalt  }
0x44: {  	_ =	shalt  }
0x45: {  	_ =	shalt  }
0x46: {  	_ =	shalt  }
0x47: {  	_ =	shalt  }
0x48: {  	_ =	shalt  }
0x49: {  	_ =	shalt  }
0x4a: {  	_ =	shalt  }
0x4b: {  	_ =	shalt  }
0x4c: {  	_ =	shalt  }
0x4d: {  	_ =	shalt  }
0x4e: {  	_ =	shalt  }
0x4f: {  	_ =	shalt  }
0x50: {  	_ =	shalt  }
0x51: {  	_ =	shalt  }
0x52: {  	_ =	shalt  }
0x53: {  	_ =	shalt  }
0x54: {  	_ =	shalt  }
0x55: {  	_ =	shalt  }
0x56: {  	_ =	shalt  }
0x57: {  	_ =	shalt  }
0x58: {  	_ =	shalt  }
0x59: {  	_ =	shalt  }
0x5a: {  	_ =	shalt  }
0x5b: {  	_ =	shalt  }
0x5c: {  	_ =	shalt  }
0x5d: {  	_ =	shalt  }
0x5e: {  	_ =	shalt  }
0x5f: {  	_ =	shalt  }
0x60: {  	_ =	shalt  }
0x61: {  	_ =	shalt  }
0x62: {  	_ =	shalt  }
0x63: {  	_ =	shalt  }
0x64: {  	_ =	shalt  }
0x65: {  	_ =	shalt  }
0x66: {  	_ =	shalt  }
0x67: {  	_ =	shalt  }
0x68: {  	_ =	shalt  }
0x69: {  	_ =	shalt  }
0x6a: {  	_ =	shalt  }
0x6b: {  	_ =	shalt  }
0x6c: {  	_ =	shalt  }
0x6d: {  	_ =	shalt  }
0x6e: {  	_ =	shalt  }
0x6f: {  	_ =	shalt  }
0x70: {  	_ =	shalt  }
0x71: {  	_ =	shalt  }
0x72: {  	_ =	shalt  }
0x73: {  	_ =	shalt  }
0x74: {  	_ =	shalt  }
0x75: {  	_ =	shalt  }
0x76: {  	_ =	shalt  }
0x77: {  	_ =	shalt  }
0x78: {  	_ =	shalt  }
0x79: {  	_ =	shalt  }
0x7a: {  	_ =	shalt  }
0x7b: {  	_ =	shalt  }
0x7c: {  	_ =	shalt  }
0x7d: {  	_ =	shalt  }
0x7e: {  	_ =	shalt  }
0x7f: {  	_ =	shalt  }
0x80: {  	_ =	shalt  }
0x81: {  	_ =	shalt  }
0x82: {  	_ =	shalt  }
0x83: {  	_ =	shalt  }
0x84: {  	_ =	shalt  }
0x85: {  	_ =	shalt  }
0x86: {  	_ =	shalt  }
0x87: {  	_ =	shalt  }
.Lfunc_end0:
.L_simem_size_0:
called_computation.2_lowered:
.L_overlay_start_0:
0x88: {  	s2 =	sld [smem:$0x3FD9]  }
0x89: {  	s3 =	sld [smem:$0x3FFE];
	_ =	sdelay $0x1  }
0x8a: {  	s1 =	srdreg.scid  }
0x8b: {  	s0 =	sand.u32 $0x1, s1  }
0x8c: {  	s17 =	sshll.u32 s0, $0xA;
	s2 =	sadd.s32 s3, s2  }
0x8d: {  	s2 =	sadd.s32 s2, s17  }
0x8e: {  	[smem:$0x3FBD] =	sst s2  }
0x8f: {  	_ = 	snop  }
0x90: {  	(tm) =	ssettm $0x1  }
0x91: {  	s18 =	sld [smem:$0x3FFB];
	_ =	sdelay $0x3  }
0x92: {  	_ =	strace s18  }
0x93: {  	s2 =	sld [smem:$0x3FFC];
	_ =	sdelay $0x3  }
0x94: {  	_ =	strace s2  }
0x95: {  	s2 =	sld [smem:$0x3FFD];
	_ =	sdelay $0x3  }
0x96: {  	_ =	strace s2  }
0x97: {  	_ =	strace $0x8FFFFFFF  }
0x98: {  	s19 =	sld [smem:$0x3FDB];
	_ =	sdelay $0x1  }
0x99: {  	s20 =	simm.s32 $_scs_section_size  }
0x9a: {  	s4 =	simm.s32 $_size__tile_overlayer_lowered;
	s5 =	simm.s32 $_tile_overlayer_lowered  }
0x9b: {  	s6 =	simm.s32 $0x1BFF;
	s21 =	sshll.u32 s5, $0x1;
	s3 =	sadd.s32 s20, s19  }
0x9c: {  	s22 =	simm.s32 $0x0;
	s4 =	sshll.u32 s4, $0x1;
	s5 =	sadd.s32 s21, s3  }
0x9d: {  	[timem:s22], [sflag:s6] =	dma.local [hbm:s5], s4  }
0x9e: {  	_ =	swait.ge [sflag:s6], s4  }
0x9f: {  	s4 =	ssub.s32 $0x0, s4;
	[sflag:s6] =	ssyncset.done $0x0  }
0xa0: {  	[sflag:s6] =	ssyncadd.s32 s4;
	_ =	sdelay $0x1  }
0xa1: {  	s23 =	simm.s32 $0x1B8B  }
0xa2: {  	_ =	swait.ge [sflag:s23], $0x1  }
0xa3: {  	[sflag:s23] =	ssyncset.done $0x0  }
0xa4: {  	[sflag:s23] =	ssyncadd.s32 $0xFFFFFFFF  }
0xa5: {  	s4 =	sld [smem:$0x0]  }
0xa6: {  	s5 =	sand.u32 $0xFFFFFFFE, s1  }
0xa7: {  	p0 =	sne.s32 s1, s5  }
0xa8: {  	s5 =	sshll.u32 @p0 s5, $0xE  }
0xa9: {  	s5 =	sadd.s32 @p0 $0x11B8D, s5;
	s6 =	sshll.u32 @p0 s4, $0x11  }
0xaa: {  	s5 =	sor.u32 @p0 s6, s5  }
0xab: {  	[sflag:s5] =	ssyncadd.remote.s32 @p0 $0x1;
	_ =	sdelay $0x1  }
0xac: {  	s5 =	simm.s32 @p0 $0x1B8D  }
0xad: {  	_ =	swait.eq @p0 [sflag:s5], $0x1  }
0xae: {  	[sflag:s5] =	ssyncadd.s32 @p0 $0xFFFFFFFF  }
0xaf: {  	s6 =	sshll.u32 @!p0 s1, $0xE  }
0xb0: {  	s6 =	sor.u32 @!p0 $0x4000, s6;
	s5 =	simm.s32 @!p0 $0x1B8D  }
0xb1: {  	s4 =	sshll.u32 @!p0 s4, $0x11;
	s6 =	sadd.s32 @!p0 $0x11B8D, s6;
	_ =	swait.eq @!p0 [sflag:s5], $0x1  }
0xb2: {  	s4 =	sor.u32 @!p0 s4, s6;
	[sflag:s5] =	ssyncadd.s32 @!p0 $0xFFFFFFFF  }
0xb3: {  	s25 =	simm.s32 $0x1B8E;
	s24 =	sld [smem:$0x3FFE];
	[sflag:s4] =	ssyncadd.remote.s32 @!p0 $0x1  }
0xb4: {  	s26 =	simm.s32 $execute0_lowered;
	[smem:$0x3FD2] =	sst s25  }
0xb5: {  	s5 =	sshll.u32 s26, $0x1;
	_ =	strace $0x80000067;
	[dreg:$0x1] =	wrdreg $0xFFFFFFFF  }
0xb6: {  	s28 =	simm.s32 $_size_execute0_lowered;
	s3 =	sadd.s32 s3, s5;
	[dreg:$0x0] =	wrdreg $0x0  }
0xb7: {  	s5 =	sshll.u32 s28, $0x1;
	[dreg:$0x2] =	wrdreg s3  }
0xb8: {  	[dreg:$0x3] =	wrdreg s5  }
0xb9: {  	[dreg:$0x4] =	wrdreg $0xC0  }
0xba: {  	_ =	task [dreg:s22], $0x5FFFF  }
0xbb: {  	[dreg:$0x1] =	wrdreg $0xFFFFFFFF  }
0xbc: {  	[dreg:$0x0] =	wrdreg $0x60  }
0xbd: {  	[dreg:$0x2] =	wrdreg s24  }
0xbe: {  	[dreg:$0x3] =	wrdreg $0x28A00  }
0xbf: {  	[dreg:$0x4] =	wrdreg $0x9  }
0xc0: {  	_ =	task.clear_ibuf [dreg:s22], $0x5FFFF;
	_ =	strace $0x90000067  }
0xc1: {  	s29 =	simm.s32 $0x9;
	_ =	strace $0x80000069  }
0xc2: {  	_ =	swait.ge [sflag:s29], $0x1  }
0xc3: {  	[sflag:s29] =	ssyncadd.s32 $0xFFFFFFFF  }
0xc4: {  	_ =	strace $0x90000069  }
0xc5: {  	_ =	sfence  }
0xc6: {  	s30 =	sld [smem:$0x0];
	_ =	sdelay $0x2  }
0xc7: {  	s31 =	sshll.u32 s1, $0xD;
	s1 =	sshrl.u32 s1, $0x2  }
0xc8: {  	s4 =	sand.u32 $0x4000, s31;
	s1 =	sadd.s32 s1, s30  }
0xc9: {  	s0 =	sor.u32 s4, s0;
	s1 =	sshll.u32 s1, $0x11  }
0xca: {  	s0 =	sor.u32 s1, s0  }
0xcb: {  	s0 =	sadd.s32 $0x8F2B, s0  }
0xcc: {  	[sflag:s0] =	ssyncadd.remote.s32 $0x1  }
0xcd: {  	_ =	sfence.sel $0xFFFF  }
0xce: {  	[dreg:$0x0] =	wrdreg $0xFFFFFFFF;
	(pc) =	sbr.abs _section_cstart, $3  }
0xcf: {  	[dreg:$0x1] =	wrdreg $0xFFFFFFFF  }
0xd0: {  	_ =	task.clear_ibuf [dreg:s22], $0x2FFFF;
	_ =	strace $0x9FFFFFFF  }
0xd1: {  	(tm) =	ssettm $0x7FFFFFFF  }
tec
execute0_lowered:
.L_overlay_start_1:
0x0: {  	(tag) =	ssettag $0x1  }
0x1: {  	s1 =	srdreg.scid;
	s5 =	rddreg [dreg:$0x0]  }
0x2: {  	s0 =	stileid.u32;
	s2 =	rddreg [dreg:$0x1]  }
0x3: {  	s3 =	simm.s32 $0x0;
	s13 =	simm.s32 $0x50;
	s14 =	simm.s32 $0xA0  }
0x4: {  	s15 =	simm.s32 $0x1;
	s16 =	simm.s32 $0x0;
	s4 =	smul.u32 $0x4E20, s0  }
0x5: {  	s6 =	sand.u32 $0x1, s1;
	s1 =	rddreg [dreg:$0x2];
	s8 =	smul.u32 $0x1F400, s0  }
0x6: {  	[smem:$0x7FF] =	sst s3;
	p0 =	sgt.u32 s0, $0x9;
	s7 =	smul.u32 $0x2710, s6  }
0x7: {  	s9 =	smul.u32 $0x138800, s6;
	_ =	strace $0x80000068;
	s6 =	ssub.s32 $0x2, s6  }
0x8: {  	s31 =	sshrl.u32 s8, $0x3;
	s11 =	sshrl.u32 s6, $0x1;
	s7 =	sadd.s32 s7, s4  }
0x9: {  	s12 =	sadd.s32 s8, s2;
	s30 =	sadd.s32 s8, s9;
	s7 =	sshrl.u32 s7, $0x3  }
0xa: {  	s4 =	sadd.s32 $0xA9200, s5;
	s10 =	sadd.s32 s7, s5;
	s7 =	sshrl.u32 s30, $0x3  }
0xb: {  	s9 =	sadd.s32 s31, s5;
	s11 =	ssub.s32 s6, s11;
	s7 =	sadd.s32 s7, s5  }
0xc: {  	s5 =	sadd.s32 $0xD0400, s9;
	s8 =	sadd.s32 $0x14600, s10;
	s9 =	sadd.s32 $0xA800, s10  }
0xd: {  	s6 =	sadd.s32 $0xF7600, s7;
	s7 =	smax.u32 s11, $0x1;
	s11 =	sshll.u32 @!p0 s0, $0x6  }
0xe: {  	s10 =	sor.u32 @!p0 $0x1C02, s11;
	s11 =	sshrl.u32 @!p0 s12, $0x3;
	s12 =	simm.s32 $0x2  }
.LBB2_1:
0xf: {  	[spmem:s11], [sflag:s10] =	dma.local @!p0 [hbm:s5], $0x3E80  }
0x10: {  	s17 =	simm.s32 @!p0 $0x2  }
0x11: {  	_ =	swait.ge @!p0 [sflag:s17], $0x3E80  }
0x12: {  	[sflag:s17] =	ssyncset.done @!p0 $0x0  }
0x13: {  	[sflag:s17] =	ssyncadd.s32 @!p0 $0xFFFFC180  }
0x14: {  	s30 =	sadd.s32 $0x0, s9;
	[bflag:$0x0] =	sbarrier.arrive $0xFFFF  }
0x15: {  	[tilespmem:s3], [sflag:$0x2] =	stream.linear.gather [hbm4b:s30+s3], $0x50, $0x38;
	[tilespmem:$0x16120] =	vst v63  }
0x16: {  	_ =	swait.ge [sflag:s12], $0x50  }
0x17: {  	[sflag:s12] =	ssyncset.done $0x0  }
0x18: {  	s31 =	sadd.s32 $0x0, s8;
	[sflag:s12] =	ssyncadd.s32 $0xFFFFFFB0  }
0x19: {  	[tilespmem:s13], [sflag:$0x2] =	stream.linear.gather [hbm4b:s31+s3], $0x50, $0x38;
	[tilespmem:$0x16120] =	vst v63  }
0x1a: {  	_ =	swait.ge [sflag:s12], $0x50  }
0x1b: {  	[sflag:s12] =	ssyncset.done $0x0  }
0x1c: {  	[sflag:s12] =	ssyncadd.s32 $0xFFFFFFB0  }
0x1d: {  	[tilespmem:s14], [sflag:$0x1] =	stream.indirect.gather [hbm4b:s4+s13], $0x80, s3, s13, $0xb8;
	[tilespmem:$0x16120] =	vst v63  }
0x1e: {  	_ =	swait.ge [sflag:s15], $0x2800  }
0x1f: {  	[sflag:s15] =	ssyncset.done $0x0  }
0x20: {  	[sflag:s15] =	ssyncadd.s32 $0xFFFFD800  }
0x21: {  	[spmem:s2] =	stream.indirect.scatter.add.f32 [tilespmem:s14], [sflag:$0x2], $0x80, s13, s13, $0xb8;
	[tilespmem:$0x16120] =	vst v63  }
0x22: {  	_ =	swait.ge [sflag:s12], $0x2800  }
0x23: {  	s18 =	simm.s32 $0x14;
	s17 =	simm.s32 $0xA;
	[sflag:s12] =	ssyncset.done $0x0  }
.LBB2_2:
0x24: {  	s19 =	sadd.s32 s17, s9  }
0x25: {  	[sflag:s12] =	ssyncadd.s32 $0xFFFFD800;
	s20 =	smov.u32 s18;
	s21 =	sadd.s32 $0xA, s18  }
0x26: {  	[tilespmem:s3], [sflag:$0x2] =	stream.linear.gather [hbm4b:s19+s3], $0x50, $0x38;
	[tilespmem:$0x16120] =	vst v63  }
0x27: {  	p1 =	sne.s32 s18, $0x4D8;
	_ =	swait.ge [sflag:s12], $0x50  }
0x28: {  	[sflag:s12] =	ssyncset.done $0x0  }
0x29: {  	s18 =	sadd.s32 s17, s8;
	s17 =	smov.u32 s20;
	[sflag:s12] =	ssyncadd.s32 $0xFFFFFFB0  }
0x2a: {  	[tilespmem:s13], [sflag:$0x2] =	stream.linear.gather [hbm4b:s18+s3], $0x50, $0x38;
	[tilespmem:$0x16120] =	vst v63  }
0x2b: {  	_ =	swait.ge [sflag:s12], $0x50  }
0x2c: {  	[sflag:s12] =	ssyncset.done $0x0  }
0x2d: {  	[sflag:s12] =	ssyncadd.s32 $0xFFFFFFB0  }
0x2e: {  	[tilespmem:s14], [sflag:$0x1] =	stream.indirect.gather [hbm4b:s4+s13], $0x80, s3, s13, $0xb8;
	[tilespmem:$0x16120] =	vst v63  }
0x2f: {  	_ =	swait.ge [sflag:s15], $0x2800  }
.Ltmp0:
0x30: {  	[sflag:s15] =	ssyncset.done $0x0;
	(pc) =	sbr.rel @p1 .LBB2_2-.Ltmp0, $4  }
0x31: {  	[sflag:s15] =	ssyncadd.s32 $0xFFFFD800  }
0x32: {  	[spmem:s2] =	stream.indirect.scatter.add.f32 [tilespmem:s14], [sflag:$0x2], $0x80, s13, s13, $0xb8;
	[tilespmem:$0x16120] =	vst v63  }
0x33: {  	_ =	swait.ge [sflag:s12], $0x2800  }
0x34: {  	s18 =	smov.u32 s21;
	[sflag:s12] =	ssyncset.done $0x0  }
0x35: {  	s18 =	sadd.s32 s17, s9;
	[sflag:s12] =	ssyncadd.s32 $0xFFFFD800  }
0x36: {  	[tilespmem:s3], [sflag:$0x2] =	stream.linear.gather [hbm4b:s18+s3], $0x50, $0x38;
	[tilespmem:$0x16120] =	vst v63  }
0x37: {  	_ =	swait.ge [sflag:s12], $0x50  }
0x38: {  	[sflag:s12] =	ssyncset.done $0x0  }
0x39: {  	s31 =	sadd.s32 s17, s8;
	[sflag:s12] =	ssyncadd.s32 $0xFFFFFFB0  }
0x3a: {  	[tilespmem:s13], [sflag:$0x2] =	stream.linear.gather [hbm4b:s31+s3], $0x50, $0x38;
	[tilespmem:$0x16120] =	vst v63  }
0x3b: {  	_ =	swait.ge [sflag:s12], $0x50  }
0x3c: {  	[sflag:s12] =	ssyncset.done $0x0  }
0x3d: {  	[sflag:s12] =	ssyncadd.s32 $0xFFFFFFB0  }
0x3e: {  	[tilespmem:s14], [sflag:$0x1] =	stream.indirect.gather [hbm4b:s4+s13], $0x80, s3, s13, $0xb8;
	[tilespmem:$0x16120] =	vst v63  }
0x3f: {  	_ =	swait.ge [sflag:s15], $0x2800  }
0x40: {  	[sflag:s15] =	ssyncset.done $0x0  }
0x41: {  	[sflag:s15] =	ssyncadd.s32 $0xFFFFD800  }
0x42: {  	[spmem:s2] =	stream.indirect.scatter.add.f32 [tilespmem:s14], [sflag:$0x2], $0x80, s13, s13, $0xb8;
	[tilespmem:$0x16120] =	vst v63  }
0x43: {  	_ =	swait.ge [sflag:s12], $0x2800  }
0x44: {  	s16 =	sadd.s32 $0x1, s16;
	[sflag:s12] =	ssyncset.done $0x0  }
0x45: {  	p1 =	sne.s32 s16, s7;
	[sflag:s12] =	ssyncadd.s32 $0xFFFFD800  }
.Ltmp1:
0x46: {  	s17 =	simm.s32 @!p0 $0x2;
	[bflag:$0x0] =	sbarrier.arrive $0xFFFF;
	(pc) =	sbr.rel @p1 .LBB2_1-.Ltmp1, $4  }
0x47: {  	[hbm:s6], [sflag:s10] =	dma.local @!p0 [spmem:s11], $0x3E80  }
0x48: {  	_ =	swait.ge @!p0 [sflag:s17], $0x3E80  }
0x49: {  	[sflag:s17] =	ssyncset.done @!p0 $0x0  }
0x4a: {  	[sflag:s17] =	ssyncadd.s32 @!p0 $0xFFFFC180  }
0x4b: {  	_ =	sfence.sel $0x180000  }
0x4c: {  	[bflag:$0x0] =	sbarrier.arrive $0xFFFF  }
0x4d: {  	p0 =	sne.s32 s0, $0x0;
	_ =	strace $0x90000068  }
0x4e: {  	s0 =	sadd.s32 @!p0 $0x100000, s1;
	[bflag:$0x2] =	sbarrier.arrive $0xFFFF  }
0x4f: {  	[sflag:s0] =	ssyncadd.tile.s32 @!p0 $0x1;
	_ =	shalt  }
.Lfunc_end2:
_tile_overlayer_lowered:
.L_overlay_start_2:
0x50: {  	(tag) =	ssettag $0x2  }
0x51: {  	s0 =	rddreg [dreg:$0x0];
	s2 =	stileid.u32  }
0x52: {  	s1 =	rddreg [dreg:$0x1];
	p0 =	sne.s32 s2, $0x0  }
0x53: {  	s3 =	rddreg [dreg:$0x2];
	[bflag:$0x3] =	sbarrier.arrive $0xFFFF;
	s2 =	simm.s32 @!p0 $0x1C02  }
0x54: {  	[timem:s3], [sflag:s2] =	dma.local @!p0 [hbm:s0], s1  }
0x55: {  	s0 =	simm.s32 @!p0 $0x2  }
0x56: {  	_ =	swait.ge @!p0 [sflag:s0], s1  }
0x57: {  	s1 =	ssub.s32 @!p0 $0x0, s1;
	[sflag:s0] =	ssyncset.done @!p0 $0x0  }
0x58: {  	[sflag:s0] =	ssyncadd.s32 @!p0 s1  }
0x59: {  	[bflag:$0x3] =	sbarrier.arrive $0xFFFF  }
0x5a: {  	_ =	shalt  }

// kernel: kernel.38.cloned.1.call-start
scs
__scs_entry_jumppad:
0x0: {  	(pc) =	sbr.rel $0x88, $3  }
0x1: {  	(tag) =	ssettag $0x0;
	lr =	simm.s32 $0x1  }
0x2: {  	[smem:$0x3F96] =	sst lr;
	_ =	strace $0xD0000000  }
0x3: {  	_ = 	snop  }
0x4: {  	_ = 	snop  }
0x5: {  	_ = 	snop  }
0x6: {  	_ = 	snop  }
0x7: {  	_ = 	snop  }
__scs_overlays_trampoline_lowered:
0x8: {  	[smem:$0x3FA5] =	sst s0  }
0x9: {  	[smem:$0x3FA6] =	sst s1  }
0xa: {  	[smem:$0x3FA7] =	sst s2  }
0xb: {  	[smem:$0x3FA8] =	sst s3  }
0xc: {  	[smem:$0x3FA9] =	sst s4  }
0xd: {  	[smem:$0x3FAA] =	sst s5  }
0xe: {  	[smem:$0x3FAB] =	sst s6  }
0xf: {  	[smem:$0x3FAC] =	sst s7  }
0x10: {  	[smem:$0x3FAD] =	sst s8  }
0x11: {  	[smem:$0x3FAE] =	sst s9;
	s0 =	simm.s32 @!p0 $0x0  }
0x12: {  	s1 =	sld [smem:$0x3F94];
	s0 =	simm.s32 @p0 $0x1  }
0x13: {  	[smem:$0x3FAF] =	sst s0;
	s0 =	simm.s32 @!p1 $0x0  }
0x14: {  	s2 =	sld [smem:$0x3F93];
	s0 =	simm.s32 @p1 $0x1  }
0x15: {  	[smem:$0x3FB0] =	sst s0;
	s0 =	simm.s32 @!p2 $0x0  }
0x16: {  	s3 =	sld [smem:$0x3FDB];
	s0 =	simm.s32 @p2 $0x1  }
0x17: {  	s4 =	simm.s32 $0x1BF5;
	[smem:$0x3FB2] =	sst s0  }
0x18: {  	s0 =	sld [smem:$0x3F95];
	_ =	swait.ge [sflag:s4], $0x0  }
0x19: {  	s7 =	sld [smem:$0x3F96]  }
0x1a: {  	s8 =	sadd.s32 $0xFFFFE003, lr  }
0x1b: {  	s9 =	sadd.s32 $0xFFFFFEF7, lr;
	s5 =	simm.s32 $0xFFFFFFFF;
	p2 =	slt.u32 s8, $0xFFFFF086  }
0x1c: {  	p1 =	slt.u32 s9, $0xF7A;
	s5 =	simm.s32 @!p2 $0x0  }
0x1d: {  	s5 =	simm.s32 @p1 $0x1;
	p0 =	seq.s32 s7, s2  }
0x1e: {  	s7 =	smul.u32 @!p0 $0xF7A, s2;
	p2 =	seq.s32 @!p0 s5, $0x0  }
0x1f: {  	s9 =	smul.u32 $0xF7A, s1;
	s8 =	simm.s32 @!p0 $0x1BF5;
	p2 =	por !p2, p0  }
0x20: {  	[sflag:s8] =	ssyncset.s32 @!p0 $0xFFFFF086;
	s6 =	sadd.s32 @!p0 s3, s7;
	s7 =	simm.s32 @!p0 $0x108  }
0x21: {  	s3 =	sadd.s32 s3, s9;
	s6 =	sadd.s32 @!p0 $0x88, s6;
	s7 =	simm.s32 @p2 $0x1082  }
0x22: {  	[simem:s7], [sflag:s8] =	dma.local @!p0 [hbm:s6], $0xF7A  }
0x23: {  	s9 =	sor.u32 $0xD0000000, s2;
	s6 =	simm.s32 $0x108;
	_ =	swait.ge @!p0 [sflag:s8], $0x0  }
0x24: {  	s3 =	sadd.s32 $0x88, s3;
	s6 =	simm.s32 @!p1 $0x1082;
	[sflag:s4] =	ssyncset.s32 $0xFFFFF086  }
0x25: {  	[simem:s6], [sflag:s4] =	dma.local [hbm:s3], $0xF7A  }
0x26: {  	[smem:$0x3F96] =	sst s1;
	(tag) =	ssettag s2;
	_ =	strace s9  }
0x27: {  	s1 =	sld [smem:$0x3FA6]  }
0x28: {  	s2 =	sld [smem:$0x3FA7]  }
0x29: {  	s4 =	sld [smem:$0x3FA9]  }
0x2a: {  	p0 =	seq.s32 s5, $0x0;
	s5 =	sld [smem:$0x3FAA]  }
0x2b: {  	s6 =	sld [smem:$0x3FAB]  }
0x2c: {  	s7 =	sld [smem:$0x3FAC]  }
0x2d: {  	s3 =	simm.s32 $0x108;
	s8 =	sld [smem:$0x3FAD]  }
0x2e: {  	s3 =	simm.s32 @!p0 $0x1082;
	s9 =	sld [smem:$0x3FAE]  }
0x2f: {  	lr =	sadd.s32 s0, s3;
	s0 =	sld [smem:$0x3FA5]  }
0x30: {  	s3 =	sld [smem:$0x3FA8]  }
0x31: {  	[smem:$0x3FB1] =	sst s10  }
0x32: {  	s10 =	sld [smem:$0x3FAF];
	_ =	sdelay $0x3  }
0x33: {  	p0 =	seq.s32 s10, $0x1;
	s10 =	sld [smem:$0x3FB1];
	_ =	sdelay $0x3  }
0x34: {  	[smem:$0x3FB1] =	sst s10  }
0x35: {  	s10 =	sld [smem:$0x3FB0];
	_ =	sdelay $0x3  }
0x36: {  	p1 =	seq.s32 s10, $0x1;
	s10 =	sld [smem:$0x3FB1];
	_ =	sdelay $0x3  }
0x37: {  	[smem:$0x3FB1] =	sst s10  }
0x38: {  	s10 =	sld [smem:$0x3FB2]  }
0x39: {  	_ = 	snop;
	(pc) =	sbr.ind lr, $3  }
0x3a: {  	_ = 	snop  }
0x3b: {  	_ = 	snop  }
0x3c: {  	p2 =	seq.s32 s10, $0x1;
	s10 =	sld [smem:$0x3FB1]  }
0x3d: {  	_ =	shalt  }
0x3e: {  	_ =	shalt  }
0x3f: {  	_ =	shalt  }
0x40: {  	_ =	shalt  }
0x41: {  	_ =	shalt  }
0x42: {  	_ =	shalt  }
0x43: {  	_ =	shalt  }
0x44: {  	_ =	shalt  }
0x45: {  	_ =	shalt  }
0x46: {  	_ =	shalt  }
0x47: {  	_ =	shalt  }
0x48: {  	_ =	shalt  }
0x49: {  	_ =	shalt  }
0x4a: {  	_ =	shalt  }
0x4b: {  	_ =	shalt  }
0x4c: {  	_ =	shalt  }
0x4d: {  	_ =	shalt  }
0x4e: {  	_ =	shalt  }
0x4f: {  	_ =	shalt  }
0x50: {  	_ =	shalt  }
0x51: {  	_ =	shalt  }
0x52: {  	_ =	shalt  }
0x53: {  	_ =	shalt  }
0x54: {  	_ =	shalt  }
0x55: {  	_ =	shalt  }
0x56: {  	_ =	shalt  }
0x57: {  	_ =	shalt  }
0x58: {  	_ =	shalt  }
0x59: {  	_ =	shalt  }
0x5a: {  	_ =	shalt  }
0x5b: {  	_ =	shalt  }
0x5c: {  	_ =	shalt  }
0x5d: {  	_ =	shalt  }
0x5e: {  	_ =	shalt  }
0x5f: {  	_ =	shalt  }
0x60: {  	_ =	shalt  }
0x61: {  	_ =	shalt  }
0x62: {  	_ =	shalt  }
0x63: {  	_ =	shalt  }
0x64: {  	_ =	shalt  }
0x65: {  	_ =	shalt  }
0x66: {  	_ =	shalt  }
0x67: {  	_ =	shalt  }
0x68: {  	_ =	shalt  }
0x69: {  	_ =	shalt  }
0x6a: {  	_ =	shalt  }
0x6b: {  	_ =	shalt  }
0x6c: {  	_ =	shalt  }
0x6d: {  	_ =	shalt  }
0x6e: {  	_ =	shalt  }
0x6f: {  	_ =	shalt  }
0x70: {  	_ =	shalt  }
0x71: {  	_ =	shalt  }
0x72: {  	_ =	shalt  }
0x73: {  	_ =	shalt  }
0x74: {  	_ =	shalt  }
0x75: {  	_ =	shalt  }
0x76: {  	_ =	shalt  }
0x77: {  	_ =	shalt  }
0x78: {  	_ =	shalt  }
0x79: {  	_ =	shalt  }
0x7a: {  	_ =	shalt  }
0x7b: {  	_ =	shalt  }
0x7c: {  	_ =	shalt  }
0x7d: {  	_ =	shalt  }
0x7e: {  	_ =	shalt  }
0x7f: {  	_ =	shalt  }
0x80: {  	_ =	shalt  }
0x81: {  	_ =	shalt  }
0x82: {  	_ =	shalt  }
0x83: {  	_ =	shalt  }
0x84: {  	_ =	shalt  }
0x85: {  	_ =	shalt  }
0x86: {  	_ =	shalt  }
0x87: {  	_ =	shalt  }
.Lfunc_end0:
.L_simem_size_0:
called_computation.3_lowered:
.L_overlay_start_0:
0x88: {  	s2 =	sld [smem:$0x3FD9]  }
0x89: {  	s3 =	sld [smem:$0x3FFE];
	_ =	sdelay $0x1  }
0x8a: {  	s1 =	srdreg.scid  }
0x8b: {  	s0 =	sand.u32 $0x1, s1  }
0x8c: {  	s17 =	sshll.u32 s0, $0xA;
	s2 =	sadd.s32 s3, s2  }
0x8d: {  	s2 =	sadd.s32 s2, s17  }
0x8e: {  	[smem:$0x3FBD] =	sst s2  }
0x8f: {  	_ = 	snop  }
0x90: {  	s2 =	sld [smem:$0x3FD0];
	(tm) =	ssettm $0x1  }
0x91: {  	s18 =	sld [smem:$0x3FFB];
	_ =	sdelay $0x3  }
0x92: {  	_ =	strace s18  }
0x93: {  	s3 =	sld [smem:$0x3FFC];
	_ =	sdelay $0x3  }
0x94: {  	_ =	strace s3  }
0x95: {  	s3 =	sld [smem:$0x3FFD];
	_ =	sdelay $0x3  }
0x96: {  	_ =	strace s3  }
0x97: {  	_ =	strace $0x8FFFFFFF  }
0x98: {  	s19 =	sld [smem:$0x3FDB];
	_ =	sdelay $0x1  }
0x99: {  	s4 =	simm.s32 $_scs_section_size  }
0x9a: {  	s5 =	simm.s32 $_size__tile_overlayer_lowered;
	s6 =	simm.s32 $_tile_overlayer_lowered  }
0x9b: {  	s22 =	simm.s32 $0x1BFF;
	s21 =	sshll.u32 s6, $0x1;
	s3 =	sadd.s32 s4, s19  }
0x9c: {  	s7 =	simm.s32 $0x0;
	s20 =	sshll.u32 s5, $0x1;
	s5 =	sadd.s32 s21, s3  }
0x9d: {  	[timem:s7], [sflag:s22] =	dma.local [hbm:s5], s20  }
0x9e: {  	_ =	swait.ge [sflag:s22], s20  }
0x9f: {  	s4 =	ssub.s32 $0x0, s20;
	[sflag:s22] =	ssyncset.done $0x0  }
0xa0: {  	[sflag:s22] =	ssyncadd.s32 s4;
	_ =	sdelay $0x1  }
0xa1: {  	s23 =	simm.s32 $0x1B8B  }
0xa2: {  	_ =	swait.ge [sflag:s23], $0x1  }
0xa3: {  	[sflag:s23] =	ssyncset.done $0x0  }
0xa4: {  	s25 =	simm.s32 $0x1B8E;
	s24 =	sld [smem:$0x3FFE];
	[sflag:s23] =	ssyncadd.s32 $0xFFFFFFFF  }
0xa5: {  	s26 =	simm.s32 $execute0_lowered;
	[smem:$0x3FD2] =	sst s25  }
0xa6: {  	s5 =	sshll.u32 s26, $0x1;
	_ =	strace $0x80000049;
	[dreg:$0x1] =	wrdreg $0xFFFFFFFF  }
0xa7: {  	s28 =	simm.s32 $_size_execute0_lowered;
	s3 =	sadd.s32 s3, s5;
	[dreg:$0x0] =	wrdreg $0x0  }
0xa8: {  	s5 =	sshll.u32 s28, $0x1;
	[dreg:$0x2] =	wrdreg s3  }
0xa9: {  	[dreg:$0x3] =	wrdreg s5  }
0xaa: {  	[dreg:$0x4] =	wrdreg $0xC0  }
0xab: {  	_ =	task [dreg:s7], $0x5FFFF  }
0xac: {  	[dreg:$0x1] =	wrdreg $0xFFFFFFFF  }
0xad: {  	[dreg:$0x0] =	wrdreg $0x60  }
0xae: {  	[dreg:$0x2] =	wrdreg s2  }
0xaf: {  	[dreg:$0x3] =	wrdreg s24  }
0xb0: {  	[dreg:$0x4] =	wrdreg $0x14A00  }
0xb1: {  	[dreg:$0x5] =	wrdreg $0x9  }
0xb2: {  	_ =	task.clear_ibuf [dreg:s7], $0x6FFFF;
	_ =	strace $0x90000049  }
0xb3: {  	s29 =	simm.s32 $0x9;
	_ =	strace $0x8000004B  }
0xb4: {  	_ =	swait.ge [sflag:s29], $0x1  }
0xb5: {  	[sflag:s29] =	ssyncadd.s32 $0xFFFFFFFF  }
0xb6: {  	_ =	strace $0x9000004B  }
0xb7: {  	_ =	sfence  }
0xb8: {  	s30 =	sld [smem:$0x0];
	_ =	sdelay $0x2  }
0xb9: {  	s31 =	sshll.u32 s1, $0xD;
	s1 =	sshrl.u32 s1, $0x2  }
0xba: {  	s3 =	sand.u32 $0x4000, s31;
	s1 =	sadd.s32 s1, s30  }
0xbb: {  	s0 =	sor.u32 s3, s0;
	s1 =	sshll.u32 s1, $0x11  }
0xbc: {  	s0 =	sor.u32 s1, s0  }
0xbd: {  	s0 =	sadd.s32 $0x8F2B, s0  }
0xbe: {  	[sflag:s0] =	ssyncadd.remote.s32 $0x1  }
0xbf: {  	_ =	sfence.sel $0xFFFF  }
0xc0: {  	[dreg:$0x0] =	wrdreg $0xFFFFFFFF;
	(pc) =	sbr.abs _section_cstart, $3  }
0xc1: {  	[dreg:$0x1] =	wrdreg $0xFFFFFFFF  }
0xc2: {  	_ =	task.clear_ibuf [dreg:s7], $0x2FFFF;
	_ =	strace $0x9FFFFFFF  }
0xc3: {  	(tm) =	ssettm $0x7FFFFFFF  }
tec
execute0_lowered:
.L_overlay_start_1:
0x0: {  	(tag) =	ssettag $0x1  }
0x1: {  	s1 =	rddreg [dreg:$0x0];
	s2 =	srdreg.scid  }
0x2: {  	s0 =	stileid.u32;
	s5 =	rddreg [dreg:$0x1]  }
0x3: {  	s3 =	rddreg [dreg:$0x2];
	s4 =	simm.s32 $0x0;
	s13 =	simm.s32 $0x50  }
0x4: {  	s14 =	simm.s32 $0xA0;
	s15 =	simm.s32 $0x1;
	s7 =	smul.u32 $0x4E20, s0  }
0x5: {  	s6 =	sand.u32 $0x1, s2;
	s2 =	rddreg [dreg:$0x3];
	s9 =	smul.u32 $0xFA00, s0  }
0x6: {  	s16 =	simm.s32 $0x0;
	[smem:$0x7FF] =	sst s4;
	s8 =	smul.u32 $0x2710, s6  }
0x7: {  	p0 =	sgt.u32 s0, $0x9;
	s29 =	smul.u32 $0x9C400, s6;
	_ =	strace $0x8000004A  }
0x8: {  	s6 =	ssub.s32 $0x2, s6;
	s31 =	sshrl.u32 s9, $0x3;
	s7 =	sadd.s32 s8, s7  }
0x9: {  	s11 =	sshrl.u32 s6, $0x1;
	s30 =	sadd.s32 s9, s29;
	s7 =	sshrl.u32 s7, $0x3  }
0xa: {  	s12 =	sadd.s32 s9, s3;
	s10 =	sadd.s32 s7, s5;
	s7 =	sshrl.u32 s30, $0x3  }
0xb: {  	s8 =	sadd.s32 s31, s5;
	s11 =	ssub.s32 s6, s11;
	s7 =	sadd.s32 s7, s5  }
0xc: {  	s5 =	sadd.s32 $0x46A00, s8;
	s8 =	sadd.s32 $0x14600, s10;
	s9 =	sadd.s32 $0xA800, s10  }
0xd: {  	s6 =	sadd.s32 $0x5A400, s7;
	s7 =	smax.u32 s11, $0x1;
	s11 =	sshll.u32 @!p0 s0, $0x6  }
0xe: {  	s10 =	sor.u32 @!p0 $0x1C02, s11;
	s11 =	sshrl.u32 @!p0 s12, $0x3;
	s12 =	simm.s32 $0x2  }
.LBB2_1:
0xf: {  	[spmem:s11], [sflag:s10] =	dma.local @!p0 [hbm:s5], $0x1F40  }
0x10: {  	s17 =	simm.s32 @!p0 $0x2  }
0x11: {  	_ =	swait.ge @!p0 [sflag:s17], $0x1F40  }
0x12: {  	[sflag:s17] =	ssyncset.done @!p0 $0x0  }
0x13: {  	[sflag:s17] =	ssyncadd.s32 @!p0 $0xFFFFE0C0  }
0x14: {  	s30 =	sadd.s32 $0x0, s9;
	[bflag:$0x0] =	sbarrier.arrive $0xFFFF  }
0x15: {  	[tilespmem:s4], [sflag:$0x2] =	stream.linear.gather [hbm4b:s30+s4], $0x50, $0x38;
	[tilespmem:$0xB0E0] =	vst v63  }
0x16: {  	_ =	swait.ge [sflag:s12], $0x50  }
0x17: {  	[sflag:s12] =	ssyncset.done $0x0  }
0x18: {  	s31 =	sadd.s32 $0x0, s8;
	[sflag:s12] =	ssyncadd.s32 $0xFFFFFFB0  }
0x19: {  	[tilespmem:s13], [sflag:$0x2] =	stream.linear.gather [hbm4b:s31+s4], $0x50, $0x38;
	[tilespmem:$0xB0E0] =	vst v63  }
0x1a: {  	_ =	swait.ge [sflag:s12], $0x50  }
0x1b: {  	[sflag:s12] =	ssyncset.done $0x0  }
0x1c: {  	[sflag:s12] =	ssyncadd.s32 $0xFFFFFFB0  }
0x1d: {  	[tilespmem:s14], [sflag:$0x1] =	stream.indirect.gather [hbm4b:s1+s13], $0x40, s4, s13, $0xb8;
	[tilespmem:$0xB0E0] =	vst v63  }
0x1e: {  	_ =	swait.ge [sflag:s15], $0x1400  }
0x1f: {  	[sflag:s15] =	ssyncset.done $0x0  }
0x20: {  	[sflag:s15] =	ssyncadd.s32 $0xFFFFEC00  }
0x21: {  	[spmem:s3] =	stream.indirect.scatter.add.f32 [tilespmem:s14], [sflag:$0x2], $0x40, s13, s13, $0xb8;
	[tilespmem:$0xB0E0] =	vst v63  }
0x22: {  	_ =	swait.ge [sflag:s12], $0x1400  }
0x23: {  	s18 =	simm.s32 $0x14;
	s17 =	simm.s32 $0xA;
	[sflag:s12] =	ssyncset.done $0x0  }
.LBB2_2:
0x24: {  	s19 =	sadd.s32 s17, s9  }
0x25: {  	[sflag:s12] =	ssyncadd.s32 $0xFFFFEC00;
	s20 =	smov.u32 s18;
	s21 =	sadd.s32 $0xA, s18  }
0x26: {  	[tilespmem:s4], [sflag:$0x2] =	stream.linear.gather [hbm4b:s19+s4], $0x50, $0x38;
	[tilespmem:$0xB0E0] =	vst v63  }
0x27: {  	p1 =	sne.s32 s18, $0x4D8;
	_ =	swait.ge [sflag:s12], $0x50  }
0x28: {  	[sflag:s12] =	ssyncset.done $0x0  }
0x29: {  	s18 =	sadd.s32 s17, s8;
	s17 =	smov.u32 s20;
	[sflag:s12] =	ssyncadd.s32 $0xFFFFFFB0  }
0x2a: {  	[tilespmem:s13], [sflag:$0x2] =	stream.linear.gather [hbm4b:s18+s4], $0x50, $0x38;
	[tilespmem:$0xB0E0] =	vst v63  }
0x2b: {  	_ =	swait.ge [sflag:s12], $0x50  }
0x2c: {  	[sflag:s12] =	ssyncset.done $0x0  }
0x2d: {  	[sflag:s12] =	ssyncadd.s32 $0xFFFFFFB0  }
0x2e: {  	[tilespmem:s14], [sflag:$0x1] =	stream.indirect.gather [hbm4b:s1+s13], $0x40, s4, s13, $0xb8;
	[tilespmem:$0xB0E0] =	vst v63  }
0x2f: {  	_ =	swait.ge [sflag:s15], $0x1400  }
.Ltmp0:
0x30: {  	[sflag:s15] =	ssyncset.done $0x0;
	(pc) =	sbr.rel @p1 .LBB2_2-.Ltmp0, $4  }
0x31: {  	[sflag:s15] =	ssyncadd.s32 $0xFFFFEC00  }
0x32: {  	[spmem:s3] =	stream.indirect.scatter.add.f32 [tilespmem:s14], [sflag:$0x2], $0x40, s13, s13, $0xb8;
	[tilespmem:$0xB0E0] =	vst v63  }
0x33: {  	_ =	swait.ge [sflag:s12], $0x1400  }
0x34: {  	s18 =	smov.u32 s21;
	[sflag:s12] =	ssyncset.done $0x0  }
0x35: {  	s18 =	sadd.s32 s17, s9;
	[sflag:s12] =	ssyncadd.s32 $0xFFFFEC00  }
0x36: {  	[tilespmem:s4], [sflag:$0x2] =	stream.linear.gather [hbm4b:s18+s4], $0x50, $0x38;
	[tilespmem:$0xB0E0] =	vst v63  }
0x37: {  	_ =	swait.ge [sflag:s12], $0x50  }
0x38: {  	[sflag:s12] =	ssyncset.done $0x0  }
0x39: {  	s31 =	sadd.s32 s17, s8;
	[sflag:s12] =	ssyncadd.s32 $0xFFFFFFB0  }
0x3a: {  	[tilespmem:s13], [sflag:$0x2] =	stream.linear.gather [hbm4b:s31+s4], $0x50, $0x38;
	[tilespmem:$0xB0E0] =	vst v63  }
0x3b: {  	_ =	swait.ge [sflag:s12], $0x50  }
0x3c: {  	[sflag:s12] =	ssyncset.done $0x0  }
0x3d: {  	[sflag:s12] =	ssyncadd.s32 $0xFFFFFFB0  }
0x3e: {  	[tilespmem:s14], [sflag:$0x1] =	stream.indirect.gather [hbm4b:s1+s13], $0x40, s4, s13, $0xb8;
	[tilespmem:$0xB0E0] =	vst v63  }
0x3f: {  	_ =	swait.ge [sflag:s15], $0x1400  }
0x40: {  	[sflag:s15] =	ssyncset.done $0x0  }
0x41: {  	[sflag:s15] =	ssyncadd.s32 $0xFFFFEC00  }
0x42: {  	[spmem:s3] =	stream.indirect.scatter.add.f32 [tilespmem:s14], [sflag:$0x2], $0x40, s13, s13, $0xb8;
	[tilespmem:$0xB0E0] =	vst v63  }
0x43: {  	_ =	swait.ge [sflag:s12], $0x1400  }
0x44: {  	s16 =	sadd.s32 $0x1, s16;
	[sflag:s12] =	ssyncset.done $0x0  }
0x45: {  	p1 =	sne.s32 s16, s7;
	[sflag:s12] =	ssyncadd.s32 $0xFFFFEC00  }
.Ltmp1:
0x46: {  	s17 =	simm.s32 @!p0 $0x2;
	[bflag:$0x0] =	sbarrier.arrive $0xFFFF;
	(pc) =	sbr.rel @p1 .LBB2_1-.Ltmp1, $4  }
0x47: {  	[hbm:s6], [sflag:s10] =	dma.local @!p0 [spmem:s11], $0x1F40  }
0x48: {  	_ =	swait.ge @!p0 [sflag:s17], $0x1F40  }
0x49: {  	[sflag:s17] =	ssyncset.done @!p0 $0x0  }
0x4a: {  	[sflag:s17] =	ssyncadd.s32 @!p0 $0xFFFFE0C0  }
0x4b: {  	_ =	sfence.sel $0x180000  }
0x4c: {  	[bflag:$0x0] =	sbarrier.arrive $0xFFFF  }
0x4d: {  	p0 =	sne.s32 s0, $0x0;
	_ =	strace $0x9000004A  }
0x4e: {  	s0 =	sadd.s32 @!p0 $0x100000, s2;
	[bflag:$0x2] =	sbarrier.arrive $0xFFFF  }
0x4f: {  	[sflag:s0] =	ssyncadd.tile.s32 @!p0 $0x1;
	_ =	shalt  }
.Lfunc_end2:
_tile_overlayer_lowered:
.L_overlay_start_2:
0x50: {  	(tag) =	ssettag $0x2  }
0x51: {  	s0 =	rddreg [dreg:$0x0];
	s2 =	stileid.u32  }
0x52: {  	s1 =	rddreg [dreg:$0x1];
	p0 =	sne.s32 s2, $0x0  }
0x53: {  	s3 =	rddreg [dreg:$0x2];
	[bflag:$0x3] =	sbarrier.arrive $0xFFFF;
	s2 =	simm.s32 @!p0 $0x1C02  }
0x54: {  	[timem:s3], [sflag:s2] =	dma.local @!p0 [hbm:s0], s1  }
0x55: {  	s0 =	simm.s32 @!p0 $0x2  }
0x56: {  	_ =	swait.ge @!p0 [sflag:s0], s1  }
0x57: {  	s1 =	ssub.s32 @!p0 $0x0, s1;
	[sflag:s0] =	ssyncset.done @!p0 $0x0  }
0x58: {  	[sflag:s0] =	ssyncadd.s32 @!p0 s1  }
0x59: {  	[bflag:$0x3] =	sbarrier.arrive $0xFFFF  }
0x5a: {  	_ =	shalt  }

// kernel: kernel.41.cloned.1.call-start
scs
__scs_entry_jumppad:
0x0: {  	(pc) =	sbr.rel $0x88, $3  }
0x1: {  	(tag) =	ssettag $0x0;
	lr =	simm.s32 $0x1  }
0x2: {  	[smem:$0x3F96] =	sst lr;
	_ =	strace $0xD0000000  }
0x3: {  	_ = 	snop  }
0x4: {  	_ = 	snop  }
0x5: {  	_ = 	snop  }
0x6: {  	_ = 	snop  }
0x7: {  	_ = 	snop  }
__scs_overlays_trampoline_lowered:
0x8: {  	[smem:$0x3FA5] =	sst s0  }
0x9: {  	[smem:$0x3FA6] =	sst s1  }
0xa: {  	[smem:$0x3FA7] =	sst s2  }
0xb: {  	[smem:$0x3FA8] =	sst s3  }
0xc: {  	[smem:$0x3FA9] =	sst s4  }
0xd: {  	[smem:$0x3FAA] =	sst s5  }
0xe: {  	[smem:$0x3FAB] =	sst s6  }
0xf: {  	[smem:$0x3FAC] =	sst s7  }
0x10: {  	[smem:$0x3FAD] =	sst s8  }
0x11: {  	[smem:$0x3FAE] =	sst s9;
	s0 =	simm.s32 @!p0 $0x0  }
0x12: {  	s1 =	sld [smem:$0x3F94];
	s0 =	simm.s32 @p0 $0x1  }
0x13: {  	[smem:$0x3FAF] =	sst s0;
	s0 =	simm.s32 @!p1 $0x0  }
0x14: {  	s2 =	sld [smem:$0x3F93];
	s0 =	simm.s32 @p1 $0x1  }
0x15: {  	[smem:$0x3FB0] =	sst s0;
	s0 =	simm.s32 @!p2 $0x0  }
0x16: {  	s3 =	sld [smem:$0x3FDB];
	s0 =	simm.s32 @p2 $0x1  }
0x17: {  	s4 =	simm.s32 $0x1BF5;
	[smem:$0x3FB2] =	sst s0  }
0x18: {  	s0 =	sld [smem:$0x3F95];
	_ =	swait.ge [sflag:s4], $0x0  }
0x19: {  	s7 =	sld [smem:$0x3F96]  }
0x1a: {  	s8 =	sadd.s32 $0xFFFFE003, lr  }
0x1b: {  	s9 =	sadd.s32 $0xFFFFFEF7, lr;
	s5 =	simm.s32 $0xFFFFFFFF;
	p2 =	slt.u32 s8, $0xFFFFF086  }
0x1c: {  	p1 =	slt.u32 s9, $0xF7A;
	s5 =	simm.s32 @!p2 $0x0  }
0x1d: {  	s5 =	simm.s32 @p1 $0x1;
	p0 =	seq.s32 s7, s2  }
0x1e: {  	s7 =	smul.u32 @!p0 $0xF7A, s2;
	p2 =	seq.s32 @!p0 s5, $0x0  }
0x1f: {  	s9 =	smul.u32 $0xF7A, s1;
	s8 =	simm.s32 @!p0 $0x1BF5;
	p2 =	por !p2, p0  }
0x20: {  	[sflag:s8] =	ssyncset.s32 @!p0 $0xFFFFF086;
	s6 =	sadd.s32 @!p0 s3, s7;
	s7 =	simm.s32 @!p0 $0x108  }
0x21: {  	s3 =	sadd.s32 s3, s9;
	s6 =	sadd.s32 @!p0 $0x88, s6;
	s7 =	simm.s32 @p2 $0x1082  }
0x22: {  	[simem:s7], [sflag:s8] =	dma.local @!p0 [hbm:s6], $0xF7A  }
0x23: {  	s9 =	sor.u32 $0xD0000000, s2;
	s6 =	simm.s32 $0x108;
	_ =	swait.ge @!p0 [sflag:s8], $0x0  }
0x24: {  	s3 =	sadd.s32 $0x88, s3;
	s6 =	simm.s32 @!p1 $0x1082;
	[sflag:s4] =	ssyncset.s32 $0xFFFFF086  }
0x25: {  	[simem:s6], [sflag:s4] =	dma.local [hbm:s3], $0xF7A  }
0x26: {  	[smem:$0x3F96] =	sst s1;
	(tag) =	ssettag s2;
	_ =	strace s9  }
0x27: {  	s1 =	sld [smem:$0x3FA6]  }
0x28: {  	s2 =	sld [smem:$0x3FA7]  }
0x29: {  	s4 =	sld [smem:$0x3FA9]  }
0x2a: {  	p0 =	seq.s32 s5, $0x0;
	s5 =	sld [smem:$0x3FAA]  }
0x2b: {  	s6 =	sld [smem:$0x3FAB]  }
0x2c: {  	s7 =	sld [smem:$0x3FAC]  }
0x2d: {  	s3 =	simm.s32 $0x108;
	s8 =	sld [smem:$0x3FAD]  }
0x2e: {  	s3 =	simm.s32 @!p0 $0x1082;
	s9 =	sld [smem:$0x3FAE]  }
0x2f: {  	lr =	sadd.s32 s0, s3;
	s0 =	sld [smem:$0x3FA5]  }
0x30: {  	s3 =	sld [smem:$0x3FA8]  }
0x31: {  	[smem:$0x3FB1] =	sst s10  }
0x32: {  	s10 =	sld [smem:$0x3FAF];
	_ =	sdelay $0x3  }
0x33: {  	p0 =	seq.s32 s10, $0x1;
	s10 =	sld [smem:$0x3FB1];
	_ =	sdelay $0x3  }
0x34: {  	[smem:$0x3FB1] =	sst s10  }
0x35: {  	s10 =	sld [smem:$0x3FB0];
	_ =	sdelay $0x3  }
0x36: {  	p1 =	seq.s32 s10, $0x1;
	s10 =	sld [smem:$0x3FB1];
	_ =	sdelay $0x3  }
0x37: {  	[smem:$0x3FB1] =	sst s10  }
0x38: {  	s10 =	sld [smem:$0x3FB2]  }
0x39: {  	_ = 	snop;
	(pc) =	sbr.ind lr, $3  }
0x3a: {  	_ = 	snop  }
0x3b: {  	_ = 	snop  }
0x3c: {  	p2 =	seq.s32 s10, $0x1;
	s10 =	sld [smem:$0x3FB1]  }
0x3d: {  	_ =	shalt  }
0x3e: {  	_ =	shalt  }
0x3f: {  	_ =	shalt  }
0x40: {  	_ =	shalt  }
0x41: {  	_ =	shalt  }
0x42: {  	_ =	shalt  }
0x43: {  	_ =	shalt  }
0x44: {  	_ =	shalt  }
0x45: {  	_ =	shalt  }
0x46: {  	_ =	shalt  }
0x47: {  	_ =	shalt  }
0x48: {  	_ =	shalt  }
0x49: {  	_ =	shalt  }
0x4a: {  	_ =	shalt  }
0x4b: {  	_ =	shalt  }
0x4c: {  	_ =	shalt  }
0x4d: {  	_ =	shalt  }
0x4e: {  	_ =	shalt  }
0x4f: {  	_ =	shalt  }
0x50: {  	_ =	shalt  }
0x51: {  	_ =	shalt  }
0x52: {  	_ =	shalt  }
0x53: {  	_ =	shalt  }
0x54: {  	_ =	shalt  }
0x55: {  	_ =	shalt  }
0x56: {  	_ =	shalt  }
0x57: {  	_ =	shalt  }
0x58: {  	_ =	shalt  }
0x59: {  	_ =	shalt  }
0x5a: {  	_ =	shalt  }
0x5b: {  	_ =	shalt  }
0x5c: {  	_ =	shalt  }
0x5d: {  	_ =	shalt  }
0x5e: {  	_ =	shalt  }
0x5f: {  	_ =	shalt  }
0x60: {  	_ =	shalt  }
0x61: {  	_ =	shalt  }
0x62: {  	_ =	shalt  }
0x63: {  	_ =	shalt  }
0x64: {  	_ =	shalt  }
0x65: {  	_ =	shalt  }
0x66: {  	_ =	shalt  }
0x67: {  	_ =	shalt  }
0x68: {  	_ =	shalt  }
0x69: {  	_ =	shalt  }
0x6a: {  	_ =	shalt  }
0x6b: {  	_ =	shalt  }
0x6c: {  	_ =	shalt  }
0x6d: {  	_ =	shalt  }
0x6e: {  	_ =	shalt  }
0x6f: {  	_ =	shalt  }
0x70: {  	_ =	shalt  }
0x71: {  	_ =	shalt  }
0x72: {  	_ =	shalt  }
0x73: {  	_ =	shalt  }
0x74: {  	_ =	shalt  }
0x75: {  	_ =	shalt  }
0x76: {  	_ =	shalt  }
0x77: {  	_ =	shalt  }
0x78: {  	_ =	shalt  }
0x79: {  	_ =	shalt  }
0x7a: {  	_ =	shalt  }
0x7b: {  	_ =	shalt  }
0x7c: {  	_ =	shalt  }
0x7d: {  	_ =	shalt  }
0x7e: {  	_ =	shalt  }
0x7f: {  	_ =	shalt  }
0x80: {  	_ =	shalt  }
0x81: {  	_ =	shalt  }
0x82: {  	_ =	shalt  }
0x83: {  	_ =	shalt  }
0x84: {  	_ =	shalt  }
0x85: {  	_ =	shalt  }
0x86: {  	_ =	shalt  }
0x87: {  	_ =	shalt  }
.Lfunc_end0:
.L_simem_size_0:
called_computation.4_lowered:
.L_overlay_start_0:
0x88: {  	s2 =	sld [smem:$0x3FD9]  }
0x89: {  	s3 =	sld [smem:$0x3FFE];
	_ =	sdelay $0x1  }
0x8a: {  	s1 =	srdreg.scid  }
0x8b: {  	s0 =	sand.u32 $0x1, s1  }
0x8c: {  	s17 =	sshll.u32 s0, $0xA;
	s2 =	sadd.s32 s3, s2  }
0x8d: {  	s2 =	sadd.s32 s2, s17  }
0x8e: {  	[smem:$0x3FBD] =	sst s2  }
0x8f: {  	_ = 	snop  }
0x90: {  	s2 =	sld [smem:$0x3FD0];
	(tm) =	ssettm $0x1  }
0x91: {  	s18 =	sld [smem:$0x3FFB];
	_ =	sdelay $0x3  }
0x92: {  	_ =	strace s18  }
0x93: {  	s3 =	sld [smem:$0x3FFC];
	_ =	sdelay $0x3  }
0x94: {  	_ =	strace s3  }
0x95: {  	s3 =	sld [smem:$0x3FFD];
	_ =	sdelay $0x3  }
0x96: {  	_ =	strace s3  }
0x97: {  	_ =	strace $0x8FFFFFFF  }
0x98: {  	s19 =	sld [smem:$0x3FDB];
	_ =	sdelay $0x1  }
0x99: {  	s4 =	simm.s32 $_scs_section_size  }
0x9a: {  	s5 =	simm.s32 $_size__tile_overlayer_lowered;
	s6 =	simm.s32 $_tile_overlayer_lowered  }
0x9b: {  	s22 =	simm.s32 $0x1BFF;
	s21 =	sshll.u32 s6, $0x1;
	s3 =	sadd.s32 s4, s19  }
0x9c: {  	s7 =	simm.s32 $0x0;
	s20 =	sshll.u32 s5, $0x1;
	s5 =	sadd.s32 s21, s3  }
0x9d: {  	[timem:s7], [sflag:s22] =	dma.local [hbm:s5], s20  }
0x9e: {  	_ =	swait.ge [sflag:s22], s20  }
0x9f: {  	s4 =	ssub.s32 $0x0, s20;
	[sflag:s22] =	ssyncset.done $0x0  }
0xa0: {  	[sflag:s22] =	ssyncadd.s32 s4;
	_ =	sdelay $0x1  }
0xa1: {  	s23 =	simm.s32 $0x1B8B  }
0xa2: {  	_ =	swait.ge [sflag:s23], $0x1  }
0xa3: {  	[sflag:s23] =	ssyncset.done $0x0  }
0xa4: {  	s25 =	simm.s32 $0x1B8E;
	s24 =	sld [smem:$0x3FFE];
	[sflag:s23] =	ssyncadd.s32 $0xFFFFFFFF  }
0xa5: {  	s26 =	simm.s32 $execute0_lowered;
	[smem:$0x3FD2] =	sst s25  }
0xa6: {  	s5 =	sshll.u32 s26, $0x1;
	_ =	strace $0x8000004C;
	[dreg:$0x1] =	wrdreg $0xFFFFFFFF  }
0xa7: {  	s28 =	simm.s32 $_size_execute0_lowered;
	s3 =	sadd.s32 s3, s5;
	[dreg:$0x0] =	wrdreg $0x0  }
0xa8: {  	s5 =	sshll.u32 s28, $0x1;
	[dreg:$0x2] =	wrdreg s3  }
0xa9: {  	[dreg:$0x3] =	wrdreg s5  }
0xaa: {  	[dreg:$0x4] =	wrdreg $0xC0  }
0xab: {  	_ =	task [dreg:s7], $0x5FFFF  }
0xac: {  	[dreg:$0x1] =	wrdreg $0xFFFFFFFF  }
0xad: {  	[dreg:$0x0] =	wrdreg $0x60  }
0xae: {  	[dreg:$0x2] =	wrdreg s2  }
0xaf: {  	[dreg:$0x3] =	wrdreg s24  }
0xb0: {  	[dreg:$0x4] =	wrdreg $0x14A00  }
0xb1: {  	[dreg:$0x5] =	wrdreg $0x9  }
0xb2: {  	_ =	task.clear_ibuf [dreg:s7], $0x6FFFF;
	_ =	strace $0x9000004C  }
0xb3: {  	s29 =	simm.s32 $0x9;
	_ =	strace $0x8000004E  }
0xb4: {  	_ =	swait.ge [sflag:s29], $0x1  }
0xb5: {  	[sflag:s29] =	ssyncadd.s32 $0xFFFFFFFF  }
0xb6: {  	_ =	strace $0x9000004E  }
0xb7: {  	_ =	sfence  }
0xb8: {  	s30 =	sld [smem:$0x0];
	_ =	sdelay $0x2  }
0xb9: {  	s31 =	sshll.u32 s1, $0xD;
	s1 =	sshrl.u32 s1, $0x2  }
0xba: {  	s3 =	sand.u32 $0x4000, s31;
	s1 =	sadd.s32 s1, s30  }
0xbb: {  	s0 =	sor.u32 s3, s0;
	s1 =	sshll.u32 s1, $0x11  }
0xbc: {  	s0 =	sor.u32 s1, s0  }
0xbd: {  	s0 =	sadd.s32 $0x8F2B, s0  }
0xbe: {  	[sflag:s0] =	ssyncadd.remote.s32 $0x1  }
0xbf: {  	_ =	sfence.sel $0xFFFF  }
0xc0: {  	[dreg:$0x0] =	wrdreg $0xFFFFFFFF;
	(pc) =	sbr.abs _section_cstart, $3  }
0xc1: {  	[dreg:$0x1] =	wrdreg $0xFFFFFFFF  }
0xc2: {  	_ =	task.clear_ibuf [dreg:s7], $0x2FFFF;
	_ =	strace $0x9FFFFFFF  }
0xc3: {  	(tm) =	ssettm $0x7FFFFFFF  }
tec
execute0_lowered:
.L_overlay_start_1:
0x0: {  	(tag) =	ssettag $0x1  }
0x1: {  	s1 =	rddreg [dreg:$0x0];
	s2 =	srdreg.scid  }
0x2: {  	s0 =	stileid.u32;
	s5 =	rddreg [dreg:$0x1]  }
0x3: {  	s3 =	rddreg [dreg:$0x2];
	s4 =	simm.s32 $0x0;
	s13 =	simm.s32 $0x50  }
0x4: {  	s14 =	simm.s32 $0xA0;
	s15 =	simm.s32 $0x1;
	s7 =	smul.u32 $0x4E20, s0  }
0x5: {  	s6 =	sand.u32 $0x1, s2;
	s2 =	rddreg [dreg:$0x3];
	s9 =	smul.u32 $0xFA00, s0  }
0x6: {  	s16 =	simm.s32 $0x0;
	[smem:$0x7FF] =	sst s4;
	s8 =	smul.u32 $0x2710, s6  }
0x7: {  	p0 =	sgt.u32 s0, $0x9;
	s29 =	smul.u32 $0x9C400, s6;
	_ =	strace $0x8000004D  }
0x8: {  	s6 =	ssub.s32 $0x2, s6;
	s31 =	sshrl.u32 s9, $0x3;
	s7 =	sadd.s32 s8, s7  }
0x9: {  	s11 =	sshrl.u32 s6, $0x1;
	s30 =	sadd.s32 s9, s29;
	s7 =	sshrl.u32 s7, $0x3  }
0xa: {  	s12 =	sadd.s32 s9, s3;
	s10 =	sadd.s32 s7, s5;
	s7 =	sshrl.u32 s30, $0x3  }
0xb: {  	s8 =	sadd.s32 s31, s5;
	s11 =	ssub.s32 s6, s11;
	s7 =	sadd.s32 s7, s5  }
0xc: {  	s5 =	sadd.s32 $0x46A00, s8;
	s8 =	sadd.s32 $0x14600, s10;
	s9 =	sadd.s32 $0xA800, s10  }
0xd: {  	s6 =	sadd.s32 $0x5A400, s7;
	s7 =	smax.u32 s11, $0x1;
	s11 =	sshll.u32 @!p0 s0, $0x6  }
0xe: {  	s10 =	sor.u32 @!p0 $0x1C02, s11;
	s11 =	sshrl.u32 @!p0 s12, $0x3;
	s12 =	simm.s32 $0x2  }
.LBB2_1:
0xf: {  	[spmem:s11], [sflag:s10] =	dma.local @!p0 [hbm:s5], $0x1F40  }
0x10: {  	s17 =	simm.s32 @!p0 $0x2  }
0x11: {  	_ =	swait.ge @!p0 [sflag:s17], $0x1F40  }
0x12: {  	[sflag:s17] =	ssyncset.done @!p0 $0x0  }
0x13: {  	[sflag:s17] =	ssyncadd.s32 @!p0 $0xFFFFE0C0  }
0x14: {  	s30 =	sadd.s32 $0x0, s9;
	[bflag:$0x0] =	sbarrier.arrive $0xFFFF  }
0x15: {  	[tilespmem:s4], [sflag:$0x2] =	stream.linear.gather [hbm4b:s30+s4], $0x50, $0x38;
	[tilespmem:$0xB0E0] =	vst v63  }
0x16: {  	_ =	swait.ge [sflag:s12], $0x50  }
0x17: {  	[sflag:s12] =	ssyncset.done $0x0  }
0x18: {  	s31 =	sadd.s32 $0x0, s8;
	[sflag:s12] =	ssyncadd.s32 $0xFFFFFFB0  }
0x19: {  	[tilespmem:s13], [sflag:$0x2] =	stream.linear.gather [hbm4b:s31+s4], $0x50, $0x38;
	[tilespmem:$0xB0E0] =	vst v63  }
0x1a: {  	_ =	swait.ge [sflag:s12], $0x50  }
0x1b: {  	[sflag:s12] =	ssyncset.done $0x0  }
0x1c: {  	[sflag:s12] =	ssyncadd.s32 $0xFFFFFFB0  }
0x1d: {  	[tilespmem:s14], [sflag:$0x1] =	stream.indirect.gather [hbm4b:s1+s13], $0x40, s4, s13, $0xb8;
	[tilespmem:$0xB0E0] =	vst v63  }
0x1e: {  	_ =	swait.ge [sflag:s15], $0x1400  }
0x1f: {  	[sflag:s15] =	ssyncset.done $0x0  }
0x20: {  	[sflag:s15] =	ssyncadd.s32 $0xFFFFEC00  }
0x21: {  	[spmem:s3] =	stream.indirect.scatter.add.f32 [tilespmem:s14], [sflag:$0x2], $0x40, s13, s13, $0xb8;
	[tilespmem:$0xB0E0] =	vst v63  }
0x22: {  	_ =	swait.ge [sflag:s12], $0x1400  }
0x23: {  	s18 =	simm.s32 $0x14;
	s17 =	simm.s32 $0xA;
	[sflag:s12] =	ssyncset.done $0x0  }
.LBB2_2:
0x24: {  	s19 =	sadd.s32 s17, s9  }
0x25: {  	[sflag:s12] =	ssyncadd.s32 $0xFFFFEC00;
	s20 =	smov.u32 s18;
	s21 =	sadd.s32 $0xA, s18  }
0x26: {  	[tilespmem:s4], [sflag:$0x2] =	stream.linear.gather [hbm4b:s19+s4], $0x50, $0x38;
	[tilespmem:$0xB0E0] =	vst v63  }
0x27: {  	p1 =	sne.s32 s18, $0x4D8;
	_ =	swait.ge [sflag:s12], $0x50  }
0x28: {  	[sflag:s12] =	ssyncset.done $0x0  }
0x29: {  	s18 =	sadd.s32 s17, s8;
	s17 =	smov.u32 s20;
	[sflag:s12] =	ssyncadd.s32 $0xFFFFFFB0  }
0x2a: {  	[tilespmem:s13], [sflag:$0x2] =	stream.linear.gather [hbm4b:s18+s4], $0x50, $0x38;
	[tilespmem:$0xB0E0] =	vst v63  }
0x2b: {  	_ =	swait.ge [sflag:s12], $0x50  }
0x2c: {  	[sflag:s12] =	ssyncset.done $0x0  }
0x2d: {  	[sflag:s12] =	ssyncadd.s32 $0xFFFFFFB0  }
0x2e: {  	[tilespmem:s14], [sflag:$0x1] =	stream.indirect.gather [hbm4b:s1+s13], $0x40, s4, s13, $0xb8;
	[tilespmem:$0xB0E0] =	vst v63  }
0x2f: {  	_ =	swait.ge [sflag:s15], $0x1400  }
.Ltmp0:
0x30: {  	[sflag:s15] =	ssyncset.done $0x0;
	(pc) =	sbr.rel @p1 .LBB2_2-.Ltmp0, $4  }
0x31: {  	[sflag:s15] =	ssyncadd.s32 $0xFFFFEC00  }
0x32: {  	[spmem:s3] =	stream.indirect.scatter.add.f32 [tilespmem:s14], [sflag:$0x2], $0x40, s13, s13, $0xb8;
	[tilespmem:$0xB0E0] =	vst v63  }
0x33: {  	_ =	swait.ge [sflag:s12], $0x1400  }
0x34: {  	s18 =	smov.u32 s21;
	[sflag:s12] =	ssyncset.done $0x0  }
0x35: {  	s18 =	sadd.s32 s17, s9;
	[sflag:s12] =	ssyncadd.s32 $0xFFFFEC00  }
0x36: {  	[tilespmem:s4], [sflag:$0x2] =	stream.linear.gather [hbm4b:s18+s4], $0x50, $0x38;
	[tilespmem:$0xB0E0] =	vst v63  }
0x37: {  	_ =	swait.ge [sflag:s12], $0x50  }
0x38: {  	[sflag:s12] =	ssyncset.done $0x0  }
0x39: {  	s31 =	sadd.s32 s17, s8;
	[sflag:s12] =	ssyncadd.s32 $0xFFFFFFB0  }
0x3a: {  	[tilespmem:s13], [sflag:$0x2] =	stream.linear.gather [hbm4b:s31+s4], $0x50, $0x38;
	[tilespmem:$0xB0E0] =	vst v63  }
0x3b: {  	_ =	swait.ge [sflag:s12], $0x50  }
0x3c: {  	[sflag:s12] =	ssyncset.done $0x0  }
0x3d: {  	[sflag:s12] =	ssyncadd.s32 $0xFFFFFFB0  }
0x3e: {  	[tilespmem:s14], [sflag:$0x1] =	stream.indirect.gather [hbm4b:s1+s13], $0x40, s4, s13, $0xb8;
	[tilespmem:$0xB0E0] =	vst v63  }
0x3f: {  	_ =	swait.ge [sflag:s15], $0x1400  }
0x40: {  	[sflag:s15] =	ssyncset.done $0x0  }
0x41: {  	[sflag:s15] =	ssyncadd.s32 $0xFFFFEC00  }
0x42: {  	[spmem:s3] =	stream.indirect.scatter.add.f32 [tilespmem:s14], [sflag:$0x2], $0x40, s13, s13, $0xb8;
	[tilespmem:$0xB0E0] =	vst v63  }
0x43: {  	_ =	swait.ge [sflag:s12], $0x1400  }
0x44: {  	s16 =	sadd.s32 $0x1, s16;
	[sflag:s12] =	ssyncset.done $0x0  }
0x45: {  	p1 =	sne.s32 s16, s7;
	[sflag:s12] =	ssyncadd.s32 $0xFFFFEC00  }
.Ltmp1:
0x46: {  	s17 =	simm.s32 @!p0 $0x2;
	[bflag:$0x0] =	sbarrier.arrive $0xFFFF;
	(pc) =	sbr.rel @p1 .LBB2_1-.Ltmp1, $4  }
0x47: {  	[hbm:s6], [sflag:s10] =	dma.local @!p0 [spmem:s11], $0x1F40  }
0x48: {  	_ =	swait.ge @!p0 [sflag:s17], $0x1F40  }
0x49: {  	[sflag:s17] =	ssyncset.done @!p0 $0x0  }
0x4a: {  	[sflag:s17] =	ssyncadd.s32 @!p0 $0xFFFFE0C0  }
0x4b: {  	_ =	sfence.sel $0x180000  }
0x4c: {  	[bflag:$0x0] =	sbarrier.arrive $0xFFFF  }
0x4d: {  	p0 =	sne.s32 s0, $0x0;
	_ =	strace $0x9000004D  }
0x4e: {  	s0 =	sadd.s32 @!p0 $0x100000, s2;
	[bflag:$0x2] =	sbarrier.arrive $0xFFFF  }
0x4f: {  	[sflag:s0] =	ssyncadd.tile.s32 @!p0 $0x1;
	_ =	shalt  }
.Lfunc_end2:
_tile_overlayer_lowered:
.L_overlay_start_2:
0x50: {  	(tag) =	ssettag $0x2  }
0x51: {  	s0 =	rddreg [dreg:$0x0];
	s2 =	stileid.u32  }
0x52: {  	s1 =	rddreg [dreg:$0x1];
	p0 =	sne.s32 s2, $0x0  }
0x53: {  	s3 =	rddreg [dreg:$0x2];
	[bflag:$0x3] =	sbarrier.arrive $0xFFFF;
	s2 =	simm.s32 @!p0 $0x1C02  }
0x54: {  	[timem:s3], [sflag:s2] =	dma.local @!p0 [hbm:s0], s1  }
0x55: {  	s0 =	simm.s32 @!p0 $0x2  }
0x56: {  	_ =	swait.ge @!p0 [sflag:s0], s1  }
0x57: {  	s1 =	ssub.s32 @!p0 $0x0, s1;
	[sflag:s0] =	ssyncset.done @!p0 $0x0  }
0x58: {  	[sflag:s0] =	ssyncadd.s32 @!p0 s1  }
0x59: {  	[bflag:$0x3] =	sbarrier.arrive $0xFFFF  }
0x5a: {  	_ =	shalt  }

// kernel: kernel.44.cloned.1.call-start
scs
__scs_entry_jumppad:
0x0: {  	(pc) =	sbr.rel $0x88, $3  }
0x1: {  	(tag) =	ssettag $0x0;
	lr =	simm.s32 $0x1  }
0x2: {  	[smem:$0x3F96] =	sst lr;
	_ =	strace $0xD0000000  }
0x3: {  	_ = 	snop  }
0x4: {  	_ = 	snop  }
0x5: {  	_ = 	snop  }
0x6: {  	_ = 	snop  }
0x7: {  	_ = 	snop  }
__scs_overlays_trampoline_lowered:
0x8: {  	[smem:$0x3FA5] =	sst s0  }
0x9: {  	[smem:$0x3FA6] =	sst s1  }
0xa: {  	[smem:$0x3FA7] =	sst s2  }
0xb: {  	[smem:$0x3FA8] =	sst s3  }
0xc: {  	[smem:$0x3FA9] =	sst s4  }
0xd: {  	[smem:$0x3FAA] =	sst s5  }
0xe: {  	[smem:$0x3FAB] =	sst s6  }
0xf: {  	[smem:$0x3FAC] =	sst s7  }
0x10: {  	[smem:$0x3FAD] =	sst s8  }
0x11: {  	[smem:$0x3FAE] =	sst s9;
	s0 =	simm.s32 @!p0 $0x0  }
0x12: {  	s1 =	sld [smem:$0x3F94];
	s0 =	simm.s32 @p0 $0x1  }
0x13: {  	[smem:$0x3FAF] =	sst s0;
	s0 =	simm.s32 @!p1 $0x0  }
0x14: {  	s2 =	sld [smem:$0x3F93];
	s0 =	simm.s32 @p1 $0x1  }
0x15: {  	[smem:$0x3FB0] =	sst s0;
	s0 =	simm.s32 @!p2 $0x0  }
0x16: {  	s3 =	sld [smem:$0x3FDB];
	s0 =	simm.s32 @p2 $0x1  }
0x17: {  	s4 =	simm.s32 $0x1BF5;
	[smem:$0x3FB2] =	sst s0  }
0x18: {  	s0 =	sld [smem:$0x3F95];
	_ =	swait.ge [sflag:s4], $0x0  }
0x19: {  	s7 =	sld [smem:$0x3F96]  }
0x1a: {  	s8 =	sadd.s32 $0xFFFFE003, lr  }
0x1b: {  	s9 =	sadd.s32 $0xFFFFFEF7, lr;
	s5 =	simm.s32 $0xFFFFFFFF;
	p2 =	slt.u32 s8, $0xFFFFF086  }
0x1c: {  	p1 =	slt.u32 s9, $0xF7A;
	s5 =	simm.s32 @!p2 $0x0  }
0x1d: {  	s5 =	simm.s32 @p1 $0x1;
	p0 =	seq.s32 s7, s2  }
0x1e: {  	s7 =	smul.u32 @!p0 $0xF7A, s2;
	p2 =	seq.s32 @!p0 s5, $0x0  }
0x1f: {  	s9 =	smul.u32 $0xF7A, s1;
	s8 =	simm.s32 @!p0 $0x1BF5;
	p2 =	por !p2, p0  }
0x20: {  	[sflag:s8] =	ssyncset.s32 @!p0 $0xFFFFF086;
	s6 =	sadd.s32 @!p0 s3, s7;
	s7 =	simm.s32 @!p0 $0x108  }
0x21: {  	s3 =	sadd.s32 s3, s9;
	s6 =	sadd.s32 @!p0 $0x88, s6;
	s7 =	simm.s32 @p2 $0x1082  }
0x22: {  	[simem:s7], [sflag:s8] =	dma.local @!p0 [hbm:s6], $0xF7A  }
0x23: {  	s9 =	sor.u32 $0xD0000000, s2;
	s6 =	simm.s32 $0x108;
	_ =	swait.ge @!p0 [sflag:s8], $0x0  }
0x24: {  	s3 =	sadd.s32 $0x88, s3;
	s6 =	simm.s32 @!p1 $0x1082;
	[sflag:s4] =	ssyncset.s32 $0xFFFFF086  }
0x25: {  	[simem:s6], [sflag:s4] =	dma.local [hbm:s3], $0xF7A  }
0x26: {  	[smem:$0x3F96] =	sst s1;
	(tag) =	ssettag s2;
	_ =	strace s9  }
0x27: {  	s1 =	sld [smem:$0x3FA6]  }
0x28: {  	s2 =	sld [smem:$0x3FA7]  }
0x29: {  	s4 =	sld [smem:$0x3FA9]  }
0x2a: {  	p0 =	seq.s32 s5, $0x0;
	s5 =	sld [smem:$0x3FAA]  }
0x2b: {  	s6 =	sld [smem:$0x3FAB]  }
0x2c: {  	s7 =	sld [smem:$0x3FAC]  }
0x2d: {  	s3 =	simm.s32 $0x108;
	s8 =	sld [smem:$0x3FAD]  }
0x2e: {  	s3 =	simm.s32 @!p0 $0x1082;
	s9 =	sld [smem:$0x3FAE]  }
0x2f: {  	lr =	sadd.s32 s0, s3;
	s0 =	sld [smem:$0x3FA5]  }
0x30: {  	s3 =	sld [smem:$0x3FA8]  }
0x31: {  	[smem:$0x3FB1] =	sst s10  }
0x32: {  	s10 =	sld [smem:$0x3FAF];
	_ =	sdelay $0x3  }
0x33: {  	p0 =	seq.s32 s10, $0x1;
	s10 =	sld [smem:$0x3FB1];
	_ =	sdelay $0x3  }
0x34: {  	[smem:$0x3FB1] =	sst s10  }
0x35: {  	s10 =	sld [smem:$0x3FB0];
	_ =	sdelay $0x3  }
0x36: {  	p1 =	seq.s32 s10, $0x1;
	s10 =	sld [smem:$0x3FB1];
	_ =	sdelay $0x3  }
0x37: {  	[smem:$0x3FB1] =	sst s10  }
0x38: {  	s10 =	sld [smem:$0x3FB2]  }
0x39: {  	_ = 	snop;
	(pc) =	sbr.ind lr, $3  }
0x3a: {  	_ = 	snop  }
0x3b: {  	_ = 	snop  }
0x3c: {  	p2 =	seq.s32 s10, $0x1;
	s10 =	sld [smem:$0x3FB1]  }
0x3d: {  	_ =	shalt  }
0x3e: {  	_ =	shalt  }
0x3f: {  	_ =	shalt  }
0x40: {  	_ =	shalt  }
0x41: {  	_ =	shalt  }
0x42: {  	_ =	shalt  }
0x43: {  	_ =	shalt  }
0x44: {  	_ =	shalt  }
0x45: {  	_ =	shalt  }
0x46: {  	_ =	shalt  }
0x47: {  	_ =	shalt  }
0x48: {  	_ =	shalt  }
0x49: {  	_ =	shalt  }
0x4a: {  	_ =	shalt  }
0x4b: {  	_ =	shalt  }
0x4c: {  	_ =	shalt  }
0x4d: {  	_ =	shalt  }
0x4e: {  	_ =	shalt  }
0x4f: {  	_ =	shalt  }
0x50: {  	_ =	shalt  }
0x51: {  	_ =	shalt  }
0x52: {  	_ =	shalt  }
0x53: {  	_ =	shalt  }
0x54: {  	_ =	shalt  }
0x55: {  	_ =	shalt  }
0x56: {  	_ =	shalt  }
0x57: {  	_ =	shalt  }
0x58: {  	_ =	shalt  }
0x59: {  	_ =	shalt  }
0x5a: {  	_ =	shalt  }
0x5b: {  	_ =	shalt  }
0x5c: {  	_ =	shalt  }
0x5d: {  	_ =	shalt  }
0x5e: {  	_ =	shalt  }
0x5f: {  	_ =	shalt  }
0x60: {  	_ =	shalt  }
0x61: {  	_ =	shalt  }
0x62: {  	_ =	shalt  }
0x63: {  	_ =	shalt  }
0x64: {  	_ =	shalt  }
0x65: {  	_ =	shalt  }
0x66: {  	_ =	shalt  }
0x67: {  	_ =	shalt  }
0x68: {  	_ =	shalt  }
0x69: {  	_ =	shalt  }
0x6a: {  	_ =	shalt  }
0x6b: {  	_ =	shalt  }
0x6c: {  	_ =	shalt  }
0x6d: {  	_ =	shalt  }
0x6e: {  	_ =	shalt  }
0x6f: {  	_ =	shalt  }
0x70: {  	_ =	shalt  }
0x71: {  	_ =	shalt  }
0x72: {  	_ =	shalt  }
0x73: {  	_ =	shalt  }
0x74: {  	_ =	shalt  }
0x75: {  	_ =	shalt  }
0x76: {  	_ =	shalt  }
0x77: {  	_ =	shalt  }
0x78: {  	_ =	shalt  }
0x79: {  	_ =	shalt  }
0x7a: {  	_ =	shalt  }
0x7b: {  	_ =	shalt  }
0x7c: {  	_ =	shalt  }
0x7d: {  	_ =	shalt  }
0x7e: {  	_ =	shalt  }
0x7f: {  	_ =	shalt  }
0x80: {  	_ =	shalt  }
0x81: {  	_ =	shalt  }
0x82: {  	_ =	shalt  }
0x83: {  	_ =	shalt  }
0x84: {  	_ =	shalt  }
0x85: {  	_ =	shalt  }
0x86: {  	_ =	shalt  }
0x87: {  	_ =	shalt  }
.Lfunc_end0:
.L_simem_size_0:
called_computation.5_lowered:
.L_overlay_start_0:
0x88: {  	s2 =	sld [smem:$0x3FD9]  }
0x89: {  	s3 =	sld [smem:$0x3FFE];
	_ =	sdelay $0x1  }
0x8a: {  	s1 =	srdreg.scid  }
0x8b: {  	s0 =	sand.u32 $0x1, s1  }
0x8c: {  	s17 =	sshll.u32 s0, $0xA;
	s2 =	sadd.s32 s3, s2  }
0x8d: {  	s2 =	sadd.s32 s2, s17  }
0x8e: {  	[smem:$0x3FBD] =	sst s2  }
0x8f: {  	_ = 	snop  }
0x90: {  	s2 =	sld [smem:$0x3FD0];
	(tm) =	ssettm $0x1  }
0x91: {  	s18 =	sld [smem:$0x3FFB];
	_ =	sdelay $0x3  }
0x92: {  	_ =	strace s18  }
0x93: {  	s3 =	sld [smem:$0x3FFC];
	_ =	sdelay $0x3  }
0x94: {  	_ =	strace s3  }
0x95: {  	s3 =	sld [smem:$0x3FFD];
	_ =	sdelay $0x3  }
0x96: {  	_ =	strace s3  }
0x97: {  	_ =	strace $0x8FFFFFFF  }
0x98: {  	s19 =	sld [smem:$0x3FDB];
	_ =	sdelay $0x1  }
0x99: {  	s4 =	simm.s32 $_scs_section_size  }
0x9a: {  	s5 =	simm.s32 $_size__tile_overlayer_lowered;
	s6 =	simm.s32 $_tile_overlayer_lowered  }
0x9b: {  	s22 =	simm.s32 $0x1BFF;
	s21 =	sshll.u32 s6, $0x1;
	s3 =	sadd.s32 s4, s19  }
0x9c: {  	s7 =	simm.s32 $0x0;
	s20 =	sshll.u32 s5, $0x1;
	s5 =	sadd.s32 s21, s3  }
0x9d: {  	[timem:s7], [sflag:s22] =	dma.local [hbm:s5], s20  }
0x9e: {  	_ =	swait.ge [sflag:s22], s20  }
0x9f: {  	s4 =	ssub.s32 $0x0, s20;
	[sflag:s22] =	ssyncset.done $0x0  }
0xa0: {  	[sflag:s22] =	ssyncadd.s32 s4;
	_ =	sdelay $0x1  }
0xa1: {  	s23 =	simm.s32 $0x1B8B  }
0xa2: {  	_ =	swait.ge [sflag:s23], $0x1  }
0xa3: {  	[sflag:s23] =	ssyncset.done $0x0  }
0xa4: {  	s25 =	simm.s32 $0x1B8E;
	s24 =	sld [smem:$0x3FFE];
	[sflag:s23] =	ssyncadd.s32 $0xFFFFFFFF  }
0xa5: {  	s26 =	simm.s32 $execute0_lowered;
	[smem:$0x3FD2] =	sst s25  }
0xa6: {  	s5 =	sshll.u32 s26, $0x1;
	_ =	strace $0x8000004F;
	[dreg:$0x1] =	wrdreg $0xFFFFFFFF  }
0xa7: {  	s28 =	simm.s32 $_size_execute0_lowered;
	s3 =	sadd.s32 s3, s5;
	[dreg:$0x0] =	wrdreg $0x0  }
0xa8: {  	s5 =	sshll.u32 s28, $0x1;
	[dreg:$0x2] =	wrdreg s3  }
0xa9: {  	[dreg:$0x3] =	wrdreg s5  }
0xaa: {  	[dreg:$0x4] =	wrdreg $0xC0  }
0xab: {  	_ =	task [dreg:s7], $0x5FFFF  }
0xac: {  	[dreg:$0x1] =	wrdreg $0xFFFFFFFF  }
0xad: {  	[dreg:$0x0] =	wrdreg $0x60  }
0xae: {  	[dreg:$0x2] =	wrdreg s2  }
0xaf: {  	[dreg:$0x3] =	wrdreg s24  }
0xb0: {  	[dreg:$0x4] =	wrdreg $0x14A00  }
0xb1: {  	[dreg:$0x5] =	wrdreg $0x9  }
0xb2: {  	_ =	task.clear_ibuf [dreg:s7], $0x6FFFF;
	_ =	strace $0x9000004F  }
0xb3: {  	s29 =	simm.s32 $0x9;
	_ =	strace $0x80000051  }
0xb4: {  	_ =	swait.ge [sflag:s29], $0x1  }
0xb5: {  	[sflag:s29] =	ssyncadd.s32 $0xFFFFFFFF  }
0xb6: {  	_ =	strace $0x90000051  }
0xb7: {  	_ =	sfence  }
0xb8: {  	s30 =	sld [smem:$0x0];
	_ =	sdelay $0x2  }
0xb9: {  	s31 =	sshll.u32 s1, $0xD;
	s1 =	sshrl.u32 s1, $0x2  }
0xba: {  	s3 =	sand.u32 $0x4000, s31;
	s1 =	sadd.s32 s1, s30  }
0xbb: {  	s0 =	sor.u32 s3, s0;
	s1 =	sshll.u32 s1, $0x11  }
0xbc: {  	s0 =	sor.u32 s1, s0  }
0xbd: {  	s0 =	sadd.s32 $0x8F2B, s0  }
0xbe: {  	[sflag:s0] =	ssyncadd.remote.s32 $0x1  }
0xbf: {  	_ =	sfence.sel $0xFFFF  }
0xc0: {  	[dreg:$0x0] =	wrdreg $0xFFFFFFFF;
	(pc) =	sbr.abs _section_cstart, $3  }
0xc1: {  	[dreg:$0x1] =	wrdreg $0xFFFFFFFF  }
0xc2: {  	_ =	task.clear_ibuf [dreg:s7], $0x2FFFF;
	_ =	strace $0x9FFFFFFF  }
0xc3: {  	(tm) =	ssettm $0x7FFFFFFF  }
tec
execute0_lowered:
.L_overlay_start_1:
0x0: {  	(tag) =	ssettag $0x1  }
0x1: {  	s1 =	rddreg [dreg:$0x0];
	s2 =	srdreg.scid  }
0x2: {  	s0 =	stileid.u32;
	s5 =	rddreg [dreg:$0x1]  }
0x3: {  	s3 =	rddreg [dreg:$0x2];
	s4 =	simm.s32 $0x0;
	s13 =	simm.s32 $0x50  }
0x4: {  	s14 =	simm.s32 $0xA0;
	s15 =	simm.s32 $0x1;
	s7 =	smul.u32 $0x4E20, s0  }
0x5: {  	s6 =	sand.u32 $0x1, s2;
	s2 =	rddreg [dreg:$0x3];
	s9 =	smul.u32 $0xFA00, s0  }
0x6: {  	s16 =	simm.s32 $0x0;
	[smem:$0x7FF] =	sst s4;
	s8 =	smul.u32 $0x2710, s6  }
0x7: {  	p0 =	sgt.u32 s0, $0x9;
	s29 =	smul.u32 $0x9C400, s6;
	_ =	strace $0x80000050  }
0x8: {  	s6 =	ssub.s32 $0x2, s6;
	s31 =	sshrl.u32 s9, $0x3;
	s7 =	sadd.s32 s8, s7  }
0x9: {  	s11 =	sshrl.u32 s6, $0x1;
	s30 =	sadd.s32 s9, s29;
	s7 =	sshrl.u32 s7, $0x3  }
0xa: {  	s12 =	sadd.s32 s9, s3;
	s10 =	sadd.s32 s7, s5;
	s7 =	sshrl.u32 s30, $0x3  }
0xb: {  	s8 =	sadd.s32 s31, s5;
	s11 =	ssub.s32 s6, s11;
	s7 =	sadd.s32 s7, s5  }
0xc: {  	s5 =	sadd.s32 $0x46A00, s8;
	s8 =	sadd.s32 $0x14600, s10;
	s9 =	sadd.s32 $0xA800, s10  }
0xd: {  	s6 =	sadd.s32 $0x5A400, s7;
	s7 =	smax.u32 s11, $0x1;
	s11 =	sshll.u32 @!p0 s0, $0x6  }
0xe: {  	s10 =	sor.u32 @!p0 $0x1C02, s11;
	s11 =	sshrl.u32 @!p0 s12, $0x3;
	s12 =	simm.s32 $0x2  }
.LBB2_1:
0xf: {  	[spmem:s11], [sflag:s10] =	dma.local @!p0 [hbm:s5], $0x1F40  }
0x10: {  	s17 =	simm.s32 @!p0 $0x2  }
0x11: {  	_ =	swait.ge @!p0 [sflag:s17], $0x1F40  }
0x12: {  	[sflag:s17] =	ssyncset.done @!p0 $0x0  }
0x13: {  	[sflag:s17] =	ssyncadd.s32 @!p0 $0xFFFFE0C0  }
0x14: {  	s30 =	sadd.s32 $0x0, s9;
	[bflag:$0x0] =	sbarrier.arrive $0xFFFF  }
0x15: {  	[tilespmem:s4], [sflag:$0x2] =	stream.linear.gather [hbm4b:s30+s4], $0x50, $0x38;
	[tilespmem:$0xB0E0] =	vst v63  }
0x16: {  	_ =	swait.ge [sflag:s12], $0x50  }
0x17: {  	[sflag:s12] =	ssyncset.done $0x0  }
0x18: {  	s31 =	sadd.s32 $0x0, s8;
	[sflag:s12] =	ssyncadd.s32 $0xFFFFFFB0  }
0x19: {  	[tilespmem:s13], [sflag:$0x2] =	stream.linear.gather [hbm4b:s31+s4], $0x50, $0x38;
	[tilespmem:$0xB0E0] =	vst v63  }
0x1a: {  	_ =	swait.ge [sflag:s12], $0x50  }
0x1b: {  	[sflag:s12] =	ssyncset.done $0x0  }
0x1c: {  	[sflag:s12] =	ssyncadd.s32 $0xFFFFFFB0  }
0x1d: {  	[tilespmem:s14], [sflag:$0x1] =	stream.indirect.gather [hbm4b:s1+s13], $0x40, s4, s13, $0xb8;
	[tilespmem:$0xB0E0] =	vst v63  }
0x1e: {  	_ =	swait.ge [sflag:s15], $0x1400  }
0x1f: {  	[sflag:s15] =	ssyncset.done $0x0  }
0x20: {  	[sflag:s15] =	ssyncadd.s32 $0xFFFFEC00  }
0x21: {  	[spmem:s3] =	stream.indirect.scatter.add.f32 [tilespmem:s14], [sflag:$0x2], $0x40, s13, s13, $0xb8;
	[tilespmem:$0xB0E0] =	vst v63  }
0x22: {  	_ =	swait.ge [sflag:s12], $0x1400  }
0x23: {  	s18 =	simm.s32 $0x14;
	s17 =	simm.s32 $0xA;
	[sflag:s12] =	ssyncset.done $0x0  }
.LBB2_2:
0x24: {  	s19 =	sadd.s32 s17, s9  }
0x25: {  	[sflag:s12] =	ssyncadd.s32 $0xFFFFEC00;
	s20 =	smov.u32 s18;
	s21 =	sadd.s32 $0xA, s18  }
0x26: {  	[tilespmem:s4], [sflag:$0x2] =	stream.linear.gather [hbm4b:s19+s4], $0x50, $0x38;
	[tilespmem:$0xB0E0] =	vst v63  }
0x27: {  	p1 =	sne.s32 s18, $0x4D8;
	_ =	swait.ge [sflag:s12], $0x50  }
0x28: {  	[sflag:s12] =	ssyncset.done $0x0  }
0x29: {  	s18 =	sadd.s32 s17, s8;
	s17 =	smov.u32 s20;
	[sflag:s12] =	ssyncadd.s32 $0xFFFFFFB0  }
0x2a: {  	[tilespmem:s13], [sflag:$0x2] =	stream.linear.gather [hbm4b:s18+s4], $0x50, $0x38;
	[tilespmem:$0xB0E0] =	vst v63  }
0x2b: {  	_ =	swait.ge [sflag:s12], $0x50  }
0x2c: {  	[sflag:s12] =	ssyncset.done $0x0  }
0x2d: {  	[sflag:s12] =	ssyncadd.s32 $0xFFFFFFB0  }
0x2e: {  	[tilespmem:s14], [sflag:$0x1] =	stream.indirect.gather [hbm4b:s1+s13], $0x40, s4, s13, $0xb8;
	[tilespmem:$0xB0E0] =	vst v63  }
0x2f: {  	_ =	swait.ge [sflag:s15], $0x1400  }
.Ltmp0:
0x30: {  	[sflag:s15] =	ssyncset.done $0x0;
	(pc) =	sbr.rel @p1 .LBB2_2-.Ltmp0, $4  }
0x31: {  	[sflag:s15] =	ssyncadd.s32 $0xFFFFEC00  }
0x32: {  	[spmem:s3] =	stream.indirect.scatter.add.f32 [tilespmem:s14], [sflag:$0x2], $0x40, s13, s13, $0xb8;
	[tilespmem:$0xB0E0] =	vst v63  }
0x33: {  	_ =	swait.ge [sflag:s12], $0x1400  }
0x34: {  	s18 =	smov.u32 s21;
	[sflag:s12] =	ssyncset.done $0x0  }
0x35: {  	s18 =	sadd.s32 s17, s9;
	[sflag:s12] =	ssyncadd.s32 $0xFFFFEC00  }
0x36: {  	[tilespmem:s4], [sflag:$0x2] =	stream.linear.gather [hbm4b:s18+s4], $0x50, $0x38;
	[tilespmem:$0xB0E0] =	vst v63  }
0x37: {  	_ =	swait.ge [sflag:s12], $0x50  }
0x38: {  	[sflag:s12] =	ssyncset.done $0x0  }
0x39: {  	s31 =	sadd.s32 s17, s8;
	[sflag:s12] =	ssyncadd.s32 $0xFFFFFFB0  }
0x3a: {  	[tilespmem:s13], [sflag:$0x2] =	stream.linear.gather [hbm4b:s31+s4], $0x50, $0x38;
	[tilespmem:$0xB0E0] =	vst v63  }
0x3b: {  	_ =	swait.ge [sflag:s12], $0x50  }
0x3c: {  	[sflag:s12] =	ssyncset.done $0x0  }
0x3d: {  	[sflag:s12] =	ssyncadd.s32 $0xFFFFFFB0  }
0x3e: {  	[tilespmem:s14], [sflag:$0x1] =	stream.indirect.gather [hbm4b:s1+s13], $0x40, s4, s13, $0xb8;
	[tilespmem:$0xB0E0] =	vst v63  }
0x3f: {  	_ =	swait.ge [sflag:s15], $0x1400  }
0x40: {  	[sflag:s15] =	ssyncset.done $0x0  }
0x41: {  	[sflag:s15] =	ssyncadd.s32 $0xFFFFEC00  }
0x42: {  	[spmem:s3] =	stream.indirect.scatter.add.f32 [tilespmem:s14], [sflag:$0x2], $0x40, s13, s13, $0xb8;
	[tilespmem:$0xB0E0] =	vst v63  }
0x43: {  	_ =	swait.ge [sflag:s12], $0x1400  }
0x44: {  	s16 =	sadd.s32 $0x1, s16;
	[sflag:s12] =	ssyncset.done $0x0  }
0x45: {  	p1 =	sne.s32 s16, s7;
	[sflag:s12] =	ssyncadd.s32 $0xFFFFEC00  }
.Ltmp1:
0x46: {  	s17 =	simm.s32 @!p0 $0x2;
	[bflag:$0x0] =	sbarrier.arrive $0xFFFF;
	(pc) =	sbr.rel @p1 .LBB2_1-.Ltmp1, $4  }
0x47: {  	[hbm:s6], [sflag:s10] =	dma.local @!p0 [spmem:s11], $0x1F40  }
0x48: {  	_ =	swait.ge @!p0 [sflag:s17], $0x1F40  }
0x49: {  	[sflag:s17] =	ssyncset.done @!p0 $0x0  }
0x4a: {  	[sflag:s17] =	ssyncadd.s32 @!p0 $0xFFFFE0C0  }
0x4b: {  	_ =	sfence.sel $0x180000  }
0x4c: {  	[bflag:$0x0] =	sbarrier.arrive $0xFFFF  }
0x4d: {  	p0 =	sne.s32 s0, $0x0;
	_ =	strace $0x90000050  }
0x4e: {  	s0 =	sadd.s32 @!p0 $0x100000, s2;
	[bflag:$0x2] =	sbarrier.arrive $0xFFFF  }
0x4f: {  	[sflag:s0] =	ssyncadd.tile.s32 @!p0 $0x1;
	_ =	shalt  }
.Lfunc_end2:
_tile_overlayer_lowered:
.L_overlay_start_2:
0x50: {  	(tag) =	ssettag $0x2  }
0x51: {  	s0 =	rddreg [dreg:$0x0];
	s2 =	stileid.u32  }
0x52: {  	s1 =	rddreg [dreg:$0x1];
	p0 =	sne.s32 s2, $0x0  }
0x53: {  	s3 =	rddreg [dreg:$0x2];
	[bflag:$0x3] =	sbarrier.arrive $0xFFFF;
	s2 =	simm.s32 @!p0 $0x1C02  }
0x54: {  	[timem:s3], [sflag:s2] =	dma.local @!p0 [hbm:s0], s1  }
0x55: {  	s0 =	simm.s32 @!p0 $0x2  }
0x56: {  	_ =	swait.ge @!p0 [sflag:s0], s1  }
0x57: {  	s1 =	ssub.s32 @!p0 $0x0, s1;
	[sflag:s0] =	ssyncset.done @!p0 $0x0  }
0x58: {  	[sflag:s0] =	ssyncadd.s32 @!p0 s1  }
0x59: {  	[bflag:$0x3] =	sbarrier.arrive $0xFFFF  }
0x5a: {  	_ =	shalt  }

// kernel: kernel.47.cloned.1.call-start
scs
__scs_entry_jumppad:
0x0: {  	(pc) =	sbr.rel $0x88, $3  }
0x1: {  	(tag) =	ssettag $0x0;
	lr =	simm.s32 $0x1  }
0x2: {  	[smem:$0x3F96] =	sst lr;
	_ =	strace $0xD0000000  }
0x3: {  	_ = 	snop  }
0x4: {  	_ = 	snop  }
0x5: {  	_ = 	snop  }
0x6: {  	_ = 	snop  }
0x7: {  	_ = 	snop  }
__scs_overlays_trampoline_lowered:
0x8: {  	[smem:$0x3FA5] =	sst s0  }
0x9: {  	[smem:$0x3FA6] =	sst s1  }
0xa: {  	[smem:$0x3FA7] =	sst s2  }
0xb: {  	[smem:$0x3FA8] =	sst s3  }
0xc: {  	[smem:$0x3FA9] =	sst s4  }
0xd: {  	[smem:$0x3FAA] =	sst s5  }
0xe: {  	[smem:$0x3FAB] =	sst s6  }
0xf: {  	[smem:$0x3FAC] =	sst s7  }
0x10: {  	[smem:$0x3FAD] =	sst s8  }
0x11: {  	[smem:$0x3FAE] =	sst s9;
	s0 =	simm.s32 @!p0 $0x0  }
0x12: {  	s1 =	sld [smem:$0x3F94];
	s0 =	simm.s32 @p0 $0x1  }
0x13: {  	[smem:$0x3FAF] =	sst s0;
	s0 =	simm.s32 @!p1 $0x0  }
0x14: {  	s2 =	sld [smem:$0x3F93];
	s0 =	simm.s32 @p1 $0x1  }
0x15: {  	[smem:$0x3FB0] =	sst s0;
	s0 =	simm.s32 @!p2 $0x0  }
0x16: {  	s3 =	sld [smem:$0x3FDB];
	s0 =	simm.s32 @p2 $0x1  }
0x17: {  	s4 =	simm.s32 $0x1BF5;
	[smem:$0x3FB2] =	sst s0  }
0x18: {  	s0 =	sld [smem:$0x3F95];
	_ =	swait.ge [sflag:s4], $0x0  }
0x19: {  	s7 =	sld [smem:$0x3F96]  }
0x1a: {  	s8 =	sadd.s32 $0xFFFFE003, lr  }
0x1b: {  	s9 =	sadd.s32 $0xFFFFFEF7, lr;
	s5 =	simm.s32 $0xFFFFFFFF;
	p2 =	slt.u32 s8, $0xFFFFF086  }
0x1c: {  	p1 =	slt.u32 s9, $0xF7A;
	s5 =	simm.s32 @!p2 $0x0  }
0x1d: {  	s5 =	simm.s32 @p1 $0x1;
	p0 =	seq.s32 s7, s2  }
0x1e: {  	s7 =	smul.u32 @!p0 $0xF7A, s2;
	p2 =	seq.s32 @!p0 s5, $0x0  }
0x1f: {  	s9 =	smul.u32 $0xF7A, s1;
	s8 =	simm.s32 @!p0 $0x1BF5;
	p2 =	por !p2, p0  }
0x20: {  	[sflag:s8] =	ssyncset.s32 @!p0 $0xFFFFF086;
	s6 =	sadd.s32 @!p0 s3, s7;
	s7 =	simm.s32 @!p0 $0x108  }
0x21: {  	s3 =	sadd.s32 s3, s9;
	s6 =	sadd.s32 @!p0 $0x88, s6;
	s7 =	simm.s32 @p2 $0x1082  }
0x22: {  	[simem:s7], [sflag:s8] =	dma.local @!p0 [hbm:s6], $0xF7A  }
0x23: {  	s9 =	sor.u32 $0xD0000000, s2;
	s6 =	simm.s32 $0x108;
	_ =	swait.ge @!p0 [sflag:s8], $0x0  }
0x24: {  	s3 =	sadd.s32 $0x88, s3;
	s6 =	simm.s32 @!p1 $0x1082;
	[sflag:s4] =	ssyncset.s32 $0xFFFFF086  }
0x25: {  	[simem:s6], [sflag:s4] =	dma.local [hbm:s3], $0xF7A  }
0x26: {  	[smem:$0x3F96] =	sst s1;
	(tag) =	ssettag s2;
	_ =	strace s9  }
0x27: {  	s1 =	sld [smem:$0x3FA6]  }
0x28: {  	s2 =	sld [smem:$0x3FA7]  }
0x29: {  	s4 =	sld [smem:$0x3FA9]  }
0x2a: {  	p0 =	seq.s32 s5, $0x0;
	s5 =	sld [smem:$0x3FAA]  }
0x2b: {  	s6 =	sld [smem:$0x3FAB]  }
0x2c: {  	s7 =	sld [smem:$0x3FAC]  }
0x2d: {  	s3 =	simm.s32 $0x108;
	s8 =	sld [smem:$0x3FAD]  }
0x2e: {  	s3 =	simm.s32 @!p0 $0x1082;
	s9 =	sld [smem:$0x3FAE]  }
0x2f: {  	lr =	sadd.s32 s0, s3;
	s0 =	sld [smem:$0x3FA5]  }
0x30: {  	s3 =	sld [smem:$0x3FA8]  }
0x31: {  	[smem:$0x3FB1] =	sst s10  }
0x32: {  	s10 =	sld [smem:$0x3FAF];
	_ =	sdelay $0x3  }
0x33: {  	p0 =	seq.s32 s10, $0x1;
	s10 =	sld [smem:$0x3FB1];
	_ =	sdelay $0x3  }
0x34: {  	[smem:$0x3FB1] =	sst s10  }
0x35: {  	s10 =	sld [smem:$0x3FB0];
	_ =	sdelay $0x3  }
0x36: {  	p1 =	seq.s32 s10, $0x1;
	s10 =	sld [smem:$0x3FB1];
	_ =	sdelay $0x3  }
0x37: {  	[smem:$0x3FB1] =	sst s10  }
0x38: {  	s10 =	sld [smem:$0x3FB2]  }
0x39: {  	_ = 	snop;
	(pc) =	sbr.ind lr, $3  }
0x3a: {  	_ = 	snop  }
0x3b: {  	_ = 	snop  }
0x3c: {  	p2 =	seq.s32 s10, $0x1;
	s10 =	sld [smem:$0x3FB1]  }
0x3d: {  	_ =	shalt  }
0x3e: {  	_ =	shalt  }
0x3f: {  	_ =	shalt  }
0x40: {  	_ =	shalt  }
0x41: {  	_ =	shalt  }
0x42: {  	_ =	shalt  }
0x43: {  	_ =	shalt  }
0x44: {  	_ =	shalt  }
0x45: {  	_ =	shalt  }
0x46: {  	_ =	shalt  }
0x47: {  	_ =	shalt  }
0x48: {  	_ =	shalt  }
0x49: {  	_ =	shalt  }
0x4a: {  	_ =	shalt  }
0x4b: {  	_ =	shalt  }
0x4c: {  	_ =	shalt  }
0x4d: {  	_ =	shalt  }
0x4e: {  	_ =	shalt  }
0x4f: {  	_ =	shalt  }
0x50: {  	_ =	shalt  }
0x51: {  	_ =	shalt  }
0x52: {  	_ =	shalt  }
0x53: {  	_ =	shalt  }
0x54: {  	_ =	shalt  }
0x55: {  	_ =	shalt  }
0x56: {  	_ =	shalt  }
0x57: {  	_ =	shalt  }
0x58: {  	_ =	shalt  }
0x59: {  	_ =	shalt  }
0x5a: {  	_ =	shalt  }
0x5b: {  	_ =	shalt  }
0x5c: {  	_ =	shalt  }
0x5d: {  	_ =	shalt  }
0x5e: {  	_ =	shalt  }
0x5f: {  	_ =	shalt  }
0x60: {  	_ =	shalt  }
0x61: {  	_ =	shalt  }
0x62: {  	_ =	shalt  }
0x63: {  	_ =	shalt  }
0x64: {  	_ =	shalt  }
0x65: {  	_ =	shalt  }
0x66: {  	_ =	shalt  }
0x67: {  	_ =	shalt  }
0x68: {  	_ =	shalt  }
0x69: {  	_ =	shalt  }
0x6a: {  	_ =	shalt  }
0x6b: {  	_ =	shalt  }
0x6c: {  	_ =	shalt  }
0x6d: {  	_ =	shalt  }
0x6e: {  	_ =	shalt  }
0x6f: {  	_ =	shalt  }
0x70: {  	_ =	shalt  }
0x71: {  	_ =	shalt  }
0x72: {  	_ =	shalt  }
0x73: {  	_ =	shalt  }
0x74: {  	_ =	shalt  }
0x75: {  	_ =	shalt  }
0x76: {  	_ =	shalt  }
0x77: {  	_ =	shalt  }
0x78: {  	_ =	shalt  }
0x79: {  	_ =	shalt  }
0x7a: {  	_ =	shalt  }
0x7b: {  	_ =	shalt  }
0x7c: {  	_ =	shalt  }
0x7d: {  	_ =	shalt  }
0x7e: {  	_ =	shalt  }
0x7f: {  	_ =	shalt  }
0x80: {  	_ =	shalt  }
0x81: {  	_ =	shalt  }
0x82: {  	_ =	shalt  }
0x83: {  	_ =	shalt  }
0x84: {  	_ =	shalt  }
0x85: {  	_ =	shalt  }
0x86: {  	_ =	shalt  }
0x87: {  	_ =	shalt  }
.Lfunc_end0:
.L_simem_size_0:
called_computation.6_lowered:
.L_overlay_start_0:
0x88: {  	s2 =	sld [smem:$0x3FD9]  }
0x89: {  	s3 =	sld [smem:$0x3FFE];
	_ =	sdelay $0x1  }
0x8a: {  	s1 =	srdreg.scid  }
0x8b: {  	s0 =	sand.u32 $0x1, s1  }
0x8c: {  	s17 =	sshll.u32 s0, $0xA;
	s2 =	sadd.s32 s3, s2  }
0x8d: {  	s2 =	sadd.s32 s2, s17  }
0x8e: {  	[smem:$0x3FBD] =	sst s2  }
0x8f: {  	_ = 	snop  }
0x90: {  	s2 =	sld [smem:$0x3FD0];
	(tm) =	ssettm $0x1  }
0x91: {  	s18 =	sld [smem:$0x3FFB];
	_ =	sdelay $0x3  }
0x92: {  	_ =	strace s18  }
0x93: {  	s3 =	sld [smem:$0x3FFC];
	_ =	sdelay $0x3  }
0x94: {  	_ =	strace s3  }
0x95: {  	s3 =	sld [smem:$0x3FFD];
	_ =	sdelay $0x3  }
0x96: {  	_ =	strace s3  }
0x97: {  	_ =	strace $0x8FFFFFFF  }
0x98: {  	s19 =	sld [smem:$0x3FDB];
	_ =	sdelay $0x1  }
0x99: {  	s4 =	simm.s32 $_scs_section_size  }
0x9a: {  	s5 =	simm.s32 $_size__tile_overlayer_lowered;
	s6 =	simm.s32 $_tile_overlayer_lowered  }
0x9b: {  	s22 =	simm.s32 $0x1BFF;
	s21 =	sshll.u32 s6, $0x1;
	s3 =	sadd.s32 s4, s19  }
0x9c: {  	s7 =	simm.s32 $0x0;
	s20 =	sshll.u32 s5, $0x1;
	s5 =	sadd.s32 s21, s3  }
0x9d: {  	[timem:s7], [sflag:s22] =	dma.local [hbm:s5], s20  }
0x9e: {  	_ =	swait.ge [sflag:s22], s20  }
0x9f: {  	s4 =	ssub.s32 $0x0, s20;
	[sflag:s22] =	ssyncset.done $0x0  }
0xa0: {  	[sflag:s22] =	ssyncadd.s32 s4;
	_ =	sdelay $0x1  }
0xa1: {  	s23 =	simm.s32 $0x1B8B  }
0xa2: {  	_ =	swait.ge [sflag:s23], $0x1  }
0xa3: {  	[sflag:s23] =	ssyncset.done $0x0  }
0xa4: {  	s25 =	simm.s32 $0x1B8E;
	s24 =	sld [smem:$0x3FFE];
	[sflag:s23] =	ssyncadd.s32 $0xFFFFFFFF  }
0xa5: {  	s26 =	simm.s32 $execute0_lowered;
	[smem:$0x3FD2] =	sst s25  }
0xa6: {  	s5 =	sshll.u32 s26, $0x1;
	_ =	strace $0x80000052;
	[dreg:$0x1] =	wrdreg $0xFFFFFFFF  }
0xa7: {  	s28 =	simm.s32 $_size_execute0_lowered;
	s3 =	sadd.s32 s3, s5;
	[dreg:$0x0] =	wrdreg $0x0  }
0xa8: {  	s5 =	sshll.u32 s28, $0x1;
	[dreg:$0x2] =	wrdreg s3  }
0xa9: {  	[dreg:$0x3] =	wrdreg s5  }
0xaa: {  	[dreg:$0x4] =	wrdreg $0xC0  }
0xab: {  	_ =	task [dreg:s7], $0x5FFFF  }
0xac: {  	[dreg:$0x1] =	wrdreg $0xFFFFFFFF  }
0xad: {  	[dreg:$0x0] =	wrdreg $0x60  }
0xae: {  	[dreg:$0x2] =	wrdreg s2  }
0xaf: {  	[dreg:$0x3] =	wrdreg s24  }
0xb0: {  	[dreg:$0x4] =	wrdreg $0x14A00  }
0xb1: {  	[dreg:$0x5] =	wrdreg $0x9  }
0xb2: {  	_ =	task.clear_ibuf [dreg:s7], $0x6FFFF;
	_ =	strace $0x90000052  }
0xb3: {  	s29 =	simm.s32 $0x9;
	_ =	strace $0x80000054  }
0xb4: {  	_ =	swait.ge [sflag:s29], $0x1  }
0xb5: {  	[sflag:s29] =	ssyncadd.s32 $0xFFFFFFFF  }
0xb6: {  	_ =	strace $0x90000054  }
0xb7: {  	_ =	sfence  }
0xb8: {  	s30 =	sld [smem:$0x0];
	_ =	sdelay $0x2  }
0xb9: {  	s31 =	sshll.u32 s1, $0xD;
	s1 =	sshrl.u32 s1, $0x2  }
0xba: {  	s3 =	sand.u32 $0x4000, s31;
	s1 =	sadd.s32 s1, s30  }
0xbb: {  	s0 =	sor.u32 s3, s0;
	s1 =	sshll.u32 s1, $0x11  }
0xbc: {  	s0 =	sor.u32 s1, s0  }
0xbd: {  	s0 =	sadd.s32 $0x8F2B, s0  }
0xbe: {  	[sflag:s0] =	ssyncadd.remote.s32 $0x1  }
0xbf: {  	_ =	sfence.sel $0xFFFF  }
0xc0: {  	[dreg:$0x0] =	wrdreg $0xFFFFFFFF;
	(pc) =	sbr.abs _section_cstart, $3  }
0xc1: {  	[dreg:$0x1] =	wrdreg $0xFFFFFFFF  }
0xc2: {  	_ =	task.clear_ibuf [dreg:s7], $0x2FFFF;
	_ =	strace $0x9FFFFFFF  }
0xc3: {  	(tm) =	ssettm $0x7FFFFFFF  }
tec
execute0_lowered:
.L_overlay_start_1:
0x0: {  	(tag) =	ssettag $0x1  }
0x1: {  	s1 =	rddreg [dreg:$0x0];
	s2 =	srdreg.scid  }
0x2: {  	s0 =	stileid.u32;
	s5 =	rddreg [dreg:$0x1]  }
0x3: {  	s3 =	rddreg [dreg:$0x2];
	s4 =	simm.s32 $0x0;
	s13 =	simm.s32 $0x50  }
0x4: {  	s14 =	simm.s32 $0xA0;
	s15 =	simm.s32 $0x1;
	s7 =	smul.u32 $0x4E20, s0  }
0x5: {  	s6 =	sand.u32 $0x1, s2;
	s2 =	rddreg [dreg:$0x3];
	s9 =	smul.u32 $0xFA00, s0  }
0x6: {  	s16 =	simm.s32 $0x0;
	[smem:$0x7FF] =	sst s4;
	s8 =	smul.u32 $0x2710, s6  }
0x7: {  	p0 =	sgt.u32 s0, $0x9;
	s29 =	smul.u32 $0x9C400, s6;
	_ =	strace $0x80000053  }
0x8: {  	s6 =	ssub.s32 $0x2, s6;
	s31 =	sshrl.u32 s9, $0x3;
	s7 =	sadd.s32 s8, s7  }
0x9: {  	s11 =	sshrl.u32 s6, $0x1;
	s30 =	sadd.s32 s9, s29;
	s7 =	sshrl.u32 s7, $0x3  }
0xa: {  	s12 =	sadd.s32 s9, s3;
	s10 =	sadd.s32 s7, s5;
	s7 =	sshrl.u32 s30, $0x3  }
0xb: {  	s8 =	sadd.s32 s31, s5;
	s11 =	ssub.s32 s6, s11;
	s7 =	sadd.s32 s7, s5  }
0xc: {  	s5 =	sadd.s32 $0x46A00, s8;
	s8 =	sadd.s32 $0x14600, s10;
	s9 =	sadd.s32 $0xA800, s10  }
0xd: {  	s6 =	sadd.s32 $0x5A400, s7;
	s7 =	smax.u32 s11, $0x1;
	s11 =	sshll.u32 @!p0 s0, $0x6  }
0xe: {  	s10 =	sor.u32 @!p0 $0x1C02, s11;
	s11 =	sshrl.u32 @!p0 s12, $0x3;
	s12 =	simm.s32 $0x2  }
.LBB2_1:
0xf: {  	[spmem:s11], [sflag:s10] =	dma.local @!p0 [hbm:s5], $0x1F40  }
0x10: {  	s17 =	simm.s32 @!p0 $0x2  }
0x11: {  	_ =	swait.ge @!p0 [sflag:s17], $0x1F40  }
0x12: {  	[sflag:s17] =	ssyncset.done @!p0 $0x0  }
0x13: {  	[sflag:s17] =	ssyncadd.s32 @!p0 $0xFFFFE0C0  }
0x14: {  	s30 =	sadd.s32 $0x0, s9;
	[bflag:$0x0] =	sbarrier.arrive $0xFFFF  }
0x15: {  	[tilespmem:s4], [sflag:$0x2] =	stream.linear.gather [hbm4b:s30+s4], $0x50, $0x38;
	[tilespmem:$0xB0E0] =	vst v63  }
0x16: {  	_ =	swait.ge [sflag:s12], $0x50  }
0x17: {  	[sflag:s12] =	ssyncset.done $0x0  }
0x18: {  	s31 =	sadd.s32 $0x0, s8;
	[sflag:s12] =	ssyncadd.s32 $0xFFFFFFB0  }
0x19: {  	[tilespmem:s13], [sflag:$0x2] =	stream.linear.gather [hbm4b:s31+s4], $0x50, $0x38;
	[tilespmem:$0xB0E0] =	vst v63  }
0x1a: {  	_ =	swait.ge [sflag:s12], $0x50  }
0x1b: {  	[sflag:s12] =	ssyncset.done $0x0  }
0x1c: {  	[sflag:s12] =	ssyncadd.s32 $0xFFFFFFB0  }
0x1d: {  	[tilespmem:s14], [sflag:$0x1] =	stream.indirect.gather [hbm4b:s1+s13], $0x40, s4, s13, $0xb8;
	[tilespmem:$0xB0E0] =	vst v63  }
0x1e: {  	_ =	swait.ge [sflag:s15], $0x1400  }
0x1f: {  	[sflag:s15] =	ssyncset.done $0x0  }
0x20: {  	[sflag:s15] =	ssyncadd.s32 $0xFFFFEC00  }
0x21: {  	[spmem:s3] =	stream.indirect.scatter.add.f32 [tilespmem:s14], [sflag:$0x2], $0x40, s13, s13, $0xb8;
	[tilespmem:$0xB0E0] =	vst v63  }
0x22: {  	_ =	swait.ge [sflag:s12], $0x1400  }
0x23: {  	s18 =	simm.s32 $0x14;
	s17 =	simm.s32 $0xA;
	[sflag:s12] =	ssyncset.done $0x0  }
.LBB2_2:
0x24: {  	s19 =	sadd.s32 s17, s9  }
0x25: {  	[sflag:s12] =	ssyncadd.s32 $0xFFFFEC00;
	s20 =	smov.u32 s18;
	s21 =	sadd.s32 $0xA, s18  }
0x26: {  	[tilespmem:s4], [sflag:$0x2] =	stream.linear.gather [hbm4b:s19+s4], $0x50, $0x38;
	[tilespmem:$0xB0E0] =	vst v63  }
0x27: {  	p1 =	sne.s32 s18, $0x4D8;
	_ =	swait.ge [sflag:s12], $0x50  }
0x28: {  	[sflag:s12] =	ssyncset.done $0x0  }
0x29: {  	s18 =	sadd.s32 s17, s8;
	s17 =	smov.u32 s20;
	[sflag:s12] =	ssyncadd.s32 $0xFFFFFFB0  }
0x2a: {  	[tilespmem:s13], [sflag:$0x2] =	stream.linear.gather [hbm4b:s18+s4], $0x50, $0x38;
	[tilespmem:$0xB0E0] =	vst v63  }
0x2b: {  	_ =	swait.ge [sflag:s12], $0x50  }
0x2c: {  	[sflag:s12] =	ssyncset.done $0x0  }
0x2d: {  	[sflag:s12] =	ssyncadd.s32 $0xFFFFFFB0  }
0x2e: {  	[tilespmem:s14], [sflag:$0x1] =	stream.indirect.gather [hbm4b:s1+s13], $0x40, s4, s13, $0xb8;
	[tilespmem:$0xB0E0] =	vst v63  }
0x2f: {  	_ =	swait.ge [sflag:s15], $0x1400  }
.Ltmp0:
0x30: {  	[sflag:s15] =	ssyncset.done $0x0;
	(pc) =	sbr.rel @p1 .LBB2_2-.Ltmp0, $4  }
0x31: {  	[sflag:s15] =	ssyncadd.s32 $0xFFFFEC00  }
0x32: {  	[spmem:s3] =	stream.indirect.scatter.add.f32 [tilespmem:s14], [sflag:$0x2], $0x40, s13, s13, $0xb8;
	[tilespmem:$0xB0E0] =	vst v63  }
0x33: {  	_ =	swait.ge [sflag:s12], $0x1400  }
0x34: {  	s18 =	smov.u32 s21;
	[sflag:s12] =	ssyncset.done $0x0  }
0x35: {  	s18 =	sadd.s32 s17, s9;
	[sflag:s12] =	ssyncadd.s32 $0xFFFFEC00  }
0x36: {  	[tilespmem:s4], [sflag:$0x2] =	stream.linear.gather [hbm4b:s18+s4], $0x50, $0x38;
	[tilespmem:$0xB0E0] =	vst v63  }
0x37: {  	_ =	swait.ge [sflag:s12], $0x50  }
0x38: {  	[sflag:s12] =	ssyncset.done $0x0  }
0x39: {  	s31 =	sadd.s32 s17, s8;
	[sflag:s12] =	ssyncadd.s32 $0xFFFFFFB0  }
0x3a: {  	[tilespmem:s13], [sflag:$0x2] =	stream.linear.gather [hbm4b:s31+s4], $0x50, $0x38;
	[tilespmem:$0xB0E0] =	vst v63  }
0x3b: {  	_ =	swait.ge [sflag:s12], $0x50  }
0x3c: {  	[sflag:s12] =	ssyncset.done $0x0  }
0x3d: {  	[sflag:s12] =	ssyncadd.s32 $0xFFFFFFB0  }
0x3e: {  	[tilespmem:s14], [sflag:$0x1] =	stream.indirect.gather [hbm4b:s1+s13], $0x40, s4, s13, $0xb8;
	[tilespmem:$0xB0E0] =	vst v63  }
0x3f: {  	_ =	swait.ge [sflag:s15], $0x1400  }
0x40: {  	[sflag:s15] =	ssyncset.done $0x0  }
0x41: {  	[sflag:s15] =	ssyncadd.s32 $0xFFFFEC00  }
0x42: {  	[spmem:s3] =	stream.indirect.scatter.add.f32 [tilespmem:s14], [sflag:$0x2], $0x40, s13, s13, $0xb8;
	[tilespmem:$0xB0E0] =	vst v63  }
0x43: {  	_ =	swait.ge [sflag:s12], $0x1400  }
0x44: {  	s16 =	sadd.s32 $0x1, s16;
	[sflag:s12] =	ssyncset.done $0x0  }
0x45: {  	p1 =	sne.s32 s16, s7;
	[sflag:s12] =	ssyncadd.s32 $0xFFFFEC00  }
.Ltmp1:
0x46: {  	s17 =	simm.s32 @!p0 $0x2;
	[bflag:$0x0] =	sbarrier.arrive $0xFFFF;
	(pc) =	sbr.rel @p1 .LBB2_1-.Ltmp1, $4  }
0x47: {  	[hbm:s6], [sflag:s10] =	dma.local @!p0 [spmem:s11], $0x1F40  }
0x48: {  	_ =	swait.ge @!p0 [sflag:s17], $0x1F40  }
0x49: {  	[sflag:s17] =	ssyncset.done @!p0 $0x0  }
0x4a: {  	[sflag:s17] =	ssyncadd.s32 @!p0 $0xFFFFE0C0  }
0x4b: {  	_ =	sfence.sel $0x180000  }
0x4c: {  	[bflag:$0x0] =	sbarrier.arrive $0xFFFF  }
0x4d: {  	p0 =	sne.s32 s0, $0x0;
	_ =	strace $0x90000053  }
0x4e: {  	s0 =	sadd.s32 @!p0 $0x100000, s2;
	[bflag:$0x2] =	sbarrier.arrive $0xFFFF  }
0x4f: {  	[sflag:s0] =	ssyncadd.tile.s32 @!p0 $0x1;
	_ =	shalt  }
.Lfunc_end2:
_tile_overlayer_lowered:
.L_overlay_start_2:
0x50: {  	(tag) =	ssettag $0x2  }
0x51: {  	s0 =	rddreg [dreg:$0x0];
	s2 =	stileid.u32  }
0x52: {  	s1 =	rddreg [dreg:$0x1];
	p0 =	sne.s32 s2, $0x0  }
0x53: {  	s3 =	rddreg [dreg:$0x2];
	[bflag:$0x3] =	sbarrier.arrive $0xFFFF;
	s2 =	simm.s32 @!p0 $0x1C02  }
0x54: {  	[timem:s3], [sflag:s2] =	dma.local @!p0 [hbm:s0], s1  }
0x55: {  	s0 =	simm.s32 @!p0 $0x2  }
0x56: {  	_ =	swait.ge @!p0 [sflag:s0], s1  }
0x57: {  	s1 =	ssub.s32 @!p0 $0x0, s1;
	[sflag:s0] =	ssyncset.done @!p0 $0x0  }
0x58: {  	[sflag:s0] =	ssyncadd.s32 @!p0 s1  }
0x59: {  	[bflag:$0x3] =	sbarrier.arrive $0xFFFF  }
0x5a: {  	_ =	shalt  }

// kernel: kernel.50.cloned.1.call-start
scs
__scs_entry_jumppad:
0x0: {  	(pc) =	sbr.rel $0x88, $3  }
0x1: {  	(tag) =	ssettag $0x0;
	lr =	simm.s32 $0x1  }
0x2: {  	[smem:$0x3F96] =	sst lr;
	_ =	strace $0xD0000000  }
0x3: {  	_ = 	snop  }
0x4: {  	_ = 	snop  }
0x5: {  	_ = 	snop  }
0x6: {  	_ = 	snop  }
0x7: {  	_ = 	snop  }
__scs_overlays_trampoline_lowered:
0x8: {  	[smem:$0x3FA5] =	sst s0  }
0x9: {  	[smem:$0x3FA6] =	sst s1  }
0xa: {  	[smem:$0x3FA7] =	sst s2  }
0xb: {  	[smem:$0x3FA8] =	sst s3  }
0xc: {  	[smem:$0x3FA9] =	sst s4  }
0xd: {  	[smem:$0x3FAA] =	sst s5  }
0xe: {  	[smem:$0x3FAB] =	sst s6  }
0xf: {  	[smem:$0x3FAC] =	sst s7  }
0x10: {  	[smem:$0x3FAD] =	sst s8  }
0x11: {  	[smem:$0x3FAE] =	sst s9;
	s0 =	simm.s32 @!p0 $0x0  }
0x12: {  	s1 =	sld [smem:$0x3F94];
	s0 =	simm.s32 @p0 $0x1  }
0x13: {  	[smem:$0x3FAF] =	sst s0;
	s0 =	simm.s32 @!p1 $0x0  }
0x14: {  	s2 =	sld [smem:$0x3F93];
	s0 =	simm.s32 @p1 $0x1  }
0x15: {  	[smem:$0x3FB0] =	sst s0;
	s0 =	simm.s32 @!p2 $0x0  }
0x16: {  	s3 =	sld [smem:$0x3FDB];
	s0 =	simm.s32 @p2 $0x1  }
0x17: {  	s4 =	simm.s32 $0x1BF5;
	[smem:$0x3FB2] =	sst s0  }
0x18: {  	s0 =	sld [smem:$0x3F95];
	_ =	swait.ge [sflag:s4], $0x0  }
0x19: {  	s7 =	sld [smem:$0x3F96]  }
0x1a: {  	s8 =	sadd.s32 $0xFFFFE003, lr  }
0x1b: {  	s9 =	sadd.s32 $0xFFFFFEF7, lr;
	s5 =	simm.s32 $0xFFFFFFFF;
	p2 =	slt.u32 s8, $0xFFFFF086  }
0x1c: {  	p1 =	slt.u32 s9, $0xF7A;
	s5 =	simm.s32 @!p2 $0x0  }
0x1d: {  	s5 =	simm.s32 @p1 $0x1;
	p0 =	seq.s32 s7, s2  }
0x1e: {  	s7 =	smul.u32 @!p0 $0xF7A, s2;
	p2 =	seq.s32 @!p0 s5, $0x0  }
0x1f: {  	s9 =	smul.u32 $0xF7A, s1;
	s8 =	simm.s32 @!p0 $0x1BF5;
	p2 =	por !p2, p0  }
0x20: {  	[sflag:s8] =	ssyncset.s32 @!p0 $0xFFFFF086;
	s6 =	sadd.s32 @!p0 s3, s7;
	s7 =	simm.s32 @!p0 $0x108  }
0x21: {  	s3 =	sadd.s32 s3, s9;
	s6 =	sadd.s32 @!p0 $0x88, s6;
	s7 =	simm.s32 @p2 $0x1082  }
0x22: {  	[simem:s7], [sflag:s8] =	dma.local @!p0 [hbm:s6], $0xF7A  }
0x23: {  	s9 =	sor.u32 $0xD0000000, s2;
	s6 =	simm.s32 $0x108;
	_ =	swait.ge @!p0 [sflag:s8], $0x0  }
0x24: {  	s3 =	sadd.s32 $0x88, s3;
	s6 =	simm.s32 @!p1 $0x1082;
	[sflag:s4] =	ssyncset.s32 $0xFFFFF086  }
0x25: {  	[simem:s6], [sflag:s4] =	dma.local [hbm:s3], $0xF7A  }
0x26: {  	[smem:$0x3F96] =	sst s1;
	(tag) =	ssettag s2;
	_ =	strace s9  }
0x27: {  	s1 =	sld [smem:$0x3FA6]  }
0x28: {  	s2 =	sld [smem:$0x3FA7]  }
0x29: {  	s4 =	sld [smem:$0x3FA9]  }
0x2a: {  	p0 =	seq.s32 s5, $0x0;
	s5 =	sld [smem:$0x3FAA]  }
0x2b: {  	s6 =	sld [smem:$0x3FAB]  }
0x2c: {  	s7 =	sld [smem:$0x3FAC]  }
0x2d: {  	s3 =	simm.s32 $0x108;
	s8 =	sld [smem:$0x3FAD]  }
0x2e: {  	s3 =	simm.s32 @!p0 $0x1082;
	s9 =	sld [smem:$0x3FAE]  }
0x2f: {  	lr =	sadd.s32 s0, s3;
	s0 =	sld [smem:$0x3FA5]  }
0x30: {  	s3 =	sld [smem:$0x3FA8]  }
0x31: {  	[smem:$0x3FB1] =	sst s10  }
0x32: {  	s10 =	sld [smem:$0x3FAF];
	_ =	sdelay $0x3  }
0x33: {  	p0 =	seq.s32 s10, $0x1;
	s10 =	sld [smem:$0x3FB1];
	_ =	sdelay $0x3  }
0x34: {  	[smem:$0x3FB1] =	sst s10  }
0x35: {  	s10 =	sld [smem:$0x3FB0];
	_ =	sdelay $0x3  }
0x36: {  	p1 =	seq.s32 s10, $0x1;
	s10 =	sld [smem:$0x3FB1];
	_ =	sdelay $0x3  }
0x37: {  	[smem:$0x3FB1] =	sst s10  }
0x38: {  	s10 =	sld [smem:$0x3FB2]  }
0x39: {  	_ = 	snop;
	(pc) =	sbr.ind lr, $3  }
0x3a: {  	_ = 	snop  }
0x3b: {  	_ = 	snop  }
0x3c: {  	p2 =	seq.s32 s10, $0x1;
	s10 =	sld [smem:$0x3FB1]  }
0x3d: {  	_ =	shalt  }
0x3e: {  	_ =	shalt  }
0x3f: {  	_ =	shalt  }
0x40: {  	_ =	shalt  }
0x41: {  	_ =	shalt  }
0x42: {  	_ =	shalt  }
0x43: {  	_ =	shalt  }
0x44: {  	_ =	shalt  }
0x45: {  	_ =	shalt  }
0x46: {  	_ =	shalt  }
0x47: {  	_ =	shalt  }
0x48: {  	_ =	shalt  }
0x49: {  	_ =	shalt  }
0x4a: {  	_ =	shalt  }
0x4b: {  	_ =	shalt  }
0x4c: {  	_ =	shalt  }
0x4d: {  	_ =	shalt  }
0x4e: {  	_ =	shalt  }
0x4f: {  	_ =	shalt  }
0x50: {  	_ =	shalt  }
0x51: {  	_ =	shalt  }
0x52: {  	_ =	shalt  }
0x53: {  	_ =	shalt  }
0x54: {  	_ =	shalt  }
0x55: {  	_ =	shalt  }
0x56: {  	_ =	shalt  }
0x57: {  	_ =	shalt  }
0x58: {  	_ =	shalt  }
0x59: {  	_ =	shalt  }
0x5a: {  	_ =	shalt  }
0x5b: {  	_ =	shalt  }
0x5c: {  	_ =	shalt  }
0x5d: {  	_ =	shalt  }
0x5e: {  	_ =	shalt  }
0x5f: {  	_ =	shalt  }
0x60: {  	_ =	shalt  }
0x61: {  	_ =	shalt  }
0x62: {  	_ =	shalt  }
0x63: {  	_ =	shalt  }
0x64: {  	_ =	shalt  }
0x65: {  	_ =	shalt  }
0x66: {  	_ =	shalt  }
0x67: {  	_ =	shalt  }
0x68: {  	_ =	shalt  }
0x69: {  	_ =	shalt  }
0x6a: {  	_ =	shalt  }
0x6b: {  	_ =	shalt  }
0x6c: {  	_ =	shalt  }
0x6d: {  	_ =	shalt  }
0x6e: {  	_ =	shalt  }
0x6f: {  	_ =	shalt  }
0x70: {  	_ =	shalt  }
0x71: {  	_ =	shalt  }
0x72: {  	_ =	shalt  }
0x73: {  	_ =	shalt  }
0x74: {  	_ =	shalt  }
0x75: {  	_ =	shalt  }
0x76: {  	_ =	shalt  }
0x77: {  	_ =	shalt  }
0x78: {  	_ =	shalt  }
0x79: {  	_ =	shalt  }
0x7a: {  	_ =	shalt  }
0x7b: {  	_ =	shalt  }
0x7c: {  	_ =	shalt  }
0x7d: {  	_ =	shalt  }
0x7e: {  	_ =	shalt  }
0x7f: {  	_ =	shalt  }
0x80: {  	_ =	shalt  }
0x81: {  	_ =	shalt  }
0x82: {  	_ =	shalt  }
0x83: {  	_ =	shalt  }
0x84: {  	_ =	shalt  }
0x85: {  	_ =	shalt  }
0x86: {  	_ =	shalt  }
0x87: {  	_ =	shalt  }
.Lfunc_end0:
.L_simem_size_0:
called_computation.7_lowered:
.L_overlay_start_0:
0x88: {  	s2 =	sld [smem:$0x3FD9]  }
0x89: {  	s3 =	sld [smem:$0x3FFE];
	_ =	sdelay $0x1  }
0x8a: {  	s1 =	srdreg.scid  }
0x8b: {  	s0 =	sand.u32 $0x1, s1  }
0x8c: {  	s17 =	sshll.u32 s0, $0xA;
	s2 =	sadd.s32 s3, s2  }
0x8d: {  	s2 =	sadd.s32 s2, s17  }
0x8e: {  	[smem:$0x3FBD] =	sst s2  }
0x8f: {  	_ = 	snop  }
0x90: {  	s2 =	sld [smem:$0x3FD0];
	(tm) =	ssettm $0x1  }
0x91: {  	s18 =	sld [smem:$0x3FFB];
	_ =	sdelay $0x3  }
0x92: {  	_ =	strace s18  }
0x93: {  	s3 =	sld [smem:$0x3FFC];
	_ =	sdelay $0x3  }
0x94: {  	_ =	strace s3  }
0x95: {  	s3 =	sld [smem:$0x3FFD];
	_ =	sdelay $0x3  }
0x96: {  	_ =	strace s3  }
0x97: {  	_ =	strace $0x8FFFFFFF  }
0x98: {  	s19 =	sld [smem:$0x3FDB];
	_ =	sdelay $0x1  }
0x99: {  	s4 =	simm.s32 $_scs_section_size  }
0x9a: {  	s5 =	simm.s32 $_size__tile_overlayer_lowered;
	s6 =	simm.s32 $_tile_overlayer_lowered  }
0x9b: {  	s22 =	simm.s32 $0x1BFF;
	s21 =	sshll.u32 s6, $0x1;
	s3 =	sadd.s32 s4, s19  }
0x9c: {  	s7 =	simm.s32 $0x0;
	s20 =	sshll.u32 s5, $0x1;
	s5 =	sadd.s32 s21, s3  }
0x9d: {  	[timem:s7], [sflag:s22] =	dma.local [hbm:s5], s20  }
0x9e: {  	_ =	swait.ge [sflag:s22], s20  }
0x9f: {  	s4 =	ssub.s32 $0x0, s20;
	[sflag:s22] =	ssyncset.done $0x0  }
0xa0: {  	[sflag:s22] =	ssyncadd.s32 s4;
	_ =	sdelay $0x1  }
0xa1: {  	s23 =	simm.s32 $0x1B8B  }
0xa2: {  	_ =	swait.ge [sflag:s23], $0x1  }
0xa3: {  	[sflag:s23] =	ssyncset.done $0x0  }
0xa4: {  	s25 =	simm.s32 $0x1B8E;
	s24 =	sld [smem:$0x3FFE];
	[sflag:s23] =	ssyncadd.s32 $0xFFFFFFFF  }
0xa5: {  	s26 =	simm.s32 $execute0_lowered;
	[smem:$0x3FD2] =	sst s25  }
0xa6: {  	s5 =	sshll.u32 s26, $0x1;
	_ =	strace $0x80000055;
	[dreg:$0x1] =	wrdreg $0xFFFFFFFF  }
0xa7: {  	s28 =	simm.s32 $_size_execute0_lowered;
	s3 =	sadd.s32 s3, s5;
	[dreg:$0x0] =	wrdreg $0x0  }
0xa8: {  	s5 =	sshll.u32 s28, $0x1;
	[dreg:$0x2] =	wrdreg s3  }
0xa9: {  	[dreg:$0x3] =	wrdreg s5  }
0xaa: {  	[dreg:$0x4] =	wrdreg $0xC0  }
0xab: {  	_ =	task [dreg:s7], $0x5FFFF  }
0xac: {  	[dreg:$0x1] =	wrdreg $0xFFFFFFFF  }
0xad: {  	[dreg:$0x0] =	wrdreg $0x60  }
0xae: {  	[dreg:$0x2] =	wrdreg s2  }
0xaf: {  	[dreg:$0x3] =	wrdreg s24  }
0xb0: {  	[dreg:$0x4] =	wrdreg $0x14A00  }
0xb1: {  	[dreg:$0x5] =	wrdreg $0x9  }
0xb2: {  	_ =	task.clear_ibuf [dreg:s7], $0x6FFFF;
	_ =	strace $0x90000055  }
0xb3: {  	s29 =	simm.s32 $0x9;
	_ =	strace $0x80000057  }
0xb4: {  	_ =	swait.ge [sflag:s29], $0x1  }
0xb5: {  	[sflag:s29] =	ssyncadd.s32 $0xFFFFFFFF  }
0xb6: {  	_ =	strace $0x90000057  }
0xb7: {  	_ =	sfence  }
0xb8: {  	s30 =	sld [smem:$0x0];
	_ =	sdelay $0x2  }
0xb9: {  	s31 =	sshll.u32 s1, $0xD;
	s1 =	sshrl.u32 s1, $0x2  }
0xba: {  	s3 =	sand.u32 $0x4000, s31;
	s1 =	sadd.s32 s1, s30  }
0xbb: {  	s0 =	sor.u32 s3, s0;
	s1 =	sshll.u32 s1, $0x11  }
0xbc: {  	s0 =	sor.u32 s1, s0  }
0xbd: {  	s0 =	sadd.s32 $0x8F2B, s0  }
0xbe: {  	[sflag:s0] =	ssyncadd.remote.s32 $0x1  }
0xbf: {  	_ =	sfence.sel $0xFFFF  }
0xc0: {  	[dreg:$0x0] =	wrdreg $0xFFFFFFFF;
	(pc) =	sbr.abs _section_cstart, $3  }
0xc1: {  	[dreg:$0x1] =	wrdreg $0xFFFFFFFF  }
0xc2: {  	_ =	task.clear_ibuf [dreg:s7], $0x2FFFF;
	_ =	strace $0x9FFFFFFF  }
0xc3: {  	(tm) =	ssettm $0x7FFFFFFF  }
tec
execute0_lowered:
.L_overlay_start_1:
0x0: {  	(tag) =	ssettag $0x1  }
0x1: {  	s1 =	rddreg [dreg:$0x0];
	s2 =	srdreg.scid  }
0x2: {  	s0 =	stileid.u32;
	s5 =	rddreg [dreg:$0x1]  }
0x3: {  	s3 =	rddreg [dreg:$0x2];
	s4 =	simm.s32 $0x0;
	s13 =	simm.s32 $0x50  }
0x4: {  	s14 =	simm.s32 $0xA0;
	s15 =	simm.s32 $0x1;
	s7 =	smul.u32 $0x4E20, s0  }
0x5: {  	s6 =	sand.u32 $0x1, s2;
	s2 =	rddreg [dreg:$0x3];
	s9 =	smul.u32 $0xFA00, s0  }
0x6: {  	s16 =	simm.s32 $0x0;
	[smem:$0x7FF] =	sst s4;
	s8 =	smul.u32 $0x2710, s6  }
0x7: {  	p0 =	sgt.u32 s0, $0x9;
	s29 =	smul.u32 $0x9C400, s6;
	_ =	strace $0x80000056  }
0x8: {  	s6 =	ssub.s32 $0x2, s6;
	s31 =	sshrl.u32 s9, $0x3;
	s7 =	sadd.s32 s8, s7  }
0x9: {  	s11 =	sshrl.u32 s6, $0x1;
	s30 =	sadd.s32 s9, s29;
	s7 =	sshrl.u32 s7, $0x3  }
0xa: {  	s12 =	sadd.s32 s9, s3;
	s10 =	sadd.s32 s7, s5;
	s7 =	sshrl.u32 s30, $0x3  }
0xb: {  	s8 =	sadd.s32 s31, s5;
	s11 =	ssub.s32 s6, s11;
	s7 =	sadd.s32 s7, s5  }
0xc: {  	s5 =	sadd.s32 $0x46A00, s8;
	s8 =	sadd.s32 $0x14600, s10;
	s9 =	sadd.s32 $0xA800, s10  }
0xd: {  	s6 =	sadd.s32 $0x5A400, s7;
	s7 =	smax.u32 s11, $0x1;
	s11 =	sshll.u32 @!p0 s0, $0x6  }
0xe: {  	s10 =	sor.u32 @!p0 $0x1C02, s11;
	s11 =	sshrl.u32 @!p0 s12, $0x3;
	s12 =	simm.s32 $0x2  }
.LBB2_1:
0xf: {  	[spmem:s11], [sflag:s10] =	dma.local @!p0 [hbm:s5], $0x1F40  }
0x10: {  	s17 =	simm.s32 @!p0 $0x2  }
0x11: {  	_ =	swait.ge @!p0 [sflag:s17], $0x1F40  }
0x12: {  	[sflag:s17] =	ssyncset.done @!p0 $0x0  }
0x13: {  	[sflag:s17] =	ssyncadd.s32 @!p0 $0xFFFFE0C0  }
0x14: {  	s30 =	sadd.s32 $0x0, s9;
	[bflag:$0x0] =	sbarrier.arrive $0xFFFF  }
0x15: {  	[tilespmem:s4], [sflag:$0x2] =	stream.linear.gather [hbm4b:s30+s4], $0x50, $0x38;
	[tilespmem:$0xB0E0] =	vst v63  }
0x16: {  	_ =	swait.ge [sflag:s12], $0x50  }
0x17: {  	[sflag:s12] =	ssyncset.done $0x0  }
0x18: {  	s31 =	sadd.s32 $0x0, s8;
	[sflag:s12] =	ssyncadd.s32 $0xFFFFFFB0  }
0x19: {  	[tilespmem:s13], [sflag:$0x2] =	stream.linear.gather [hbm4b:s31+s4], $0x50, $0x38;
	[tilespmem:$0xB0E0] =	vst v63  }
0x1a: {  	_ =	swait.ge [sflag:s12], $0x50  }
0x1b: {  	[sflag:s12] =	ssyncset.done $0x0  }
0x1c: {  	[sflag:s12] =	ssyncadd.s32 $0xFFFFFFB0  }
0x1d: {  	[tilespmem:s14], [sflag:$0x1] =	stream.indirect.gather [hbm4b:s1+s13], $0x40, s4, s13, $0xb8;
	[tilespmem:$0xB0E0] =	vst v63  }
0x1e: {  	_ =	swait.ge [sflag:s15], $0x1400  }
0x1f: {  	[sflag:s15] =	ssyncset.done $0x0  }
0x20: {  	[sflag:s15] =	ssyncadd.s32 $0xFFFFEC00  }
0x21: {  	[spmem:s3] =	stream.indirect.scatter.add.f32 [tilespmem:s14], [sflag:$0x2], $0x40, s13, s13, $0xb8;
	[tilespmem:$0xB0E0] =	vst v63  }
0x22: {  	_ =	swait.ge [sflag:s12], $0x1400  }
0x23: {  	s18 =	simm.s32 $0x14;
	s17 =	simm.s32 $0xA;
	[sflag:s12] =	ssyncset.done $0x0  }
.LBB2_2:
0x24: {  	s19 =	sadd.s32 s17, s9  }
0x25: {  	[sflag:s12] =	ssyncadd.s32 $0xFFFFEC00;
	s20 =	smov.u32 s18;
	s21 =	sadd.s32 $0xA, s18  }
0x26: {  	[tilespmem:s4], [sflag:$0x2] =	stream.linear.gather [hbm4b:s19+s4], $0x50, $0x38;
	[tilespmem:$0xB0E0] =	vst v63  }
0x27: {  	p1 =	sne.s32 s18, $0x4D8;
	_ =	swait.ge [sflag:s12], $0x50  }
0x28: {  	[sflag:s12] =	ssyncset.done $0x0  }
0x29: {  	s18 =	sadd.s32 s17, s8;
	s17 =	smov.u32 s20;
	[sflag:s12] =	ssyncadd.s32 $0xFFFFFFB0  }
0x2a: {  	[tilespmem:s13], [sflag:$0x2] =	stream.linear.gather [hbm4b:s18+s4], $0x50, $0x38;
	[tilespmem:$0xB0E0] =	vst v63  }
0x2b: {  	_ =	swait.ge [sflag:s12], $0x50  }
0x2c: {  	[sflag:s12] =	ssyncset.done $0x0  }
0x2d: {  	[sflag:s12] =	ssyncadd.s32 $0xFFFFFFB0  }
0x2e: {  	[tilespmem:s14], [sflag:$0x1] =	stream.indirect.gather [hbm4b:s1+s13], $0x40, s4, s13, $0xb8;
	[tilespmem:$0xB0E0] =	vst v63  }
0x2f: {  	_ =	swait.ge [sflag:s15], $0x1400  }
.Ltmp0:
0x30: {  	[sflag:s15] =	ssyncset.done $0x0;
	(pc) =	sbr.rel @p1 .LBB2_2-.Ltmp0, $4  }
0x31: {  	[sflag:s15] =	ssyncadd.s32 $0xFFFFEC00  }
0x32: {  	[spmem:s3] =	stream.indirect.scatter.add.f32 [tilespmem:s14], [sflag:$0x2], $0x40, s13, s13, $0xb8;
	[tilespmem:$0xB0E0] =	vst v63  }
0x33: {  	_ =	swait.ge [sflag:s12], $0x1400  }
0x34: {  	s18 =	smov.u32 s21;
	[sflag:s12] =	ssyncset.done $0x0  }
0x35: {  	s18 =	sadd.s32 s17, s9;
	[sflag:s12] =	ssyncadd.s32 $0xFFFFEC00  }
0x36: {  	[tilespmem:s4], [sflag:$0x2] =	stream.linear.gather [hbm4b:s18+s4], $0x50, $0x38;
	[tilespmem:$0xB0E0] =	vst v63  }
0x37: {  	_ =	swait.ge [sflag:s12], $0x50  }
0x38: {  	[sflag:s12] =	ssyncset.done $0x0  }
0x39: {  	s31 =	sadd.s32 s17, s8;
	[sflag:s12] =	ssyncadd.s32 $0xFFFFFFB0  }
0x3a: {  	[tilespmem:s13], [sflag:$0x2] =	stream.linear.gather [hbm4b:s31+s4], $0x50, $0x38;
	[tilespmem:$0xB0E0] =	vst v63  }
0x3b: {  	_ =	swait.ge [sflag:s12], $0x50  }
0x3c: {  	[sflag:s12] =	ssyncset.done $0x0  }
0x3d: {  	[sflag:s12] =	ssyncadd.s32 $0xFFFFFFB0  }
0x3e: {  	[tilespmem:s14], [sflag:$0x1] =	stream.indirect.gather [hbm4b:s1+s13], $0x40, s4, s13, $0xb8;
	[tilespmem:$0xB0E0] =	vst v63  }
0x3f: {  	_ =	swait.ge [sflag:s15], $0x1400  }
0x40: {  	[sflag:s15] =	ssyncset.done $0x0  }
0x41: {  	[sflag:s15] =	ssyncadd.s32 $0xFFFFEC00  }
0x42: {  	[spmem:s3] =	stream.indirect.scatter.add.f32 [tilespmem:s14], [sflag:$0x2], $0x40, s13, s13, $0xb8;
	[tilespmem:$0xB0E0] =	vst v63  }
0x43: {  	_ =	swait.ge [sflag:s12], $0x1400  }
0x44: {  	s16 =	sadd.s32 $0x1, s16;
	[sflag:s12] =	ssyncset.done $0x0  }
0x45: {  	p1 =	sne.s32 s16, s7;
	[sflag:s12] =	ssyncadd.s32 $0xFFFFEC00  }
.Ltmp1:
0x46: {  	s17 =	simm.s32 @!p0 $0x2;
	[bflag:$0x0] =	sbarrier.arrive $0xFFFF;
	(pc) =	sbr.rel @p1 .LBB2_1-.Ltmp1, $4  }
0x47: {  	[hbm:s6], [sflag:s10] =	dma.local @!p0 [spmem:s11], $0x1F40  }
0x48: {  	_ =	swait.ge @!p0 [sflag:s17], $0x1F40  }
0x49: {  	[sflag:s17] =	ssyncset.done @!p0 $0x0  }
0x4a: {  	[sflag:s17] =	ssyncadd.s32 @!p0 $0xFFFFE0C0  }
0x4b: {  	_ =	sfence.sel $0x180000  }
0x4c: {  	[bflag:$0x0] =	sbarrier.arrive $0xFFFF  }
0x4d: {  	p0 =	sne.s32 s0, $0x0;
	_ =	strace $0x90000056  }
0x4e: {  	s0 =	sadd.s32 @!p0 $0x100000, s2;
	[bflag:$0x2] =	sbarrier.arrive $0xFFFF  }
0x4f: {  	[sflag:s0] =	ssyncadd.tile.s32 @!p0 $0x1;
	_ =	shalt  }
.Lfunc_end2:
_tile_overlayer_lowered:
.L_overlay_start_2:
0x50: {  	(tag) =	ssettag $0x2  }
0x51: {  	s0 =	rddreg [dreg:$0x0];
	s2 =	stileid.u32  }
0x52: {  	s1 =	rddreg [dreg:$0x1];
	p0 =	sne.s32 s2, $0x0  }
0x53: {  	s3 =	rddreg [dreg:$0x2];
	[bflag:$0x3] =	sbarrier.arrive $0xFFFF;
	s2 =	simm.s32 @!p0 $0x1C02  }
0x54: {  	[timem:s3], [sflag:s2] =	dma.local @!p0 [hbm:s0], s1  }
0x55: {  	s0 =	simm.s32 @!p0 $0x2  }
0x56: {  	_ =	swait.ge @!p0 [sflag:s0], s1  }
0x57: {  	s1 =	ssub.s32 @!p0 $0x0, s1;
	[sflag:s0] =	ssyncset.done @!p0 $0x0  }
0x58: {  	[sflag:s0] =	ssyncadd.s32 @!p0 s1  }
0x59: {  	[bflag:$0x3] =	sbarrier.arrive $0xFFFF  }
0x5a: {  	_ =	shalt  }

// kernel: kernel.53.cloned.1.call-start
scs
__scs_entry_jumppad:
0x0: {  	(pc) =	sbr.rel $0x88, $3  }
0x1: {  	(tag) =	ssettag $0x0;
	lr =	simm.s32 $0x1  }
0x2: {  	[smem:$0x3F96] =	sst lr;
	_ =	strace $0xD0000000  }
0x3: {  	_ = 	snop  }
0x4: {  	_ = 	snop  }
0x5: {  	_ = 	snop  }
0x6: {  	_ = 	snop  }
0x7: {  	_ = 	snop  }
__scs_overlays_trampoline_lowered:
0x8: {  	[smem:$0x3FA5] =	sst s0  }
0x9: {  	[smem:$0x3FA6] =	sst s1  }
0xa: {  	[smem:$0x3FA7] =	sst s2  }
0xb: {  	[smem:$0x3FA8] =	sst s3  }
0xc: {  	[smem:$0x3FA9] =	sst s4  }
0xd: {  	[smem:$0x3FAA] =	sst s5  }
0xe: {  	[smem:$0x3FAB] =	sst s6  }
0xf: {  	[smem:$0x3FAC] =	sst s7  }
0x10: {  	[smem:$0x3FAD] =	sst s8  }
0x11: {  	[smem:$0x3FAE] =	sst s9;
	s0 =	simm.s32 @!p0 $0x0  }
0x12: {  	s1 =	sld [smem:$0x3F94];
	s0 =	simm.s32 @p0 $0x1  }
0x13: {  	[smem:$0x3FAF] =	sst s0;
	s0 =	simm.s32 @!p1 $0x0  }
0x14: {  	s2 =	sld [smem:$0x3F93];
	s0 =	simm.s32 @p1 $0x1  }
0x15: {  	[smem:$0x3FB0] =	sst s0;
	s0 =	simm.s32 @!p2 $0x0  }
0x16: {  	s3 =	sld [smem:$0x3FDB];
	s0 =	simm.s32 @p2 $0x1  }
0x17: {  	s4 =	simm.s32 $0x1BF5;
	[smem:$0x3FB2] =	sst s0  }
0x18: {  	s0 =	sld [smem:$0x3F95];
	_ =	swait.ge [sflag:s4], $0x0  }
0x19: {  	s7 =	sld [smem:$0x3F96]  }
0x1a: {  	s8 =	sadd.s32 $0xFFFFE003, lr  }
0x1b: {  	s9 =	sadd.s32 $0xFFFFFEF7, lr;
	s5 =	simm.s32 $0xFFFFFFFF;
	p2 =	slt.u32 s8, $0xFFFFF086  }
0x1c: {  	p1 =	slt.u32 s9, $0xF7A;
	s5 =	simm.s32 @!p2 $0x0  }
0x1d: {  	s5 =	simm.s32 @p1 $0x1;
	p0 =	seq.s32 s7, s2  }
0x1e: {  	s7 =	smul.u32 @!p0 $0xF7A, s2;
	p2 =	seq.s32 @!p0 s5, $0x0  }
0x1f: {  	s9 =	smul.u32 $0xF7A, s1;
	s8 =	simm.s32 @!p0 $0x1BF5;
	p2 =	por !p2, p0  }
0x20: {  	[sflag:s8] =	ssyncset.s32 @!p0 $0xFFFFF086;
	s6 =	sadd.s32 @!p0 s3, s7;
	s7 =	simm.s32 @!p0 $0x108  }
0x21: {  	s3 =	sadd.s32 s3, s9;
	s6 =	sadd.s32 @!p0 $0x88, s6;
	s7 =	simm.s32 @p2 $0x1082  }
0x22: {  	[simem:s7], [sflag:s8] =	dma.local @!p0 [hbm:s6], $0xF7A  }
0x23: {  	s9 =	sor.u32 $0xD0000000, s2;
	s6 =	simm.s32 $0x108;
	_ =	swait.ge @!p0 [sflag:s8], $0x0  }
0x24: {  	s3 =	sadd.s32 $0x88, s3;
	s6 =	simm.s32 @!p1 $0x1082;
	[sflag:s4] =	ssyncset.s32 $0xFFFFF086  }
0x25: {  	[simem:s6], [sflag:s4] =	dma.local [hbm:s3], $0xF7A  }
0x26: {  	[smem:$0x3F96] =	sst s1;
	(tag) =	ssettag s2;
	_ =	strace s9  }
0x27: {  	s1 =	sld [smem:$0x3FA6]  }
0x28: {  	s2 =	sld [smem:$0x3FA7]  }
0x29: {  	s4 =	sld [smem:$0x3FA9]  }
0x2a: {  	p0 =	seq.s32 s5, $0x0;
	s5 =	sld [smem:$0x3FAA]  }
0x2b: {  	s6 =	sld [smem:$0x3FAB]  }
0x2c: {  	s7 =	sld [smem:$0x3FAC]  }
0x2d: {  	s3 =	simm.s32 $0x108;
	s8 =	sld [smem:$0x3FAD]  }
0x2e: {  	s3 =	simm.s32 @!p0 $0x1082;
	s9 =	sld [smem:$0x3FAE]  }
0x2f: {  	lr =	sadd.s32 s0, s3;
	s0 =	sld [smem:$0x3FA5]  }
0x30: {  	s3 =	sld [smem:$0x3FA8]  }
0x31: {  	[smem:$0x3FB1] =	sst s10  }
0x32: {  	s10 =	sld [smem:$0x3FAF];
	_ =	sdelay $0x3  }
0x33: {  	p0 =	seq.s32 s10, $0x1;
	s10 =	sld [smem:$0x3FB1];
	_ =	sdelay $0x3  }
0x34: {  	[smem:$0x3FB1] =	sst s10  }
0x35: {  	s10 =	sld [smem:$0x3FB0];
	_ =	sdelay $0x3  }
0x36: {  	p1 =	seq.s32 s10, $0x1;
	s10 =	sld [smem:$0x3FB1];
	_ =	sdelay $0x3  }
0x37: {  	[smem:$0x3FB1] =	sst s10  }
0x38: {  	s10 =	sld [smem:$0x3FB2]  }
0x39: {  	_ = 	snop;
	(pc) =	sbr.ind lr, $3  }
0x3a: {  	_ = 	snop  }
0x3b: {  	_ = 	snop  }
0x3c: {  	p2 =	seq.s32 s10, $0x1;
	s10 =	sld [smem:$0x3FB1]  }
0x3d: {  	_ =	shalt  }
0x3e: {  	_ =	shalt  }
0x3f: {  	_ =	shalt  }
0x40: {  	_ =	shalt  }
0x41: {  	_ =	shalt  }
0x42: {  	_ =	shalt  }
0x43: {  	_ =	shalt  }
0x44: {  	_ =	shalt  }
0x45: {  	_ =	shalt  }
0x46: {  	_ =	shalt  }
0x47: {  	_ =	shalt  }
0x48: {  	_ =	shalt  }
0x49: {  	_ =	shalt  }
0x4a: {  	_ =	shalt  }
0x4b: {  	_ =	shalt  }
0x4c: {  	_ =	shalt  }
0x4d: {  	_ =	shalt  }
0x4e: {  	_ =	shalt  }
0x4f: {  	_ =	shalt  }
0x50: {  	_ =	shalt  }
0x51: {  	_ =	shalt  }
0x52: {  	_ =	shalt  }
0x53: {  	_ =	shalt  }
0x54: {  	_ =	shalt  }
0x55: {  	_ =	shalt  }
0x56: {  	_ =	shalt  }
0x57: {  	_ =	shalt  }
0x58: {  	_ =	shalt  }
0x59: {  	_ =	shalt  }
0x5a: {  	_ =	shalt  }
0x5b: {  	_ =	shalt  }
0x5c: {  	_ =	shalt  }
0x5d: {  	_ =	shalt  }
0x5e: {  	_ =	shalt  }
0x5f: {  	_ =	shalt  }
0x60: {  	_ =	shalt  }
0x61: {  	_ =	shalt  }
0x62: {  	_ =	shalt  }
0x63: {  	_ =	shalt  }
0x64: {  	_ =	shalt  }
0x65: {  	_ =	shalt  }
0x66: {  	_ =	shalt  }
0x67: {  	_ =	shalt  }
0x68: {  	_ =	shalt  }
0x69: {  	_ =	shalt  }
0x6a: {  	_ =	shalt  }
0x6b: {  	_ =	shalt  }
0x6c: {  	_ =	shalt  }
0x6d: {  	_ =	shalt  }
0x6e: {  	_ =	shalt  }
0x6f: {  	_ =	shalt  }
0x70: {  	_ =	shalt  }
0x71: {  	_ =	shalt  }
0x72: {  	_ =	shalt  }
0x73: {  	_ =	shalt  }
0x74: {  	_ =	shalt  }
0x75: {  	_ =	shalt  }
0x76: {  	_ =	shalt  }
0x77: {  	_ =	shalt  }
0x78: {  	_ =	shalt  }
0x79: {  	_ =	shalt  }
0x7a: {  	_ =	shalt  }
0x7b: {  	_ =	shalt  }
0x7c: {  	_ =	shalt  }
0x7d: {  	_ =	shalt  }
0x7e: {  	_ =	shalt  }
0x7f: {  	_ =	shalt  }
0x80: {  	_ =	shalt  }
0x81: {  	_ =	shalt  }
0x82: {  	_ =	shalt  }
0x83: {  	_ =	shalt  }
0x84: {  	_ =	shalt  }
0x85: {  	_ =	shalt  }
0x86: {  	_ =	shalt  }
0x87: {  	_ =	shalt  }
.Lfunc_end0:
.L_simem_size_0:
called_computation.8_lowered:
.L_overlay_start_0:
0x88: {  	s2 =	sld [smem:$0x3FD9]  }
0x89: {  	s3 =	sld [smem:$0x3FFE];
	_ =	sdelay $0x1  }
0x8a: {  	s1 =	srdreg.scid  }
0x8b: {  	s0 =	sand.u32 $0x1, s1  }
0x8c: {  	s17 =	sshll.u32 s0, $0xA;
	s2 =	sadd.s32 s3, s2  }
0x8d: {  	s2 =	sadd.s32 s2, s17  }
0x8e: {  	[smem:$0x3FBD] =	sst s2  }
0x8f: {  	_ = 	snop  }
0x90: {  	s2 =	sld [smem:$0x3FD0];
	(tm) =	ssettm $0x1  }
0x91: {  	s18 =	sld [smem:$0x3FFB];
	_ =	sdelay $0x3  }
0x92: {  	_ =	strace s18  }
0x93: {  	s3 =	sld [smem:$0x3FFC];
	_ =	sdelay $0x3  }
0x94: {  	_ =	strace s3  }
0x95: {  	s3 =	sld [smem:$0x3FFD];
	_ =	sdelay $0x3  }
0x96: {  	_ =	strace s3  }
0x97: {  	_ =	strace $0x8FFFFFFF  }
0x98: {  	s19 =	sld [smem:$0x3FDB];
	_ =	sdelay $0x1  }
0x99: {  	s4 =	simm.s32 $_scs_section_size  }
0x9a: {  	s5 =	simm.s32 $_size__tile_overlayer_lowered;
	s6 =	simm.s32 $_tile_overlayer_lowered  }
0x9b: {  	s22 =	simm.s32 $0x1BFF;
	s21 =	sshll.u32 s6, $0x1;
	s3 =	sadd.s32 s4, s19  }
0x9c: {  	s7 =	simm.s32 $0x0;
	s20 =	sshll.u32 s5, $0x1;
	s5 =	sadd.s32 s21, s3  }
0x9d: {  	[timem:s7], [sflag:s22] =	dma.local [hbm:s5], s20  }
0x9e: {  	_ =	swait.ge [sflag:s22], s20  }
0x9f: {  	s4 =	ssub.s32 $0x0, s20;
	[sflag:s22] =	ssyncset.done $0x0  }
0xa0: {  	[sflag:s22] =	ssyncadd.s32 s4;
	_ =	sdelay $0x1  }
0xa1: {  	s23 =	simm.s32 $0x1B8B  }
0xa2: {  	_ =	swait.ge [sflag:s23], $0x1  }
0xa3: {  	[sflag:s23] =	ssyncset.done $0x0  }
0xa4: {  	s25 =	simm.s32 $0x1B8E;
	s24 =	sld [smem:$0x3FFE];
	[sflag:s23] =	ssyncadd.s32 $0xFFFFFFFF  }
0xa5: {  	s26 =	simm.s32 $execute0_lowered;
	[smem:$0x3FD2] =	sst s25  }
0xa6: {  	s5 =	sshll.u32 s26, $0x1;
	_ =	strace $0x80000058;
	[dreg:$0x1] =	wrdreg $0xFFFFFFFF  }
0xa7: {  	s28 =	simm.s32 $_size_execute0_lowered;
	s3 =	sadd.s32 s3, s5;
	[dreg:$0x0] =	wrdreg $0x0  }
0xa8: {  	s5 =	sshll.u32 s28, $0x1;
	[dreg:$0x2] =	wrdreg s3  }
0xa9: {  	[dreg:$0x3] =	wrdreg s5  }
0xaa: {  	[dreg:$0x4] =	wrdreg $0xC0  }
0xab: {  	_ =	task [dreg:s7], $0x5FFFF  }
0xac: {  	[dreg:$0x1] =	wrdreg $0xFFFFFFFF  }
0xad: {  	[dreg:$0x0] =	wrdreg $0x60  }
0xae: {  	[dreg:$0x2] =	wrdreg s2  }
0xaf: {  	[dreg:$0x3] =	wrdreg s24  }
0xb0: {  	[dreg:$0x4] =	wrdreg $0x14A00  }
0xb1: {  	[dreg:$0x5] =	wrdreg $0x9  }
0xb2: {  	_ =	task.clear_ibuf [dreg:s7], $0x6FFFF;
	_ =	strace $0x90000058  }
0xb3: {  	s29 =	simm.s32 $0x9;
	_ =	strace $0x8000005A  }
0xb4: {  	_ =	swait.ge [sflag:s29], $0x1  }
0xb5: {  	[sflag:s29] =	ssyncadd.s32 $0xFFFFFFFF  }
0xb6: {  	_ =	strace $0x9000005A  }
0xb7: {  	_ =	sfence  }
0xb8: {  	s30 =	sld [smem:$0x0];
	_ =	sdelay $0x2  }
0xb9: {  	s31 =	sshll.u32 s1, $0xD;
	s1 =	sshrl.u32 s1, $0x2  }
0xba: {  	s3 =	sand.u32 $0x4000, s31;
	s1 =	sadd.s32 s1, s30  }
0xbb: {  	s0 =	sor.u32 s3, s0;
	s1 =	sshll.u32 s1, $0x11  }
0xbc: {  	s0 =	sor.u32 s1, s0  }
0xbd: {  	s0 =	sadd.s32 $0x8F2B, s0  }
0xbe: {  	[sflag:s0] =	ssyncadd.remote.s32 $0x1  }
0xbf: {  	_ =	sfence.sel $0xFFFF  }
0xc0: {  	[dreg:$0x0] =	wrdreg $0xFFFFFFFF;
	(pc) =	sbr.abs _section_cstart, $3  }
0xc1: {  	[dreg:$0x1] =	wrdreg $0xFFFFFFFF  }
0xc2: {  	_ =	task.clear_ibuf [dreg:s7], $0x2FFFF;
	_ =	strace $0x9FFFFFFF  }
0xc3: {  	(tm) =	ssettm $0x7FFFFFFF  }
tec
execute0_lowered:
.L_overlay_start_1:
0x0: {  	(tag) =	ssettag $0x1  }
0x1: {  	s1 =	rddreg [dreg:$0x0];
	s2 =	srdreg.scid  }
0x2: {  	s0 =	stileid.u32;
	s5 =	rddreg [dreg:$0x1]  }
0x3: {  	s3 =	rddreg [dreg:$0x2];
	s4 =	simm.s32 $0x0;
	s13 =	simm.s32 $0x50  }
0x4: {  	s14 =	simm.s32 $0xA0;
	s15 =	simm.s32 $0x1;
	s7 =	smul.u32 $0x4E20, s0  }
0x5: {  	s6 =	sand.u32 $0x1, s2;
	s2 =	rddreg [dreg:$0x3];
	s9 =	smul.u32 $0xFA00, s0  }
0x6: {  	s16 =	simm.s32 $0x0;
	[smem:$0x7FF] =	sst s4;
	s8 =	smul.u32 $0x2710, s6  }
0x7: {  	p0 =	sgt.u32 s0, $0x9;
	s29 =	smul.u32 $0x9C400, s6;
	_ =	strace $0x80000059  }
0x8: {  	s6 =	ssub.s32 $0x2, s6;
	s31 =	sshrl.u32 s9, $0x3;
	s7 =	sadd.s32 s8, s7  }
0x9: {  	s11 =	sshrl.u32 s6, $0x1;
	s30 =	sadd.s32 s9, s29;
	s7 =	sshrl.u32 s7, $0x3  }
0xa: {  	s12 =	sadd.s32 s9, s3;
	s10 =	sadd.s32 s7, s5;
	s7 =	sshrl.u32 s30, $0x3  }
0xb: {  	s8 =	sadd.s32 s31, s5;
	s11 =	ssub.s32 s6, s11;
	s7 =	sadd.s32 s7, s5  }
0xc: {  	s5 =	sadd.s32 $0x46A00, s8;
	s8 =	sadd.s32 $0x14600, s10;
	s9 =	sadd.s32 $0xA800, s10  }
0xd: {  	s6 =	sadd.s32 $0x5A400, s7;
	s7 =	smax.u32 s11, $0x1;
	s11 =	sshll.u32 @!p0 s0, $0x6  }
0xe: {  	s10 =	sor.u32 @!p0 $0x1C02, s11;
	s11 =	sshrl.u32 @!p0 s12, $0x3;
	s12 =	simm.s32 $0x2  }
.LBB2_1:
0xf: {  	[spmem:s11], [sflag:s10] =	dma.local @!p0 [hbm:s5], $0x1F40  }
0x10: {  	s17 =	simm.s32 @!p0 $0x2  }
0x11: {  	_ =	swait.ge @!p0 [sflag:s17], $0x1F40  }
0x12: {  	[sflag:s17] =	ssyncset.done @!p0 $0x0  }
0x13: {  	[sflag:s17] =	ssyncadd.s32 @!p0 $0xFFFFE0C0  }
0x14: {  	s30 =	sadd.s32 $0x0, s9;
	[bflag:$0x0] =	sbarrier.arrive $0xFFFF  }
0x15: {  	[tilespmem:s4], [sflag:$0x2] =	stream.linear.gather [hbm4b:s30+s4], $0x50, $0x38;
	[tilespmem:$0xB0E0] =	vst v63  }
0x16: {  	_ =	swait.ge [sflag:s12], $0x50  }
0x17: {  	[sflag:s12] =	ssyncset.done $0x0  }
0x18: {  	s31 =	sadd.s32 $0x0, s8;
	[sflag:s12] =	ssyncadd.s32 $0xFFFFFFB0  }
0x19: {  	[tilespmem:s13], [sflag:$0x2] =	stream.linear.gather [hbm4b:s31+s4], $0x50, $0x38;
	[tilespmem:$0xB0E0] =	vst v63  }
0x1a: {  	_ =	swait.ge [sflag:s12], $0x50  }
0x1b: {  	[sflag:s12] =	ssyncset.done $0x0  }
0x1c: {  	[sflag:s12] =	ssyncadd.s32 $0xFFFFFFB0  }
0x1d: {  	[tilespmem:s14], [sflag:$0x1] =	stream.indirect.gather [hbm4b:s1+s13], $0x40, s4, s13, $0xb8;
	[tilespmem:$0xB0E0] =	vst v63  }
0x1e: {  	_ =	swait.ge [sflag:s15], $0x1400  }
0x1f: {  	[sflag:s15] =	ssyncset.done $0x0  }
0x20: {  	[sflag:s15] =	ssyncadd.s32 $0xFFFFEC00  }
0x21: {  	[spmem:s3] =	stream.indirect.scatter.add.f32 [tilespmem:s14], [sflag:$0x2], $0x40, s13, s13, $0xb8;
	[tilespmem:$0xB0E0] =	vst v63  }
0x22: {  	_ =	swait.ge [sflag:s12], $0x1400  }
0x23: {  	s18 =	simm.s32 $0x14;
	s17 =	simm.s32 $0xA;
	[sflag:s12] =	ssyncset.done $0x0  }
.LBB2_2:
0x24: {  	s19 =	sadd.s32 s17, s9  }
0x25: {  	[sflag:s12] =	ssyncadd.s32 $0xFFFFEC00;
	s20 =	smov.u32 s18;
	s21 =	sadd.s32 $0xA, s18  }
0x26: {  	[tilespmem:s4], [sflag:$0x2] =	stream.linear.gather [hbm4b:s19+s4], $0x50, $0x38;
	[tilespmem:$0xB0E0] =	vst v63  }
0x27: {  	p1 =	sne.s32 s18, $0x4D8;
	_ =	swait.ge [sflag:s12], $0x50  }
0x28: {  	[sflag:s12] =	ssyncset.done $0x0  }
0x29: {  	s18 =	sadd.s32 s17, s8;
	s17 =	smov.u32 s20;
	[sflag:s12] =	ssyncadd.s32 $0xFFFFFFB0  }
0x2a: {  	[tilespmem:s13], [sflag:$0x2] =	stream.linear.gather [hbm4b:s18+s4], $0x50, $0x38;
	[tilespmem:$0xB0E0] =	vst v63  }
0x2b: {  	_ =	swait.ge [sflag:s12], $0x50  }
0x2c: {  	[sflag:s12] =	ssyncset.done $0x0  }
0x2d: {  	[sflag:s12] =	ssyncadd.s32 $0xFFFFFFB0  }
0x2e: {  	[tilespmem:s14], [sflag:$0x1] =	stream.indirect.gather [hbm4b:s1+s13], $0x40, s4, s13, $0xb8;
	[tilespmem:$0xB0E0] =	vst v63  }
0x2f: {  	_ =	swait.ge [sflag:s15], $0x1400  }
.Ltmp0:
0x30: {  	[sflag:s15] =	ssyncset.done $0x0;
	(pc) =	sbr.rel @p1 .LBB2_2-.Ltmp0, $4  }
0x31: {  	[sflag:s15] =	ssyncadd.s32 $0xFFFFEC00  }
0x32: {  	[spmem:s3] =	stream.indirect.scatter.add.f32 [tilespmem:s14], [sflag:$0x2], $0x40, s13, s13, $0xb8;
	[tilespmem:$0xB0E0] =	vst v63  }
0x33: {  	_ =	swait.ge [sflag:s12], $0x1400  }
0x34: {  	s18 =	smov.u32 s21;
	[sflag:s12] =	ssyncset.done $0x0  }
0x35: {  	s18 =	sadd.s32 s17, s9;
	[sflag:s12] =	ssyncadd.s32 $0xFFFFEC00  }
0x36: {  	[tilespmem:s4], [sflag:$0x2] =	stream.linear.gather [hbm4b:s18+s4], $0x50, $0x38;
	[tilespmem:$0xB0E0] =	vst v63  }
0x37: {  	_ =	swait.ge [sflag:s12], $0x50  }
0x38: {  	[sflag:s12] =	ssyncset.done $0x0  }
0x39: {  	s31 =	sadd.s32 s17, s8;
	[sflag:s12] =	ssyncadd.s32 $0xFFFFFFB0  }
0x3a: {  	[tilespmem:s13], [sflag:$0x2] =	stream.linear.gather [hbm4b:s31+s4], $0x50, $0x38;
	[tilespmem:$0xB0E0] =	vst v63  }
0x3b: {  	_ =	swait.ge [sflag:s12], $0x50  }
0x3c: {  	[sflag:s12] =	ssyncset.done $0x0  }
0x3d: {  	[sflag:s12] =	ssyncadd.s32 $0xFFFFFFB0  }
0x3e: {  	[tilespmem:s14], [sflag:$0x1] =	stream.indirect.gather [hbm4b:s1+s13], $0x40, s4, s13, $0xb8;
	[tilespmem:$0xB0E0] =	vst v63  }
0x3f: {  	_ =	swait.ge [sflag:s15], $0x1400  }
0x40: {  	[sflag:s15] =	ssyncset.done $0x0  }
0x41: {  	[sflag:s15] =	ssyncadd.s32 $0xFFFFEC00  }
0x42: {  	[spmem:s3] =	stream.indirect.scatter.add.f32 [tilespmem:s14], [sflag:$0x2], $0x40, s13, s13, $0xb8;
	[tilespmem:$0xB0E0] =	vst v63  }
0x43: {  	_ =	swait.ge [sflag:s12], $0x1400  }
0x44: {  	s16 =	sadd.s32 $0x1, s16;
	[sflag:s12] =	ssyncset.done $0x0  }
0x45: {  	p1 =	sne.s32 s16, s7;
	[sflag:s12] =	ssyncadd.s32 $0xFFFFEC00  }
.Ltmp1:
0x46: {  	s17 =	simm.s32 @!p0 $0x2;
	[bflag:$0x0] =	sbarrier.arrive $0xFFFF;
	(pc) =	sbr.rel @p1 .LBB2_1-.Ltmp1, $4  }
0x47: {  	[hbm:s6], [sflag:s10] =	dma.local @!p0 [spmem:s11], $0x1F40  }
0x48: {  	_ =	swait.ge @!p0 [sflag:s17], $0x1F40  }
0x49: {  	[sflag:s17] =	ssyncset.done @!p0 $0x0  }
0x4a: {  	[sflag:s17] =	ssyncadd.s32 @!p0 $0xFFFFE0C0  }
0x4b: {  	_ =	sfence.sel $0x180000  }
0x4c: {  	[bflag:$0x0] =	sbarrier.arrive $0xFFFF  }
0x4d: {  	p0 =	sne.s32 s0, $0x0;
	_ =	strace $0x90000059  }
0x4e: {  	s0 =	sadd.s32 @!p0 $0x100000, s2;
	[bflag:$0x2] =	sbarrier.arrive $0xFFFF  }
0x4f: {  	[sflag:s0] =	ssyncadd.tile.s32 @!p0 $0x1;
	_ =	shalt  }
.Lfunc_end2:
_tile_overlayer_lowered:
.L_overlay_start_2:
0x50: {  	(tag) =	ssettag $0x2  }
0x51: {  	s0 =	rddreg [dreg:$0x0];
	s2 =	stileid.u32  }
0x52: {  	s1 =	rddreg [dreg:$0x1];
	p0 =	sne.s32 s2, $0x0  }
0x53: {  	s3 =	rddreg [dreg:$0x2];
	[bflag:$0x3] =	sbarrier.arrive $0xFFFF;
	s2 =	simm.s32 @!p0 $0x1C02  }
0x54: {  	[timem:s3], [sflag:s2] =	dma.local @!p0 [hbm:s0], s1  }
0x55: {  	s0 =	simm.s32 @!p0 $0x2  }
0x56: {  	_ =	swait.ge @!p0 [sflag:s0], s1  }
0x57: {  	s1 =	ssub.s32 @!p0 $0x0, s1;
	[sflag:s0] =	ssyncset.done @!p0 $0x0  }
0x58: {  	[sflag:s0] =	ssyncadd.s32 @!p0 s1  }
0x59: {  	[bflag:$0x3] =	sbarrier.arrive $0xFFFF  }
0x5a: {  	_ =	shalt  }

// kernel: kernel.56.cloned.1.call-start
scs
__scs_entry_jumppad:
0x0: {  	(pc) =	sbr.rel $0x88, $3  }
0x1: {  	(tag) =	ssettag $0x0;
	lr =	simm.s32 $0x1  }
0x2: {  	[smem:$0x3F96] =	sst lr;
	_ =	strace $0xD0000000  }
0x3: {  	_ = 	snop  }
0x4: {  	_ = 	snop  }
0x5: {  	_ = 	snop  }
0x6: {  	_ = 	snop  }
0x7: {  	_ = 	snop  }
__scs_overlays_trampoline_lowered:
0x8: {  	[smem:$0x3FA5] =	sst s0  }
0x9: {  	[smem:$0x3FA6] =	sst s1  }
0xa: {  	[smem:$0x3FA7] =	sst s2  }
0xb: {  	[smem:$0x3FA8] =	sst s3  }
0xc: {  	[smem:$0x3FA9] =	sst s4  }
0xd: {  	[smem:$0x3FAA] =	sst s5  }
0xe: {  	[smem:$0x3FAB] =	sst s6  }
0xf: {  	[smem:$0x3FAC] =	sst s7  }
0x10: {  	[smem:$0x3FAD] =	sst s8  }
0x11: {  	[smem:$0x3FAE] =	sst s9;
	s0 =	simm.s32 @!p0 $0x0  }
0x12: {  	s1 =	sld [smem:$0x3F94];
	s0 =	simm.s32 @p0 $0x1  }
0x13: {  	[smem:$0x3FAF] =	sst s0;
	s0 =	simm.s32 @!p1 $0x0  }
0x14: {  	s2 =	sld [smem:$0x3F93];
	s0 =	simm.s32 @p1 $0x1  }
0x15: {  	[smem:$0x3FB0] =	sst s0;
	s0 =	simm.s32 @!p2 $0x0  }
0x16: {  	s3 =	sld [smem:$0x3FDB];
	s0 =	simm.s32 @p2 $0x1  }
0x17: {  	s4 =	simm.s32 $0x1BF5;
	[smem:$0x3FB2] =	sst s0  }
0x18: {  	s0 =	sld [smem:$0x3F95];
	_ =	swait.ge [sflag:s4], $0x0  }
0x19: {  	s7 =	sld [smem:$0x3F96]  }
0x1a: {  	s8 =	sadd.s32 $0xFFFFE003, lr  }
0x1b: {  	s9 =	sadd.s32 $0xFFFFFEF7, lr;
	s5 =	simm.s32 $0xFFFFFFFF;
	p2 =	slt.u32 s8, $0xFFFFF086  }
0x1c: {  	p1 =	slt.u32 s9, $0xF7A;
	s5 =	simm.s32 @!p2 $0x0  }
0x1d: {  	s5 =	simm.s32 @p1 $0x1;
	p0 =	seq.s32 s7, s2  }
0x1e: {  	s7 =	smul.u32 @!p0 $0xF7A, s2;
	p2 =	seq.s32 @!p0 s5, $0x0  }
0x1f: {  	s9 =	smul.u32 $0xF7A, s1;
	s8 =	simm.s32 @!p0 $0x1BF5;
	p2 =	por !p2, p0  }
0x20: {  	[sflag:s8] =	ssyncset.s32 @!p0 $0xFFFFF086;
	s6 =	sadd.s32 @!p0 s3, s7;
	s7 =	simm.s32 @!p0 $0x108  }
0x21: {  	s3 =	sadd.s32 s3, s9;
	s6 =	sadd.s32 @!p0 $0x88, s6;
	s7 =	simm.s32 @p2 $0x1082  }
0x22: {  	[simem:s7], [sflag:s8] =	dma.local @!p0 [hbm:s6], $0xF7A  }
0x23: {  	s9 =	sor.u32 $0xD0000000, s2;
	s6 =	simm.s32 $0x108;
	_ =	swait.ge @!p0 [sflag:s8], $0x0  }
0x24: {  	s3 =	sadd.s32 $0x88, s3;
	s6 =	simm.s32 @!p1 $0x1082;
	[sflag:s4] =	ssyncset.s32 $0xFFFFF086  }
0x25: {  	[simem:s6], [sflag:s4] =	dma.local [hbm:s3], $0xF7A  }
0x26: {  	[smem:$0x3F96] =	sst s1;
	(tag) =	ssettag s2;
	_ =	strace s9  }
0x27: {  	s1 =	sld [smem:$0x3FA6]  }
0x28: {  	s2 =	sld [smem:$0x3FA7]  }
0x29: {  	s4 =	sld [smem:$0x3FA9]  }
0x2a: {  	p0 =	seq.s32 s5, $0x0;
	s5 =	sld [smem:$0x3FAA]  }
0x2b: {  	s6 =	sld [smem:$0x3FAB]  }
0x2c: {  	s7 =	sld [smem:$0x3FAC]  }
0x2d: {  	s3 =	simm.s32 $0x108;
	s8 =	sld [smem:$0x3FAD]  }
0x2e: {  	s3 =	simm.s32 @!p0 $0x1082;
	s9 =	sld [smem:$0x3FAE]  }
0x2f: {  	lr =	sadd.s32 s0, s3;
	s0 =	sld [smem:$0x3FA5]  }
0x30: {  	s3 =	sld [smem:$0x3FA8]  }
0x31: {  	[smem:$0x3FB1] =	sst s10  }
0x32: {  	s10 =	sld [smem:$0x3FAF];
	_ =	sdelay $0x3  }
0x33: {  	p0 =	seq.s32 s10, $0x1;
	s10 =	sld [smem:$0x3FB1];
	_ =	sdelay $0x3  }
0x34: {  	[smem:$0x3FB1] =	sst s10  }
0x35: {  	s10 =	sld [smem:$0x3FB0];
	_ =	sdelay $0x3  }
0x36: {  	p1 =	seq.s32 s10, $0x1;
	s10 =	sld [smem:$0x3FB1];
	_ =	sdelay $0x3  }
0x37: {  	[smem:$0x3FB1] =	sst s10  }
0x38: {  	s10 =	sld [smem:$0x3FB2]  }
0x39: {  	_ = 	snop;
	(pc) =	sbr.ind lr, $3  }
0x3a: {  	_ = 	snop  }
0x3b: {  	_ = 	snop  }
0x3c: {  	p2 =	seq.s32 s10, $0x1;
	s10 =	sld [smem:$0x3FB1]  }
0x3d: {  	_ =	shalt  }
0x3e: {  	_ =	shalt  }
0x3f: {  	_ =	shalt  }
0x40: {  	_ =	shalt  }
0x41: {  	_ =	shalt  }
0x42: {  	_ =	shalt  }
0x43: {  	_ =	shalt  }
0x44: {  	_ =	shalt  }
0x45: {  	_ =	shalt  }
0x46: {  	_ =	shalt  }
0x47: {  	_ =	shalt  }
0x48: {  	_ =	shalt  }
0x49: {  	_ =	shalt  }
0x4a: {  	_ =	shalt  }
0x4b: {  	_ =	shalt  }
0x4c: {  	_ =	shalt  }
0x4d: {  	_ =	shalt  }
0x4e: {  	_ =	shalt  }
0x4f: {  	_ =	shalt  }
0x50: {  	_ =	shalt  }
0x51: {  	_ =	shalt  }
0x52: {  	_ =	shalt  }
0x53: {  	_ =	shalt  }
0x54: {  	_ =	shalt  }
0x55: {  	_ =	shalt  }
0x56: {  	_ =	shalt  }
0x57: {  	_ =	shalt  }
0x58: {  	_ =	shalt  }
0x59: {  	_ =	shalt  }
0x5a: {  	_ =	shalt  }
0x5b: {  	_ =	shalt  }
0x5c: {  	_ =	shalt  }
0x5d: {  	_ =	shalt  }
0x5e: {  	_ =	shalt  }
0x5f: {  	_ =	shalt  }
0x60: {  	_ =	shalt  }
0x61: {  	_ =	shalt  }
0x62: {  	_ =	shalt  }
0x63: {  	_ =	shalt  }
0x64: {  	_ =	shalt  }
0x65: {  	_ =	shalt  }
0x66: {  	_ =	shalt  }
0x67: {  	_ =	shalt  }
0x68: {  	_ =	shalt  }
0x69: {  	_ =	shalt  }
0x6a: {  	_ =	shalt  }
0x6b: {  	_ =	shalt  }
0x6c: {  	_ =	shalt  }
0x6d: {  	_ =	shalt  }
0x6e: {  	_ =	shalt  }
0x6f: {  	_ =	shalt  }
0x70: {  	_ =	shalt  }
0x71: {  	_ =	shalt  }
0x72: {  	_ =	shalt  }
0x73: {  	_ =	shalt  }
0x74: {  	_ =	shalt  }
0x75: {  	_ =	shalt  }
0x76: {  	_ =	shalt  }
0x77: {  	_ =	shalt  }
0x78: {  	_ =	shalt  }
0x79: {  	_ =	shalt  }
0x7a: {  	_ =	shalt  }
0x7b: {  	_ =	shalt  }
0x7c: {  	_ =	shalt  }
0x7d: {  	_ =	shalt  }
0x7e: {  	_ =	shalt  }
0x7f: {  	_ =	shalt  }
0x80: {  	_ =	shalt  }
0x81: {  	_ =	shalt  }
0x82: {  	_ =	shalt  }
0x83: {  	_ =	shalt  }
0x84: {  	_ =	shalt  }
0x85: {  	_ =	shalt  }
0x86: {  	_ =	shalt  }
0x87: {  	_ =	shalt  }
.Lfunc_end0:
.L_simem_size_0:
called_computation.9_lowered:
.L_overlay_start_0:
0x88: {  	s2 =	sld [smem:$0x3FD9]  }
0x89: {  	s3 =	sld [smem:$0x3FFE];
	_ =	sdelay $0x1  }
0x8a: {  	s1 =	srdreg.scid  }
0x8b: {  	s0 =	sand.u32 $0x1, s1  }
0x8c: {  	s17 =	sshll.u32 s0, $0xA;
	s2 =	sadd.s32 s3, s2  }
0x8d: {  	s2 =	sadd.s32 s2, s17  }
0x8e: {  	[smem:$0x3FBD] =	sst s2  }
0x8f: {  	_ = 	snop  }
0x90: {  	s2 =	sld [smem:$0x3FD0];
	(tm) =	ssettm $0x1  }
0x91: {  	s18 =	sld [smem:$0x3FFB];
	_ =	sdelay $0x3  }
0x92: {  	_ =	strace s18  }
0x93: {  	s3 =	sld [smem:$0x3FFC];
	_ =	sdelay $0x3  }
0x94: {  	_ =	strace s3  }
0x95: {  	s3 =	sld [smem:$0x3FFD];
	_ =	sdelay $0x3  }
0x96: {  	_ =	strace s3  }
0x97: {  	_ =	strace $0x8FFFFFFF  }
0x98: {  	s19 =	sld [smem:$0x3FDB];
	_ =	sdelay $0x1  }
0x99: {  	s4 =	simm.s32 $_scs_section_size  }
0x9a: {  	s5 =	simm.s32 $_size__tile_overlayer_lowered;
	s6 =	simm.s32 $_tile_overlayer_lowered  }
0x9b: {  	s22 =	simm.s32 $0x1BFF;
	s21 =	sshll.u32 s6, $0x1;
	s3 =	sadd.s32 s4, s19  }
0x9c: {  	s7 =	simm.s32 $0x0;
	s20 =	sshll.u32 s5, $0x1;
	s5 =	sadd.s32 s21, s3  }
0x9d: {  	[timem:s7], [sflag:s22] =	dma.local [hbm:s5], s20  }
0x9e: {  	_ =	swait.ge [sflag:s22], s20  }
0x9f: {  	s4 =	ssub.s32 $0x0, s20;
	[sflag:s22] =	ssyncset.done $0x0  }
0xa0: {  	[sflag:s22] =	ssyncadd.s32 s4;
	_ =	sdelay $0x1  }
0xa1: {  	s23 =	simm.s32 $0x1B8B  }
0xa2: {  	_ =	swait.ge [sflag:s23], $0x1  }
0xa3: {  	[sflag:s23] =	ssyncset.done $0x0  }
0xa4: {  	s25 =	simm.s32 $0x1B8E;
	s24 =	sld [smem:$0x3FFE];
	[sflag:s23] =	ssyncadd.s32 $0xFFFFFFFF  }
0xa5: {  	s26 =	simm.s32 $execute0_lowered;
	[smem:$0x3FD2] =	sst s25  }
0xa6: {  	s5 =	sshll.u32 s26, $0x1;
	_ =	strace $0x8000005B;
	[dreg:$0x1] =	wrdreg $0xFFFFFFFF  }
0xa7: {  	s28 =	simm.s32 $_size_execute0_lowered;
	s3 =	sadd.s32 s3, s5;
	[dreg:$0x0] =	wrdreg $0x0  }
0xa8: {  	s5 =	sshll.u32 s28, $0x1;
	[dreg:$0x2] =	wrdreg s3  }
0xa9: {  	[dreg:$0x3] =	wrdreg s5  }
0xaa: {  	[dreg:$0x4] =	wrdreg $0xC0  }
0xab: {  	_ =	task [dreg:s7], $0x5FFFF  }
0xac: {  	[dreg:$0x1] =	wrdreg $0xFFFFFFFF  }
0xad: {  	[dreg:$0x0] =	wrdreg $0x60  }
0xae: {  	[dreg:$0x2] =	wrdreg s2  }
0xaf: {  	[dreg:$0x3] =	wrdreg s24  }
0xb0: {  	[dreg:$0x4] =	wrdreg $0x14A00  }
0xb1: {  	[dreg:$0x5] =	wrdreg $0x9  }
0xb2: {  	_ =	task.clear_ibuf [dreg:s7], $0x6FFFF;
	_ =	strace $0x9000005B  }
0xb3: {  	s29 =	simm.s32 $0x9;
	_ =	strace $0x8000005D  }
0xb4: {  	_ =	swait.ge [sflag:s29], $0x1  }
0xb5: {  	[sflag:s29] =	ssyncadd.s32 $0xFFFFFFFF  }
0xb6: {  	_ =	strace $0x9000005D  }
0xb7: {  	_ =	sfence  }
0xb8: {  	s30 =	sld [smem:$0x0];
	_ =	sdelay $0x2  }
0xb9: {  	s31 =	sshll.u32 s1, $0xD;
	s1 =	sshrl.u32 s1, $0x2  }
0xba: {  	s3 =	sand.u32 $0x4000, s31;
	s1 =	sadd.s32 s1, s30  }
0xbb: {  	s0 =	sor.u32 s3, s0;
	s1 =	sshll.u32 s1, $0x11  }
0xbc: {  	s0 =	sor.u32 s1, s0  }
0xbd: {  	s0 =	sadd.s32 $0x8F2B, s0  }
0xbe: {  	[sflag:s0] =	ssyncadd.remote.s32 $0x1  }
0xbf: {  	_ =	sfence.sel $0xFFFF  }
0xc0: {  	[dreg:$0x0] =	wrdreg $0xFFFFFFFF;
	(pc) =	sbr.abs _section_cstart, $3  }
0xc1: {  	[dreg:$0x1] =	wrdreg $0xFFFFFFFF  }
0xc2: {  	_ =	task.clear_ibuf [dreg:s7], $0x2FFFF;
	_ =	strace $0x9FFFFFFF  }
0xc3: {  	(tm) =	ssettm $0x7FFFFFFF  }
tec
execute0_lowered:
.L_overlay_start_1:
0x0: {  	(tag) =	ssettag $0x1  }
0x1: {  	s1 =	rddreg [dreg:$0x0];
	s2 =	srdreg.scid  }
0x2: {  	s0 =	stileid.u32;
	s5 =	rddreg [dreg:$0x1]  }
0x3: {  	s3 =	rddreg [dreg:$0x2];
	s4 =	simm.s32 $0x0;
	s13 =	simm.s32 $0x50  }
0x4: {  	s14 =	simm.s32 $0xA0;
	s15 =	simm.s32 $0x1;
	s7 =	smul.u32 $0x4E20, s0  }
0x5: {  	s6 =	sand.u32 $0x1, s2;
	s2 =	rddreg [dreg:$0x3];
	s9 =	smul.u32 $0xFA00, s0  }
0x6: {  	s16 =	simm.s32 $0x0;
	[smem:$0x7FF] =	sst s4;
	s8 =	smul.u32 $0x2710, s6  }
0x7: {  	p0 =	sgt.u32 s0, $0x9;
	s29 =	smul.u32 $0x9C400, s6;
	_ =	strace $0x8000005C  }
0x8: {  	s6 =	ssub.s32 $0x2, s6;
	s31 =	sshrl.u32 s9, $0x3;
	s7 =	sadd.s32 s8, s7  }
0x9: {  	s11 =	sshrl.u32 s6, $0x1;
	s30 =	sadd.s32 s9, s29;
	s7 =	sshrl.u32 s7, $0x3  }
0xa: {  	s12 =	sadd.s32 s9, s3;
	s10 =	sadd.s32 s7, s5;
	s7 =	sshrl.u32 s30, $0x3  }
0xb: {  	s8 =	sadd.s32 s31, s5;
	s11 =	ssub.s32 s6, s11;
	s7 =	sadd.s32 s7, s5  }
0xc: {  	s5 =	sadd.s32 $0x46A00, s8;
	s8 =	sadd.s32 $0x14600, s10;
	s9 =	sadd.s32 $0xA800, s10  }
0xd: {  	s6 =	sadd.s32 $0x5A400, s7;
	s7 =	smax.u32 s11, $0x1;
	s11 =	sshll.u32 @!p0 s0, $0x6  }
0xe: {  	s10 =	sor.u32 @!p0 $0x1C02, s11;
	s11 =	sshrl.u32 @!p0 s12, $0x3;
	s12 =	simm.s32 $0x2  }
.LBB2_1:
0xf: {  	[spmem:s11], [sflag:s10] =	dma.local @!p0 [hbm:s5], $0x1F40  }
0x10: {  	s17 =	simm.s32 @!p0 $0x2  }
0x11: {  	_ =	swait.ge @!p0 [sflag:s17], $0x1F40  }
0x12: {  	[sflag:s17] =	ssyncset.done @!p0 $0x0  }
0x13: {  	[sflag:s17] =	ssyncadd.s32 @!p0 $0xFFFFE0C0  }
0x14: {  	s30 =	sadd.s32 $0x0, s9;
	[bflag:$0x0] =	sbarrier.arrive $0xFFFF  }
0x15: {  	[tilespmem:s4], [sflag:$0x2] =	stream.linear.gather [hbm4b:s30+s4], $0x50, $0x38;
	[tilespmem:$0xB0E0] =	vst v63  }
0x16: {  	_ =	swait.ge [sflag:s12], $0x50  }
0x17: {  	[sflag:s12] =	ssyncset.done $0x0  }
0x18: {  	s31 =	sadd.s32 $0x0, s8;
	[sflag:s12] =	ssyncadd.s32 $0xFFFFFFB0  }
0x19: {  	[tilespmem:s13], [sflag:$0x2] =	stream.linear.gather [hbm4b:s31+s4], $0x50, $0x38;
	[tilespmem:$0xB0E0] =	vst v63  }
0x1a: {  	_ =	swait.ge [sflag:s12], $0x50  }
0x1b: {  	[sflag:s12] =	ssyncset.done $0x0  }
0x1c: {  	[sflag:s12] =	ssyncadd.s32 $0xFFFFFFB0  }
0x1d: {  	[tilespmem:s14], [sflag:$0x1] =	stream.indirect.gather [hbm4b:s1+s13], $0x40, s4, s13, $0xb8;
	[tilespmem:$0xB0E0] =	vst v63  }
0x1e: {  	_ =	swait.ge [sflag:s15], $0x1400  }
0x1f: {  	[sflag:s15] =	ssyncset.done $0x0  }
0x20: {  	[sflag:s15] =	ssyncadd.s32 $0xFFFFEC00  }
0x21: {  	[spmem:s3] =	stream.indirect.scatter.add.f32 [tilespmem:s14], [sflag:$0x2], $0x40, s13, s13, $0xb8;
	[tilespmem:$0xB0E0] =	vst v63  }
0x22: {  	_ =	swait.ge [sflag:s12], $0x1400  }
0x23: {  	s18 =	simm.s32 $0x14;
	s17 =	simm.s32 $0xA;
	[sflag:s12] =	ssyncset.done $0x0  }
.LBB2_2:
0x24: {  	s19 =	sadd.s32 s17, s9  }
0x25: {  	[sflag:s12] =	ssyncadd.s32 $0xFFFFEC00;
	s20 =	smov.u32 s18;
	s21 =	sadd.s32 $0xA, s18  }
0x26: {  	[tilespmem:s4], [sflag:$0x2] =	stream.linear.gather [hbm4b:s19+s4], $0x50, $0x38;
	[tilespmem:$0xB0E0] =	vst v63  }
0x27: {  	p1 =	sne.s32 s18, $0x4D8;
	_ =	swait.ge [sflag:s12], $0x50  }
0x28: {  	[sflag:s12] =	ssyncset.done $0x0  }
0x29: {  	s18 =	sadd.s32 s17, s8;
	s17 =	smov.u32 s20;
	[sflag:s12] =	ssyncadd.s32 $0xFFFFFFB0  }
0x2a: {  	[tilespmem:s13], [sflag:$0x2] =	stream.linear.gather [hbm4b:s18+s4], $0x50, $0x38;
	[tilespmem:$0xB0E0] =	vst v63  }
0x2b: {  	_ =	swait.ge [sflag:s12], $0x50  }
0x2c: {  	[sflag:s12] =	ssyncset.done $0x0  }
0x2d: {  	[sflag:s12] =	ssyncadd.s32 $0xFFFFFFB0  }
0x2e: {  	[tilespmem:s14], [sflag:$0x1] =	stream.indirect.gather [hbm4b:s1+s13], $0x40, s4, s13, $0xb8;
	[tilespmem:$0xB0E0] =	vst v63  }
0x2f: {  	_ =	swait.ge [sflag:s15], $0x1400  }
.Ltmp0:
0x30: {  	[sflag:s15] =	ssyncset.done $0x0;
	(pc) =	sbr.rel @p1 .LBB2_2-.Ltmp0, $4  }
0x31: {  	[sflag:s15] =	ssyncadd.s32 $0xFFFFEC00  }
0x32: {  	[spmem:s3] =	stream.indirect.scatter.add.f32 [tilespmem:s14], [sflag:$0x2], $0x40, s13, s13, $0xb8;
	[tilespmem:$0xB0E0] =	vst v63  }
0x33: {  	_ =	swait.ge [sflag:s12], $0x1400  }
0x34: {  	s18 =	smov.u32 s21;
	[sflag:s12] =	ssyncset.done $0x0  }
0x35: {  	s18 =	sadd.s32 s17, s9;
	[sflag:s12] =	ssyncadd.s32 $0xFFFFEC00  }
0x36: {  	[tilespmem:s4], [sflag:$0x2] =	stream.linear.gather [hbm4b:s18+s4], $0x50, $0x38;
	[tilespmem:$0xB0E0] =	vst v63  }
0x37: {  	_ =	swait.ge [sflag:s12], $0x50  }
0x38: {  	[sflag:s12] =	ssyncset.done $0x0  }
0x39: {  	s31 =	sadd.s32 s17, s8;
	[sflag:s12] =	ssyncadd.s32 $0xFFFFFFB0  }
0x3a: {  	[tilespmem:s13], [sflag:$0x2] =	stream.linear.gather [hbm4b:s31+s4], $0x50, $0x38;
	[tilespmem:$0xB0E0] =	vst v63  }
0x3b: {  	_ =	swait.ge [sflag:s12], $0x50  }
0x3c: {  	[sflag:s12] =	ssyncset.done $0x0  }
0x3d: {  	[sflag:s12] =	ssyncadd.s32 $0xFFFFFFB0  }
0x3e: {  	[tilespmem:s14], [sflag:$0x1] =	stream.indirect.gather [hbm4b:s1+s13], $0x40, s4, s13, $0xb8;
	[tilespmem:$0xB0E0] =	vst v63  }
0x3f: {  	_ =	swait.ge [sflag:s15], $0x1400  }
0x40: {  	[sflag:s15] =	ssyncset.done $0x0  }
0x41: {  	[sflag:s15] =	ssyncadd.s32 $0xFFFFEC00  }
0x42: {  	[spmem:s3] =	stream.indirect.scatter.add.f32 [tilespmem:s14], [sflag:$0x2], $0x40, s13, s13, $0xb8;
	[tilespmem:$0xB0E0] =	vst v63  }
0x43: {  	_ =	swait.ge [sflag:s12], $0x1400  }
0x44: {  	s16 =	sadd.s32 $0x1, s16;
	[sflag:s12] =	ssyncset.done $0x0  }
0x45: {  	p1 =	sne.s32 s16, s7;
	[sflag:s12] =	ssyncadd.s32 $0xFFFFEC00  }
.Ltmp1:
0x46: {  	s17 =	simm.s32 @!p0 $0x2;
	[bflag:$0x0] =	sbarrier.arrive $0xFFFF;
	(pc) =	sbr.rel @p1 .LBB2_1-.Ltmp1, $4  }
0x47: {  	[hbm:s6], [sflag:s10] =	dma.local @!p0 [spmem:s11], $0x1F40  }
0x48: {  	_ =	swait.ge @!p0 [sflag:s17], $0x1F40  }
0x49: {  	[sflag:s17] =	ssyncset.done @!p0 $0x0  }
0x4a: {  	[sflag:s17] =	ssyncadd.s32 @!p0 $0xFFFFE0C0  }
0x4b: {  	_ =	sfence.sel $0x180000  }
0x4c: {  	[bflag:$0x0] =	sbarrier.arrive $0xFFFF  }
0x4d: {  	p0 =	sne.s32 s0, $0x0;
	_ =	strace $0x9000005C  }
0x4e: {  	s0 =	sadd.s32 @!p0 $0x100000, s2;
	[bflag:$0x2] =	sbarrier.arrive $0xFFFF  }
0x4f: {  	[sflag:s0] =	ssyncadd.tile.s32 @!p0 $0x1;
	_ =	shalt  }
.Lfunc_end2:
_tile_overlayer_lowered:
.L_overlay_start_2:
0x50: {  	(tag) =	ssettag $0x2  }
0x51: {  	s0 =	rddreg [dreg:$0x0];
	s2 =	stileid.u32  }
0x52: {  	s1 =	rddreg [dreg:$0x1];
	p0 =	sne.s32 s2, $0x0  }
0x53: {  	s3 =	rddreg [dreg:$0x2];
	[bflag:$0x3] =	sbarrier.arrive $0xFFFF;
	s2 =	simm.s32 @!p0 $0x1C02  }
0x54: {  	[timem:s3], [sflag:s2] =	dma.local @!p0 [hbm:s0], s1  }
0x55: {  	s0 =	simm.s32 @!p0 $0x2  }
0x56: {  	_ =	swait.ge @!p0 [sflag:s0], s1  }
0x57: {  	s1 =	ssub.s32 @!p0 $0x0, s1;
	[sflag:s0] =	ssyncset.done @!p0 $0x0  }
0x58: {  	[sflag:s0] =	ssyncadd.s32 @!p0 s1  }
0x59: {  	[bflag:$0x3] =	sbarrier.arrive $0xFFFF  }
0x5a: {  	_ =	shalt  }

// kernel: kernel.59.cloned.1.call-start
scs
__scs_entry_jumppad:
0x0: {  	(pc) =	sbr.rel $0x88, $3  }
0x1: {  	(tag) =	ssettag $0x0;
	lr =	simm.s32 $0x1  }
0x2: {  	[smem:$0x3F96] =	sst lr;
	_ =	strace $0xD0000000  }
0x3: {  	_ = 	snop  }
0x4: {  	_ = 	snop  }
0x5: {  	_ = 	snop  }
0x6: {  	_ = 	snop  }
0x7: {  	_ = 	snop  }
__scs_overlays_trampoline_lowered:
0x8: {  	[smem:$0x3FA5] =	sst s0  }
0x9: {  	[smem:$0x3FA6] =	sst s1  }
0xa: {  	[smem:$0x3FA7] =	sst s2  }
0xb: {  	[smem:$0x3FA8] =	sst s3  }
0xc: {  	[smem:$0x3FA9] =	sst s4  }
0xd: {  	[smem:$0x3FAA] =	sst s5  }
0xe: {  	[smem:$0x3FAB] =	sst s6  }
0xf: {  	[smem:$0x3FAC] =	sst s7  }
0x10: {  	[smem:$0x3FAD] =	sst s8  }
0x11: {  	[smem:$0x3FAE] =	sst s9;
	s0 =	simm.s32 @!p0 $0x0  }
0x12: {  	s1 =	sld [smem:$0x3F94];
	s0 =	simm.s32 @p0 $0x1  }
0x13: {  	[smem:$0x3FAF] =	sst s0;
	s0 =	simm.s32 @!p1 $0x0  }
0x14: {  	s2 =	sld [smem:$0x3F93];
	s0 =	simm.s32 @p1 $0x1  }
0x15: {  	[smem:$0x3FB0] =	sst s0;
	s0 =	simm.s32 @!p2 $0x0  }
0x16: {  	s3 =	sld [smem:$0x3FDB];
	s0 =	simm.s32 @p2 $0x1  }
0x17: {  	s4 =	simm.s32 $0x1BF5;
	[smem:$0x3FB2] =	sst s0  }
0x18: {  	s0 =	sld [smem:$0x3F95];
	_ =	swait.ge [sflag:s4], $0x0  }
0x19: {  	s7 =	sld [smem:$0x3F96]  }
0x1a: {  	s8 =	sadd.s32 $0xFFFFE003, lr  }
0x1b: {  	s9 =	sadd.s32 $0xFFFFFEF7, lr;
	s5 =	simm.s32 $0xFFFFFFFF;
	p2 =	slt.u32 s8, $0xFFFFF086  }
0x1c: {  	p1 =	slt.u32 s9, $0xF7A;
	s5 =	simm.s32 @!p2 $0x0  }
0x1d: {  	s5 =	simm.s32 @p1 $0x1;
	p0 =	seq.s32 s7, s2  }
0x1e: {  	s7 =	smul.u32 @!p0 $0xF7A, s2;
	p2 =	seq.s32 @!p0 s5, $0x0  }
0x1f: {  	s9 =	smul.u32 $0xF7A, s1;
	s8 =	simm.s32 @!p0 $0x1BF5;
	p2 =	por !p2, p0  }
0x20: {  	[sflag:s8] =	ssyncset.s32 @!p0 $0xFFFFF086;
	s6 =	sadd.s32 @!p0 s3, s7;
	s7 =	simm.s32 @!p0 $0x108  }
0x21: {  	s3 =	sadd.s32 s3, s9;
	s6 =	sadd.s32 @!p0 $0x88, s6;
	s7 =	simm.s32 @p2 $0x1082  }
0x22: {  	[simem:s7], [sflag:s8] =	dma.local @!p0 [hbm:s6], $0xF7A  }
0x23: {  	s9 =	sor.u32 $0xD0000000, s2;
	s6 =	simm.s32 $0x108;
	_ =	swait.ge @!p0 [sflag:s8], $0x0  }
0x24: {  	s3 =	sadd.s32 $0x88, s3;
	s6 =	simm.s32 @!p1 $0x1082;
	[sflag:s4] =	ssyncset.s32 $0xFFFFF086  }
0x25: {  	[simem:s6], [sflag:s4] =	dma.local [hbm:s3], $0xF7A  }
0x26: {  	[smem:$0x3F96] =	sst s1;
	(tag) =	ssettag s2;
	_ =	strace s9  }
0x27: {  	s1 =	sld [smem:$0x3FA6]  }
0x28: {  	s2 =	sld [smem:$0x3FA7]  }
0x29: {  	s4 =	sld [smem:$0x3FA9]  }
0x2a: {  	p0 =	seq.s32 s5, $0x0;
	s5 =	sld [smem:$0x3FAA]  }
0x2b: {  	s6 =	sld [smem:$0x3FAB]  }
0x2c: {  	s7 =	sld [smem:$0x3FAC]  }
0x2d: {  	s3 =	simm.s32 $0x108;
	s8 =	sld [smem:$0x3FAD]  }
0x2e: {  	s3 =	simm.s32 @!p0 $0x1082;
	s9 =	sld [smem:$0x3FAE]  }
0x2f: {  	lr =	sadd.s32 s0, s3;
	s0 =	sld [smem:$0x3FA5]  }
0x30: {  	s3 =	sld [smem:$0x3FA8]  }
0x31: {  	[smem:$0x3FB1] =	sst s10  }
0x32: {  	s10 =	sld [smem:$0x3FAF];
	_ =	sdelay $0x3  }
0x33: {  	p0 =	seq.s32 s10, $0x1;
	s10 =	sld [smem:$0x3FB1];
	_ =	sdelay $0x3  }
0x34: {  	[smem:$0x3FB1] =	sst s10  }
0x35: {  	s10 =	sld [smem:$0x3FB0];
	_ =	sdelay $0x3  }
0x36: {  	p1 =	seq.s32 s10, $0x1;
	s10 =	sld [smem:$0x3FB1];
	_ =	sdelay $0x3  }
0x37: {  	[smem:$0x3FB1] =	sst s10  }
0x38: {  	s10 =	sld [smem:$0x3FB2]  }
0x39: {  	_ = 	snop;
	(pc) =	sbr.ind lr, $3  }
0x3a: {  	_ = 	snop  }
0x3b: {  	_ = 	snop  }
0x3c: {  	p2 =	seq.s32 s10, $0x1;
	s10 =	sld [smem:$0x3FB1]  }
0x3d: {  	_ =	shalt  }
0x3e: {  	_ =	shalt  }
0x3f: {  	_ =	shalt  }
0x40: {  	_ =	shalt  }
0x41: {  	_ =	shalt  }
0x42: {  	_ =	shalt  }
0x43: {  	_ =	shalt  }
0x44: {  	_ =	shalt  }
0x45: {  	_ =	shalt  }
0x46: {  	_ =	shalt  }
0x47: {  	_ =	shalt  }
0x48: {  	_ =	shalt  }
0x49: {  	_ =	shalt  }
0x4a: {  	_ =	shalt  }
0x4b: {  	_ =	shalt  }
0x4c: {  	_ =	shalt  }
0x4d: {  	_ =	shalt  }
0x4e: {  	_ =	shalt  }
0x4f: {  	_ =	shalt  }
0x50: {  	_ =	shalt  }
0x51: {  	_ =	shalt  }
0x52: {  	_ =	shalt  }
0x53: {  	_ =	shalt  }
0x54: {  	_ =	shalt  }
0x55: {  	_ =	shalt  }
0x56: {  	_ =	shalt  }
0x57: {  	_ =	shalt  }
0x58: {  	_ =	shalt  }
0x59: {  	_ =	shalt  }
0x5a: {  	_ =	shalt  }
0x5b: {  	_ =	shalt  }
0x5c: {  	_ =	shalt  }
0x5d: {  	_ =	shalt  }
0x5e: {  	_ =	shalt  }
0x5f: {  	_ =	shalt  }
0x60: {  	_ =	shalt  }
0x61: {  	_ =	shalt  }
0x62: {  	_ =	shalt  }
0x63: {  	_ =	shalt  }
0x64: {  	_ =	shalt  }
0x65: {  	_ =	shalt  }
0x66: {  	_ =	shalt  }
0x67: {  	_ =	shalt  }
0x68: {  	_ =	shalt  }
0x69: {  	_ =	shalt  }
0x6a: {  	_ =	shalt  }
0x6b: {  	_ =	shalt  }
0x6c: {  	_ =	shalt  }
0x6d: {  	_ =	shalt  }
0x6e: {  	_ =	shalt  }
0x6f: {  	_ =	shalt  }
0x70: {  	_ =	shalt  }
0x71: {  	_ =	shalt  }
0x72: {  	_ =	shalt  }
0x73: {  	_ =	shalt  }
0x74: {  	_ =	shalt  }
0x75: {  	_ =	shalt  }
0x76: {  	_ =	shalt  }
0x77: {  	_ =	shalt  }
0x78: {  	_ =	shalt  }
0x79: {  	_ =	shalt  }
0x7a: {  	_ =	shalt  }
0x7b: {  	_ =	shalt  }
0x7c: {  	_ =	shalt  }
0x7d: {  	_ =	shalt  }
0x7e: {  	_ =	shalt  }
0x7f: {  	_ =	shalt  }
0x80: {  	_ =	shalt  }
0x81: {  	_ =	shalt  }
0x82: {  	_ =	shalt  }
0x83: {  	_ =	shalt  }
0x84: {  	_ =	shalt  }
0x85: {  	_ =	shalt  }
0x86: {  	_ =	shalt  }
0x87: {  	_ =	shalt  }
.Lfunc_end0:
.L_simem_size_0:
called_computation.10_lowered:
.L_overlay_start_0:
0x88: {  	s2 =	sld [smem:$0x3FD9]  }
0x89: {  	s3 =	sld [smem:$0x3FFE];
	_ =	sdelay $0x1  }
0x8a: {  	s1 =	srdreg.scid  }
0x8b: {  	s0 =	sand.u32 $0x1, s1  }
0x8c: {  	s17 =	sshll.u32 s0, $0xA;
	s2 =	sadd.s32 s3, s2  }
0x8d: {  	s2 =	sadd.s32 s2, s17  }
0x8e: {  	[smem:$0x3FBD] =	sst s2  }
0x8f: {  	_ = 	snop  }
0x90: {  	s2 =	sld [smem:$0x3FD0];
	(tm) =	ssettm $0x1  }
0x91: {  	s18 =	sld [smem:$0x3FFB];
	_ =	sdelay $0x3  }
0x92: {  	_ =	strace s18  }
0x93: {  	s3 =	sld [smem:$0x3FFC];
	_ =	sdelay $0x3  }
0x94: {  	_ =	strace s3  }
0x95: {  	s3 =	sld [smem:$0x3FFD];
	_ =	sdelay $0x3  }
0x96: {  	_ =	strace s3  }
0x97: {  	_ =	strace $0x8FFFFFFF  }
0x98: {  	s19 =	sld [smem:$0x3FDB];
	_ =	sdelay $0x1  }
0x99: {  	s4 =	simm.s32 $_scs_section_size  }
0x9a: {  	s5 =	simm.s32 $_size__tile_overlayer_lowered;
	s6 =	simm.s32 $_tile_overlayer_lowered  }
0x9b: {  	s22 =	simm.s32 $0x1BFF;
	s21 =	sshll.u32 s6, $0x1;
	s3 =	sadd.s32 s4, s19  }
0x9c: {  	s7 =	simm.s32 $0x0;
	s20 =	sshll.u32 s5, $0x1;
	s5 =	sadd.s32 s21, s3  }
0x9d: {  	[timem:s7], [sflag:s22] =	dma.local [hbm:s5], s20  }
0x9e: {  	_ =	swait.ge [sflag:s22], s20  }
0x9f: {  	s4 =	ssub.s32 $0x0, s20;
	[sflag:s22] =	ssyncset.done $0x0  }
0xa0: {  	[sflag:s22] =	ssyncadd.s32 s4;
	_ =	sdelay $0x1  }
0xa1: {  	s23 =	simm.s32 $0x1B8B  }
0xa2: {  	_ =	swait.ge [sflag:s23], $0x1  }
0xa3: {  	[sflag:s23] =	ssyncset.done $0x0  }
0xa4: {  	s25 =	simm.s32 $0x1B8E;
	s24 =	sld [smem:$0x3FFE];
	[sflag:s23] =	ssyncadd.s32 $0xFFFFFFFF  }
0xa5: {  	s26 =	simm.s32 $execute0_lowered;
	[smem:$0x3FD2] =	sst s25  }
0xa6: {  	s5 =	sshll.u32 s26, $0x1;
	_ =	strace $0x8000005E;
	[dreg:$0x1] =	wrdreg $0xFFFFFFFF  }
0xa7: {  	s28 =	simm.s32 $_size_execute0_lowered;
	s3 =	sadd.s32 s3, s5;
	[dreg:$0x0] =	wrdreg $0x0  }
0xa8: {  	s5 =	sshll.u32 s28, $0x1;
	[dreg:$0x2] =	wrdreg s3  }
0xa9: {  	[dreg:$0x3] =	wrdreg s5  }
0xaa: {  	[dreg:$0x4] =	wrdreg $0xC0  }
0xab: {  	_ =	task [dreg:s7], $0x5FFFF  }
0xac: {  	[dreg:$0x1] =	wrdreg $0xFFFFFFFF  }
0xad: {  	[dreg:$0x0] =	wrdreg $0x60  }
0xae: {  	[dreg:$0x2] =	wrdreg s2  }
0xaf: {  	[dreg:$0x3] =	wrdreg s24  }
0xb0: {  	[dreg:$0x4] =	wrdreg $0x14A00  }
0xb1: {  	[dreg:$0x5] =	wrdreg $0xA  }
0xb2: {  	_ =	task.clear_ibuf [dreg:s7], $0x6FFFF;
	_ =	strace $0x9000005E  }
0xb3: {  	s29 =	simm.s32 $0xA;
	_ =	strace $0x80000060  }
0xb4: {  	_ =	swait.ge [sflag:s29], $0x1  }
0xb5: {  	[sflag:s29] =	ssyncadd.s32 $0xFFFFFFFF  }
0xb6: {  	_ =	strace $0x90000060  }
0xb7: {  	_ =	sfence  }
0xb8: {  	s30 =	sld [smem:$0x0];
	_ =	sdelay $0x2  }
0xb9: {  	s31 =	sshll.u32 s1, $0xD;
	s1 =	sshrl.u32 s1, $0x2  }
0xba: {  	s3 =	sand.u32 $0x4000, s31;
	s1 =	sadd.s32 s1, s30  }
0xbb: {  	s0 =	sor.u32 s3, s0;
	s1 =	sshll.u32 s1, $0x11  }
0xbc: {  	s0 =	sor.u32 s1, s0  }
0xbd: {  	s0 =	sadd.s32 $0x8F2B, s0  }
0xbe: {  	[sflag:s0] =	ssyncadd.remote.s32 $0x1  }
0xbf: {  	_ =	sfence.sel $0xFFFF  }
0xc0: {  	[dreg:$0x0] =	wrdreg $0xFFFFFFFF;
	(pc) =	sbr.abs _section_cstart, $3  }
0xc1: {  	[dreg:$0x1] =	wrdreg $0xFFFFFFFF  }
0xc2: {  	_ =	task.clear_ibuf [dreg:s7], $0x2FFFF;
	_ =	strace $0x9FFFFFFF  }
0xc3: {  	(tm) =	ssettm $0x7FFFFFFF  }
tec
execute0_lowered:
.L_overlay_start_1:
0x0: {  	(tag) =	ssettag $0x1  }
0x1: {  	s1 =	rddreg [dreg:$0x0];
	s2 =	srdreg.scid  }
0x2: {  	s0 =	stileid.u32;
	s5 =	rddreg [dreg:$0x1]  }
0x3: {  	s3 =	rddreg [dreg:$0x2];
	s4 =	simm.s32 $0x0;
	s13 =	simm.s32 $0x50  }
0x4: {  	s14 =	simm.s32 $0xA0;
	s15 =	simm.s32 $0x1;
	s7 =	smul.u32 $0x4E20, s0  }
0x5: {  	s6 =	sand.u32 $0x1, s2;
	s2 =	rddreg [dreg:$0x3];
	s9 =	smul.u32 $0xFA00, s0  }
0x6: {  	s16 =	simm.s32 $0x0;
	[smem:$0x7FF] =	sst s4;
	s8 =	smul.u32 $0x2710, s6  }
0x7: {  	p0 =	sgt.u32 s0, $0x9;
	s29 =	smul.u32 $0x9C400, s6;
	_ =	strace $0x8000005F  }
0x8: {  	s6 =	ssub.s32 $0x2, s6;
	s31 =	sshrl.u32 s9, $0x3;
	s7 =	sadd.s32 s8, s7  }
0x9: {  	s11 =	sshrl.u32 s6, $0x1;
	s30 =	sadd.s32 s9, s29;
	s7 =	sshrl.u32 s7, $0x3  }
0xa: {  	s12 =	sadd.s32 s9, s3;
	s10 =	sadd.s32 s7, s5;
	s7 =	sshrl.u32 s30, $0x3  }
0xb: {  	s8 =	sadd.s32 s31, s5;
	s11 =	ssub.s32 s6, s11;
	s7 =	sadd.s32 s7, s5  }
0xc: {  	s5 =	sadd.s32 $0x46A00, s8;
	s8 =	sadd.s32 $0x14600, s10;
	s9 =	sadd.s32 $0xA800, s10  }
0xd: {  	s6 =	sadd.s32 $0x82000, s7;
	s7 =	smax.u32 s11, $0x1;
	s11 =	sshll.u32 @!p0 s0, $0x6  }
0xe: {  	s10 =	sor.u32 @!p0 $0x1C02, s11;
	s11 =	sshrl.u32 @!p0 s12, $0x3;
	s12 =	simm.s32 $0x2  }
.LBB2_1:
0xf: {  	[spmem:s11], [sflag:s10] =	dma.local @!p0 [hbm:s5], $0x1F40  }
0x10: {  	s17 =	simm.s32 @!p0 $0x2  }
0x11: {  	_ =	swait.ge @!p0 [sflag:s17], $0x1F40  }
0x12: {  	[sflag:s17] =	ssyncset.done @!p0 $0x0  }
0x13: {  	[sflag:s17] =	ssyncadd.s32 @!p0 $0xFFFFE0C0  }
0x14: {  	s30 =	sadd.s32 $0x0, s9;
	[bflag:$0x0] =	sbarrier.arrive $0xFFFF  }
0x15: {  	[tilespmem:s4], [sflag:$0x2] =	stream.linear.gather [hbm4b:s30+s4], $0x50, $0x38;
	[tilespmem:$0xB0E0] =	vst v63  }
0x16: {  	_ =	swait.ge [sflag:s12], $0x50  }
0x17: {  	[sflag:s12] =	ssyncset.done $0x0  }
0x18: {  	s31 =	sadd.s32 $0x0, s8;
	[sflag:s12] =	ssyncadd.s32 $0xFFFFFFB0  }
0x19: {  	[tilespmem:s13], [sflag:$0x2] =	stream.linear.gather [hbm4b:s31+s4], $0x50, $0x38;
	[tilespmem:$0xB0E0] =	vst v63  }
0x1a: {  	_ =	swait.ge [sflag:s12], $0x50  }
0x1b: {  	[sflag:s12] =	ssyncset.done $0x0  }
0x1c: {  	[sflag:s12] =	ssyncadd.s32 $0xFFFFFFB0  }
0x1d: {  	[tilespmem:s14], [sflag:$0x1] =	stream.indirect.gather [hbm4b:s1+s13], $0x40, s4, s13, $0xb8;
	[tilespmem:$0xB0E0] =	vst v63  }
0x1e: {  	_ =	swait.ge [sflag:s15], $0x1400  }
0x1f: {  	[sflag:s15] =	ssyncset.done $0x0  }
0x20: {  	[sflag:s15] =	ssyncadd.s32 $0xFFFFEC00  }
0x21: {  	[spmem:s3] =	stream.indirect.scatter.add.f32 [tilespmem:s14], [sflag:$0x2], $0x40, s13, s13, $0xb8;
	[tilespmem:$0xB0E0] =	vst v63  }
0x22: {  	_ =	swait.ge [sflag:s12], $0x1400  }
0x23: {  	s18 =	simm.s32 $0x14;
	s17 =	simm.s32 $0xA;
	[sflag:s12] =	ssyncset.done $0x0  }
.LBB2_2:
0x24: {  	s19 =	sadd.s32 s17, s9  }
0x25: {  	[sflag:s12] =	ssyncadd.s32 $0xFFFFEC00;
	s20 =	smov.u32 s18;
	s21 =	sadd.s32 $0xA, s18  }
0x26: {  	[tilespmem:s4], [sflag:$0x2] =	stream.linear.gather [hbm4b:s19+s4], $0x50, $0x38;
	[tilespmem:$0xB0E0] =	vst v63  }
0x27: {  	p1 =	sne.s32 s18, $0x4D8;
	_ =	swait.ge [sflag:s12], $0x50  }
0x28: {  	[sflag:s12] =	ssyncset.done $0x0  }
0x29: {  	s18 =	sadd.s32 s17, s8;
	s17 =	smov.u32 s20;
	[sflag:s12] =	ssyncadd.s32 $0xFFFFFFB0  }
0x2a: {  	[tilespmem:s13], [sflag:$0x2] =	stream.linear.gather [hbm4b:s18+s4], $0x50, $0x38;
	[tilespmem:$0xB0E0] =	vst v63  }
0x2b: {  	_ =	swait.ge [sflag:s12], $0x50  }
0x2c: {  	[sflag:s12] =	ssyncset.done $0x0  }
0x2d: {  	[sflag:s12] =	ssyncadd.s32 $0xFFFFFFB0  }
0x2e: {  	[tilespmem:s14], [sflag:$0x1] =	stream.indirect.gather [hbm4b:s1+s13], $0x40, s4, s13, $0xb8;
	[tilespmem:$0xB0E0] =	vst v63  }
0x2f: {  	_ =	swait.ge [sflag:s15], $0x1400  }
.Ltmp0:
0x30: {  	[sflag:s15] =	ssyncset.done $0x0;
	(pc) =	sbr.rel @p1 .LBB2_2-.Ltmp0, $4  }
0x31: {  	[sflag:s15] =	ssyncadd.s32 $0xFFFFEC00  }
0x32: {  	[spmem:s3] =	stream.indirect.scatter.add.f32 [tilespmem:s14], [sflag:$0x2], $0x40, s13, s13, $0xb8;
	[tilespmem:$0xB0E0] =	vst v63  }
0x33: {  	_ =	swait.ge [sflag:s12], $0x1400  }
0x34: {  	s18 =	smov.u32 s21;
	[sflag:s12] =	ssyncset.done $0x0  }
0x35: {  	s18 =	sadd.s32 s17, s9;
	[sflag:s12] =	ssyncadd.s32 $0xFFFFEC00  }
0x36: {  	[tilespmem:s4], [sflag:$0x2] =	stream.linear.gather [hbm4b:s18+s4], $0x50, $0x38;
	[tilespmem:$0xB0E0] =	vst v63  }
0x37: {  	_ =	swait.ge [sflag:s12], $0x50  }
0x38: {  	[sflag:s12] =	ssyncset.done $0x0  }
0x39: {  	s31 =	sadd.s32 s17, s8;
	[sflag:s12] =	ssyncadd.s32 $0xFFFFFFB0  }
0x3a: {  	[tilespmem:s13], [sflag:$0x2] =	stream.linear.gather [hbm4b:s31+s4], $0x50, $0x38;
	[tilespmem:$0xB0E0] =	vst v63  }
0x3b: {  	_ =	swait.ge [sflag:s12], $0x50  }
0x3c: {  	[sflag:s12] =	ssyncset.done $0x0  }
0x3d: {  	[sflag:s12] =	ssyncadd.s32 $0xFFFFFFB0  }
0x3e: {  	[tilespmem:s14], [sflag:$0x1] =	stream.indirect.gather [hbm4b:s1+s13], $0x40, s4, s13, $0xb8;
	[tilespmem:$0xB0E0] =	vst v63  }
0x3f: {  	_ =	swait.ge [sflag:s15], $0x1400  }
0x40: {  	[sflag:s15] =	ssyncset.done $0x0  }
0x41: {  	[sflag:s15] =	ssyncadd.s32 $0xFFFFEC00  }
0x42: {  	[spmem:s3] =	stream.indirect.scatter.add.f32 [tilespmem:s14], [sflag:$0x2], $0x40, s13, s13, $0xb8;
	[tilespmem:$0xB0E0] =	vst v63  }
0x43: {  	_ =	swait.ge [sflag:s12], $0x1400  }
0x44: {  	s16 =	sadd.s32 $0x1, s16;
	[sflag:s12] =	ssyncset.done $0x0  }
0x45: {  	p1 =	sne.s32 s16, s7;
	[sflag:s12] =	ssyncadd.s32 $0xFFFFEC00  }
.Ltmp1:
0x46: {  	s17 =	simm.s32 @!p0 $0x2;
	[bflag:$0x0] =	sbarrier.arrive $0xFFFF;
	(pc) =	sbr.rel @p1 .LBB2_1-.Ltmp1, $4  }
0x47: {  	[hbm:s6], [sflag:s10] =	dma.local @!p0 [spmem:s11], $0x1F40  }
0x48: {  	_ =	swait.ge @!p0 [sflag:s17], $0x1F40  }
0x49: {  	[sflag:s17] =	ssyncset.done @!p0 $0x0  }
0x4a: {  	[sflag:s17] =	ssyncadd.s32 @!p0 $0xFFFFE0C0  }
0x4b: {  	_ =	sfence.sel $0x180000  }
0x4c: {  	[bflag:$0x0] =	sbarrier.arrive $0xFFFF  }
0x4d: {  	p0 =	sne.s32 s0, $0x0;
	_ =	strace $0x9000005F  }
0x4e: {  	s0 =	sadd.s32 @!p0 $0x100000, s2;
	[bflag:$0x2] =	sbarrier.arrive $0xFFFF  }
0x4f: {  	[sflag:s0] =	ssyncadd.tile.s32 @!p0 $0x1;
	_ =	shalt  }
.Lfunc_end2:
_tile_overlayer_lowered:
.L_overlay_start_2:
0x50: {  	(tag) =	ssettag $0x2  }
0x51: {  	s0 =	rddreg [dreg:$0x0];
	s2 =	stileid.u32  }
0x52: {  	s1 =	rddreg [dreg:$0x1];
	p0 =	sne.s32 s2, $0x0  }
0x53: {  	s3 =	rddreg [dreg:$0x2];
	[bflag:$0x3] =	sbarrier.arrive $0xFFFF;
	s2 =	simm.s32 @!p0 $0x1C02  }
0x54: {  	[timem:s3], [sflag:s2] =	dma.local @!p0 [hbm:s0], s1  }
0x55: {  	s0 =	simm.s32 @!p0 $0x2  }
0x56: {  	_ =	swait.ge @!p0 [sflag:s0], s1  }
0x57: {  	s1 =	ssub.s32 @!p0 $0x0, s1;
	[sflag:s0] =	ssyncset.done @!p0 $0x0  }
0x58: {  	[sflag:s0] =	ssyncadd.s32 @!p0 s1  }
0x59: {  	[bflag:$0x3] =	sbarrier.arrive $0xFFFF  }
0x5a: {  	_ =	shalt  }

// kernel: kernel.62.cloned.1.call-start
scs
__scs_entry_jumppad:
0x0: {  	(pc) =	sbr.rel $0x88, $3  }
0x1: {  	(tag) =	ssettag $0x0;
	lr =	simm.s32 $0x1  }
0x2: {  	[smem:$0x3F96] =	sst lr;
	_ =	strace $0xD0000000  }
0x3: {  	_ = 	snop  }
0x4: {  	_ = 	snop  }
0x5: {  	_ = 	snop  }
0x6: {  	_ = 	snop  }
0x7: {  	_ = 	snop  }
__scs_overlays_trampoline_lowered:
0x8: {  	[smem:$0x3FA5] =	sst s0  }
0x9: {  	[smem:$0x3FA6] =	sst s1  }
0xa: {  	[smem:$0x3FA7] =	sst s2  }
0xb: {  	[smem:$0x3FA8] =	sst s3  }
0xc: {  	[smem:$0x3FA9] =	sst s4  }
0xd: {  	[smem:$0x3FAA] =	sst s5  }
0xe: {  	[smem:$0x3FAB] =	sst s6  }
0xf: {  	[smem:$0x3FAC] =	sst s7  }
0x10: {  	[smem:$0x3FAD] =	sst s8  }
0x11: {  	[smem:$0x3FAE] =	sst s9;
	s0 =	simm.s32 @!p0 $0x0  }
0x12: {  	s1 =	sld [smem:$0x3F94];
	s0 =	simm.s32 @p0 $0x1  }
0x13: {  	[smem:$0x3FAF] =	sst s0;
	s0 =	simm.s32 @!p1 $0x0  }
0x14: {  	s2 =	sld [smem:$0x3F93];
	s0 =	simm.s32 @p1 $0x1  }
0x15: {  	[smem:$0x3FB0] =	sst s0;
	s0 =	simm.s32 @!p2 $0x0  }
0x16: {  	s3 =	sld [smem:$0x3FDB];
	s0 =	simm.s32 @p2 $0x1  }
0x17: {  	s4 =	simm.s32 $0x1BF5;
	[smem:$0x3FB2] =	sst s0  }
0x18: {  	s0 =	sld [smem:$0x3F95];
	_ =	swait.ge [sflag:s4], $0x0  }
0x19: {  	s7 =	sld [smem:$0x3F96]  }
0x1a: {  	s8 =	sadd.s32 $0xFFFFE003, lr  }
0x1b: {  	s9 =	sadd.s32 $0xFFFFFEF7, lr;
	s5 =	simm.s32 $0xFFFFFFFF;
	p2 =	slt.u32 s8, $0xFFFFF086  }
0x1c: {  	p1 =	slt.u32 s9, $0xF7A;
	s5 =	simm.s32 @!p2 $0x0  }
0x1d: {  	s5 =	simm.s32 @p1 $0x1;
	p0 =	seq.s32 s7, s2  }
0x1e: {  	s7 =	smul.u32 @!p0 $0xF7A, s2;
	p2 =	seq.s32 @!p0 s5, $0x0  }
0x1f: {  	s9 =	smul.u32 $0xF7A, s1;
	s8 =	simm.s32 @!p0 $0x1BF5;
	p2 =	por !p2, p0  }
0x20: {  	[sflag:s8] =	ssyncset.s32 @!p0 $0xFFFFF086;
	s6 =	sadd.s32 @!p0 s3, s7;
	s7 =	simm.s32 @!p0 $0x108  }
0x21: {  	s3 =	sadd.s32 s3, s9;
	s6 =	sadd.s32 @!p0 $0x88, s6;
	s7 =	simm.s32 @p2 $0x1082  }
0x22: {  	[simem:s7], [sflag:s8] =	dma.local @!p0 [hbm:s6], $0xF7A  }
0x23: {  	s9 =	sor.u32 $0xD0000000, s2;
	s6 =	simm.s32 $0x108;
	_ =	swait.ge @!p0 [sflag:s8], $0x0  }
0x24: {  	s3 =	sadd.s32 $0x88, s3;
	s6 =	simm.s32 @!p1 $0x1082;
	[sflag:s4] =	ssyncset.s32 $0xFFFFF086  }
0x25: {  	[simem:s6], [sflag:s4] =	dma.local [hbm:s3], $0xF7A  }
0x26: {  	[smem:$0x3F96] =	sst s1;
	(tag) =	ssettag s2;
	_ =	strace s9  }
0x27: {  	s1 =	sld [smem:$0x3FA6]  }
0x28: {  	s2 =	sld [smem:$0x3FA7]  }
0x29: {  	s4 =	sld [smem:$0x3FA9]  }
0x2a: {  	p0 =	seq.s32 s5, $0x0;
	s5 =	sld [smem:$0x3FAA]  }
0x2b: {  	s6 =	sld [smem:$0x3FAB]  }
0x2c: {  	s7 =	sld [smem:$0x3FAC]  }
0x2d: {  	s3 =	simm.s32 $0x108;
	s8 =	sld [smem:$0x3FAD]  }
0x2e: {  	s3 =	simm.s32 @!p0 $0x1082;
	s9 =	sld [smem:$0x3FAE]  }
0x2f: {  	lr =	sadd.s32 s0, s3;
	s0 =	sld [smem:$0x3FA5]  }
0x30: {  	s3 =	sld [smem:$0x3FA8]  }
0x31: {  	[smem:$0x3FB1] =	sst s10  }
0x32: {  	s10 =	sld [smem:$0x3FAF];
	_ =	sdelay $0x3  }
0x33: {  	p0 =	seq.s32 s10, $0x1;
	s10 =	sld [smem:$0x3FB1];
	_ =	sdelay $0x3  }
0x34: {  	[smem:$0x3FB1] =	sst s10  }
0x35: {  	s10 =	sld [smem:$0x3FB0];
	_ =	sdelay $0x3  }
0x36: {  	p1 =	seq.s32 s10, $0x1;
	s10 =	sld [smem:$0x3FB1];
	_ =	sdelay $0x3  }
0x37: {  	[smem:$0x3FB1] =	sst s10  }
0x38: {  	s10 =	sld [smem:$0x3FB2]  }
0x39: {  	_ = 	snop;
	(pc) =	sbr.ind lr, $3  }
0x3a: {  	_ = 	snop  }
0x3b: {  	_ = 	snop  }
0x3c: {  	p2 =	seq.s32 s10, $0x1;
	s10 =	sld [smem:$0x3FB1]  }
0x3d: {  	_ =	shalt  }
0x3e: {  	_ =	shalt  }
0x3f: {  	_ =	shalt  }
0x40: {  	_ =	shalt  }
0x41: {  	_ =	shalt  }
0x42: {  	_ =	shalt  }
0x43: {  	_ =	shalt  }
0x44: {  	_ =	shalt  }
0x45: {  	_ =	shalt  }
0x46: {  	_ =	shalt  }
0x47: {  	_ =	shalt  }
0x48: {  	_ =	shalt  }
0x49: {  	_ =	shalt  }
0x4a: {  	_ =	shalt  }
0x4b: {  	_ =	shalt  }
0x4c: {  	_ =	shalt  }
0x4d: {  	_ =	shalt  }
0x4e: {  	_ =	shalt  }
0x4f: {  	_ =	shalt  }
0x50: {  	_ =	shalt  }
0x51: {  	_ =	shalt  }
0x52: {  	_ =	shalt  }
0x53: {  	_ =	shalt  }
0x54: {  	_ =	shalt  }
0x55: {  	_ =	shalt  }
0x56: {  	_ =	shalt  }
0x57: {  	_ =	shalt  }
0x58: {  	_ =	shalt  }
0x59: {  	_ =	shalt  }
0x5a: {  	_ =	shalt  }
0x5b: {  	_ =	shalt  }
0x5c: {  	_ =	shalt  }
0x5d: {  	_ =	shalt  }
0x5e: {  	_ =	shalt  }
0x5f: {  	_ =	shalt  }
0x60: {  	_ =	shalt  }
0x61: {  	_ =	shalt  }
0x62: {  	_ =	shalt  }
0x63: {  	_ =	shalt  }
0x64: {  	_ =	shalt  }
0x65: {  	_ =	shalt  }
0x66: {  	_ =	shalt  }
0x67: {  	_ =	shalt  }
0x68: {  	_ =	shalt  }
0x69: {  	_ =	shalt  }
0x6a: {  	_ =	shalt  }
0x6b: {  	_ =	shalt  }
0x6c: {  	_ =	shalt  }
0x6d: {  	_ =	shalt  }
0x6e: {  	_ =	shalt  }
0x6f: {  	_ =	shalt  }
0x70: {  	_ =	shalt  }
0x71: {  	_ =	shalt  }
0x72: {  	_ =	shalt  }
0x73: {  	_ =	shalt  }
0x74: {  	_ =	shalt  }
0x75: {  	_ =	shalt  }
0x76: {  	_ =	shalt  }
0x77: {  	_ =	shalt  }
0x78: {  	_ =	shalt  }
0x79: {  	_ =	shalt  }
0x7a: {  	_ =	shalt  }
0x7b: {  	_ =	shalt  }
0x7c: {  	_ =	shalt  }
0x7d: {  	_ =	shalt  }
0x7e: {  	_ =	shalt  }
0x7f: {  	_ =	shalt  }
0x80: {  	_ =	shalt  }
0x81: {  	_ =	shalt  }
0x82: {  	_ =	shalt  }
0x83: {  	_ =	shalt  }
0x84: {  	_ =	shalt  }
0x85: {  	_ =	shalt  }
0x86: {  	_ =	shalt  }
0x87: {  	_ =	shalt  }
.Lfunc_end0:
.L_simem_size_0:
called_computation.11_lowered:
.L_overlay_start_0:
0x88: {  	s2 =	sld [smem:$0x3FD9]  }
0x89: {  	s3 =	sld [smem:$0x3FFE];
	_ =	sdelay $0x1  }
0x8a: {  	s1 =	srdreg.scid  }
0x8b: {  	s0 =	sand.u32 $0x1, s1  }
0x8c: {  	s17 =	sshll.u32 s0, $0xA;
	s2 =	sadd.s32 s3, s2  }
0x8d: {  	s2 =	sadd.s32 s2, s17  }
0x8e: {  	[smem:$0x3FBD] =	sst s2  }
0x8f: {  	_ = 	snop  }
0x90: {  	s18 =	sld [smem:$0x3FD0];
	(tm) =	ssettm $0x1  }
0x91: {  	s19 =	sld [smem:$0x3FFB];
	_ =	sdelay $0x3  }
0x92: {  	_ =	strace s19  }
0x93: {  	s2 =	sld [smem:$0x3FFC];
	_ =	sdelay $0x3  }
0x94: {  	_ =	strace s2  }
0x95: {  	s2 =	sld [smem:$0x3FFD];
	_ =	sdelay $0x3  }
0x96: {  	_ =	strace s2  }
0x97: {  	_ =	strace $0x8FFFFFFF  }
0x98: {  	s20 =	sld [smem:$0x3FDB];
	_ =	sdelay $0x1  }
0x99: {  	s4 =	simm.s32 $_scs_section_size  }
0x9a: {  	s5 =	simm.s32 $_size__tile_overlayer_lowered;
	s6 =	simm.s32 $_tile_overlayer_lowered  }
0x9b: {  	s7 =	simm.s32 $0x1BFF;
	s21 =	sshll.u32 s6, $0x1;
	s4 =	sadd.s32 s4, s20  }
0x9c: {  	s22 =	simm.s32 $0x0;
	s5 =	sshll.u32 s5, $0x1;
	s6 =	sadd.s32 s21, s4  }
0x9d: {  	[timem:s22], [sflag:s7] =	dma.local [hbm:s6], s5  }
0x9e: {  	_ =	swait.ge [sflag:s7], s5  }
0x9f: {  	s5 =	ssub.s32 $0x0, s5;
	[sflag:s7] =	ssyncset.done $0x0  }
0xa0: {  	[sflag:s7] =	ssyncadd.s32 s5;
	_ =	sdelay $0x1  }
0xa1: {  	s23 =	simm.s32 $0x1B8B  }
0xa2: {  	_ =	swait.ge [sflag:s23], $0x1  }
0xa3: {  	[sflag:s23] =	ssyncset.done $0x0  }
0xa4: {  	[sflag:s23] =	ssyncadd.s32 $0xFFFFFFFF  }
0xa5: {  	s5 =	sld [smem:$0x0]  }
0xa6: {  	s6 =	sand.u32 $0xFFFFFFFE, s1  }
0xa7: {  	p0 =	sne.s32 s1, s6  }
0xa8: {  	s6 =	sshll.u32 @p0 s6, $0xE  }
0xa9: {  	s6 =	sadd.s32 @p0 $0x11B8D, s6;
	s7 =	sshll.u32 @p0 s5, $0x11  }
0xaa: {  	s6 =	sor.u32 @p0 s7, s6  }
0xab: {  	[sflag:s6] =	ssyncadd.remote.s32 @p0 $0x1;
	_ =	sdelay $0x1  }
0xac: {  	s6 =	simm.s32 @p0 $0x1B8D  }
0xad: {  	_ =	swait.eq @p0 [sflag:s6], $0x1  }
0xae: {  	[sflag:s6] =	ssyncadd.s32 @p0 $0xFFFFFFFF  }
0xaf: {  	s7 =	sshll.u32 @!p0 s1, $0xE  }
0xb0: {  	s7 =	sor.u32 @!p0 $0x4000, s7;
	s6 =	simm.s32 @!p0 $0x1B8D  }
0xb1: {  	s5 =	sshll.u32 @!p0 s5, $0x11;
	s7 =	sadd.s32 @!p0 $0x11B8D, s7;
	_ =	swait.eq @!p0 [sflag:s6], $0x1  }
0xb2: {  	s5 =	sor.u32 @!p0 s5, s7;
	[sflag:s6] =	ssyncadd.s32 @!p0 $0xFFFFFFFF  }
0xb3: {  	s25 =	simm.s32 $0x1B8E;
	s24 =	sld [smem:$0x3FFE];
	[sflag:s5] =	ssyncadd.remote.s32 @!p0 $0x1  }
0xb4: {  	s26 =	simm.s32 $execute0_lowered;
	[smem:$0x3FD2] =	sst s25  }
0xb5: {  	s6 =	sshll.u32 s26, $0x1;
	_ =	strace $0x80000064;
	[dreg:$0x1] =	wrdreg $0xFFFFFFFF  }
0xb6: {  	s28 =	simm.s32 $_size_execute0_lowered;
	s4 =	sadd.s32 s4, s6;
	[dreg:$0x0] =	wrdreg $0x0  }
0xb7: {  	s6 =	sshll.u32 s28, $0x1;
	[dreg:$0x2] =	wrdreg s4  }
0xb8: {  	[dreg:$0x3] =	wrdreg s6  }
0xb9: {  	[dreg:$0x4] =	wrdreg $0xC0  }
0xba: {  	_ =	task [dreg:s22], $0x5FFFF  }
0xbb: {  	[dreg:$0x1] =	wrdreg $0xFFFFFFFF  }
0xbc: {  	[dreg:$0x0] =	wrdreg $0x60  }
0xbd: {  	[dreg:$0x2] =	wrdreg s18  }
0xbe: {  	[dreg:$0x3] =	wrdreg s24  }
0xbf: {  	[dreg:$0x4] =	wrdreg $0x14A00  }
0xc0: {  	[dreg:$0x5] =	wrdreg $0xA  }
0xc1: {  	_ =	task.clear_ibuf [dreg:s22], $0x6FFFF;
	_ =	strace $0x90000064  }
0xc2: {  	s29 =	simm.s32 $0xA;
	_ =	strace $0x80000066  }
0xc3: {  	_ =	swait.ge [sflag:s29], $0x1  }
0xc4: {  	[sflag:s29] =	ssyncadd.s32 $0xFFFFFFFF  }
0xc5: {  	_ =	strace $0x90000066  }
0xc6: {  	_ =	sfence  }
0xc7: {  	s30 =	sld [smem:$0x0];
	_ =	sdelay $0x2  }
0xc8: {  	s31 =	sshll.u32 s1, $0xD;
	s1 =	sshrl.u32 s1, $0x2  }
0xc9: {  	s4 =	sand.u32 $0x4000, s31;
	s1 =	sadd.s32 s1, s30  }
0xca: {  	s0 =	sor.u32 s4, s0;
	s1 =	sshll.u32 s1, $0x11  }
0xcb: {  	s0 =	sor.u32 s1, s0  }
0xcc: {  	s0 =	sadd.s32 $0x8F2B, s0  }
0xcd: {  	[sflag:s0] =	ssyncadd.remote.s32 $0x1  }
0xce: {  	_ =	sfence.sel $0xFFFF  }
0xcf: {  	[dreg:$0x0] =	wrdreg $0xFFFFFFFF;
	(pc) =	sbr.abs _section_cstart, $3  }
0xd0: {  	[dreg:$0x1] =	wrdreg $0xFFFFFFFF  }
0xd1: {  	_ =	task.clear_ibuf [dreg:s22], $0x2FFFF;
	_ =	strace $0x9FFFFFFF  }
0xd2: {  	(tm) =	ssettm $0x7FFFFFFF  }
0xd3: {  	_ =	shalt  }
tec
execute0_lowered:
.L_overlay_start_1:
0x0: {  	(tag) =	ssettag $0x1  }
0x1: {  	s1 =	rddreg [dreg:$0x0];
	s2 =	srdreg.scid  }
0x2: {  	s0 =	stileid.u32;
	s5 =	rddreg [dreg:$0x1]  }
0x3: {  	s3 =	rddreg [dreg:$0x2];
	s4 =	simm.s32 $0x0;
	s13 =	simm.s32 $0x50  }
0x4: {  	s14 =	simm.s32 $0xA0;
	s15 =	simm.s32 $0x1;
	s7 =	smul.u32 $0x4E20, s0  }
0x5: {  	s6 =	sand.u32 $0x1, s2;
	s2 =	rddreg [dreg:$0x3];
	s9 =	smul.u32 $0xFA00, s0  }
0x6: {  	s16 =	simm.s32 $0x0;
	[smem:$0x7FF] =	sst s4;
	s8 =	smul.u32 $0x2710, s6  }
0x7: {  	p0 =	sgt.u32 s0, $0x9;
	s29 =	smul.u32 $0x9C400, s6;
	_ =	strace $0x80000065  }
0x8: {  	s6 =	ssub.s32 $0x2, s6;
	s31 =	sshrl.u32 s9, $0x3;
	s7 =	sadd.s32 s8, s7  }
0x9: {  	s11 =	sshrl.u32 s6, $0x1;
	s30 =	sadd.s32 s9, s29;
	s7 =	sshrl.u32 s7, $0x3  }
0xa: {  	s12 =	sadd.s32 s9, s3;
	s10 =	sadd.s32 s7, s5;
	s7 =	sshrl.u32 s30, $0x3  }
0xb: {  	s8 =	sadd.s32 s31, s5;
	s11 =	ssub.s32 s6, s11;
	s7 =	sadd.s32 s7, s5  }
0xc: {  	s5 =	sadd.s32 $0x46A00, s8;
	s8 =	sadd.s32 $0x14600, s10;
	s9 =	sadd.s32 $0xA800, s10  }
0xd: {  	s6 =	sadd.s32 $0x82000, s7;
	s7 =	smax.u32 s11, $0x1;
	s11 =	sshll.u32 @!p0 s0, $0x6  }
0xe: {  	s10 =	sor.u32 @!p0 $0x1C02, s11;
	s11 =	sshrl.u32 @!p0 s12, $0x3;
	s12 =	simm.s32 $0x2  }
.LBB2_1:
0xf: {  	[spmem:s11], [sflag:s10] =	dma.local @!p0 [hbm:s5], $0x1F40  }
0x10: {  	s17 =	simm.s32 @!p0 $0x2  }
0x11: {  	_ =	swait.ge @!p0 [sflag:s17], $0x1F40  }
0x12: {  	[sflag:s17] =	ssyncset.done @!p0 $0x0  }
0x13: {  	[sflag:s17] =	ssyncadd.s32 @!p0 $0xFFFFE0C0  }
0x14: {  	s30 =	sadd.s32 $0x0, s9;
	[bflag:$0x0] =	sbarrier.arrive $0xFFFF  }
0x15: {  	[tilespmem:s4], [sflag:$0x2] =	stream.linear.gather [hbm4b:s30+s4], $0x50, $0x38;
	[tilespmem:$0xB0E0] =	vst v63  }
0x16: {  	_ =	swait.ge [sflag:s12], $0x50  }
0x17: {  	[sflag:s12] =	ssyncset.done $0x0  }
0x18: {  	s31 =	sadd.s32 $0x0, s8;
	[sflag:s12] =	ssyncadd.s32 $0xFFFFFFB0  }
0x19: {  	[tilespmem:s13], [sflag:$0x2] =	stream.linear.gather [hbm4b:s31+s4], $0x50, $0x38;
	[tilespmem:$0xB0E0] =	vst v63  }
0x1a: {  	_ =	swait.ge [sflag:s12], $0x50  }
0x1b: {  	[sflag:s12] =	ssyncset.done $0x0  }
0x1c: {  	[sflag:s12] =	ssyncadd.s32 $0xFFFFFFB0  }
0x1d: {  	[tilespmem:s14], [sflag:$0x1] =	stream.indirect.gather [hbm4b:s1+s13], $0x40, s4, s13, $0xb8;
	[tilespmem:$0xB0E0] =	vst v63  }
0x1e: {  	_ =	swait.ge [sflag:s15], $0x1400  }
0x1f: {  	[sflag:s15] =	ssyncset.done $0x0  }
0x20: {  	[sflag:s15] =	ssyncadd.s32 $0xFFFFEC00  }
0x21: {  	[spmem:s3] =	stream.indirect.scatter.add.f32 [tilespmem:s14], [sflag:$0x2], $0x40, s13, s13, $0xb8;
	[tilespmem:$0xB0E0] =	vst v63  }
0x22: {  	_ =	swait.ge [sflag:s12], $0x1400  }
0x23: {  	s18 =	simm.s32 $0x14;
	s17 =	simm.s32 $0xA;
	[sflag:s12] =	ssyncset.done $0x0  }
.LBB2_2:
0x24: {  	s19 =	sadd.s32 s17, s9  }
0x25: {  	[sflag:s12] =	ssyncadd.s32 $0xFFFFEC00;
	s20 =	smov.u32 s18;
	s21 =	sadd.s32 $0xA, s18  }
0x26: {  	[tilespmem:s4], [sflag:$0x2] =	stream.linear.gather [hbm4b:s19+s4], $0x50, $0x38;
	[tilespmem:$0xB0E0] =	vst v63  }
0x27: {  	p1 =	sne.s32 s18, $0x4D8;
	_ =	swait.ge [sflag:s12], $0x50  }
0x28: {  	[sflag:s12] =	ssyncset.done $0x0  }
0x29: {  	s18 =	sadd.s32 s17, s8;
	s17 =	smov.u32 s20;
	[sflag:s12] =	ssyncadd.s32 $0xFFFFFFB0  }
0x2a: {  	[tilespmem:s13], [sflag:$0x2] =	stream.linear.gather [hbm4b:s18+s4], $0x50, $0x38;
	[tilespmem:$0xB0E0] =	vst v63  }
0x2b: {  	_ =	swait.ge [sflag:s12], $0x50  }
0x2c: {  	[sflag:s12] =	ssyncset.done $0x0  }
0x2d: {  	[sflag:s12] =	ssyncadd.s32 $0xFFFFFFB0  }
0x2e: {  	[tilespmem:s14], [sflag:$0x1] =	stream.indirect.gather [hbm4b:s1+s13], $0x40, s4, s13, $0xb8;
	[tilespmem:$0xB0E0] =	vst v63  }
0x2f: {  	_ =	swait.ge [sflag:s15], $0x1400  }
.Ltmp0:
0x30: {  	[sflag:s15] =	ssyncset.done $0x0;
	(pc) =	sbr.rel @p1 .LBB2_2-.Ltmp0, $4  }
0x31: {  	[sflag:s15] =	ssyncadd.s32 $0xFFFFEC00  }
0x32: {  	[spmem:s3] =	stream.indirect.scatter.add.f32 [tilespmem:s14], [sflag:$0x2], $0x40, s13, s13, $0xb8;
	[tilespmem:$0xB0E0] =	vst v63  }
0x33: {  	_ =	swait.ge [sflag:s12], $0x1400  }
0x34: {  	s18 =	smov.u32 s21;
	[sflag:s12] =	ssyncset.done $0x0  }
0x35: {  	s18 =	sadd.s32 s17, s9;
	[sflag:s12] =	ssyncadd.s32 $0xFFFFEC00  }
0x36: {  	[tilespmem:s4], [sflag:$0x2] =	stream.linear.gather [hbm4b:s18+s4], $0x50, $0x38;
	[tilespmem:$0xB0E0] =	vst v63  }
0x37: {  	_ =	swait.ge [sflag:s12], $0x50  }
0x38: {  	[sflag:s12] =	ssyncset.done $0x0  }
0x39: {  	s31 =	sadd.s32 s17, s8;
	[sflag:s12] =	ssyncadd.s32 $0xFFFFFFB0  }
0x3a: {  	[tilespmem:s13], [sflag:$0x2] =	stream.linear.gather [hbm4b:s31+s4], $0x50, $0x38;
	[tilespmem:$0xB0E0] =	vst v63  }
0x3b: {  	_ =	swait.ge [sflag:s12], $0x50  }
0x3c: {  	[sflag:s12] =	ssyncset.done $0x0  }
0x3d: {  	[sflag:s12] =	ssyncadd.s32 $0xFFFFFFB0  }
0x3e: {  	[tilespmem:s14], [sflag:$0x1] =	stream.indirect.gather [hbm4b:s1+s13], $0x40, s4, s13, $0xb8;
	[tilespmem:$0xB0E0] =	vst v63  }
0x3f: {  	_ =	swait.ge [sflag:s15], $0x1400  }
0x40: {  	[sflag:s15] =	ssyncset.done $0x0  }
0x41: {  	[sflag:s15] =	ssyncadd.s32 $0xFFFFEC00  }
0x42: {  	[spmem:s3] =	stream.indirect.scatter.add.f32 [tilespmem:s14], [sflag:$0x2], $0x40, s13, s13, $0xb8;
	[tilespmem:$0xB0E0] =	vst v63  }
0x43: {  	_ =	swait.ge [sflag:s12], $0x1400  }
0x44: {  	s16 =	sadd.s32 $0x1, s16;
	[sflag:s12] =	ssyncset.done $0x0  }
0x45: {  	p1 =	sne.s32 s16, s7;
	[sflag:s12] =	ssyncadd.s32 $0xFFFFEC00  }
.Ltmp1:
0x46: {  	s17 =	simm.s32 @!p0 $0x2;
	[bflag:$0x0] =	sbarrier.arrive $0xFFFF;
	(pc) =	sbr.rel @p1 .LBB2_1-.Ltmp1, $4  }
0x47: {  	[hbm:s6], [sflag:s10] =	dma.local @!p0 [spmem:s11], $0x1F40  }
0x48: {  	_ =	swait.ge @!p0 [sflag:s17], $0x1F40  }
0x49: {  	[sflag:s17] =	ssyncset.done @!p0 $0x0  }
0x4a: {  	[sflag:s17] =	ssyncadd.s32 @!p0 $0xFFFFE0C0  }
0x4b: {  	_ =	sfence.sel $0x180000  }
0x4c: {  	[bflag:$0x0] =	sbarrier.arrive $0xFFFF  }
0x4d: {  	p0 =	sne.s32 s0, $0x0;
	_ =	strace $0x90000065  }
0x4e: {  	s0 =	sadd.s32 @!p0 $0x100000, s2;
	[bflag:$0x2] =	sbarrier.arrive $0xFFFF  }
0x4f: {  	[sflag:s0] =	ssyncadd.tile.s32 @!p0 $0x1;
	_ =	shalt  }
.Lfunc_end2:
_tile_overlayer_lowered:
.L_overlay_start_2:
0x50: {  	(tag) =	ssettag $0x2  }
0x51: {  	s0 =	rddreg [dreg:$0x0];
	s2 =	stileid.u32  }
0x52: {  	s1 =	rddreg [dreg:$0x1];
	p0 =	sne.s32 s2, $0x0  }
0x53: {  	s3 =	rddreg [dreg:$0x2];
	[bflag:$0x3] =	sbarrier.arrive $0xFFFF;
	s2 =	simm.s32 @!p0 $0x1C02  }
0x54: {  	[timem:s3], [sflag:s2] =	dma.local @!p0 [hbm:s0], s1  }
0x55: {  	s0 =	simm.s32 @!p0 $0x2  }
0x56: {  	_ =	swait.ge @!p0 [sflag:s0], s1  }
0x57: {  	s1 =	ssub.s32 @!p0 $0x0, s1;
	[sflag:s0] =	ssyncset.done @!p0 $0x0  }
0x58: {  	[sflag:s0] =	ssyncadd.s32 @!p0 s1  }
0x59: {  	[bflag:$0x3] =	sbarrier.arrive $0xFFFF  }
0x5a: {  	_ =	shalt  }

// kernel: kernel.65.cloned.1.call-start
scs
__scs_entry_jumppad:
0x0: {  	(pc) =	sbr.rel $0x88, $3  }
0x1: {  	(tag) =	ssettag $0x0;
	lr =	simm.s32 $0x1  }
0x2: {  	[smem:$0x3F96] =	sst lr;
	_ =	strace $0xD0000000  }
0x3: {  	_ = 	snop  }
0x4: {  	_ = 	snop  }
0x5: {  	_ = 	snop  }
0x6: {  	_ = 	snop  }
0x7: {  	_ = 	snop  }
__scs_overlays_trampoline_lowered:
0x8: {  	[smem:$0x3FA5] =	sst s0  }
0x9: {  	[smem:$0x3FA6] =	sst s1  }
0xa: {  	[smem:$0x3FA7] =	sst s2  }
0xb: {  	[smem:$0x3FA8] =	sst s3  }
0xc: {  	[smem:$0x3FA9] =	sst s4  }
0xd: {  	[smem:$0x3FAA] =	sst s5  }
0xe: {  	[smem:$0x3FAB] =	sst s6  }
0xf: {  	[smem:$0x3FAC] =	sst s7  }
0x10: {  	[smem:$0x3FAD] =	sst s8  }
0x11: {  	[smem:$0x3FAE] =	sst s9;
	s0 =	simm.s32 @!p0 $0x0  }
0x12: {  	s1 =	sld [smem:$0x3F94];
	s0 =	simm.s32 @p0 $0x1  }
0x13: {  	[smem:$0x3FAF] =	sst s0;
	s0 =	simm.s32 @!p1 $0x0  }
0x14: {  	s2 =	sld [smem:$0x3F93];
	s0 =	simm.s32 @p1 $0x1  }
0x15: {  	[smem:$0x3FB0] =	sst s0;
	s0 =	simm.s32 @!p2 $0x0  }
0x16: {  	s3 =	sld [smem:$0x3FDB];
	s0 =	simm.s32 @p2 $0x1  }
0x17: {  	s4 =	simm.s32 $0x1BF5;
	[smem:$0x3FB2] =	sst s0  }
0x18: {  	s0 =	sld [smem:$0x3F95];
	_ =	swait.ge [sflag:s4], $0x0  }
0x19: {  	s7 =	sld [smem:$0x3F96]  }
0x1a: {  	s8 =	sadd.s32 $0xFFFFE003, lr  }
0x1b: {  	s9 =	sadd.s32 $0xFFFFFEF7, lr;
	s5 =	simm.s32 $0xFFFFFFFF;
	p2 =	slt.u32 s8, $0xFFFFF086  }
0x1c: {  	p1 =	slt.u32 s9, $0xF7A;
	s5 =	simm.s32 @!p2 $0x0  }
0x1d: {  	s5 =	simm.s32 @p1 $0x1;
	p0 =	seq.s32 s7, s2  }
0x1e: {  	s7 =	smul.u32 @!p0 $0xF7A, s2;
	p2 =	seq.s32 @!p0 s5, $0x0  }
0x1f: {  	s9 =	smul.u32 $0xF7A, s1;
	s8 =	simm.s32 @!p0 $0x1BF5;
	p2 =	por !p2, p0  }
0x20: {  	[sflag:s8] =	ssyncset.s32 @!p0 $0xFFFFF086;
	s6 =	sadd.s32 @!p0 s3, s7;
	s7 =	simm.s32 @!p0 $0x108  }
0x21: {  	s3 =	sadd.s32 s3, s9;
	s6 =	sadd.s32 @!p0 $0x88, s6;
	s7 =	simm.s32 @p2 $0x1082  }
0x22: {  	[simem:s7], [sflag:s8] =	dma.local @!p0 [hbm:s6], $0xF7A  }
0x23: {  	s9 =	sor.u32 $0xD0000000, s2;
	s6 =	simm.s32 $0x108;
	_ =	swait.ge @!p0 [sflag:s8], $0x0  }
0x24: {  	s3 =	sadd.s32 $0x88, s3;
	s6 =	simm.s32 @!p1 $0x1082;
	[sflag:s4] =	ssyncset.s32 $0xFFFFF086  }
0x25: {  	[simem:s6], [sflag:s4] =	dma.local [hbm:s3], $0xF7A  }
0x26: {  	[smem:$0x3F96] =	sst s1;
	(tag) =	ssettag s2;
	_ =	strace s9  }
0x27: {  	s1 =	sld [smem:$0x3FA6]  }
0x28: {  	s2 =	sld [smem:$0x3FA7]  }
0x29: {  	s4 =	sld [smem:$0x3FA9]  }
0x2a: {  	p0 =	seq.s32 s5, $0x0;
	s5 =	sld [smem:$0x3FAA]  }
0x2b: {  	s6 =	sld [smem:$0x3FAB]  }
0x2c: {  	s7 =	sld [smem:$0x3FAC]  }
0x2d: {  	s3 =	simm.s32 $0x108;
	s8 =	sld [smem:$0x3FAD]  }
0x2e: {  	s3 =	simm.s32 @!p0 $0x1082;
	s9 =	sld [smem:$0x3FAE]  }
0x2f: {  	lr =	sadd.s32 s0, s3;
	s0 =	sld [smem:$0x3FA5]  }
0x30: {  	s3 =	sld [smem:$0x3FA8]  }
0x31: {  	[smem:$0x3FB1] =	sst s10  }
0x32: {  	s10 =	sld [smem:$0x3FAF];
	_ =	sdelay $0x3  }
0x33: {  	p0 =	seq.s32 s10, $0x1;
	s10 =	sld [smem:$0x3FB1];
	_ =	sdelay $0x3  }
0x34: {  	[smem:$0x3FB1] =	sst s10  }
0x35: {  	s10 =	sld [smem:$0x3FB0];
	_ =	sdelay $0x3  }
0x36: {  	p1 =	seq.s32 s10, $0x1;
	s10 =	sld [smem:$0x3FB1];
	_ =	sdelay $0x3  }
0x37: {  	[smem:$0x3FB1] =	sst s10  }
0x38: {  	s10 =	sld [smem:$0x3FB2]  }
0x39: {  	_ = 	snop;
	(pc) =	sbr.ind lr, $3  }
0x3a: {  	_ = 	snop  }
0x3b: {  	_ = 	snop  }
0x3c: {  	p2 =	seq.s32 s10, $0x1;
	s10 =	sld [smem:$0x3FB1]  }
0x3d: {  	_ =	shalt  }
0x3e: {  	_ =	shalt  }
0x3f: {  	_ =	shalt  }
0x40: {  	_ =	shalt  }
0x41: {  	_ =	shalt  }
0x42: {  	_ =	shalt  }
0x43: {  	_ =	shalt  }
0x44: {  	_ =	shalt  }
0x45: {  	_ =	shalt  }
0x46: {  	_ =	shalt  }
0x47: {  	_ =	shalt  }
0x48: {  	_ =	shalt  }
0x49: {  	_ =	shalt  }
0x4a: {  	_ =	shalt  }
0x4b: {  	_ =	shalt  }
0x4c: {  	_ =	shalt  }
0x4d: {  	_ =	shalt  }
0x4e: {  	_ =	shalt  }
0x4f: {  	_ =	shalt  }
0x50: {  	_ =	shalt  }
0x51: {  	_ =	shalt  }
0x52: {  	_ =	shalt  }
0x53: {  	_ =	shalt  }
0x54: {  	_ =	shalt  }
0x55: {  	_ =	shalt  }
0x56: {  	_ =	shalt  }
0x57: {  	_ =	shalt  }
0x58: {  	_ =	shalt  }
0x59: {  	_ =	shalt  }
0x5a: {  	_ =	shalt  }
0x5b: {  	_ =	shalt  }
0x5c: {  	_ =	shalt  }
0x5d: {  	_ =	shalt  }
0x5e: {  	_ =	shalt  }
0x5f: {  	_ =	shalt  }
0x60: {  	_ =	shalt  }
0x61: {  	_ =	shalt  }
0x62: {  	_ =	shalt  }
0x63: {  	_ =	shalt  }
0x64: {  	_ =	shalt  }
0x65: {  	_ =	shalt  }
0x66: {  	_ =	shalt  }
0x67: {  	_ =	shalt  }
0x68: {  	_ =	shalt  }
0x69: {  	_ =	shalt  }
0x6a: {  	_ =	shalt  }
0x6b: {  	_ =	shalt  }
0x6c: {  	_ =	shalt  }
0x6d: {  	_ =	shalt  }
0x6e: {  	_ =	shalt  }
0x6f: {  	_ =	shalt  }
0x70: {  	_ =	shalt  }
0x71: {  	_ =	shalt  }
0x72: {  	_ =	shalt  }
0x73: {  	_ =	shalt  }
0x74: {  	_ =	shalt  }
0x75: {  	_ =	shalt  }
0x76: {  	_ =	shalt  }
0x77: {  	_ =	shalt  }
0x78: {  	_ =	shalt  }
0x79: {  	_ =	shalt  }
0x7a: {  	_ =	shalt  }
0x7b: {  	_ =	shalt  }
0x7c: {  	_ =	shalt  }
0x7d: {  	_ =	shalt  }
0x7e: {  	_ =	shalt  }
0x7f: {  	_ =	shalt  }
0x80: {  	_ =	shalt  }
0x81: {  	_ =	shalt  }
0x82: {  	_ =	shalt  }
0x83: {  	_ =	shalt  }
0x84: {  	_ =	shalt  }
0x85: {  	_ =	shalt  }
0x86: {  	_ =	shalt  }
0x87: {  	_ =	shalt  }
.Lfunc_end0:
.L_simem_size_0:
called_computation.12_lowered:
.L_overlay_start_0:
0x88: {  	s2 =	sld [smem:$0x3FD9]  }
0x89: {  	s3 =	sld [smem:$0x3FFE];
	_ =	sdelay $0x1  }
0x8a: {  	s1 =	srdreg.scid  }
0x8b: {  	s0 =	sand.u32 $0x1, s1  }
0x8c: {  	s17 =	sshll.u32 s0, $0xA;
	s2 =	sadd.s32 s3, s2  }
0x8d: {  	s2 =	sadd.s32 s2, s17  }
0x8e: {  	[smem:$0x3FBD] =	sst s2  }
0x8f: {  	_ = 	snop  }
0x90: {  	s18 =	sld [smem:$0x3FD0];
	(tm) =	ssettm $0x1  }
0x91: {  	s19 =	sld [smem:$0x3FFB];
	_ =	sdelay $0x3  }
0x92: {  	_ =	strace s19  }
0x93: {  	s2 =	sld [smem:$0x3FFC];
	_ =	sdelay $0x3  }
0x94: {  	_ =	strace s2  }
0x95: {  	s2 =	sld [smem:$0x3FFD];
	_ =	sdelay $0x3  }
0x96: {  	_ =	strace s2  }
0x97: {  	_ =	strace $0x8FFFFFFF  }
0x98: {  	s20 =	sld [smem:$0x3FDB];
	_ =	sdelay $0x1  }
0x99: {  	s4 =	simm.s32 $_scs_section_size  }
0x9a: {  	s5 =	simm.s32 $_size__tile_overlayer_lowered;
	s6 =	simm.s32 $_tile_overlayer_lowered  }
0x9b: {  	s7 =	simm.s32 $0x1BFF;
	s21 =	sshll.u32 s6, $0x1;
	s4 =	sadd.s32 s4, s20  }
0x9c: {  	s22 =	simm.s32 $0x0;
	s5 =	sshll.u32 s5, $0x1;
	s6 =	sadd.s32 s21, s4  }
0x9d: {  	[timem:s22], [sflag:s7] =	dma.local [hbm:s6], s5  }
0x9e: {  	_ =	swait.ge [sflag:s7], s5  }
0x9f: {  	s5 =	ssub.s32 $0x0, s5;
	[sflag:s7] =	ssyncset.done $0x0  }
0xa0: {  	[sflag:s7] =	ssyncadd.s32 s5;
	_ =	sdelay $0x1  }
0xa1: {  	s23 =	simm.s32 $0x1B8B  }
0xa2: {  	_ =	swait.ge [sflag:s23], $0x1  }
0xa3: {  	[sflag:s23] =	ssyncset.done $0x0  }
0xa4: {  	[sflag:s23] =	ssyncadd.s32 $0xFFFFFFFF  }
0xa5: {  	s5 =	sld [smem:$0x0]  }
0xa6: {  	s6 =	sand.u32 $0xFFFFFFFE, s1  }
0xa7: {  	p0 =	sne.s32 s1, s6  }
0xa8: {  	s6 =	sshll.u32 @p0 s6, $0xE  }
0xa9: {  	s6 =	sadd.s32 @p0 $0x11B8D, s6;
	s7 =	sshll.u32 @p0 s5, $0x11  }
0xaa: {  	s6 =	sor.u32 @p0 s7, s6  }
0xab: {  	[sflag:s6] =	ssyncadd.remote.s32 @p0 $0x1;
	_ =	sdelay $0x1  }
0xac: {  	s6 =	simm.s32 @p0 $0x1B8D  }
0xad: {  	_ =	swait.eq @p0 [sflag:s6], $0x1  }
0xae: {  	[sflag:s6] =	ssyncadd.s32 @p0 $0xFFFFFFFF  }
0xaf: {  	s7 =	sshll.u32 @!p0 s1, $0xE  }
0xb0: {  	s7 =	sor.u32 @!p0 $0x4000, s7;
	s6 =	simm.s32 @!p0 $0x1B8D  }
0xb1: {  	s5 =	sshll.u32 @!p0 s5, $0x11;
	s7 =	sadd.s32 @!p0 $0x11B8D, s7;
	_ =	swait.eq @!p0 [sflag:s6], $0x1  }
0xb2: {  	s5 =	sor.u32 @!p0 s5, s7;
	[sflag:s6] =	ssyncadd.s32 @!p0 $0xFFFFFFFF  }
0xb3: {  	s25 =	simm.s32 $0x1B8E;
	s24 =	sld [smem:$0x3FFE];
	[sflag:s5] =	ssyncadd.remote.s32 @!p0 $0x1  }
0xb4: {  	s26 =	simm.s32 $execute0_lowered;
	[smem:$0x3FD2] =	sst s25  }
0xb5: {  	s6 =	sshll.u32 s26, $0x1;
	_ =	strace $0x8000006A;
	[dreg:$0x1] =	wrdreg $0xFFFFFFFF  }
0xb6: {  	s28 =	simm.s32 $_size_execute0_lowered;
	s4 =	sadd.s32 s4, s6;
	[dreg:$0x0] =	wrdreg $0x0  }
0xb7: {  	s6 =	sshll.u32 s28, $0x1;
	[dreg:$0x2] =	wrdreg s4  }
0xb8: {  	[dreg:$0x3] =	wrdreg s6  }
0xb9: {  	[dreg:$0x4] =	wrdreg $0xC0  }
0xba: {  	_ =	task [dreg:s22], $0x5FFFF  }
0xbb: {  	[dreg:$0x1] =	wrdreg $0xFFFFFFFF  }
0xbc: {  	[dreg:$0x0] =	wrdreg $0x60  }
0xbd: {  	[dreg:$0x2] =	wrdreg s18  }
0xbe: {  	[dreg:$0x3] =	wrdreg s24  }
0xbf: {  	[dreg:$0x4] =	wrdreg $0x14A00  }
0xc0: {  	[dreg:$0x5] =	wrdreg $0xA  }
0xc1: {  	_ =	task.clear_ibuf [dreg:s22], $0x6FFFF;
	_ =	strace $0x9000006A  }
0xc2: {  	s29 =	simm.s32 $0xA;
	_ =	strace $0x8000006C  }
0xc3: {  	_ =	swait.ge [sflag:s29], $0x1  }
0xc4: {  	[sflag:s29] =	ssyncadd.s32 $0xFFFFFFFF  }
0xc5: {  	_ =	strace $0x9000006C  }
0xc6: {  	_ =	sfence  }
0xc7: {  	s30 =	sld [smem:$0x0];
	_ =	sdelay $0x2  }
0xc8: {  	s31 =	sshll.u32 s1, $0xD;
	s1 =	sshrl.u32 s1, $0x2  }
0xc9: {  	s4 =	sand.u32 $0x4000, s31;
	s1 =	sadd.s32 s1, s30  }
0xca: {  	s0 =	sor.u32 s4, s0;
	s1 =	sshll.u32 s1, $0x11  }
0xcb: {  	s0 =	sor.u32 s1, s0  }
0xcc: {  	s0 =	sadd.s32 $0x8F2B, s0  }
0xcd: {  	[sflag:s0] =	ssyncadd.remote.s32 $0x1  }
0xce: {  	_ =	sfence.sel $0xFFFF  }
0xcf: {  	[dreg:$0x0] =	wrdreg $0xFFFFFFFF;
	(pc) =	sbr.abs _section_cstart, $3  }
0xd0: {  	[dreg:$0x1] =	wrdreg $0xFFFFFFFF  }
0xd1: {  	_ =	task.clear_ibuf [dreg:s22], $0x2FFFF;
	_ =	strace $0x9FFFFFFF  }
0xd2: {  	(tm) =	ssettm $0x7FFFFFFF  }
0xd3: {  	_ =	shalt  }
tec
execute0_lowered:
.L_overlay_start_1:
0x0: {  	(tag) =	ssettag $0x1  }
0x1: {  	s1 =	rddreg [dreg:$0x0];
	s2 =	srdreg.scid  }
0x2: {  	s0 =	stileid.u32;
	s5 =	rddreg [dreg:$0x1]  }
0x3: {  	s3 =	rddreg [dreg:$0x2];
	s4 =	simm.s32 $0x0;
	s13 =	simm.s32 $0x50  }
0x4: {  	s14 =	simm.s32 $0xA0;
	s15 =	simm.s32 $0x1;
	s7 =	smul.u32 $0x4E20, s0  }
0x5: {  	s6 =	sand.u32 $0x1, s2;
	s2 =	rddreg [dreg:$0x3];
	s9 =	smul.u32 $0xFA00, s0  }
0x6: {  	s16 =	simm.s32 $0x0;
	[smem:$0x7FF] =	sst s4;
	s8 =	smul.u32 $0x2710, s6  }
0x7: {  	p0 =	sgt.u32 s0, $0x9;
	s29 =	smul.u32 $0x9C400, s6;
	_ =	strace $0x8000006B  }
0x8: {  	s6 =	ssub.s32 $0x2, s6;
	s31 =	sshrl.u32 s9, $0x3;
	s7 =	sadd.s32 s8, s7  }
0x9: {  	s11 =	sshrl.u32 s6, $0x1;
	s30 =	sadd.s32 s9, s29;
	s7 =	sshrl.u32 s7, $0x3  }
0xa: {  	s12 =	sadd.s32 s9, s3;
	s10 =	sadd.s32 s7, s5;
	s7 =	sshrl.u32 s30, $0x3  }
0xb: {  	s8 =	sadd.s32 s31, s5;
	s11 =	ssub.s32 s6, s11;
	s7 =	sadd.s32 s7, s5  }
0xc: {  	s5 =	sadd.s32 $0x46A00, s8;
	s8 =	sadd.s32 $0x14600, s10;
	s9 =	sadd.s32 $0xA800, s10  }
0xd: {  	s6 =	sadd.s32 $0x5A400, s7;
	s7 =	smax.u32 s11, $0x1;
	s11 =	sshll.u32 @!p0 s0, $0x6  }
0xe: {  	s10 =	sor.u32 @!p0 $0x1C02, s11;
	s11 =	sshrl.u32 @!p0 s12, $0x3;
	s12 =	simm.s32 $0x2  }
.LBB2_1:
0xf: {  	[spmem:s11], [sflag:s10] =	dma.local @!p0 [hbm:s5], $0x1F40  }
0x10: {  	s17 =	simm.s32 @!p0 $0x2  }
0x11: {  	_ =	swait.ge @!p0 [sflag:s17], $0x1F40  }
0x12: {  	[sflag:s17] =	ssyncset.done @!p0 $0x0  }
0x13: {  	[sflag:s17] =	ssyncadd.s32 @!p0 $0xFFFFE0C0  }
0x14: {  	s30 =	sadd.s32 $0x0, s9;
	[bflag:$0x0] =	sbarrier.arrive $0xFFFF  }
0x15: {  	[tilespmem:s4], [sflag:$0x2] =	stream.linear.gather [hbm4b:s30+s4], $0x50, $0x38;
	[tilespmem:$0xB0E0] =	vst v63  }
0x16: {  	_ =	swait.ge [sflag:s12], $0x50  }
0x17: {  	[sflag:s12] =	ssyncset.done $0x0  }
0x18: {  	s31 =	sadd.s32 $0x0, s8;
	[sflag:s12] =	ssyncadd.s32 $0xFFFFFFB0  }
0x19: {  	[tilespmem:s13], [sflag:$0x2] =	stream.linear.gather [hbm4b:s31+s4], $0x50, $0x38;
	[tilespmem:$0xB0E0] =	vst v63  }
0x1a: {  	_ =	swait.ge [sflag:s12], $0x50  }
0x1b: {  	[sflag:s12] =	ssyncset.done $0x0  }
0x1c: {  	[sflag:s12] =	ssyncadd.s32 $0xFFFFFFB0  }
0x1d: {  	[tilespmem:s14], [sflag:$0x1] =	stream.indirect.gather [hbm4b:s1+s13], $0x40, s4, s13, $0xb8;
	[tilespmem:$0xB0E0] =	vst v63  }
0x1e: {  	_ =	swait.ge [sflag:s15], $0x1400  }
0x1f: {  	[sflag:s15] =	ssyncset.done $0x0  }
0x20: {  	[sflag:s15] =	ssyncadd.s32 $0xFFFFEC00  }
0x21: {  	[spmem:s3] =	stream.indirect.scatter.add.f32 [tilespmem:s14], [sflag:$0x2], $0x40, s13, s13, $0xb8;
	[tilespmem:$0xB0E0] =	vst v63  }
0x22: {  	_ =	swait.ge [sflag:s12], $0x1400  }
0x23: {  	s18 =	simm.s32 $0x14;
	s17 =	simm.s32 $0xA;
	[sflag:s12] =	ssyncset.done $0x0  }
.LBB2_2:
0x24: {  	s19 =	sadd.s32 s17, s9  }
0x25: {  	[sflag:s12] =	ssyncadd.s32 $0xFFFFEC00;
	s20 =	smov.u32 s18;
	s21 =	sadd.s32 $0xA, s18  }
0x26: {  	[tilespmem:s4], [sflag:$0x2] =	stream.linear.gather [hbm4b:s19+s4], $0x50, $0x38;
	[tilespmem:$0xB0E0] =	vst v63  }
0x27: {  	p1 =	sne.s32 s18, $0x4D8;
	_ =	swait.ge [sflag:s12], $0x50  }
0x28: {  	[sflag:s12] =	ssyncset.done $0x0  }
0x29: {  	s18 =	sadd.s32 s17, s8;
	s17 =	smov.u32 s20;
	[sflag:s12] =	ssyncadd.s32 $0xFFFFFFB0  }
0x2a: {  	[tilespmem:s13], [sflag:$0x2] =	stream.linear.gather [hbm4b:s18+s4], $0x50, $0x38;
	[tilespmem:$0xB0E0] =	vst v63  }
0x2b: {  	_ =	swait.ge [sflag:s12], $0x50  }
0x2c: {  	[sflag:s12] =	ssyncset.done $0x0  }
0x2d: {  	[sflag:s12] =	ssyncadd.s32 $0xFFFFFFB0  }
0x2e: {  	[tilespmem:s14], [sflag:$0x1] =	stream.indirect.gather [hbm4b:s1+s13], $0x40, s4, s13, $0xb8;
	[tilespmem:$0xB0E0] =	vst v63  }
0x2f: {  	_ =	swait.ge [sflag:s15], $0x1400  }
.Ltmp0:
0x30: {  	[sflag:s15] =	ssyncset.done $0x0;
	(pc) =	sbr.rel @p1 .LBB2_2-.Ltmp0, $4  }
0x31: {  	[sflag:s15] =	ssyncadd.s32 $0xFFFFEC00  }
0x32: {  	[spmem:s3] =	stream.indirect.scatter.add.f32 [tilespmem:s14], [sflag:$0x2], $0x40, s13, s13, $0xb8;
	[tilespmem:$0xB0E0] =	vst v63  }
0x33: {  	_ =	swait.ge [sflag:s12], $0x1400  }
0x34: {  	s18 =	smov.u32 s21;
	[sflag:s12] =	ssyncset.done $0x0  }
0x35: {  	s18 =	sadd.s32 s17, s9;
	[sflag:s12] =	ssyncadd.s32 $0xFFFFEC00  }
0x36: {  	[tilespmem:s4], [sflag:$0x2] =	stream.linear.gather [hbm4b:s18+s4], $0x50, $0x38;
	[tilespmem:$0xB0E0] =	vst v63  }
0x37: {  	_ =	swait.ge [sflag:s12], $0x50  }
0x38: {  	[sflag:s12] =	ssyncset.done $0x0  }
0x39: {  	s31 =	sadd.s32 s17, s8;
	[sflag:s12] =	ssyncadd.s32 $0xFFFFFFB0  }
0x3a: {  	[tilespmem:s13], [sflag:$0x2] =	stream.linear.gather [hbm4b:s31+s4], $0x50, $0x38;
	[tilespmem:$0xB0E0] =	vst v63  }
0x3b: {  	_ =	swait.ge [sflag:s12], $0x50  }
0x3c: {  	[sflag:s12] =	ssyncset.done $0x0  }
0x3d: {  	[sflag:s12] =	ssyncadd.s32 $0xFFFFFFB0  }
0x3e: {  	[tilespmem:s14], [sflag:$0x1] =	stream.indirect.gather [hbm4b:s1+s13], $0x40, s4, s13, $0xb8;
	[tilespmem:$0xB0E0] =	vst v63  }
0x3f: {  	_ =	swait.ge [sflag:s15], $0x1400  }
0x40: {  	[sflag:s15] =	ssyncset.done $0x0  }
0x41: {  	[sflag:s15] =	ssyncadd.s32 $0xFFFFEC00  }
0x42: {  	[spmem:s3] =	stream.indirect.scatter.add.f32 [tilespmem:s14], [sflag:$0x2], $0x40, s13, s13, $0xb8;
	[tilespmem:$0xB0E0] =	vst v63  }
0x43: {  	_ =	swait.ge [sflag:s12], $0x1400  }
0x44: {  	s16 =	sadd.s32 $0x1, s16;
	[sflag:s12] =	ssyncset.done $0x0  }
0x45: {  	p1 =	sne.s32 s16, s7;
	[sflag:s12] =	ssyncadd.s32 $0xFFFFEC00  }
.Ltmp1:
0x46: {  	s17 =	simm.s32 @!p0 $0x2;
	[bflag:$0x0] =	sbarrier.arrive $0xFFFF;
	(pc) =	sbr.rel @p1 .LBB2_1-.Ltmp1, $4  }
0x47: {  	[hbm:s6], [sflag:s10] =	dma.local @!p0 [spmem:s11], $0x1F40  }
0x48: {  	_ =	swait.ge @!p0 [sflag:s17], $0x1F40  }
0x49: {  	[sflag:s17] =	ssyncset.done @!p0 $0x0  }
0x4a: {  	[sflag:s17] =	ssyncadd.s32 @!p0 $0xFFFFE0C0  }
0x4b: {  	_ =	sfence.sel $0x180000  }
0x4c: {  	[bflag:$0x0] =	sbarrier.arrive $0xFFFF  }
0x4d: {  	p0 =	sne.s32 s0, $0x0;
	_ =	strace $0x9000006B  }
0x4e: {  	s0 =	sadd.s32 @!p0 $0x100000, s2;
	[bflag:$0x2] =	sbarrier.arrive $0xFFFF  }
0x4f: {  	[sflag:s0] =	ssyncadd.tile.s32 @!p0 $0x1;
	_ =	shalt  }
.Lfunc_end2:
_tile_overlayer_lowered:
.L_overlay_start_2:
0x50: {  	(tag) =	ssettag $0x2  }
0x51: {  	s0 =	rddreg [dreg:$0x0];
	s2 =	stileid.u32  }
0x52: {  	s1 =	rddreg [dreg:$0x1];
	p0 =	sne.s32 s2, $0x0  }
0x53: {  	s3 =	rddreg [dreg:$0x2];
	[bflag:$0x3] =	sbarrier.arrive $0xFFFF;
	s2 =	simm.s32 @!p0 $0x1C02  }
0x54: {  	[timem:s3], [sflag:s2] =	dma.local @!p0 [hbm:s0], s1  }
0x55: {  	s0 =	simm.s32 @!p0 $0x2  }
0x56: {  	_ =	swait.ge @!p0 [sflag:s0], s1  }
0x57: {  	s1 =	ssub.s32 @!p0 $0x0, s1;
	[sflag:s0] =	ssyncset.done @!p0 $0x0  }
0x58: {  	[sflag:s0] =	ssyncadd.s32 @!p0 s1  }
0x59: {  	[bflag:$0x3] =	sbarrier.arrive $0xFFFF  }
0x5a: {  	_ =	shalt  }

</sc_bundles>
